<compile_context>
chip_gen: v7x
topology: tpu7x:2x2x1
jax: 0.10.2.dev20260603
libtpu: 0.0.44.dev20260713+nightly
codegen_flags: <defaults>
</compile_context>

<pallas_src>
import jax
import jax.numpy as jnp
from jax import lax
from jax.experimental import pallas as pl
from jax.experimental.pallas import tpu as pltpu
from jax.experimental.pallas import tpu_sc as plsc

N = 10000
E = 160000
D = 256
H = 128
WACC = 128
CROWS = 80
NACC = N + CROWS
NS = 16
NC = 2
EPT = E // NS
CH = 100
NCHUNK = EPT // CH
IOP = 128
IOQ = 256
IXW = 384
RPT = 624
TAIL = N - NS * RPT
ZB = 80
HCH = 80


def _stageA_body(x_ref, w_ref, b_ref, t_ref):
    t_ref[...] = (
        jnp.dot(x_ref[...], w_ref[0], preferred_element_type=jnp.float32)
        + b_ref[0]
    )


def _stageA(x, wstk, bstk):
    blk = 400
    grid = (4, N // blk)
    return pl.pallas_call(
        _stageA_body,
        grid=grid,
        in_specs=[
            pl.BlockSpec((blk, D), lambda i, j: (j, 0)),
            pl.BlockSpec((1, D, H), lambda i, j: (i, 0, 0)),
            pl.BlockSpec((1, 1, H), lambda i, j: (i, 0, 0)),
        ],
        out_specs=pl.BlockSpec((blk, H), lambda i, j: (i * (N // blk) + j, 0)),
        out_shape=jax.ShapeDtypeStruct((4 * N, H), jnp.float32),
    )(x, wstk, bstk)


def _stageB_tile(t_hbm, idxpack_hbm, idxs_hbm, dummy_hbm, feat_hbm, cnt_hbm,
                 ix0, ix1, ic_v, p0, p1, q_v, h_v,
                 shared, semp0, semp1, semq, semsc0, semsc1, semh):
    c = lax.axis_index("c")
    s = lax.axis_index("s")
    ixs = (ix0, ix1)
    ps = (p0, p1)
    semps = (semp0, semp1)
    semscs = (semsc0, semsc1)

    zv = jnp.zeros((16,), jnp.float32)

    def zero_p0(k, carry):
        for l in range(WACC // 16):
            p0[k, pl.ds(l * 16, 16)] = zv
        return carry

    lax.fori_loop(0, CH, zero_p0, 0)

    for k in range(CROWS // 16):
        ic_v[0, pl.ds(k * 16, 16)] = lax.iota(jnp.int32, 16) + (N + k * 16)

    base = s * RPT

    def zero_acc(k, carry):
        pltpu.sync_copy(p0.at[pl.ds(0, ZB)],
                        shared.at[pl.ds(base + k * ZB, ZB)])
        return carry

    lax.fori_loop(0, 7, zero_acc, 0)
    pltpu.sync_copy(p0.at[pl.ds(0, 64)],
                    shared.at[pl.ds(base + 7 * ZB, 64)])

    @pl.when(s == NS - 1)
    def _():
        pltpu.sync_copy(p0.at[pl.ds(0, TAIL)],
                        shared.at[pl.ds(NS * RPT, TAIL)])

    @pl.when(s == 0)
    def _():
        pltpu.sync_copy(p0.at[pl.ds(0, CROWS)], shared.at[pl.ds(N, CROWS)])

    plsc.subcore_barrier()

    def compute_inplace(pb, qb):
        def row4(k4, rc):
            for r in range(4):
                k = 4 * k4 + r
                for l in range(H // 16):
                    p = pb[k, pl.ds(l * 16, 16)]
                    q = qb[k, pl.ds(l * 16, 16)]
                    h = p + q
                    pb[k, pl.ds(l * 16, 16)] = h / (1.0 + jnp.exp(-h))
            return rc

        lax.fori_loop(0, CH // 4, row4, 0)

    def wait_scatter(b):
        pltpu.make_async_copy(dummy_hbm, ps[b], semscs[b]).wait()

    def ix_sct(b):
        return ixs[b].at[0, pl.ds(0, CH)]

    def ix_p(b):
        return ixs[b].at[0, pl.ds(IOP, CH)]

    def ix_q(b):
        return ixs[b].at[0, pl.ds(IOQ, CH)]

    pltpu.sync_copy(idxpack_hbm.at[c, s, 0], ix0)
    pltpu.async_copy(t_hbm.at[ix_p(0)], p0, semp0)
    pltpu.async_copy(t_hbm.at[ix_q(0)], q_v, semq)

    def two_chunks(j2, carry):
        for b in (0, 1):
            j = 2 * j2 + b
            nb = 1 - b
            if b == 0:
                @pl.when(j2 > 0)
                def _():
                    wait_scatter(nb)
            else:
                wait_scatter(nb)
            pltpu.sync_copy(idxpack_hbm.at[c, s, j + 1], ixs[nb])
            pltpu.async_copy(t_hbm.at[ix_p(nb)], ps[nb], semps[nb])
            pltpu.make_async_copy(dummy_hbm, ps[b], semps[b]).wait()
            pltpu.make_async_copy(dummy_hbm, q_v, semq).wait()
            compute_inplace(ps[b], q_v)
            pltpu.async_copy(t_hbm.at[ix_q(nb)], q_v, semq)
            pltpu.async_copy(ps[b], shared.at[ix_sct(b)], semscs[b],
                             add=True)
        return carry

    lax.fori_loop(0, (NCHUNK - 2) // 2, two_chunks, 0)

    pltpu.make_async_copy(dummy_hbm, p0, semp0).wait()
    pltpu.make_async_copy(dummy_hbm, q_v, semq).wait()
    compute_inplace(p0, q_v)
    wait_scatter(1)
    pltpu.sync_copy(idxpack_hbm.at[c, s, NCHUNK - 1], ix1)
    pltpu.async_copy(t_hbm.at[ix_p(1)], p1, semp1)
    pltpu.async_copy(t_hbm.at[ix_q(1)], q_v, semq)
    pltpu.async_copy(p0, shared.at[ix_sct(0)], semsc0, add=True)
    pltpu.make_async_copy(dummy_hbm, p1, semp1).wait()
    pltpu.make_async_copy(dummy_hbm, q_v, semq).wait()
    compute_inplace(p1, q_v)
    pltpu.sync_copy(p1, shared.at[ix_sct(1)], add=True)
    wait_scatter(0)

    def zero_q(k, carry):
        for l in range(WACC // 16):
            q_v[k, pl.ds(l * 16, 16)] = zv
        return carry

    lax.fori_loop(0, CROWS, zero_q, 0)
    ones = jnp.ones((16,), jnp.float32)

    def hist(g, carry):
        pltpu.async_copy(idxs_hbm.at[s, g], h_v, semh).wait()
        def hrow(r, rc):
            for k in range(HCH // 16):
                iv = h_v[r, pl.ds(k * 16, 16)]
                plsc.addupdate_scatter(
                    q_v, [lax.shift_right_logical(iv, 7), iv & 127], ones)
            return rc
        lax.fori_loop(0, 5, hrow, 0)
        return carry

    lax.fori_loop(0, EPT // (5 * HCH), hist, 0)
    pltpu.sync_copy(q_v.at[pl.ds(0, CROWS)], shared.at[ic_v.at[0]],
                    add=True)

    plsc.subcore_barrier()

    pltpu.sync_copy(shared.at[pl.ds(base, RPT)],
                    feat_hbm.at[c, pl.ds(base, RPT)])

    @pl.when(s == NS - 1)
    def _():
        pltpu.sync_copy(shared.at[pl.ds(NS * RPT, TAIL)],
                        feat_hbm.at[c, pl.ds(NS * RPT, TAIL)])
        pltpu.sync_copy(shared.at[pl.ds(N, CROWS)], cnt_hbm.at[c])


def _stageB(t_tab, idxpack, idxs):
    mesh = plsc.VectorSubcoreMesh(core_axis_name="c", subcore_axis_name="s")
    f = pl.kernel(
        _stageB_tile,
        out_type=(jax.ShapeDtypeStruct((NC, N, WACC), jnp.float32),
                  jax.ShapeDtypeStruct((NC, CROWS, WACC), jnp.float32)),
        mesh=mesh,
        compiler_params=pltpu.CompilerParams(needs_layout_passes=False),
        scratch_types=[
            pltpu.VMEM((1, IXW), jnp.int32),
            pltpu.VMEM((1, IXW), jnp.int32),
            pltpu.VMEM((1, CROWS), jnp.int32),
            pltpu.VMEM((CH, H), jnp.float32),
            pltpu.VMEM((CH, H), jnp.float32),
            pltpu.VMEM((CH, WACC), jnp.float32),
            pltpu.VMEM((5, HCH), jnp.int32),
            pltpu.VMEM_SHARED((NACC, WACC), jnp.float32),
            pltpu.SemaphoreType.DMA,
            pltpu.SemaphoreType.DMA,
            pltpu.SemaphoreType.DMA,
            pltpu.SemaphoreType.DMA,
            pltpu.SemaphoreType.DMA,
            pltpu.SemaphoreType.DMA,
        ],
    )
    dummy = jnp.zeros((CH, WACC), jnp.float32)
    return f(t_tab, idxpack, idxs, dummy)


def _stageC0_body(x_ref, whh_ref, bhh_ref, gh_ref):
    gh_ref[...] = jnp.dot(
        x_ref[...].astype(jnp.bfloat16), whh_ref[...],
        preferred_element_type=jnp.float32) + bhh_ref[...]


def _stageC0(x, whht, bhh):
    blk = 400
    full = lambda shape: pl.BlockSpec(shape, lambda i: tuple(0 for _ in shape))
    return pl.pallas_call(
        _stageC0_body,
        grid=(N // blk,),
        in_specs=[
            pl.BlockSpec((blk, D), lambda i: (i, 0)),
            full((D, 3 * D)),
            full((1, 3 * D)),
        ],
        out_specs=pl.BlockSpec((blk, 3 * D), lambda i: (i, 0)),
        out_shape=jax.ShapeDtypeStruct((N, 3 * D), jnp.float32),
    )(x, whht, bhh)


def _stageC_body(slo_ref, shi_ref, cnt_ref, x_ref, gh_ref, w2a_ref, w2b_ref,
                 b2_ref, wih_ref, bih_ref, g_ref, be_ref, o_ref):
    bf = jnp.bfloat16
    cnt = cnt_ref[...]
    agg_sum = (
        jnp.dot(slo_ref[0].astype(bf), w2a_ref[...],
                preferred_element_type=jnp.float32)
        + jnp.dot(shi_ref[0].astype(bf), w2b_ref[...],
                  preferred_element_type=jnp.float32)
        + cnt * b2_ref[...]
    )
    agg = agg_sum / (cnt + 1e-8)
    xb = x_ref[...]
    gi = jnp.dot(agg.astype(bf), wih_ref[...],
                 preferred_element_type=jnp.float32) + bih_ref[...]
    gh = gh_ref[...]
    r = jax.nn.sigmoid(gi[:, :D] + gh[:, :D])
    z = jax.nn.sigmoid(gi[:, D:2 * D] + gh[:, D:2 * D])
    nn_ = jnp.tanh(gi[:, 2 * D:] + r * gh[:, 2 * D:])
    xn = (1.0 - z) * nn_ + z * xb
    mean = jnp.mean(xn, axis=-1, keepdims=True)
    xc = xn - mean
    var = jnp.mean(xc * xc, axis=-1, keepdims=True)
    o_ref[...] = xc * jax.lax.rsqrt(var + 1e-5) * g_ref[...] + be_ref[...]


def _stageC(feat, cnt, x, gh, w2a, w2b, b2, wiht, bih, gamma, beta):
    blk = 400
    grid = (N // blk,)
    full = lambda shape: pl.BlockSpec(shape, lambda i: tuple(0 for _ in shape))
    return pl.pallas_call(
        _stageC_body,
        grid=grid,
        in_specs=[
            pl.BlockSpec((1, blk, H), lambda i: (0, i, 0)),
            pl.BlockSpec((1, blk, H), lambda i: (1, i, 0)),
            pl.BlockSpec((blk, 1), lambda i: (i, 0)),
            pl.BlockSpec((blk, D), lambda i: (i, 0)),
            pl.BlockSpec((blk, 3 * D), lambda i: (i, 0)),
            full((H, D)),
            full((H, D)),
            full((1, D)),
            full((D, 3 * D)),
            full((1, 3 * D)),
            full((1, D)),
            full((1, D)),
        ],
        out_specs=pl.BlockSpec((blk, D), lambda i: (i, 0)),
        out_shape=jax.ShapeDtypeStruct((N, D), jnp.float32),
    )(feat, feat, cnt, x, gh, w2a, w2b, b2, wiht, bih, gamma, beta)


def kernel(x, edge_index, W1, b1, W2, b2, W_ih, b_ih, W_hh, b_hh, gamma, beta):
    row = edge_index[0].astype(jnp.int32)
    col = edge_index[1].astype(jnp.int32)

    w1t = W1.T
    wstk = jnp.stack([
        w1t[:D, :H], w1t[:D, H:], w1t[D:, :H], w1t[D:, H:],
    ])
    zh = jnp.zeros((H,), jnp.float32)
    bstk = jnp.stack([b1[:H], b1[H:], zh, zh]).reshape(4, 1, H)
    t_tab = _stageA(x.astype(jnp.bfloat16), wstk.astype(jnp.bfloat16),
                    bstk)

    er = row.reshape(NS, NCHUNK, CH)
    ec = col.reshape(NS, NCHUNK, CH)
    pad = jnp.zeros((NS, NCHUNK, IOP - CH), jnp.int32)

    def _mk(cc):
        return jnp.concatenate(
            [er, pad, er + cc * N, pad, ec + (2 + cc) * N, pad], axis=-1)

    idxpack = jnp.stack([_mk(0), _mk(1)]).reshape(
        NC, NS, NCHUNK, 1, IXW)

    feat, cntp = _stageB(t_tab, idxpack,
                         row.reshape(NS, EPT // (5 * HCH), 5, HCH))
    cnt = cntp[0].reshape(-1)[:N].reshape(N, 1)

    bf = jnp.bfloat16
    w2t = W2.T
    gh = _stageC0(x, W_hh.T.astype(bf), b_hh.reshape(1, 3 * D))
    return _stageC(
        feat, cnt, x, gh,
        w2t[:H].astype(bf), w2t[H:].astype(bf), b2.reshape(1, D),
        W_ih.T.astype(bf), b_ih.reshape(1, 3 * D),
        gamma.reshape(1, D), beta.reshape(1, D),
    )

# --- scband reference (transcript-rebuilt; emitter-appended) ---
"""Pipeline reference for scband-so-mlayer-46720654246231 (READ-ONLY COPY).

The authoritative reference and input builder live on the scoring server;
editing this copy changes nothing except your own understanding.
"""

import jax, jax.numpy as jnp
import numpy as np

N_NODES = 10000
N_EDGES = 160000
D = 256


def setup_inputs(seed: int = 0) -> dict:
    key = jax.random.key(seed)
    ks = jax.random.split(key, 12)
    x = jax.random.normal(ks[0], (N_NODES, D), dtype=jnp.float32)
    edge_index = jax.random.randint(ks[1], (2, N_EDGES), 0, N_NODES, dtype=jnp.int64 if jax.config.jax_enable_x64 else jnp.int32)
    s = 0.05
    W1 = jax.random.normal(ks[2], (D, 2 * D), dtype=jnp.float32) * s
    b1 = jax.random.normal(ks[3], (D,), dtype=jnp.float32) * s
    W2 = jax.random.normal(ks[4], (D, D), dtype=jnp.float32) * s
    b2 = jax.random.normal(ks[5], (D,), dtype=jnp.float32) * s
    W_ih = jax.random.normal(ks[6], (3 * D, D), dtype=jnp.float32) * s
    b_ih = jax.random.normal(ks[7], (3 * D,), dtype=jnp.float32) * s
    W_hh = jax.random.normal(ks[8], (3 * D, D), dtype=jnp.float32) * s
    b_hh = jax.random.normal(ks[9], (3 * D,), dtype=jnp.float32) * s
    gamma = jnp.ones((D,), dtype=jnp.float32)
    beta = jnp.zeros((D,), dtype=jnp.float32)
    return {"x": x, "edge_index": edge_index, "W1": W1, "b1": b1, "W2": W2, "b2": b2,
            "W_ih": W_ih, "b_ih": b_ih, "W_hh": W_hh, "b_hh": b_hh, "gamma": gamma, "beta": beta}


def reference(x, edge_index, W1, b1, W2, b2, W_ih, b_ih, W_hh, b_hh, gamma, beta):
    row = edge_index[0]
    col = edge_index[1]
    # msg_net: Linear(2D -> D), SiLU, Linear(D -> D)
    h = jnp.concatenate([x[row], x[col]], axis=-1)
    h = h @ W1.T + b1
    h = h * jax.nn.sigmoid(h)  # SiLU
    msgs = h @ W2.T + b2
    # mean aggregation via scatter-add
    n = x.shape[0]
    agg = jnp.zeros((n, msgs.shape[-1]), dtype=msgs.dtype).at[row].add(msgs)
    count = jnp.zeros((n, 1), dtype=msgs.dtype).at[row].add(jnp.ones((row.shape[0], 1), dtype=msgs.dtype))
    agg = agg / (count + 1e-08)
    # GRUCell(input=agg, hidden=x); proj is Identity since in_dim == out_dim
    hprev = x
    gi = agg @ W_ih.T + b_ih
    gh = hprev @ W_hh.T + b_hh
    i_r, i_z, i_n = jnp.split(gi, 3, axis=-1)
    h_r, h_z, h_n = jnp.split(gh, 3, axis=-1)
    r = jax.nn.sigmoid(i_r + h_r)
    z = jax.nn.sigmoid(i_z + h_z)
    nn_ = jnp.tanh(i_n + r * h_n)
    x_new = (1.0 - z) * nn_ + z * hprev
    # LayerNorm
    mean = jnp.mean(x_new, axis=-1, keepdims=True)
    var = jnp.mean((x_new - mean) ** 2, axis=-1, keepdims=True)
    out = (x_new - mean) / jnp.sqrt(var + 1e-05) * gamma + beta
    return out

if __name__ == "__main__":
    import jax
    _d = setup_inputs()
    print(jax.jit(kernel)(*tuple(_d.values())))

</pallas_src>

<mosaic_0001>
#map = affine_map<(d0, d1) -> (0, 0)>
#map1 = affine_map<(d0, d1) -> (0, 0, 0, 0, 0)>
#map2 = affine_map<(d0, d1) -> (0, 0, 0, 0)>
#map3 = affine_map<(d0, d1) -> (0, 0, 0)>
module attributes {stable_mosaic.version = 14 : i64} {
  func.func @_stageB_tile(%arg0: i32, %arg1: i32, %arg2: memref<40000x128xf32, #tpu.memory_space<hbm>>, %arg3: memref<2x16x100x1x384xi32, #tpu.memory_space<hbm>>, %arg4: memref<16x25x5x80xi32, #tpu.memory_space<hbm>>, %arg5: memref<100x128xf32, #tpu.memory_space<hbm>>, %arg6: memref<2x10000x128xf32, #tpu.memory_space<hbm>>, %arg7: memref<2x80x128xf32, #tpu.memory_space<hbm>>, %arg8: memref<1x384xi32, #tpu.memory_space<vmem>>, %arg9: memref<1x384xi32, #tpu.memory_space<vmem>>, %arg10: memref<1x80xi32, #tpu.memory_space<vmem>>, %arg11: memref<100x128xf32, #tpu.memory_space<vmem>>, %arg12: memref<100x128xf32, #tpu.memory_space<vmem>>, %arg13: memref<100x128xf32, #tpu.memory_space<vmem>>, %arg14: memref<5x80xi32, #tpu.memory_space<vmem>>, %arg15: memref<10080x128xf32, #tpu.memory_space<vmem_shared>>, %arg16: memref<!tpu.dma_semaphore, #tpu.memory_space<semaphore_mem>>, %arg17: memref<!tpu.dma_semaphore, #tpu.memory_space<semaphore_mem>>, %arg18: memref<!tpu.dma_semaphore, #tpu.memory_space<semaphore_mem>>, %arg19: memref<!tpu.dma_semaphore, #tpu.memory_space<semaphore_mem>>, %arg20: memref<!tpu.dma_semaphore, #tpu.memory_space<semaphore_mem>>, %arg21: memref<!tpu.dma_semaphore, #tpu.memory_space<semaphore_mem>>) attributes {dimension_semantics = [#tpu.dimension_semantics<core_parallel>, #tpu.dimension_semantics<subcore_parallel>], iteration_bounds = array<i64: 2, 16>, scalar_prefetch = 0 : i64, scratch_operands = 14 : i64, tpu.core_type = #tpu.core_type<sc_vector_subcore>, window_params = [{transform_indices = #map}, {transform_indices = #map1}, {transform_indices = #map2}, {transform_indices = #map}, {transform_indices = #map3}, {transform_indices = #map3}]} {
    %broadcast_in_dim3A = arith.constant 0.000000e+00 : f32
    %broadcast_in_dim3A_0 = vector.broadcast %broadcast_in_dim3A : f32 to vector<16xf32>
    %scan3A = arith.constant 0 : i32
    %scan3A_1 = arith.constant 0 : i32
    %scan3A_2 = arith.constant 100 : i32
    %scan3A_3 = arith.addi %scan3A_1, %scan3A_2 : i32
    %scan3A_4 = arith.constant 1 : i32
    scf.for %scan3A_134 = %scan3A_1 to %scan3A_3 step %scan3A_4  : i32 {
      %swap3A_135 = arith.index_cast %scan3A_134 : i32 to index
      %swap3A_136 = arith.constant 0 : index
      %swap3A_137 = tpu.vector_load %arg11[%swap3A_135, %swap3A_136] {strides = array<i32>} : memref<100x128xf32, #tpu.memory_space<vmem>>, vector<16xf32>,
      tpu.vector_store %arg11[%swap3A_135, %swap3A_136], %broadcast_in_dim3A_0 {strides = array<i32>} : memref<100x128xf32, #tpu.memory_space<vmem>>, vector<16xf32>,
      %swap3A_138 = arith.index_cast %scan3A_134 : i32 to index
      %swap3A_139 = arith.constant 16 : index
      %swap3A_140 = tpu.vector_load %arg11[%swap3A_138, %swap3A_139] {strides = array<i32>} : memref<100x128xf32, #tpu.memory_space<vmem>>, vector<16xf32>,
      tpu.vector_store %arg11[%swap3A_138, %swap3A_139], %broadcast_in_dim3A_0 {strides = array<i32>} : memref<100x128xf32, #tpu.memory_space<vmem>>, vector<16xf32>,
      %swap3A_141 = arith.index_cast %scan3A_134 : i32 to index
      %swap3A_142 = arith.constant 32 : index
      %swap3A_143 = tpu.vector_load %arg11[%swap3A_141, %swap3A_142] {strides = array<i32>} : memref<100x128xf32, #tpu.memory_space<vmem>>, vector<16xf32>,
      tpu.vector_store %arg11[%swap3A_141, %swap3A_142], %broadcast_in_dim3A_0 {strides = array<i32>} : memref<100x128xf32, #tpu.memory_space<vmem>>, vector<16xf32>,
      %swap3A_144 = arith.index_cast %scan3A_134 : i32 to index
      %swap3A_145 = arith.constant 48 : index
      %swap3A_146 = tpu.vector_load %arg11[%swap3A_144, %swap3A_145] {strides = array<i32>} : memref<100x128xf32, #tpu.memory_space<vmem>>, vector<16xf32>,
      tpu.vector_store %arg11[%swap3A_144, %swap3A_145], %broadcast_in_dim3A_0 {strides = array<i32>} : memref<100x128xf32, #tpu.memory_space<vmem>>, vector<16xf32>,
      %swap3A_147 = arith.index_cast %scan3A_134 : i32 to index
      %swap3A_148 = arith.constant 64 : index
      %swap3A_149 = tpu.vector_load %arg11[%swap3A_147, %swap3A_148] {strides = array<i32>} : memref<100x128xf32, #tpu.memory_space<vmem>>, vector<16xf32>,
      tpu.vector_store %arg11[%swap3A_147, %swap3A_148], %broadcast_in_dim3A_0 {strides = array<i32>} : memref<100x128xf32, #tpu.memory_space<vmem>>, vector<16xf32>,
      %swap3A_150 = arith.index_cast %scan3A_134 : i32 to index
      %swap3A_151 = arith.constant 80 : index
      %swap3A_152 = tpu.vector_load %arg11[%swap3A_150, %swap3A_151] {strides = array<i32>} : memref<100x128xf32, #tpu.memory_space<vmem>>, vector<16xf32>,
      tpu.vector_store %arg11[%swap3A_150, %swap3A_151], %broadcast_in_dim3A_0 {strides = array<i32>} : memref<100x128xf32, #tpu.memory_space<vmem>>, vector<16xf32>,
      %swap3A_153 = arith.index_cast %scan3A_134 : i32 to index
      %swap3A_154 = arith.constant 96 : index
      %swap3A_155 = tpu.vector_load %arg11[%swap3A_153, %swap3A_154] {strides = array<i32>} : memref<100x128xf32, #tpu.memory_space<vmem>>, vector<16xf32>,
      tpu.vector_store %arg11[%swap3A_153, %swap3A_154], %broadcast_in_dim3A_0 {strides = array<i32>} : memref<100x128xf32, #tpu.memory_space<vmem>>, vector<16xf32>,
      %swap3A_156 = arith.index_cast %scan3A_134 : i32 to index
      %swap3A_157 = arith.constant 112 : index
      %swap3A_158 = tpu.vector_load %arg11[%swap3A_156, %swap3A_157] {strides = array<i32>} : memref<100x128xf32, #tpu.memory_space<vmem>>, vector<16xf32>,
      tpu.vector_store %arg11[%swap3A_156, %swap3A_157], %broadcast_in_dim3A_0 {strides = array<i32>} : memref<100x128xf32, #tpu.memory_space<vmem>>, vector<16xf32>,
    }
    %scan3A_5 = arith.constant 100 : i32
    %iota3A = tpu.iota {dimensions = array<i32: 0>} : vector<16xi32>
    %add3A = arith.constant 10000 : i32
    %add3A_6 = vector.broadcast %add3A : i32 to vector<16xi32>
    %add3A_7 = arith.addi %iota3A, %add3A_6 : vector<16xi32>
    %swap3A = arith.constant 0 : i32
    %swap3A_8 = arith.index_cast %swap3A : i32 to index
    %swap3A_9 = arith.constant 0 : index
    %swap3A_10 = tpu.vector_load %arg10[%swap3A_8, %swap3A_9] {strides = array<i32>} : memref<1x80xi32, #tpu.memory_space<vmem>>, vector<16xi32>,
    tpu.vector_store %arg10[%swap3A_8, %swap3A_9], %add3A_7 {strides = array<i32>} : memref<1x80xi32, #tpu.memory_space<vmem>>, vector<16xi32>,
    %iota3A_11 = tpu.iota {dimensions = array<i32: 0>} : vector<16xi32>
    %add3A_12 = arith.constant 10016 : i32
    %add3A_13 = vector.broadcast %add3A_12 : i32 to vector<16xi32>
    %add3A_14 = arith.addi %iota3A_11, %add3A_13 : vector<16xi32>
    %swap3A_15 = arith.constant 0 : i32
    %swap3A_16 = arith.index_cast %swap3A_15 : i32 to index
    %swap3A_17 = arith.constant 16 : index
    %swap3A_18 = tpu.vector_load %arg10[%swap3A_16, %swap3A_17] {strides = array<i32>} : memref<1x80xi32, #tpu.memory_space<vmem>>, vector<16xi32>,
    tpu.vector_store %arg10[%swap3A_16, %swap3A_17], %add3A_14 {strides = array<i32>} : memref<1x80xi32, #tpu.memory_space<vmem>>, vector<16xi32>,
    %iota3A_19 = tpu.iota {dimensions = array<i32: 0>} : vector<16xi32>
    %add3A_20 = arith.constant 10032 : i32
    %add3A_21 = vector.broadcast %add3A_20 : i32 to vector<16xi32>
    %add3A_22 = arith.addi %iota3A_19, %add3A_21 : vector<16xi32>
    %swap3A_23 = arith.constant 0 : i32
    %swap3A_24 = arith.index_cast %swap3A_23 : i32 to index
    %swap3A_25 = arith.constant 32 : index
    %swap3A_26 = tpu.vector_load %arg10[%swap3A_24, %swap3A_25] {strides = array<i32>} : memref<1x80xi32, #tpu.memory_space<vmem>>, vector<16xi32>,
    tpu.vector_store %arg10[%swap3A_24, %swap3A_25], %add3A_22 {strides = array<i32>} : memref<1x80xi32, #tpu.memory_space<vmem>>, vector<16xi32>,
    %iota3A_27 = tpu.iota {dimensions = array<i32: 0>} : vector<16xi32>
    %add3A_28 = arith.constant 10048 : i32
    %add3A_29 = vector.broadcast %add3A_28 : i32 to vector<16xi32>
    %add3A_30 = arith.addi %iota3A_27, %add3A_29 : vector<16xi32>
    %swap3A_31 = arith.constant 0 : i32
    %swap3A_32 = arith.index_cast %swap3A_31 : i32 to index
    %swap3A_33 = arith.constant 48 : index
    %swap3A_34 = tpu.vector_load %arg10[%swap3A_32, %swap3A_33] {strides = array<i32>} : memref<1x80xi32, #tpu.memory_space<vmem>>, vector<16xi32>,
    tpu.vector_store %arg10[%swap3A_32, %swap3A_33], %add3A_30 {strides = array<i32>} : memref<1x80xi32, #tpu.memory_space<vmem>>, vector<16xi32>,
    %iota3A_35 = tpu.iota {dimensions = array<i32: 0>} : vector<16xi32>
    %add3A_36 = arith.constant 10064 : i32
    %add3A_37 = vector.broadcast %add3A_36 : i32 to vector<16xi32>
    %add3A_38 = arith.addi %iota3A_35, %add3A_37 : vector<16xi32>
    %swap3A_39 = arith.constant 0 : i32
    %swap3A_40 = arith.index_cast %swap3A_39 : i32 to index
    %swap3A_41 = arith.constant 64 : index
    %swap3A_42 = tpu.vector_load %arg10[%swap3A_40, %swap3A_41] {strides = array<i32>} : memref<1x80xi32, #tpu.memory_space<vmem>>, vector<16xi32>,
    tpu.vector_store %arg10[%swap3A_40, %swap3A_41], %add3A_38 {strides = array<i32>} : memref<1x80xi32, #tpu.memory_space<vmem>>, vector<16xi32>,
    %mul3A = arith.constant 624 : i32
    %mul3A_43 = arith.muli %arg1, %mul3A : i32
    %scan3A_44 = arith.constant 0 : i32
    %scan3A_45 = arith.constant 0 : i32
    %scan3A_46 = arith.constant 7 : i32
    %scan3A_47 = arith.addi %scan3A_45, %scan3A_46 : i32
    %scan3A_48 = arith.constant 1 : i32
    scf.for %scan3A_134 = %scan3A_45 to %scan3A_47 step %scan3A_48  : i32 {
      %mul3A_135 = arith.constant 80 : i32
      %mul3A_136 = arith.muli %scan3A_134, %mul3A_135 : i32
      %add3A_137 = arith.addi %mul3A_43, %mul3A_136 : i32
      "tpu.region"() ({
        %run_scoped3A_138 = tpu.sem_alloc : memref<!tpu.dma_semaphore, #tpu.memory_space<semaphore_mem>>
        %dma_start3A_139 = arith.constant 0 : i32
        %dma_start3A_140 = arith.constant 0 : i32
        %dma_start3A_141 = tpu.memref_slice %arg11[%dma_start3A_139, %dma_start3A_140] : memref<100x128xf32, #tpu.memory_space<vmem>> -> memref<80x128xf32, #tpu.memory_space<vmem>>
        %dma_start3A_142 = arith.constant 0 : i32
        %dma_start3A_143 = tpu.memref_slice %arg15[%add3A_137, %dma_start3A_142] : memref<10080x128xf32, #tpu.memory_space<vmem_shared>> -> memref<80x128xf32, #tpu.memory_space<vmem_shared>>
        %dma_start3A_144 = arith.constant 0 : i32
        %dma_start3A_145 = tpu.memref_slice %arg15[%add3A_137, %dma_start3A_144] : memref<10080x128xf32, #tpu.memory_space<vmem_shared>> -> memref<80x128xf32, #tpu.memory_space<vmem_shared>>
        %dma_start3A_146 = arith.constant 0 : i32
        %dma_start3A_147 = arith.constant 0 : i32
        %dma_start3A_148 = tpu.memref_slice %arg11[%dma_start3A_146, %dma_start3A_147] : memref<100x128xf32, #tpu.memory_space<vmem>> -> memref<80x128xf32, #tpu.memory_space<vmem>>
        tpu.enqueue_dma source(%dma_start3A_148 : memref<80x128xf32, #tpu.memory_space<vmem>>) target(%dma_start3A_145 : memref<80x128xf32, #tpu.memory_space<vmem_shared>>) target_semaphore(%run_scoped3A_138 : memref<!tpu.dma_semaphore, #tpu.memory_space<semaphore_mem>>)
        %dma_wait3A = arith.constant 0 : i32
        %dma_wait3A_149 = arith.constant 0 : i32
        %dma_wait3A_150 = tpu.memref_slice %arg11[%dma_wait3A, %dma_wait3A_149] : memref<100x128xf32, #tpu.memory_space<vmem>> -> memref<80x128xf32, #tpu.memory_space<vmem>>
        %dma_wait3A_151 = arith.constant 0 : i32
        %dma_wait3A_152 = tpu.memref_slice %arg15[%add3A_137, %dma_wait3A_151] : memref<10080x128xf32, #tpu.memory_space<vmem_shared>> -> memref<80x128xf32, #tpu.memory_space<vmem_shared>>
        %dma_wait3A_153 = arith.constant 0 : i32
        %dma_wait3A_154 = tpu.memref_slice %arg15[%add3A_137, %dma_wait3A_153] : memref<10080x128xf32, #tpu.memory_space<vmem_shared>> -> memref<80x128xf32, #tpu.memory_space<vmem_shared>>
        %dma_wait3A_155 = arith.constant 0 : i32
        %dma_wait3A_156 = arith.constant 0 : i32
        %dma_wait3A_157 = tpu.memref_slice %arg11[%dma_wait3A_155, %dma_wait3A_156] : memref<100x128xf32, #tpu.memory_space<vmem>> -> memref<80x128xf32, #tpu.memory_space<vmem>>
        tpu.wait_dma2 semaphore(%run_scoped3A_138 : memref<!tpu.dma_semaphore, #tpu.memory_space<semaphore_mem>>) src(%dma_wait3A_157 : memref<80x128xf32, #tpu.memory_space<vmem>>) dst(%dma_wait3A_154 : memref<80x128xf32, #tpu.memory_space<vmem_shared>>)
        tpu.yield
      }) : () -> ()
    }
    %scan3A_49 = arith.constant 7 : i32
    %add3A_50 = arith.constant 560 : i32
    %add3A_51 = arith.addi %mul3A_43, %add3A_50 : i32
    "tpu.region"() ({
      %run_scoped3A_134 = tpu.sem_alloc : memref<!tpu.dma_semaphore, #tpu.memory_space<semaphore_mem>>
      %dma_start3A_135 = arith.constant 0 : i32
      %dma_start3A_136 = arith.constant 0 : i32
      %dma_start3A_137 = tpu.memref_slice %arg11[%dma_start3A_135, %dma_start3A_136] : memref<100x128xf32, #tpu.memory_space<vmem>> -> memref<64x128xf32, #tpu.memory_space<vmem>>
      %dma_start3A_138 = arith.constant 0 : i32
      %dma_start3A_139 = tpu.memref_slice %arg15[%add3A_51, %dma_start3A_138] : memref<10080x128xf32, #tpu.memory_space<vmem_shared>> -> memref<64x128xf32, #tpu.memory_space<vmem_shared>>
      %dma_start3A_140 = arith.constant 0 : i32
      %dma_start3A_141 = tpu.memref_slice %arg15[%add3A_51, %dma_start3A_140] : memref<10080x128xf32, #tpu.memory_space<vmem_shared>> -> memref<64x128xf32, #tpu.memory_space<vmem_shared>>
      %dma_start3A_142 = arith.constant 0 : i32
      %dma_start3A_143 = arith.constant 0 : i32
      %dma_start3A_144 = tpu.memref_slice %arg11[%dma_start3A_142, %dma_start3A_143] : memref<100x128xf32, #tpu.memory_space<vmem>> -> memref<64x128xf32, #tpu.memory_space<vmem>>
      tpu.enqueue_dma source(%dma_start3A_144 : memref<64x128xf32, #tpu.memory_space<vmem>>) target(%dma_start3A_141 : memref<64x128xf32, #tpu.memory_space<vmem_shared>>) target_semaphore(%run_scoped3A_134 : memref<!tpu.dma_semaphore, #tpu.memory_space<semaphore_mem>>)
      %dma_wait3A = arith.constant 0 : i32
      %dma_wait3A_145 = arith.constant 0 : i32
      %dma_wait3A_146 = tpu.memref_slice %arg11[%dma_wait3A, %dma_wait3A_145] : memref<100x128xf32, #tpu.memory_space<vmem>> -> memref<64x128xf32, #tpu.memory_space<vmem>>
      %dma_wait3A_147 = arith.constant 0 : i32
      %dma_wait3A_148 = tpu.memref_slice %arg15[%add3A_51, %dma_wait3A_147] : memref<10080x128xf32, #tpu.memory_space<vmem_shared>> -> memref<64x128xf32, #tpu.memory_space<vmem_shared>>
      %dma_wait3A_149 = arith.constant 0 : i32
      %dma_wait3A_150 = tpu.memref_slice %arg15[%add3A_51, %dma_wait3A_149] : memref<10080x128xf32, #tpu.memory_space<vmem_shared>> -> memref<64x128xf32, #tpu.memory_space<vmem_shared>>
      %dma_wait3A_151 = arith.constant 0 : i32
      %dma_wait3A_152 = arith.constant 0 : i32
      %dma_wait3A_153 = tpu.memref_slice %arg11[%dma_wait3A_151, %dma_wait3A_152] : memref<100x128xf32, #tpu.memory_space<vmem>> -> memref<64x128xf32, #tpu.memory_space<vmem>>
      tpu.wait_dma2 semaphore(%run_scoped3A_134 : memref<!tpu.dma_semaphore, #tpu.memory_space<semaphore_mem>>) src(%dma_wait3A_153 : memref<64x128xf32, #tpu.memory_space<vmem>>) dst(%dma_wait3A_150 : memref<64x128xf32, #tpu.memory_space<vmem_shared>>)
      tpu.yield
    }) : () -> ()
    %eq3A = arith.constant 15 : i32
    %eq3A_52 = arith.cmpi eq, %arg1, %eq3A : i32
    %convert_element_type3A = arith.extui %eq3A_52 : i1 to i32
    %cond3A = arith.constant 0 : i32
    %cond3A_53 = arith.cmpi ne, %convert_element_type3A, %cond3A : i32
    scf.if %cond3A_53 {
      "tpu.region"() ({
        %run_scoped3A_134 = tpu.sem_alloc : memref<!tpu.dma_semaphore, #tpu.memory_space<semaphore_mem>>
        %dma_start3A_135 = arith.constant 0 : i32
        %dma_start3A_136 = arith.constant 0 : i32
        %dma_start3A_137 = tpu.memref_slice %arg11[%dma_start3A_135, %dma_start3A_136] : memref<100x128xf32, #tpu.memory_space<vmem>> -> memref<16x128xf32, #tpu.memory_space<vmem>>
        %dma_start3A_138 = arith.constant 9984 : i32
        %dma_start3A_139 = arith.constant 0 : i32
        %dma_start3A_140 = tpu.memref_slice %arg15[%dma_start3A_138, %dma_start3A_139] : memref<10080x128xf32, #tpu.memory_space<vmem_shared>> -> memref<16x128xf32, #tpu.memory_space<vmem_shared>>
        %dma_start3A_141 = arith.constant 9984 : i32
        %dma_start3A_142 = arith.constant 0 : i32
        %dma_start3A_143 = tpu.memref_slice %arg15[%dma_start3A_141, %dma_start3A_142] : memref<10080x128xf32, #tpu.memory_space<vmem_shared>> -> memref<16x128xf32, #tpu.memory_space<vmem_shared>>
        %dma_start3A_144 = arith.constant 0 : i32
        %dma_start3A_145 = arith.constant 0 : i32
        %dma_start3A_146 = tpu.memref_slice %arg11[%dma_start3A_144, %dma_start3A_145] : memref<100x128xf32, #tpu.memory_space<vmem>> -> memref<16x128xf32, #tpu.memory_space<vmem>>
        tpu.enqueue_dma source(%dma_start3A_146 : memref<16x128xf32, #tpu.memory_space<vmem>>) target(%dma_start3A_143 : memref<16x128xf32, #tpu.memory_space<vmem_shared>>) target_semaphore(%run_scoped3A_134 : memref<!tpu.dma_semaphore, #tpu.memory_space<semaphore_mem>>)
        %dma_wait3A = arith.constant 0 : i32
        %dma_wait3A_147 = arith.constant 0 : i32
        %dma_wait3A_148 = tpu.memref_slice %arg11[%dma_wait3A, %dma_wait3A_147] : memref<100x128xf32, #tpu.memory_space<vmem>> -> memref<16x128xf32, #tpu.memory_space<vmem>>
        %dma_wait3A_149 = arith.constant 9984 : i32
        %dma_wait3A_150 = arith.constant 0 : i32
        %dma_wait3A_151 = tpu.memref_slice %arg15[%dma_wait3A_149, %dma_wait3A_150] : memref<10080x128xf32, #tpu.memory_space<vmem_shared>> -> memref<16x128xf32, #tpu.memory_space<vmem_shared>>
        %dma_wait3A_152 = arith.constant 9984 : i32
        %dma_wait3A_153 = arith.constant 0 : i32
        %dma_wait3A_154 = tpu.memref_slice %arg15[%dma_wait3A_152, %dma_wait3A_153] : memref<10080x128xf32, #tpu.memory_space<vmem_shared>> -> memref<16x128xf32, #tpu.memory_space<vmem_shared>>
        %dma_wait3A_155 = arith.constant 0 : i32
        %dma_wait3A_156 = arith.constant 0 : i32
        %dma_wait3A_157 = tpu.memref_slice %arg11[%dma_wait3A_155, %dma_wait3A_156] : memref<100x128xf32, #tpu.memory_space<vmem>> -> memref<16x128xf32, #tpu.memory_space<vmem>>
        tpu.wait_dma2 semaphore(%run_scoped3A_134 : memref<!tpu.dma_semaphore, #tpu.memory_space<semaphore_mem>>) src(%dma_wait3A_157 : memref<16x128xf32, #tpu.memory_space<vmem>>) dst(%dma_wait3A_154 : memref<16x128xf32, #tpu.memory_space<vmem_shared>>)
        tpu.yield
      }) : () -> ()
    } else {
    }
    %eq3A_54 = arith.constant 0 : i32
    %eq3A_55 = arith.cmpi eq, %arg1, %eq3A_54 : i32
    %convert_element_type3A_56 = arith.extui %eq3A_55 : i1 to i32
    %cond3A_57 = arith.constant 0 : i32
    %cond3A_58 = arith.cmpi ne, %convert_element_type3A_56, %cond3A_57 : i32
    scf.if %cond3A_58 {
      "tpu.region"() ({
        %run_scoped3A_134 = tpu.sem_alloc : memref<!tpu.dma_semaphore, #tpu.memory_space<semaphore_mem>>
        %dma_start3A_135 = arith.constant 0 : i32
        %dma_start3A_136 = arith.constant 0 : i32
        %dma_start3A_137 = tpu.memref_slice %arg11[%dma_start3A_135, %dma_start3A_136] : memref<100x128xf32, #tpu.memory_space<vmem>> -> memref<80x128xf32, #tpu.memory_space<vmem>>
        %dma_start3A_138 = arith.constant 10000 : i32
        %dma_start3A_139 = arith.constant 0 : i32
        %dma_start3A_140 = tpu.memref_slice %arg15[%dma_start3A_138, %dma_start3A_139] : memref<10080x128xf32, #tpu.memory_space<vmem_shared>> -> memref<80x128xf32, #tpu.memory_space<vmem_shared>>
        %dma_start3A_141 = arith.constant 10000 : i32
        %dma_start3A_142 = arith.constant 0 : i32
        %dma_start3A_143 = tpu.memref_slice %arg15[%dma_start3A_141, %dma_start3A_142] : memref<10080x128xf32, #tpu.memory_space<vmem_shared>> -> memref<80x128xf32, #tpu.memory_space<vmem_shared>>
        %dma_start3A_144 = arith.constant 0 : i32
        %dma_start3A_145 = arith.constant 0 : i32
        %dma_start3A_146 = tpu.memref_slice %arg11[%dma_start3A_144, %dma_start3A_145] : memref<100x128xf32, #tpu.memory_space<vmem>> -> memref<80x128xf32, #tpu.memory_space<vmem>>
        tpu.enqueue_dma source(%dma_start3A_146 : memref<80x128xf32, #tpu.memory_space<vmem>>) target(%dma_start3A_143 : memref<80x128xf32, #tpu.memory_space<vmem_shared>>) target_semaphore(%run_scoped3A_134 : memref<!tpu.dma_semaphore, #tpu.memory_space<semaphore_mem>>)
        %dma_wait3A = arith.constant 0 : i32
        %dma_wait3A_147 = arith.constant 0 : i32
        %dma_wait3A_148 = tpu.memref_slice %arg11[%dma_wait3A, %dma_wait3A_147] : memref<100x128xf32, #tpu.memory_space<vmem>> -> memref<80x128xf32, #tpu.memory_space<vmem>>
        %dma_wait3A_149 = arith.constant 10000 : i32
        %dma_wait3A_150 = arith.constant 0 : i32
        %dma_wait3A_151 = tpu.memref_slice %arg15[%dma_wait3A_149, %dma_wait3A_150] : memref<10080x128xf32, #tpu.memory_space<vmem_shared>> -> memref<80x128xf32, #tpu.memory_space<vmem_shared>>
        %dma_wait3A_152 = arith.constant 10000 : i32
        %dma_wait3A_153 = arith.constant 0 : i32
        %dma_wait3A_154 = tpu.memref_slice %arg15[%dma_wait3A_152, %dma_wait3A_153] : memref<10080x128xf32, #tpu.memory_space<vmem_shared>> -> memref<80x128xf32, #tpu.memory_space<vmem_shared>>
        %dma_wait3A_155 = arith.constant 0 : i32
        %dma_wait3A_156 = arith.constant 0 : i32
        %dma_wait3A_157 = tpu.memref_slice %arg11[%dma_wait3A_155, %dma_wait3A_156] : memref<100x128xf32, #tpu.memory_space<vmem>> -> memref<80x128xf32, #tpu.memory_space<vmem>>
        tpu.wait_dma2 semaphore(%run_scoped3A_134 : memref<!tpu.dma_semaphore, #tpu.memory_space<semaphore_mem>>) src(%dma_wait3A_157 : memref<80x128xf32, #tpu.memory_space<vmem>>) dst(%dma_wait3A_154 : memref<80x128xf32, #tpu.memory_space<vmem_shared>>)
        tpu.yield
      }) : () -> ()
    } else {
    }
    %barrier3A = arith.constant 0 : index
    tpu.barrier barrier_id(%barrier3A)
    %run_scoped3A = arith.constant 0 : i32
    "tpu.region"() ({
      %run_scoped3A_134 = tpu.sem_alloc : memref<!tpu.dma_semaphore, #tpu.memory_space<semaphore_mem>>
      %dma_start3A_135 = arith.constant 0 : i32
      %dma_start3A_136 = arith.constant 0 : i32
      %dma_start3A_137 = tpu.memref_slice %arg3[%arg0, %arg1, %run_scoped3A, %dma_start3A_135, %dma_start3A_136] : memref<2x16x100x1x384xi32, #tpu.memory_space<hbm>> -> memref<1x1x1x1x384xi32, #tpu.memory_space<hbm>>
      %dma_start3A_138 = tpu.memref_squeeze %dma_start3A_137 : memref<1x1x1x1x384xi32, #tpu.memory_space<hbm>> -> memref<1x384xi32, #tpu.memory_space<hbm>>
      %dma_start3A_139 = arith.constant 0 : i32
      %dma_start3A_140 = arith.constant 0 : i32
      %dma_start3A_141 = tpu.memref_slice %arg3[%arg0, %arg1, %run_scoped3A, %dma_start3A_139, %dma_start3A_140] : memref<2x16x100x1x384xi32, #tpu.memory_space<hbm>> -> memref<1x1x1x1x384xi32, #tpu.memory_space<hbm>>
      %dma_start3A_142 = tpu.memref_squeeze %dma_start3A_141 : memref<1x1x1x1x384xi32, #tpu.memory_space<hbm>> -> memref<1x384xi32, #tpu.memory_space<hbm>>
      tpu.enqueue_dma source(%dma_start3A_142 : memref<1x384xi32, #tpu.memory_space<hbm>>) target(%arg8 : memref<1x384xi32, #tpu.memory_space<vmem>>) target_semaphore(%run_scoped3A_134 : memref<!tpu.dma_semaphore, #tpu.memory_space<semaphore_mem>>)
      %dma_wait3A = arith.constant 0 : i32
      %dma_wait3A_143 = arith.constant 0 : i32
      %dma_wait3A_144 = tpu.memref_slice %arg3[%arg0, %arg1, %run_scoped3A, %dma_wait3A, %dma_wait3A_143] : memref<2x16x100x1x384xi32, #tpu.memory_space<hbm>> -> memref<1x1x1x1x384xi32, #tpu.memory_space<hbm>>
      %dma_wait3A_145 = tpu.memref_squeeze %dma_wait3A_144 : memref<1x1x1x1x384xi32, #tpu.memory_space<hbm>> -> memref<1x384xi32, #tpu.memory_space<hbm>>
      %dma_wait3A_146 = arith.constant 0 : i32
      %dma_wait3A_147 = arith.constant 0 : i32
      %dma_wait3A_148 = tpu.memref_slice %arg3[%arg0, %arg1, %run_scoped3A, %dma_wait3A_146, %dma_wait3A_147] : memref<2x16x100x1x384xi32, #tpu.memory_space<hbm>> -> memref<1x1x1x1x384xi32, #tpu.memory_space<hbm>>
      %dma_wait3A_149 = tpu.memref_squeeze %dma_wait3A_148 : memref<1x1x1x1x384xi32, #tpu.memory_space<hbm>> -> memref<1x384xi32, #tpu.memory_space<hbm>>
      tpu.wait_dma2 semaphore(%run_scoped3A_134 : memref<!tpu.dma_semaphore, #tpu.memory_space<semaphore_mem>>) src(%dma_wait3A_149 : memref<1x384xi32, #tpu.memory_space<hbm>>) dst(%arg8 : memref<1x384xi32, #tpu.memory_space<vmem>>)
      tpu.yield
    }) : () -> ()
    %dma_start3A = arith.constant 0 : i32
    %dma_start3A_59 = arith.constant 128 : i32
    %dma_start3A_60 = tpu.memref_slice %arg8[%dma_start3A, %dma_start3A_59] : memref<1x384xi32, #tpu.memory_space<vmem>> -> memref<1x100xi32, #tpu.memory_space<vmem>>
    %dma_start3A_61 = tpu.memref_squeeze %dma_start3A_60 : memref<1x100xi32, #tpu.memory_space<vmem>> -> memref<100xi32, #tpu.memory_space<vmem>>
    %dma_start3A_62 = arith.constant 0 : i32
    %dma_start3A_63 = arith.constant 0 : i32
    %dma_start3A_64 = tpu.memref_slice %arg2[%dma_start3A_62, %dma_start3A_63] : memref<40000x128xf32, #tpu.memory_space<hbm>> -> memref<40000x128xf32, #tpu.memory_space<hbm>>
    tpu.enqueue_indirect_dma source(%dma_start3A_64 : memref<40000x128xf32, #tpu.memory_space<hbm>>) target(%arg11 : memref<100x128xf32, #tpu.memory_space<vmem>>) offsets(%dma_start3A_61 : memref<100xi32, #tpu.memory_space<vmem>>) semaphore(%arg16 : memref<!tpu.dma_semaphore, #tpu.memory_space<semaphore_mem>>)
    %dma_start3A_65 = arith.constant 0 : i32
    %dma_start3A_66 = arith.constant 256 : i32
    %dma_start3A_67 = tpu.memref_slice %arg8[%dma_start3A_65, %dma_start3A_66] : memref<1x384xi32, #tpu.memory_space<vmem>> -> memref<1x100xi32, #tpu.memory_space<vmem>>
    %dma_start3A_68 = tpu.memref_squeeze %dma_start3A_67 : memref<1x100xi32, #tpu.memory_space<vmem>> -> memref<100xi32, #tpu.memory_space<vmem>>
    %dma_start3A_69 = arith.constant 0 : i32
    %dma_start3A_70 = arith.constant 0 : i32
    %dma_start3A_71 = tpu.memref_slice %arg2[%dma_start3A_69, %dma_start3A_70] : memref<40000x128xf32, #tpu.memory_space<hbm>> -> memref<40000x128xf32, #tpu.memory_space<hbm>>
    tpu.enqueue_indirect_dma source(%dma_start3A_71 : memref<40000x128xf32, #tpu.memory_space<hbm>>) target(%arg13 : memref<100x128xf32, #tpu.memory_space<vmem>>) offsets(%dma_start3A_68 : memref<100xi32, #tpu.memory_space<vmem>>) semaphore(%arg18 : memref<!tpu.dma_semaphore, #tpu.memory_space<semaphore_mem>>)
    %scan3A_72 = arith.constant 0 : i32
    %scan3A_73 = arith.constant 0 : i32
    %scan3A_74 = arith.constant 49 : i32
    %scan3A_75 = arith.addi %scan3A_73, %scan3A_74 : i32
    %scan3A_76 = arith.constant 1 : i32
    scf.for %scan3A_134 = %scan3A_73 to %scan3A_75 step %scan3A_76  : i32 {
      %mul3A_135 = arith.constant 2 : i32
      %mul3A_136 = arith.muli %mul3A_135, %scan3A_134 : i32
      %add3A_137 = arith.constant 0 : i32
      %add3A_138 = arith.addi %mul3A_136, %add3A_137 : i32
      %gt3A = arith.constant 0 : i32
      %gt3A_139 = arith.cmpi sgt, %scan3A_134, %gt3A : i32
      %convert_element_type3A_140 = arith.extui %gt3A_139 : i1 to i32
      %cond3A_141 = arith.constant 0 : i32
      %cond3A_142 = arith.cmpi ne, %convert_element_type3A_140, %cond3A_141 : i32
      scf.if %cond3A_142 {
        tpu.wait_dma2 semaphore(%arg20 : memref<!tpu.dma_semaphore, #tpu.memory_space<semaphore_mem>>) src(%arg5 : memref<100x128xf32, #tpu.memory_space<hbm>>) dst(%arg12 : memref<100x128xf32, #tpu.memory_space<vmem>>)
      } else {
      }
      %add3A_143 = arith.constant 1 : i32
      %add3A_144 = arith.addi %add3A_138, %add3A_143 : i32
      "tpu.region"() ({
        %run_scoped3A_205 = tpu.sem_alloc : memref<!tpu.dma_semaphore, #tpu.memory_space<semaphore_mem>>
        %dma_start3A_206 = arith.constant 0 : i32
        %dma_start3A_207 = arith.constant 0 : i32
        %dma_start3A_208 = tpu.memref_slice %arg3[%arg0, %arg1, %add3A_144, %dma_start3A_206, %dma_start3A_207] : memref<2x16x100x1x384xi32, #tpu.memory_space<hbm>> -> memref<1x1x1x1x384xi32, #tpu.memory_space<hbm>>
        %dma_start3A_209 = tpu.memref_squeeze %dma_start3A_208 : memref<1x1x1x1x384xi32, #tpu.memory_space<hbm>> -> memref<1x384xi32, #tpu.memory_space<hbm>>
        %dma_start3A_210 = arith.constant 0 : i32
        %dma_start3A_211 = arith.constant 0 : i32
        %dma_start3A_212 = tpu.memref_slice %arg3[%arg0, %arg1, %add3A_144, %dma_start3A_210, %dma_start3A_211] : memref<2x16x100x1x384xi32, #tpu.memory_space<hbm>> -> memref<1x1x1x1x384xi32, #tpu.memory_space<hbm>>
        %dma_start3A_213 = tpu.memref_squeeze %dma_start3A_212 : memref<1x1x1x1x384xi32, #tpu.memory_space<hbm>> -> memref<1x384xi32, #tpu.memory_space<hbm>>
        tpu.enqueue_dma source(%dma_start3A_213 : memref<1x384xi32, #tpu.memory_space<hbm>>) target(%arg9 : memref<1x384xi32, #tpu.memory_space<vmem>>) target_semaphore(%run_scoped3A_205 : memref<!tpu.dma_semaphore, #tpu.memory_space<semaphore_mem>>)
        %dma_wait3A = arith.constant 0 : i32
        %dma_wait3A_214 = arith.constant 0 : i32
        %dma_wait3A_215 = tpu.memref_slice %arg3[%arg0, %arg1, %add3A_144, %dma_wait3A, %dma_wait3A_214] : memref<2x16x100x1x384xi32, #tpu.memory_space<hbm>> -> memref<1x1x1x1x384xi32, #tpu.memory_space<hbm>>
        %dma_wait3A_216 = tpu.memref_squeeze %dma_wait3A_215 : memref<1x1x1x1x384xi32, #tpu.memory_space<hbm>> -> memref<1x384xi32, #tpu.memory_space<hbm>>
        %dma_wait3A_217 = arith.constant 0 : i32
        %dma_wait3A_218 = arith.constant 0 : i32
        %dma_wait3A_219 = tpu.memref_slice %arg3[%arg0, %arg1, %add3A_144, %dma_wait3A_217, %dma_wait3A_218] : memref<2x16x100x1x384xi32, #tpu.memory_space<hbm>> -> memref<1x1x1x1x384xi32, #tpu.memory_space<hbm>>
        %dma_wait3A_220 = tpu.memref_squeeze %dma_wait3A_219 : memref<1x1x1x1x384xi32, #tpu.memory_space<hbm>> -> memref<1x384xi32, #tpu.memory_space<hbm>>
        tpu.wait_dma2 semaphore(%run_scoped3A_205 : memref<!tpu.dma_semaphore, #tpu.memory_space<semaphore_mem>>) src(%dma_wait3A_220 : memref<1x384xi32, #tpu.memory_space<hbm>>) dst(%arg9 : memref<1x384xi32, #tpu.memory_space<vmem>>)
        tpu.yield
      }) : () -> ()
      %dma_start3A_145 = arith.constant 0 : i32
      %dma_start3A_146 = arith.constant 128 : i32
      %dma_start3A_147 = tpu.memref_slice %arg9[%dma_start3A_145, %dma_start3A_146] : memref<1x384xi32, #tpu.memory_space<vmem>> -> memref<1x100xi32, #tpu.memory_space<vmem>>
      %dma_start3A_148 = tpu.memref_squeeze %dma_start3A_147 : memref<1x100xi32, #tpu.memory_space<vmem>> -> memref<100xi32, #tpu.memory_space<vmem>>
      %dma_start3A_149 = arith.constant 0 : i32
      %dma_start3A_150 = arith.constant 0 : i32
      %dma_start3A_151 = tpu.memref_slice %arg2[%dma_start3A_149, %dma_start3A_150] : memref<40000x128xf32, #tpu.memory_space<hbm>> -> memref<40000x128xf32, #tpu.memory_space<hbm>>
      tpu.enqueue_indirect_dma source(%dma_start3A_151 : memref<40000x128xf32, #tpu.memory_space<hbm>>) target(%arg12 : memref<100x128xf32, #tpu.memory_space<vmem>>) offsets(%dma_start3A_148 : memref<100xi32, #tpu.memory_space<vmem>>) semaphore(%arg17 : memref<!tpu.dma_semaphore, #tpu.memory_space<semaphore_mem>>)
      tpu.wait_dma2 semaphore(%arg16 : memref<!tpu.dma_semaphore, #tpu.memory_space<semaphore_mem>>) src(%arg5 : memref<100x128xf32, #tpu.memory_space<hbm>>) dst(%arg11 : memref<100x128xf32, #tpu.memory_space<vmem>>)
      tpu.wait_dma2 semaphore(%arg18 : memref<!tpu.dma_semaphore, #tpu.memory_space<semaphore_mem>>) src(%arg5 : memref<100x128xf32, #tpu.memory_space<hbm>>) dst(%arg13 : memref<100x128xf32, #tpu.memory_space<vmem>>)
      %scan3A_152 = arith.constant 0 : i32
      %scan3A_153 = arith.constant 0 : i32
      %scan3A_154 = arith.constant 25 : i32
      %scan3A_155 = arith.addi %scan3A_153, %scan3A_154 : i32
      %scan3A_156 = arith.constant 1 : i32
      scf.for %scan3A_205 = %scan3A_153 to %scan3A_155 step %scan3A_156  : i32 {
        %mul3A_206 = arith.constant 4 : i32
        %mul3A_207 = arith.muli %mul3A_206, %scan3A_205 : i32
        %add3A_208 = arith.constant 0 : i32
        %add3A_209 = arith.addi %mul3A_207, %add3A_208 : i32
        %get3A = arith.index_cast %add3A_209 : i32 to index
        %get3A_210 = arith.constant 0 : index
        %get3A_211 = tpu.vector_load %arg11[%get3A, %get3A_210] {strides = array<i32>} : memref<100x128xf32, #tpu.memory_space<vmem>>, vector<16xf32>,
        %get3A_212 = arith.index_cast %add3A_209 : i32 to index
        %get3A_213 = arith.constant 0 : index
        %get3A_214 = tpu.vector_load %arg13[%get3A_212, %get3A_213] {strides = array<i32>} : memref<100x128xf32, #tpu.memory_space<vmem>>, vector<16xf32>,
        %add3A_215 = arith.addf %get3A_211, %get3A_214 : vector<16xf32>
        %neg3A = arith.constant 0.000000e+00 : f32
        %neg3A_216 = vector.broadcast %neg3A : f32 to vector<16xf32>
        %neg3A_217 = arith.subf %neg3A_216, %add3A_215 : vector<16xf32>
        %exp3A = math.exp %neg3A_217 : vector<16xf32>
        %add3A_218 = arith.constant 1.000000e+00 : f32
        %add3A_219 = vector.broadcast %add3A_218 : f32 to vector<16xf32>
        %add3A_220 = arith.addf %add3A_219, %exp3A : vector<16xf32>
        %div3A = arith.divf %add3A_215, %add3A_220 : vector<16xf32>
        %swap3A_221 = arith.index_cast %add3A_209 : i32 to index
        %swap3A_222 = arith.constant 0 : index
        %swap3A_223 = tpu.vector_load %arg11[%swap3A_221, %swap3A_222] {strides = array<i32>} : memref<100x128xf32, #tpu.memory_space<vmem>>, vector<16xf32>,
        tpu.vector_store %arg11[%swap3A_221, %swap3A_222], %div3A {strides = array<i32>} : memref<100x128xf32, #tpu.memory_space<vmem>>, vector<16xf32>,
        %get3A_224 = arith.index_cast %add3A_209 : i32 to index
        %get3A_225 = arith.constant 16 : index
        %get3A_226 = tpu.vector_load %arg11[%get3A_224, %get3A_225] {strides = array<i32>} : memref<100x128xf32, #tpu.memory_space<vmem>>, vector<16xf32>,
        %get3A_227 = arith.index_cast %add3A_209 : i32 to index
        %get3A_228 = arith.constant 16 : index
        %get3A_229 = tpu.vector_load %arg13[%get3A_227, %get3A_228] {strides = array<i32>} : memref<100x128xf32, #tpu.memory_space<vmem>>, vector<16xf32>,
        %add3A_230 = arith.addf %get3A_226, %get3A_229 : vector<16xf32>
        %neg3A_231 = arith.constant 0.000000e+00 : f32
        %neg3A_232 = vector.broadcast %neg3A_231 : f32 to vector<16xf32>
        %neg3A_233 = arith.subf %neg3A_232, %add3A_230 : vector<16xf32>
        %exp3A_234 = math.exp %neg3A_233 : vector<16xf32>
        %add3A_235 = arith.constant 1.000000e+00 : f32
        %add3A_236 = vector.broadcast %add3A_235 : f32 to vector<16xf32>
        %add3A_237 = arith.addf %add3A_236, %exp3A_234 : vector<16xf32>
        %div3A_238 = arith.divf %add3A_230, %add3A_237 : vector<16xf32>
        %swap3A_239 = arith.index_cast %add3A_209 : i32 to index
        %swap3A_240 = arith.constant 16 : index
        %swap3A_241 = tpu.vector_load %arg11[%swap3A_239, %swap3A_240] {strides = array<i32>} : memref<100x128xf32, #tpu.memory_space<vmem>>, vector<16xf32>,
        tpu.vector_store %arg11[%swap3A_239, %swap3A_240], %div3A_238 {strides = array<i32>} : memref<100x128xf32, #tpu.memory_space<vmem>>, vector<16xf32>,
        %get3A_242 = arith.index_cast %add3A_209 : i32 to index
        %get3A_243 = arith.constant 32 : index
        %get3A_244 = tpu.vector_load %arg11[%get3A_242, %get3A_243] {strides = array<i32>} : memref<100x128xf32, #tpu.memory_space<vmem>>, vector<16xf32>,
        %get3A_245 = arith.index_cast %add3A_209 : i32 to index
        %get3A_246 = arith.constant 32 : index
        %get3A_247 = tpu.vector_load %arg13[%get3A_245, %get3A_246] {strides = array<i32>} : memref<100x128xf32, #tpu.memory_space<vmem>>, vector<16xf32>,
        %add3A_248 = arith.addf %get3A_244, %get3A_247 : vector<16xf32>
        %neg3A_249 = arith.constant 0.000000e+00 : f32
        %neg3A_250 = vector.broadcast %neg3A_249 : f32 to vector<16xf32>
        %neg3A_251 = arith.subf %neg3A_250, %add3A_248 : vector<16xf32>
        %exp3A_252 = math.exp %neg3A_251 : vector<16xf32>
        %add3A_253 = arith.constant 1.000000e+00 : f32
        %add3A_254 = vector.broadcast %add3A_253 : f32 to vector<16xf32>
        %add3A_255 = arith.addf %add3A_254, %exp3A_252 : vector<16xf32>
        %div3A_256 = arith.divf %add3A_248, %add3A_255 : vector<16xf32>
        %swap3A_257 = arith.index_cast %add3A_209 : i32 to index
        %swap3A_258 = arith.constant 32 : index
        %swap3A_259 = tpu.vector_load %arg11[%swap3A_257, %swap3A_258] {strides = array<i32>} : memref<100x128xf32, #tpu.memory_space<vmem>>, vector<16xf32>,
        tpu.vector_store %arg11[%swap3A_257, %swap3A_258], %div3A_256 {strides = array<i32>} : memref<100x128xf32, #tpu.memory_space<vmem>>, vector<16xf32>,
        %get3A_260 = arith.index_cast %add3A_209 : i32 to index
        %get3A_261 = arith.constant 48 : index
        %get3A_262 = tpu.vector_load %arg11[%get3A_260, %get3A_261] {strides = array<i32>} : memref<100x128xf32, #tpu.memory_space<vmem>>, vector<16xf32>,
        %get3A_263 = arith.index_cast %add3A_209 : i32 to index
        %get3A_264 = arith.constant 48 : index
        %get3A_265 = tpu.vector_load %arg13[%get3A_263, %get3A_264] {strides = array<i32>} : memref<100x128xf32, #tpu.memory_space<vmem>>, vector<16xf32>,
        %add3A_266 = arith.addf %get3A_262, %get3A_265 : vector<16xf32>
        %neg3A_267 = arith.constant 0.000000e+00 : f32
        %neg3A_268 = vector.broadcast %neg3A_267 : f32 to vector<16xf32>
        %neg3A_269 = arith.subf %neg3A_268, %add3A_266 : vector<16xf32>
        %exp3A_270 = math.exp %neg3A_269 : vector<16xf32>
        %add3A_271 = arith.constant 1.000000e+00 : f32
        %add3A_272 = vector.broadcast %add3A_271 : f32 to vector<16xf32>
        %add3A_273 = arith.addf %add3A_272, %exp3A_270 : vector<16xf32>
        %div3A_274 = arith.divf %add3A_266, %add3A_273 : vector<16xf32>
        %swap3A_275 = arith.index_cast %add3A_209 : i32 to index
        %swap3A_276 = arith.constant 48 : index
        %swap3A_277 = tpu.vector_load %arg11[%swap3A_275, %swap3A_276] {strides = array<i32>} : memref<100x128xf32, #tpu.memory_space<vmem>>, vector<16xf32>,
        tpu.vector_store %arg11[%swap3A_275, %swap3A_276], %div3A_274 {strides = array<i32>} : memref<100x128xf32, #tpu.memory_space<vmem>>, vector<16xf32>,
        %get3A_278 = arith.index_cast %add3A_209 : i32 to index
        %get3A_279 = arith.constant 64 : index
        %get3A_280 = tpu.vector_load %arg11[%get3A_278, %get3A_279] {strides = array<i32>} : memref<100x128xf32, #tpu.memory_space<vmem>>, vector<16xf32>,
        %get3A_281 = arith.index_cast %add3A_209 : i32 to index
        %get3A_282 = arith.constant 64 : index
        %get3A_283 = tpu.vector_load %arg13[%get3A_281, %get3A_282] {strides = array<i32>} : memref<100x128xf32, #tpu.memory_space<vmem>>, vector<16xf32>,
        %add3A_284 = arith.addf %get3A_280, %get3A_283 : vector<16xf32>
        %neg3A_285 = arith.constant 0.000000e+00 : f32
        %neg3A_286 = vector.broadcast %neg3A_285 : f32 to vector<16xf32>
        %neg3A_287 = arith.subf %neg3A_286, %add3A_284 : vector<16xf32>
        %exp3A_288 = math.exp %neg3A_287 : vector<16xf32>
        %add3A_289 = arith.constant 1.000000e+00 : f32
        %add3A_290 = vector.broadcast %add3A_289 : f32 to vector<16xf32>
        %add3A_291 = arith.addf %add3A_290, %exp3A_288 : vector<16xf32>
        %div3A_292 = arith.divf %add3A_284, %add3A_291 : vector<16xf32>
        %swap3A_293 = arith.index_cast %add3A_209 : i32 to index
        %swap3A_294 = arith.constant 64 : index
        %swap3A_295 = tpu.vector_load %arg11[%swap3A_293, %swap3A_294] {strides = array<i32>} : memref<100x128xf32, #tpu.memory_space<vmem>>, vector<16xf32>,
        tpu.vector_store %arg11[%swap3A_293, %swap3A_294], %div3A_292 {strides = array<i32>} : memref<100x128xf32, #tpu.memory_space<vmem>>, vector<16xf32>,
        %get3A_296 = arith.index_cast %add3A_209 : i32 to index
        %get3A_297 = arith.constant 80 : index
        %get3A_298 = tpu.vector_load %arg11[%get3A_296, %get3A_297] {strides = array<i32>} : memref<100x128xf32, #tpu.memory_space<vmem>>, vector<16xf32>,
        %get3A_299 = arith.index_cast %add3A_209 : i32 to index
        %get3A_300 = arith.constant 80 : index
        %get3A_301 = tpu.vector_load %arg13[%get3A_299, %get3A_300] {strides = array<i32>} : memref<100x128xf32, #tpu.memory_space<vmem>>, vector<16xf32>,
        %add3A_302 = arith.addf %get3A_298, %get3A_301 : vector<16xf32>
        %neg3A_303 = arith.constant 0.000000e+00 : f32
        %neg3A_304 = vector.broadcast %neg3A_303 : f32 to vector<16xf32>
        %neg3A_305 = arith.subf %neg3A_304, %add3A_302 : vector<16xf32>
        %exp3A_306 = math.exp %neg3A_305 : vector<16xf32>
        %add3A_307 = arith.constant 1.000000e+00 : f32
        %add3A_308 = vector.broadcast %add3A_307 : f32 to vector<16xf32>
        %add3A_309 = arith.addf %add3A_308, %exp3A_306 : vector<16xf32>
        %div3A_310 = arith.divf %add3A_302, %add3A_309 : vector<16xf32>
        %swap3A_311 = arith.index_cast %add3A_209 : i32 to index
        %swap3A_312 = arith.constant 80 : index
        %swap3A_313 = tpu.vector_load %arg11[%swap3A_311, %swap3A_312] {strides = array<i32>} : memref<100x128xf32, #tpu.memory_space<vmem>>, vector<16xf32>,
        tpu.vector_store %arg11[%swap3A_311, %swap3A_312], %div3A_310 {strides = array<i32>} : memref<100x128xf32, #tpu.memory_space<vmem>>, vector<16xf32>,
        %get3A_314 = arith.index_cast %add3A_209 : i32 to index
        %get3A_315 = arith.constant 96 : index
        %get3A_316 = tpu.vector_load %arg11[%get3A_314, %get3A_315] {strides = array<i32>} : memref<100x128xf32, #tpu.memory_space<vmem>>, vector<16xf32>,
        %get3A_317 = arith.index_cast %add3A_209 : i32 to index
        %get3A_318 = arith.constant 96 : index
        %get3A_319 = tpu.vector_load %arg13[%get3A_317, %get3A_318] {strides = array<i32>} : memref<100x128xf32, #tpu.memory_space<vmem>>, vector<16xf32>,
        %add3A_320 = arith.addf %get3A_316, %get3A_319 : vector<16xf32>
        %neg3A_321 = arith.constant 0.000000e+00 : f32
        %neg3A_322 = vector.broadcast %neg3A_321 : f32 to vector<16xf32>
        %neg3A_323 = arith.subf %neg3A_322, %add3A_320 : vector<16xf32>
        %exp3A_324 = math.exp %neg3A_323 : vector<16xf32>
        %add3A_325 = arith.constant 1.000000e+00 : f32
        %add3A_326 = vector.broadcast %add3A_325 : f32 to vector<16xf32>
        %add3A_327 = arith.addf %add3A_326, %exp3A_324 : vector<16xf32>
        %div3A_328 = arith.divf %add3A_320, %add3A_327 : vector<16xf32>
        %swap3A_329 = arith.index_cast %add3A_209 : i32 to index
        %swap3A_330 = arith.constant 96 : index
        %swap3A_331 = tpu.vector_load %arg11[%swap3A_329, %swap3A_330] {strides = array<i32>} : memref<100x128xf32, #tpu.memory_space<vmem>>, vector<16xf32>,
        tpu.vector_store %arg11[%swap3A_329, %swap3A_330], %div3A_328 {strides = array<i32>} : memref<100x128xf32, #tpu.memory_space<vmem>>, vector<16xf32>,
        %get3A_332 = arith.index_cast %add3A_209 : i32 to index
        %get3A_333 = arith.constant 112 : index
        %get3A_334 = tpu.vector_load %arg11[%get3A_332, %get3A_333] {strides = array<i32>} : memref<100x128xf32, #tpu.memory_space<vmem>>, vector<16xf32>,
        %get3A_335 = arith.index_cast %add3A_209 : i32 to index
        %get3A_336 = arith.constant 112 : index
        %get3A_337 = tpu.vector_load %arg13[%get3A_335, %get3A_336] {strides = array<i32>} : memref<100x128xf32, #tpu.memory_space<vmem>>, vector<16xf32>,
        %add3A_338 = arith.addf %get3A_334, %get3A_337 : vector<16xf32>
        %neg3A_339 = arith.constant 0.000000e+00 : f32
        %neg3A_340 = vector.broadcast %neg3A_339 : f32 to vector<16xf32>
        %neg3A_341 = arith.subf %neg3A_340, %add3A_338 : vector<16xf32>
        %exp3A_342 = math.exp %neg3A_341 : vector<16xf32>
        %add3A_343 = arith.constant 1.000000e+00 : f32
        %add3A_344 = vector.broadcast %add3A_343 : f32 to vector<16xf32>
        %add3A_345 = arith.addf %add3A_344, %exp3A_342 : vector<16xf32>
        %div3A_346 = arith.divf %add3A_338, %add3A_345 : vector<16xf32>
        %swap3A_347 = arith.index_cast %add3A_209 : i32 to index
        %swap3A_348 = arith.constant 112 : index
        %swap3A_349 = tpu.vector_load %arg11[%swap3A_347, %swap3A_348] {strides = array<i32>} : memref<100x128xf32, #tpu.memory_space<vmem>>, vector<16xf32>,
        tpu.vector_store %arg11[%swap3A_347, %swap3A_348], %div3A_346 {strides = array<i32>} : memref<100x128xf32, #tpu.memory_space<vmem>>, vector<16xf32>,
        %mul3A_350 = arith.constant 4 : i32
        %mul3A_351 = arith.muli %mul3A_350, %scan3A_205 : i32
        %add3A_352 = arith.constant 1 : i32
        %add3A_353 = arith.addi %mul3A_351, %add3A_352 : i32
        %get3A_354 = arith.index_cast %add3A_353 : i32 to index
        %get3A_355 = arith.constant 0 : index
        %get3A_356 = tpu.vector_load %arg11[%get3A_354, %get3A_355] {strides = array<i32>} : memref<100x128xf32, #tpu.memory_space<vmem>>, vector<16xf32>,
        %get3A_357 = arith.index_cast %add3A_353 : i32 to index
        %get3A_358 = arith.constant 0 : index
        %get3A_359 = tpu.vector_load %arg13[%get3A_357, %get3A_358] {strides = array<i32>} : memref<100x128xf32, #tpu.memory_space<vmem>>, vector<16xf32>,
        %add3A_360 = arith.addf %get3A_356, %get3A_359 : vector<16xf32>
        %neg3A_361 = arith.constant 0.000000e+00 : f32
        %neg3A_362 = vector.broadcast %neg3A_361 : f32 to vector<16xf32>
        %neg3A_363 = arith.subf %neg3A_362, %add3A_360 : vector<16xf32>
        %exp3A_364 = math.exp %neg3A_363 : vector<16xf32>
        %add3A_365 = arith.constant 1.000000e+00 : f32
        %add3A_366 = vector.broadcast %add3A_365 : f32 to vector<16xf32>
        %add3A_367 = arith.addf %add3A_366, %exp3A_364 : vector<16xf32>
        %div3A_368 = arith.divf %add3A_360, %add3A_367 : vector<16xf32>
        %swap3A_369 = arith.index_cast %add3A_353 : i32 to index
        %swap3A_370 = arith.constant 0 : index
        %swap3A_371 = tpu.vector_load %arg11[%swap3A_369, %swap3A_370] {strides = array<i32>} : memref<100x128xf32, #tpu.memory_space<vmem>>, vector<16xf32>,
        tpu.vector_store %arg11[%swap3A_369, %swap3A_370], %div3A_368 {strides = array<i32>} : memref<100x128xf32, #tpu.memory_space<vmem>>, vector<16xf32>,
        %get3A_372 = arith.index_cast %add3A_353 : i32 to index
        %get3A_373 = arith.constant 16 : index
        %get3A_374 = tpu.vector_load %arg11[%get3A_372, %get3A_373] {strides = array<i32>} : memref<100x128xf32, #tpu.memory_space<vmem>>, vector<16xf32>,
        %get3A_375 = arith.index_cast %add3A_353 : i32 to index
        %get3A_376 = arith.constant 16 : index
        %get3A_377 = tpu.vector_load %arg13[%get3A_375, %get3A_376] {strides = array<i32>} : memref<100x128xf32, #tpu.memory_space<vmem>>, vector<16xf32>,
        %add3A_378 = arith.addf %get3A_374, %get3A_377 : vector<16xf32>
        %neg3A_379 = arith.constant 0.000000e+00 : f32
        %neg3A_380 = vector.broadcast %neg3A_379 : f32 to vector<16xf32>
        %neg3A_381 = arith.subf %neg3A_380, %add3A_378 : vector<16xf32>
        %exp3A_382 = math.exp %neg3A_381 : vector<16xf32>
        %add3A_383 = arith.constant 1.000000e+00 : f32
        %add3A_384 = vector.broadcast %add3A_383 : f32 to vector<16xf32>
        %add3A_385 = arith.addf %add3A_384, %exp3A_382 : vector<16xf32>
        %div3A_386 = arith.divf %add3A_378, %add3A_385 : vector<16xf32>
        %swap3A_387 = arith.index_cast %add3A_353 : i32 to index
        %swap3A_388 = arith.constant 16 : index
        %swap3A_389 = tpu.vector_load %arg11[%swap3A_387, %swap3A_388] {strides = array<i32>} : memref<100x128xf32, #tpu.memory_space<vmem>>, vector<16xf32>,
        tpu.vector_store %arg11[%swap3A_387, %swap3A_388], %div3A_386 {strides = array<i32>} : memref<100x128xf32, #tpu.memory_space<vmem>>, vector<16xf32>,
        %get3A_390 = arith.index_cast %add3A_353 : i32 to index
        %get3A_391 = arith.constant 32 : index
        %get3A_392 = tpu.vector_load %arg11[%get3A_390, %get3A_391] {strides = array<i32>} : memref<100x128xf32, #tpu.memory_space<vmem>>, vector<16xf32>,
        %get3A_393 = arith.index_cast %add3A_353 : i32 to index
        %get3A_394 = arith.constant 32 : index
        %get3A_395 = tpu.vector_load %arg13[%get3A_393, %get3A_394] {strides = array<i32>} : memref<100x128xf32, #tpu.memory_space<vmem>>, vector<16xf32>,
        %add3A_396 = arith.addf %get3A_392, %get3A_395 : vector<16xf32>
        %neg3A_397 = arith.constant 0.000000e+00 : f32
        %neg3A_398 = vector.broadcast %neg3A_397 : f32 to vector<16xf32>
        %neg3A_399 = arith.subf %neg3A_398, %add3A_396 : vector<16xf32>
        %exp3A_400 = math.exp %neg3A_399 : vector<16xf32>
        %add3A_401 = arith.constant 1.000000e+00 : f32
        %add3A_402 = vector.broadcast %add3A_401 : f32 to vector<16xf32>
        %add3A_403 = arith.addf %add3A_402, %exp3A_400 : vector<16xf32>
        %div3A_404 = arith.divf %add3A_396, %add3A_403 : vector<16xf32>
        %swap3A_405 = arith.index_cast %add3A_353 : i32 to index
        %swap3A_406 = arith.constant 32 : index
        %swap3A_407 = tpu.vector_load %arg11[%swap3A_405, %swap3A_406] {strides = array<i32>} : memref<100x128xf32, #tpu.memory_space<vmem>>, vector<16xf32>,
        tpu.vector_store %arg11[%swap3A_405, %swap3A_406], %div3A_404 {strides = array<i32>} : memref<100x128xf32, #tpu.memory_space<vmem>>, vector<16xf32>,
        %get3A_408 = arith.index_cast %add3A_353 : i32 to index
        %get3A_409 = arith.constant 48 : index
        %get3A_410 = tpu.vector_load %arg11[%get3A_408, %get3A_409] {strides = array<i32>} : memref<100x128xf32, #tpu.memory_space<vmem>>, vector<16xf32>,
        %get3A_411 = arith.index_cast %add3A_353 : i32 to index
        %get3A_412 = arith.constant 48 : index
        %get3A_413 = tpu.vector_load %arg13[%get3A_411, %get3A_412] {strides = array<i32>} : memref<100x128xf32, #tpu.memory_space<vmem>>, vector<16xf32>,
        %add3A_414 = arith.addf %get3A_410, %get3A_413 : vector<16xf32>
        %neg3A_415 = arith.constant 0.000000e+00 : f32
        %neg3A_416 = vector.broadcast %neg3A_415 : f32 to vector<16xf32>
        %neg3A_417 = arith.subf %neg3A_416, %add3A_414 : vector<16xf32>
        %exp3A_418 = math.exp %neg3A_417 : vector<16xf32>
        %add3A_419 = arith.constant 1.000000e+00 : f32
        %add3A_420 = vector.broadcast %add3A_419 : f32 to vector<16xf32>
        %add3A_421 = arith.addf %add3A_420, %exp3A_418 : vector<16xf32>
        %div3A_422 = arith.divf %add3A_414, %add3A_421 : vector<16xf32>
        %swap3A_423 = arith.index_cast %add3A_353 : i32 to index
        %swap3A_424 = arith.constant 48 : index
        %swap3A_425 = tpu.vector_load %arg11[%swap3A_423, %swap3A_424] {strides = array<i32>} : memref<100x128xf32, #tpu.memory_space<vmem>>, vector<16xf32>,
        tpu.vector_store %arg11[%swap3A_423, %swap3A_424], %div3A_422 {strides = array<i32>} : memref<100x128xf32, #tpu.memory_space<vmem>>, vector<16xf32>,
        %get3A_426 = arith.index_cast %add3A_353 : i32 to index
        %get3A_427 = arith.constant 64 : index
        %get3A_428 = tpu.vector_load %arg11[%get3A_426, %get3A_427] {strides = array<i32>} : memref<100x128xf32, #tpu.memory_space<vmem>>, vector<16xf32>,
        %get3A_429 = arith.index_cast %add3A_353 : i32 to index
        %get3A_430 = arith.constant 64 : index
        %get3A_431 = tpu.vector_load %arg13[%get3A_429, %get3A_430] {strides = array<i32>} : memref<100x128xf32, #tpu.memory_space<vmem>>, vector<16xf32>,
        %add3A_432 = arith.addf %get3A_428, %get3A_431 : vector<16xf32>
        %neg3A_433 = arith.constant 0.000000e+00 : f32
        %neg3A_434 = vector.broadcast %neg3A_433 : f32 to vector<16xf32>
        %neg3A_435 = arith.subf %neg3A_434, %add3A_432 : vector<16xf32>
        %exp3A_436 = math.exp %neg3A_435 : vector<16xf32>
        %add3A_437 = arith.constant 1.000000e+00 : f32
        %add3A_438 = vector.broadcast %add3A_437 : f32 to vector<16xf32>
        %add3A_439 = arith.addf %add3A_438, %exp3A_436 : vector<16xf32>
        %div3A_440 = arith.divf %add3A_432, %add3A_439 : vector<16xf32>
        %swap3A_441 = arith.index_cast %add3A_353 : i32 to index
        %swap3A_442 = arith.constant 64 : index
        %swap3A_443 = tpu.vector_load %arg11[%swap3A_441, %swap3A_442] {strides = array<i32>} : memref<100x128xf32, #tpu.memory_space<vmem>>, vector<16xf32>,
        tpu.vector_store %arg11[%swap3A_441, %swap3A_442], %div3A_440 {strides = array<i32>} : memref<100x128xf32, #tpu.memory_space<vmem>>, vector<16xf32>,
        %get3A_444 = arith.index_cast %add3A_353 : i32 to index
        %get3A_445 = arith.constant 80 : index
        %get3A_446 = tpu.vector_load %arg11[%get3A_444, %get3A_445] {strides = array<i32>} : memref<100x128xf32, #tpu.memory_space<vmem>>, vector<16xf32>,
        %get3A_447 = arith.index_cast %add3A_353 : i32 to index
        %get3A_448 = arith.constant 80 : index
        %get3A_449 = tpu.vector_load %arg13[%get3A_447, %get3A_448] {strides = array<i32>} : memref<100x128xf32, #tpu.memory_space<vmem>>, vector<16xf32>,
        %add3A_450 = arith.addf %get3A_446, %get3A_449 : vector<16xf32>
        %neg3A_451 = arith.constant 0.000000e+00 : f32
        %neg3A_452 = vector.broadcast %neg3A_451 : f32 to vector<16xf32>
        %neg3A_453 = arith.subf %neg3A_452, %add3A_450 : vector<16xf32>
        %exp3A_454 = math.exp %neg3A_453 : vector<16xf32>
        %add3A_455 = arith.constant 1.000000e+00 : f32
        %add3A_456 = vector.broadcast %add3A_455 : f32 to vector<16xf32>
        %add3A_457 = arith.addf %add3A_456, %exp3A_454 : vector<16xf32>
        %div3A_458 = arith.divf %add3A_450, %add3A_457 : vector<16xf32>
        %swap3A_459 = arith.index_cast %add3A_353 : i32 to index
        %swap3A_460 = arith.constant 80 : index
        %swap3A_461 = tpu.vector_load %arg11[%swap3A_459, %swap3A_460] {strides = array<i32>} : memref<100x128xf32, #tpu.memory_space<vmem>>, vector<16xf32>,
        tpu.vector_store %arg11[%swap3A_459, %swap3A_460], %div3A_458 {strides = array<i32>} : memref<100x128xf32, #tpu.memory_space<vmem>>, vector<16xf32>,
        %get3A_462 = arith.index_cast %add3A_353 : i32 to index
        %get3A_463 = arith.constant 96 : index
        %get3A_464 = tpu.vector_load %arg11[%get3A_462, %get3A_463] {strides = array<i32>} : memref<100x128xf32, #tpu.memory_space<vmem>>, vector<16xf32>,
        %get3A_465 = arith.index_cast %add3A_353 : i32 to index
        %get3A_466 = arith.constant 96 : index
        %get3A_467 = tpu.vector_load %arg13[%get3A_465, %get3A_466] {strides = array<i32>} : memref<100x128xf32, #tpu.memory_space<vmem>>, vector<16xf32>,
        %add3A_468 = arith.addf %get3A_464, %get3A_467 : vector<16xf32>
        %neg3A_469 = arith.constant 0.000000e+00 : f32
        %neg3A_470 = vector.broadcast %neg3A_469 : f32 to vector<16xf32>
        %neg3A_471 = arith.subf %neg3A_470, %add3A_468 : vector<16xf32>
        %exp3A_472 = math.exp %neg3A_471 : vector<16xf32>
        %add3A_473 = arith.constant 1.000000e+00 : f32
        %add3A_474 = vector.broadcast %add3A_473 : f32 to vector<16xf32>
        %add3A_475 = arith.addf %add3A_474, %exp3A_472 : vector<16xf32>
        %div3A_476 = arith.divf %add3A_468, %add3A_475 : vector<16xf32>
        %swap3A_477 = arith.index_cast %add3A_353 : i32 to index
        %swap3A_478 = arith.constant 96 : index
        %swap3A_479 = tpu.vector_load %arg11[%swap3A_477, %swap3A_478] {strides = array<i32>} : memref<100x128xf32, #tpu.memory_space<vmem>>, vector<16xf32>,
        tpu.vector_store %arg11[%swap3A_477, %swap3A_478], %div3A_476 {strides = array<i32>} : memref<100x128xf32, #tpu.memory_space<vmem>>, vector<16xf32>,
        %get3A_480 = arith.index_cast %add3A_353 : i32 to index
        %get3A_481 = arith.constant 112 : index
        %get3A_482 = tpu.vector_load %arg11[%get3A_480, %get3A_481] {strides = array<i32>} : memref<100x128xf32, #tpu.memory_space<vmem>>, vector<16xf32>,
        %get3A_483 = arith.index_cast %add3A_353 : i32 to index
        %get3A_484 = arith.constant 112 : index
        %get3A_485 = tpu.vector_load %arg13[%get3A_483, %get3A_484] {strides = array<i32>} : memref<100x128xf32, #tpu.memory_space<vmem>>, vector<16xf32>,
        %add3A_486 = arith.addf %get3A_482, %get3A_485 : vector<16xf32>
        %neg3A_487 = arith.constant 0.000000e+00 : f32
        %neg3A_488 = vector.broadcast %neg3A_487 : f32 to vector<16xf32>
        %neg3A_489 = arith.subf %neg3A_488, %add3A_486 : vector<16xf32>
        %exp3A_490 = math.exp %neg3A_489 : vector<16xf32>
        %add3A_491 = arith.constant 1.000000e+00 : f32
        %add3A_492 = vector.broadcast %add3A_491 : f32 to vector<16xf32>
        %add3A_493 = arith.addf %add3A_492, %exp3A_490 : vector<16xf32>
        %div3A_494 = arith.divf %add3A_486, %add3A_493 : vector<16xf32>
        %swap3A_495 = arith.index_cast %add3A_353 : i32 to index
        %swap3A_496 = arith.constant 112 : index
        %swap3A_497 = tpu.vector_load %arg11[%swap3A_495, %swap3A_496] {strides = array<i32>} : memref<100x128xf32, #tpu.memory_space<vmem>>, vector<16xf32>,
        tpu.vector_store %arg11[%swap3A_495, %swap3A_496], %div3A_494 {strides = array<i32>} : memref<100x128xf32, #tpu.memory_space<vmem>>, vector<16xf32>,
        %mul3A_498 = arith.constant 4 : i32
        %mul3A_499 = arith.muli %mul3A_498, %scan3A_205 : i32
        %add3A_500 = arith.constant 2 : i32
        %add3A_501 = arith.addi %mul3A_499, %add3A_500 : i32
        %get3A_502 = arith.index_cast %add3A_501 : i32 to index
        %get3A_503 = arith.constant 0 : index
        %get3A_504 = tpu.vector_load %arg11[%get3A_502, %get3A_503] {strides = array<i32>} : memref<100x128xf32, #tpu.memory_space<vmem>>, vector<16xf32>,
        %get3A_505 = arith.index_cast %add3A_501 : i32 to index
        %get3A_506 = arith.constant 0 : index
        %get3A_507 = tpu.vector_load %arg13[%get3A_505, %get3A_506] {strides = array<i32>} : memref<100x128xf32, #tpu.memory_space<vmem>>, vector<16xf32>,
        %add3A_508 = arith.addf %get3A_504, %get3A_507 : vector<16xf32>
        %neg3A_509 = arith.constant 0.000000e+00 : f32
        %neg3A_510 = vector.broadcast %neg3A_509 : f32 to vector<16xf32>
        %neg3A_511 = arith.subf %neg3A_510, %add3A_508 : vector<16xf32>
        %exp3A_512 = math.exp %neg3A_511 : vector<16xf32>
        %add3A_513 = arith.constant 1.000000e+00 : f32
        %add3A_514 = vector.broadcast %add3A_513 : f32 to vector<16xf32>
        %add3A_515 = arith.addf %add3A_514, %exp3A_512 : vector<16xf32>
        %div3A_516 = arith.divf %add3A_508, %add3A_515 : vector<16xf32>
        %swap3A_517 = arith.index_cast %add3A_501 : i32 to index
        %swap3A_518 = arith.constant 0 : index
        %swap3A_519 = tpu.vector_load %arg11[%swap3A_517, %swap3A_518] {strides = array<i32>} : memref<100x128xf32, #tpu.memory_space<vmem>>, vector<16xf32>,
        tpu.vector_store %arg11[%swap3A_517, %swap3A_518], %div3A_516 {strides = array<i32>} : memref<100x128xf32, #tpu.memory_space<vmem>>, vector<16xf32>,
        %get3A_520 = arith.index_cast %add3A_501 : i32 to index
        %get3A_521 = arith.constant 16 : index
        %get3A_522 = tpu.vector_load %arg11[%get3A_520, %get3A_521] {strides = array<i32>} : memref<100x128xf32, #tpu.memory_space<vmem>>, vector<16xf32>,
        %get3A_523 = arith.index_cast %add3A_501 : i32 to index
        %get3A_524 = arith.constant 16 : index
        %get3A_525 = tpu.vector_load %arg13[%get3A_523, %get3A_524] {strides = array<i32>} : memref<100x128xf32, #tpu.memory_space<vmem>>, vector<16xf32>,
        %add3A_526 = arith.addf %get3A_522, %get3A_525 : vector<16xf32>
        %neg3A_527 = arith.constant 0.000000e+00 : f32
        %neg3A_528 = vector.broadcast %neg3A_527 : f32 to vector<16xf32>
        %neg3A_529 = arith.subf %neg3A_528, %add3A_526 : vector<16xf32>
        %exp3A_530 = math.exp %neg3A_529 : vector<16xf32>
        %add3A_531 = arith.constant 1.000000e+00 : f32
        %add3A_532 = vector.broadcast %add3A_531 : f32 to vector<16xf32>
        %add3A_533 = arith.addf %add3A_532, %exp3A_530 : vector<16xf32>
        %div3A_534 = arith.divf %add3A_526, %add3A_533 : vector<16xf32>
        %swap3A_535 = arith.index_cast %add3A_501 : i32 to index
        %swap3A_536 = arith.constant 16 : index
        %swap3A_537 = tpu.vector_load %arg11[%swap3A_535, %swap3A_536] {strides = array<i32>} : memref<100x128xf32, #tpu.memory_space<vmem>>, vector<16xf32>,
        tpu.vector_store %arg11[%swap3A_535, %swap3A_536], %div3A_534 {strides = array<i32>} : memref<100x128xf32, #tpu.memory_space<vmem>>, vector<16xf32>,
        %get3A_538 = arith.index_cast %add3A_501 : i32 to index
        %get3A_539 = arith.constant 32 : index
        %get3A_540 = tpu.vector_load %arg11[%get3A_538, %get3A_539] {strides = array<i32>} : memref<100x128xf32, #tpu.memory_space<vmem>>, vector<16xf32>,
        %get3A_541 = arith.index_cast %add3A_501 : i32 to index
        %get3A_542 = arith.constant 32 : index
        %get3A_543 = tpu.vector_load %arg13[%get3A_541, %get3A_542] {strides = array<i32>} : memref<100x128xf32, #tpu.memory_space<vmem>>, vector<16xf32>,
        %add3A_544 = arith.addf %get3A_540, %get3A_543 : vector<16xf32>
        %neg3A_545 = arith.constant 0.000000e+00 : f32
        %neg3A_546 = vector.broadcast %neg3A_545 : f32 to vector<16xf32>
        %neg3A_547 = arith.subf %neg3A_546, %add3A_544 : vector<16xf32>
        %exp3A_548 = math.exp %neg3A_547 : vector<16xf32>
        %add3A_549 = arith.constant 1.000000e+00 : f32
        %add3A_550 = vector.broadcast %add3A_549 : f32 to vector<16xf32>
        %add3A_551 = arith.addf %add3A_550, %exp3A_548 : vector<16xf32>
        %div3A_552 = arith.divf %add3A_544, %add3A_551 : vector<16xf32>
        %swap3A_553 = arith.index_cast %add3A_501 : i32 to index
        %swap3A_554 = arith.constant 32 : index
        %swap3A_555 = tpu.vector_load %arg11[%swap3A_553, %swap3A_554] {strides = array<i32>} : memref<100x128xf32, #tpu.memory_space<vmem>>, vector<16xf32>,
        tpu.vector_store %arg11[%swap3A_553, %swap3A_554], %div3A_552 {strides = array<i32>} : memref<100x128xf32, #tpu.memory_space<vmem>>, vector<16xf32>,
        %get3A_556 = arith.index_cast %add3A_501 : i32 to index
        %get3A_557 = arith.constant 48 : index
        %get3A_558 = tpu.vector_load %arg11[%get3A_556, %get3A_557] {strides = array<i32>} : memref<100x128xf32, #tpu.memory_space<vmem>>, vector<16xf32>,
        %get3A_559 = arith.index_cast %add3A_501 : i32 to index
        %get3A_560 = arith.constant 48 : index
        %get3A_561 = tpu.vector_load %arg13[%get3A_559, %get3A_560] {strides = array<i32>} : memref<100x128xf32, #tpu.memory_space<vmem>>, vector<16xf32>,
        %add3A_562 = arith.addf %get3A_558, %get3A_561 : vector<16xf32>
        %neg3A_563 = arith.constant 0.000000e+00 : f32
        %neg3A_564 = vector.broadcast %neg3A_563 : f32 to vector<16xf32>
        %neg3A_565 = arith.subf %neg3A_564, %add3A_562 : vector<16xf32>
        %exp3A_566 = math.exp %neg3A_565 : vector<16xf32>
        %add3A_567 = arith.constant 1.000000e+00 : f32
        %add3A_568 = vector.broadcast %add3A_567 : f32 to vector<16xf32>
        %add3A_569 = arith.addf %add3A_568, %exp3A_566 : vector<16xf32>
        %div3A_570 = arith.divf %add3A_562, %add3A_569 : vector<16xf32>
        %swap3A_571 = arith.index_cast %add3A_501 : i32 to index
        %swap3A_572 = arith.constant 48 : index
        %swap3A_573 = tpu.vector_load %arg11[%swap3A_571, %swap3A_572] {strides = array<i32>} : memref<100x128xf32, #tpu.memory_space<vmem>>, vector<16xf32>,
        tpu.vector_store %arg11[%swap3A_571, %swap3A_572], %div3A_570 {strides = array<i32>} : memref<100x128xf32, #tpu.memory_space<vmem>>, vector<16xf32>,
        %get3A_574 = arith.index_cast %add3A_501 : i32 to index
        %get3A_575 = arith.constant 64 : index
        %get3A_576 = tpu.vector_load %arg11[%get3A_574, %get3A_575] {strides = array<i32>} : memref<100x128xf32, #tpu.memory_space<vmem>>, vector<16xf32>,
        %get3A_577 = arith.index_cast %add3A_501 : i32 to index
        %get3A_578 = arith.constant 64 : index
        %get3A_579 = tpu.vector_load %arg13[%get3A_577, %get3A_578] {strides = array<i32>} : memref<100x128xf32, #tpu.memory_space<vmem>>, vector<16xf32>,
        %add3A_580 = arith.addf %get3A_576, %get3A_579 : vector<16xf32>
        %neg3A_581 = arith.constant 0.000000e+00 : f32
        %neg3A_582 = vector.broadcast %neg3A_581 : f32 to vector<16xf32>
        %neg3A_583 = arith.subf %neg3A_582, %add3A_580 : vector<16xf32>
        %exp3A_584 = math.exp %neg3A_583 : vector<16xf32>
        %add3A_585 = arith.constant 1.000000e+00 : f32
        %add3A_586 = vector.broadcast %add3A_585 : f32 to vector<16xf32>
        %add3A_587 = arith.addf %add3A_586, %exp3A_584 : vector<16xf32>
        %div3A_588 = arith.divf %add3A_580, %add3A_587 : vector<16xf32>
        %swap3A_589 = arith.index_cast %add3A_501 : i32 to index
        %swap3A_590 = arith.constant 64 : index
        %swap3A_591 = tpu.vector_load %arg11[%swap3A_589, %swap3A_590] {strides = array<i32>} : memref<100x128xf32, #tpu.memory_space<vmem>>, vector<16xf32>,
        tpu.vector_store %arg11[%swap3A_589, %swap3A_590], %div3A_588 {strides = array<i32>} : memref<100x128xf32, #tpu.memory_space<vmem>>, vector<16xf32>,
        %get3A_592 = arith.index_cast %add3A_501 : i32 to index
        %get3A_593 = arith.constant 80 : index
        %get3A_594 = tpu.vector_load %arg11[%get3A_592, %get3A_593] {strides = array<i32>} : memref<100x128xf32, #tpu.memory_space<vmem>>, vector<16xf32>,
        %get3A_595 = arith.index_cast %add3A_501 : i32 to index
        %get3A_596 = arith.constant 80 : index
        %get3A_597 = tpu.vector_load %arg13[%get3A_595, %get3A_596] {strides = array<i32>} : memref<100x128xf32, #tpu.memory_space<vmem>>, vector<16xf32>,
        %add3A_598 = arith.addf %get3A_594, %get3A_597 : vector<16xf32>
        %neg3A_599 = arith.constant 0.000000e+00 : f32
        %neg3A_600 = vector.broadcast %neg3A_599 : f32 to vector<16xf32>
        %neg3A_601 = arith.subf %neg3A_600, %add3A_598 : vector<16xf32>
        %exp3A_602 = math.exp %neg3A_601 : vector<16xf32>
        %add3A_603 = arith.constant 1.000000e+00 : f32
        %add3A_604 = vector.broadcast %add3A_603 : f32 to vector<16xf32>
        %add3A_605 = arith.addf %add3A_604, %exp3A_602 : vector<16xf32>
        %div3A_606 = arith.divf %add3A_598, %add3A_605 : vector<16xf32>
        %swap3A_607 = arith.index_cast %add3A_501 : i32 to index
        %swap3A_608 = arith.constant 80 : index
        %swap3A_609 = tpu.vector_load %arg11[%swap3A_607, %swap3A_608] {strides = array<i32>} : memref<100x128xf32, #tpu.memory_space<vmem>>, vector<16xf32>,
        tpu.vector_store %arg11[%swap3A_607, %swap3A_608], %div3A_606 {strides = array<i32>} : memref<100x128xf32, #tpu.memory_space<vmem>>, vector<16xf32>,
        %get3A_610 = arith.index_cast %add3A_501 : i32 to index
        %get3A_611 = arith.constant 96 : index
        %get3A_612 = tpu.vector_load %arg11[%get3A_610, %get3A_611] {strides = array<i32>} : memref<100x128xf32, #tpu.memory_space<vmem>>, vector<16xf32>,
        %get3A_613 = arith.index_cast %add3A_501 : i32 to index
        %get3A_614 = arith.constant 96 : index
        %get3A_615 = tpu.vector_load %arg13[%get3A_613, %get3A_614] {strides = array<i32>} : memref<100x128xf32, #tpu.memory_space<vmem>>, vector<16xf32>,
        %add3A_616 = arith.addf %get3A_612, %get3A_615 : vector<16xf32>
        %neg3A_617 = arith.constant 0.000000e+00 : f32
        %neg3A_618 = vector.broadcast %neg3A_617 : f32 to vector<16xf32>
        %neg3A_619 = arith.subf %neg3A_618, %add3A_616 : vector<16xf32>
        %exp3A_620 = math.exp %neg3A_619 : vector<16xf32>
        %add3A_621 = arith.constant 1.000000e+00 : f32
        %add3A_622 = vector.broadcast %add3A_621 : f32 to vector<16xf32>
        %add3A_623 = arith.addf %add3A_622, %exp3A_620 : vector<16xf32>
        %div3A_624 = arith.divf %add3A_616, %add3A_623 : vector<16xf32>
        %swap3A_625 = arith.index_cast %add3A_501 : i32 to index
        %swap3A_626 = arith.constant 96 : index
        %swap3A_627 = tpu.vector_load %arg11[%swap3A_625, %swap3A_626] {strides = array<i32>} : memref<100x128xf32, #tpu.memory_space<vmem>>, vector<16xf32>,
        tpu.vector_store %arg11[%swap3A_625, %swap3A_626], %div3A_624 {strides = array<i32>} : memref<100x128xf32, #tpu.memory_space<vmem>>, vector<16xf32>,
        %get3A_628 = arith.index_cast %add3A_501 : i32 to index
        %get3A_629 = arith.constant 112 : index
        %get3A_630 = tpu.vector_load %arg11[%get3A_628, %get3A_629] {strides = array<i32>} : memref<100x128xf32, #tpu.memory_space<vmem>>, vector<16xf32>,
        %get3A_631 = arith.index_cast %add3A_501 : i32 to index
        %get3A_632 = arith.constant 112 : index
        %get3A_633 = tpu.vector_load %arg13[%get3A_631, %get3A_632] {strides = array<i32>} : memref<100x128xf32, #tpu.memory_space<vmem>>, vector<16xf32>,
        %add3A_634 = arith.addf %get3A_630, %get3A_633 : vector<16xf32>
        %neg3A_635 = arith.constant 0.000000e+00 : f32
        %neg3A_636 = vector.broadcast %neg3A_635 : f32 to vector<16xf32>
        %neg3A_637 = arith.subf %neg3A_636, %add3A_634 : vector<16xf32>
        %exp3A_638 = math.exp %neg3A_637 : vector<16xf32>
        %add3A_639 = arith.constant 1.000000e+00 : f32
        %add3A_640 = vector.broadcast %add3A_639 : f32 to vector<16xf32>
        %add3A_641 = arith.addf %add3A_640, %exp3A_638 : vector<16xf32>
        %div3A_642 = arith.divf %add3A_634, %add3A_641 : vector<16xf32>
        %swap3A_643 = arith.index_cast %add3A_501 : i32 to index
        %swap3A_644 = arith.constant 112 : index
        %swap3A_645 = tpu.vector_load %arg11[%swap3A_643, %swap3A_644] {strides = array<i32>} : memref<100x128xf32, #tpu.memory_space<vmem>>, vector<16xf32>,
        tpu.vector_store %arg11[%swap3A_643, %swap3A_644], %div3A_642 {strides = array<i32>} : memref<100x128xf32, #tpu.memory_space<vmem>>, vector<16xf32>,
        %mul3A_646 = arith.constant 4 : i32
        %mul3A_647 = arith.muli %mul3A_646, %scan3A_205 : i32
        %add3A_648 = arith.constant 3 : i32
        %add3A_649 = arith.addi %mul3A_647, %add3A_648 : i32
        %get3A_650 = arith.index_cast %add3A_649 : i32 to index
        %get3A_651 = arith.constant 0 : index
        %get3A_652 = tpu.vector_load %arg11[%get3A_650, %get3A_651] {strides = array<i32>} : memref<100x128xf32, #tpu.memory_space<vmem>>, vector<16xf32>,
        %get3A_653 = arith.index_cast %add3A_649 : i32 to index
        %get3A_654 = arith.constant 0 : index
        %get3A_655 = tpu.vector_load %arg13[%get3A_653, %get3A_654] {strides = array<i32>} : memref<100x128xf32, #tpu.memory_space<vmem>>, vector<16xf32>,
        %add3A_656 = arith.addf %get3A_652, %get3A_655 : vector<16xf32>
        %neg3A_657 = arith.constant 0.000000e+00 : f32
        %neg3A_658 = vector.broadcast %neg3A_657 : f32 to vector<16xf32>
        %neg3A_659 = arith.subf %neg3A_658, %add3A_656 : vector<16xf32>
        %exp3A_660 = math.exp %neg3A_659 : vector<16xf32>
        %add3A_661 = arith.constant 1.000000e+00 : f32
        %add3A_662 = vector.broadcast %add3A_661 : f32 to vector<16xf32>
        %add3A_663 = arith.addf %add3A_662, %exp3A_660 : vector<16xf32>
        %div3A_664 = arith.divf %add3A_656, %add3A_663 : vector<16xf32>
        %swap3A_665 = arith.index_cast %add3A_649 : i32 to index
        %swap3A_666 = arith.constant 0 : index
        %swap3A_667 = tpu.vector_load %arg11[%swap3A_665, %swap3A_666] {strides = array<i32>} : memref<100x128xf32, #tpu.memory_space<vmem>>, vector<16xf32>,
        tpu.vector_store %arg11[%swap3A_665, %swap3A_666], %div3A_664 {strides = array<i32>} : memref<100x128xf32, #tpu.memory_space<vmem>>, vector<16xf32>,
        %get3A_668 = arith.index_cast %add3A_649 : i32 to index
        %get3A_669 = arith.constant 16 : index
        %get3A_670 = tpu.vector_load %arg11[%get3A_668, %get3A_669] {strides = array<i32>} : memref<100x128xf32, #tpu.memory_space<vmem>>, vector<16xf32>,
        %get3A_671 = arith.index_cast %add3A_649 : i32 to index
        %get3A_672 = arith.constant 16 : index
        %get3A_673 = tpu.vector_load %arg13[%get3A_671, %get3A_672] {strides = array<i32>} : memref<100x128xf32, #tpu.memory_space<vmem>>, vector<16xf32>,
        %add3A_674 = arith.addf %get3A_670, %get3A_673 : vector<16xf32>
        %neg3A_675 = arith.constant 0.000000e+00 : f32
        %neg3A_676 = vector.broadcast %neg3A_675 : f32 to vector<16xf32>
        %neg3A_677 = arith.subf %neg3A_676, %add3A_674 : vector<16xf32>
        %exp3A_678 = math.exp %neg3A_677 : vector<16xf32>
        %add3A_679 = arith.constant 1.000000e+00 : f32
        %add3A_680 = vector.broadcast %add3A_679 : f32 to vector<16xf32>
        %add3A_681 = arith.addf %add3A_680, %exp3A_678 : vector<16xf32>
        %div3A_682 = arith.divf %add3A_674, %add3A_681 : vector<16xf32>
        %swap3A_683 = arith.index_cast %add3A_649 : i32 to index
        %swap3A_684 = arith.constant 16 : index
        %swap3A_685 = tpu.vector_load %arg11[%swap3A_683, %swap3A_684] {strides = array<i32>} : memref<100x128xf32, #tpu.memory_space<vmem>>, vector<16xf32>,
        tpu.vector_store %arg11[%swap3A_683, %swap3A_684], %div3A_682 {strides = array<i32>} : memref<100x128xf32, #tpu.memory_space<vmem>>, vector<16xf32>,
        %get3A_686 = arith.index_cast %add3A_649 : i32 to index
        %get3A_687 = arith.constant 32 : index
        %get3A_688 = tpu.vector_load %arg11[%get3A_686, %get3A_687] {strides = array<i32>} : memref<100x128xf32, #tpu.memory_space<vmem>>, vector<16xf32>,
        %get3A_689 = arith.index_cast %add3A_649 : i32 to index
        %get3A_690 = arith.constant 32 : index
        %get3A_691 = tpu.vector_load %arg13[%get3A_689, %get3A_690] {strides = array<i32>} : memref<100x128xf32, #tpu.memory_space<vmem>>, vector<16xf32>,
        %add3A_692 = arith.addf %get3A_688, %get3A_691 : vector<16xf32>
        %neg3A_693 = arith.constant 0.000000e+00 : f32
        %neg3A_694 = vector.broadcast %neg3A_693 : f32 to vector<16xf32>
        %neg3A_695 = arith.subf %neg3A_694, %add3A_692 : vector<16xf32>
        %exp3A_696 = math.exp %neg3A_695 : vector<16xf32>
        %add3A_697 = arith.constant 1.000000e+00 : f32
        %add3A_698 = vector.broadcast %add3A_697 : f32 to vector<16xf32>
        %add3A_699 = arith.addf %add3A_698, %exp3A_696 : vector<16xf32>
        %div3A_700 = arith.divf %add3A_692, %add3A_699 : vector<16xf32>
        %swap3A_701 = arith.index_cast %add3A_649 : i32 to index
        %swap3A_702 = arith.constant 32 : index
        %swap3A_703 = tpu.vector_load %arg11[%swap3A_701, %swap3A_702] {strides = array<i32>} : memref<100x128xf32, #tpu.memory_space<vmem>>, vector<16xf32>,
        tpu.vector_store %arg11[%swap3A_701, %swap3A_702], %div3A_700 {strides = array<i32>} : memref<100x128xf32, #tpu.memory_space<vmem>>, vector<16xf32>,
        %get3A_704 = arith.index_cast %add3A_649 : i32 to index
        %get3A_705 = arith.constant 48 : index
        %get3A_706 = tpu.vector_load %arg11[%get3A_704, %get3A_705] {strides = array<i32>} : memref<100x128xf32, #tpu.memory_space<vmem>>, vector<16xf32>,
        %get3A_707 = arith.index_cast %add3A_649 : i32 to index
        %get3A_708 = arith.constant 48 : index
        %get3A_709 = tpu.vector_load %arg13[%get3A_707, %get3A_708] {strides = array<i32>} : memref<100x128xf32, #tpu.memory_space<vmem>>, vector<16xf32>,
        %add3A_710 = arith.addf %get3A_706, %get3A_709 : vector<16xf32>
        %neg3A_711 = arith.constant 0.000000e+00 : f32
        %neg3A_712 = vector.broadcast %neg3A_711 : f32 to vector<16xf32>
        %neg3A_713 = arith.subf %neg3A_712, %add3A_710 : vector<16xf32>
        %exp3A_714 = math.exp %neg3A_713 : vector<16xf32>
        %add3A_715 = arith.constant 1.000000e+00 : f32
        %add3A_716 = vector.broadcast %add3A_715 : f32 to vector<16xf32>
        %add3A_717 = arith.addf %add3A_716, %exp3A_714 : vector<16xf32>
        %div3A_718 = arith.divf %add3A_710, %add3A_717 : vector<16xf32>
        %swap3A_719 = arith.index_cast %add3A_649 : i32 to index
        %swap3A_720 = arith.constant 48 : index
        %swap3A_721 = tpu.vector_load %arg11[%swap3A_719, %swap3A_720] {strides = array<i32>} : memref<100x128xf32, #tpu.memory_space<vmem>>, vector<16xf32>,
        tpu.vector_store %arg11[%swap3A_719, %swap3A_720], %div3A_718 {strides = array<i32>} : memref<100x128xf32, #tpu.memory_space<vmem>>, vector<16xf32>,
        %get3A_722 = arith.index_cast %add3A_649 : i32 to index
        %get3A_723 = arith.constant 64 : index
        %get3A_724 = tpu.vector_load %arg11[%get3A_722, %get3A_723] {strides = array<i32>} : memref<100x128xf32, #tpu.memory_space<vmem>>, vector<16xf32>,
        %get3A_725 = arith.index_cast %add3A_649 : i32 to index
        %get3A_726 = arith.constant 64 : index
        %get3A_727 = tpu.vector_load %arg13[%get3A_725, %get3A_726] {strides = array<i32>} : memref<100x128xf32, #tpu.memory_space<vmem>>, vector<16xf32>,
        %add3A_728 = arith.addf %get3A_724, %get3A_727 : vector<16xf32>
        %neg3A_729 = arith.constant 0.000000e+00 : f32
        %neg3A_730 = vector.broadcast %neg3A_729 : f32 to vector<16xf32>
        %neg3A_731 = arith.subf %neg3A_730, %add3A_728 : vector<16xf32>
        %exp3A_732 = math.exp %neg3A_731 : vector<16xf32>
        %add3A_733 = arith.constant 1.000000e+00 : f32
        %add3A_734 = vector.broadcast %add3A_733 : f32 to vector<16xf32>
        %add3A_735 = arith.addf %add3A_734, %exp3A_732 : vector<16xf32>
        %div3A_736 = arith.divf %add3A_728, %add3A_735 : vector<16xf32>
        %swap3A_737 = arith.index_cast %add3A_649 : i32 to index
        %swap3A_738 = arith.constant 64 : index
        %swap3A_739 = tpu.vector_load %arg11[%swap3A_737, %swap3A_738] {strides = array<i32>} : memref<100x128xf32, #tpu.memory_space<vmem>>, vector<16xf32>,
        tpu.vector_store %arg11[%swap3A_737, %swap3A_738], %div3A_736 {strides = array<i32>} : memref<100x128xf32, #tpu.memory_space<vmem>>, vector<16xf32>,
        %get3A_740 = arith.index_cast %add3A_649 : i32 to index
        %get3A_741 = arith.constant 80 : index
        %get3A_742 = tpu.vector_load %arg11[%get3A_740, %get3A_741] {strides = array<i32>} : memref<100x128xf32, #tpu.memory_space<vmem>>, vector<16xf32>,
        %get3A_743 = arith.index_cast %add3A_649 : i32 to index
        %get3A_744 = arith.constant 80 : index
        %get3A_745 = tpu.vector_load %arg13[%get3A_743, %get3A_744] {strides = array<i32>} : memref<100x128xf32, #tpu.memory_space<vmem>>, vector<16xf32>,
        %add3A_746 = arith.addf %get3A_742, %get3A_745 : vector<16xf32>
        %neg3A_747 = arith.constant 0.000000e+00 : f32
        %neg3A_748 = vector.broadcast %neg3A_747 : f32 to vector<16xf32>
        %neg3A_749 = arith.subf %neg3A_748, %add3A_746 : vector<16xf32>
        %exp3A_750 = math.exp %neg3A_749 : vector<16xf32>
        %add3A_751 = arith.constant 1.000000e+00 : f32
        %add3A_752 = vector.broadcast %add3A_751 : f32 to vector<16xf32>
        %add3A_753 = arith.addf %add3A_752, %exp3A_750 : vector<16xf32>
        %div3A_754 = arith.divf %add3A_746, %add3A_753 : vector<16xf32>
        %swap3A_755 = arith.index_cast %add3A_649 : i32 to index
        %swap3A_756 = arith.constant 80 : index
        %swap3A_757 = tpu.vector_load %arg11[%swap3A_755, %swap3A_756] {strides = array<i32>} : memref<100x128xf32, #tpu.memory_space<vmem>>, vector<16xf32>,
        tpu.vector_store %arg11[%swap3A_755, %swap3A_756], %div3A_754 {strides = array<i32>} : memref<100x128xf32, #tpu.memory_space<vmem>>, vector<16xf32>,
        %get3A_758 = arith.index_cast %add3A_649 : i32 to index
        %get3A_759 = arith.constant 96 : index
        %get3A_760 = tpu.vector_load %arg11[%get3A_758, %get3A_759] {strides = array<i32>} : memref<100x128xf32, #tpu.memory_space<vmem>>, vector<16xf32>,
        %get3A_761 = arith.index_cast %add3A_649 : i32 to index
        %get3A_762 = arith.constant 96 : index
        %get3A_763 = tpu.vector_load %arg13[%get3A_761, %get3A_762] {strides = array<i32>} : memref<100x128xf32, #tpu.memory_space<vmem>>, vector<16xf32>,
        %add3A_764 = arith.addf %get3A_760, %get3A_763 : vector<16xf32>
        %neg3A_765 = arith.constant 0.000000e+00 : f32
        %neg3A_766 = vector.broadcast %neg3A_765 : f32 to vector<16xf32>
        %neg3A_767 = arith.subf %neg3A_766, %add3A_764 : vector<16xf32>
        %exp3A_768 = math.exp %neg3A_767 : vector<16xf32>
        %add3A_769 = arith.constant 1.000000e+00 : f32
        %add3A_770 = vector.broadcast %add3A_769 : f32 to vector<16xf32>
        %add3A_771 = arith.addf %add3A_770, %exp3A_768 : vector<16xf32>
        %div3A_772 = arith.divf %add3A_764, %add3A_771 : vector<16xf32>
        %swap3A_773 = arith.index_cast %add3A_649 : i32 to index
        %swap3A_774 = arith.constant 96 : index
        %swap3A_775 = tpu.vector_load %arg11[%swap3A_773, %swap3A_774] {strides = array<i32>} : memref<100x128xf32, #tpu.memory_space<vmem>>, vector<16xf32>,
        tpu.vector_store %arg11[%swap3A_773, %swap3A_774], %div3A_772 {strides = array<i32>} : memref<100x128xf32, #tpu.memory_space<vmem>>, vector<16xf32>,
        %get3A_776 = arith.index_cast %add3A_649 : i32 to index
        %get3A_777 = arith.constant 112 : index
        %get3A_778 = tpu.vector_load %arg11[%get3A_776, %get3A_777] {strides = array<i32>} : memref<100x128xf32, #tpu.memory_space<vmem>>, vector<16xf32>,
        %get3A_779 = arith.index_cast %add3A_649 : i32 to index
        %get3A_780 = arith.constant 112 : index
        %get3A_781 = tpu.vector_load %arg13[%get3A_779, %get3A_780] {strides = array<i32>} : memref<100x128xf32, #tpu.memory_space<vmem>>, vector<16xf32>,
        %add3A_782 = arith.addf %get3A_778, %get3A_781 : vector<16xf32>
        %neg3A_783 = arith.constant 0.000000e+00 : f32
        %neg3A_784 = vector.broadcast %neg3A_783 : f32 to vector<16xf32>
        %neg3A_785 = arith.subf %neg3A_784, %add3A_782 : vector<16xf32>
        %exp3A_786 = math.exp %neg3A_785 : vector<16xf32>
        %add3A_787 = arith.constant 1.000000e+00 : f32
        %add3A_788 = vector.broadcast %add3A_787 : f32 to vector<16xf32>
        %add3A_789 = arith.addf %add3A_788, %exp3A_786 : vector<16xf32>
        %div3A_790 = arith.divf %add3A_782, %add3A_789 : vector<16xf32>
        %swap3A_791 = arith.index_cast %add3A_649 : i32 to index
        %swap3A_792 = arith.constant 112 : index
        %swap3A_793 = tpu.vector_load %arg11[%swap3A_791, %swap3A_792] {strides = array<i32>} : memref<100x128xf32, #tpu.memory_space<vmem>>, vector<16xf32>,
        tpu.vector_store %arg11[%swap3A_791, %swap3A_792], %div3A_790 {strides = array<i32>} : memref<100x128xf32, #tpu.memory_space<vmem>>, vector<16xf32>,
      }
      %scan3A_157 = arith.constant 25 : i32
      %dma_start3A_158 = arith.constant 0 : i32
      %dma_start3A_159 = arith.constant 256 : i32
      %dma_start3A_160 = tpu.memref_slice %arg9[%dma_start3A_158, %dma_start3A_159] : memref<1x384xi32, #tpu.memory_space<vmem>> -> memref<1x100xi32, #tpu.memory_space<vmem>>
      %dma_start3A_161 = tpu.memref_squeeze %dma_start3A_160 : memref<1x100xi32, #tpu.memory_space<vmem>> -> memref<100xi32, #tpu.memory_space<vmem>>
      %dma_start3A_162 = arith.constant 0 : i32
      %dma_start3A_163 = arith.constant 0 : i32
      %dma_start3A_164 = tpu.memref_slice %arg2[%dma_start3A_162, %dma_start3A_163] : memref<40000x128xf32, #tpu.memory_space<hbm>> -> memref<40000x128xf32, #tpu.memory_space<hbm>>
      tpu.enqueue_indirect_dma source(%dma_start3A_164 : memref<40000x128xf32, #tpu.memory_space<hbm>>) target(%arg13 : memref<100x128xf32, #tpu.memory_space<vmem>>) offsets(%dma_start3A_161 : memref<100xi32, #tpu.memory_space<vmem>>) semaphore(%arg18 : memref<!tpu.dma_semaphore, #tpu.memory_space<semaphore_mem>>)
      %dma_start3A_165 = arith.constant 0 : i32
      %dma_start3A_166 = arith.constant 0 : i32
      %dma_start3A_167 = tpu.memref_slice %arg8[%dma_start3A_165, %dma_start3A_166] : memref<1x384xi32, #tpu.memory_space<vmem>> -> memref<1x100xi32, #tpu.memory_space<vmem>>
      %dma_start3A_168 = tpu.memref_squeeze %dma_start3A_167 : memref<1x100xi32, #tpu.memory_space<vmem>> -> memref<100xi32, #tpu.memory_space<vmem>>
      %dma_start3A_169 = arith.constant 0 : i32
      %dma_start3A_170 = arith.constant 0 : i32
      %dma_start3A_171 = tpu.memref_slice %arg15[%dma_start3A_169, %dma_start3A_170] : memref<10080x128xf32, #tpu.memory_space<vmem_shared>> -> memref<10080x128xf32, #tpu.memory_space<vmem_shared>>
      tpu.enqueue_indirect_dma source(%arg11 : memref<100x128xf32, #tpu.memory_space<vmem>>) target(%dma_start3A_171 : memref<10080x128xf32, #tpu.memory_space<vmem_shared>>) offsets(%dma_start3A_168 : memref<100xi32, #tpu.memory_space<vmem>>) semaphore(%arg19 : memref<!tpu.dma_semaphore, #tpu.memory_space<semaphore_mem>>) {add = true}
      %mul3A_172 = arith.constant 2 : i32
      %mul3A_173 = arith.muli %mul3A_172, %scan3A_134 : i32
      %add3A_174 = arith.constant 1 : i32
      %add3A_175 = arith.addi %mul3A_173, %add3A_174 : i32
      tpu.wait_dma2 semaphore(%arg19 : memref<!tpu.dma_semaphore, #tpu.memory_space<semaphore_mem>>) src(%arg5 : memref<100x128xf32, #tpu.memory_space<hbm>>) dst(%arg11 : memref<100x128xf32, #tpu.memory_space<vmem>>)
      %add3A_176 = arith.constant 1 : i32
      %add3A_177 = arith.addi %add3A_175, %add3A_176 : i32
      "tpu.region"() ({
        %run_scoped3A_205 = tpu.sem_alloc : memref<!tpu.dma_semaphore, #tpu.memory_space<semaphore_mem>>
        %dma_start3A_206 = arith.constant 0 : i32
        %dma_start3A_207 = arith.constant 0 : i32
        %dma_start3A_208 = tpu.memref_slice %arg3[%arg0, %arg1, %add3A_177, %dma_start3A_206, %dma_start3A_207] : memref<2x16x100x1x384xi32, #tpu.memory_space<hbm>> -> memref<1x1x1x1x384xi32, #tpu.memory_space<hbm>>
        %dma_start3A_209 = tpu.memref_squeeze %dma_start3A_208 : memref<1x1x1x1x384xi32, #tpu.memory_space<hbm>> -> memref<1x384xi32, #tpu.memory_space<hbm>>
        %dma_start3A_210 = arith.constant 0 : i32
        %dma_start3A_211 = arith.constant 0 : i32
        %dma_start3A_212 = tpu.memref_slice %arg3[%arg0, %arg1, %add3A_177, %dma_start3A_210, %dma_start3A_211] : memref<2x16x100x1x384xi32, #tpu.memory_space<hbm>> -> memref<1x1x1x1x384xi32, #tpu.memory_space<hbm>>
        %dma_start3A_213 = tpu.memref_squeeze %dma_start3A_212 : memref<1x1x1x1x384xi32, #tpu.memory_space<hbm>> -> memref<1x384xi32, #tpu.memory_space<hbm>>
        tpu.enqueue_dma source(%dma_start3A_213 : memref<1x384xi32, #tpu.memory_space<hbm>>) target(%arg8 : memref<1x384xi32, #tpu.memory_space<vmem>>) target_semaphore(%run_scoped3A_205 : memref<!tpu.dma_semaphore, #tpu.memory_space<semaphore_mem>>)
        %dma_wait3A = arith.constant 0 : i32
        %dma_wait3A_214 = arith.constant 0 : i32
        %dma_wait3A_215 = tpu.memref_slice %arg3[%arg0, %arg1, %add3A_177, %dma_wait3A, %dma_wait3A_214] : memref<2x16x100x1x384xi32, #tpu.memory_space<hbm>> -> memref<1x1x1x1x384xi32, #tpu.memory_space<hbm>>
        %dma_wait3A_216 = tpu.memref_squeeze %dma_wait3A_215 : memref<1x1x1x1x384xi32, #tpu.memory_space<hbm>> -> memref<1x384xi32, #tpu.memory_space<hbm>>
        %dma_wait3A_217 = arith.constant 0 : i32
        %dma_wait3A_218 = arith.constant 0 : i32
        %dma_wait3A_219 = tpu.memref_slice %arg3[%arg0, %arg1, %add3A_177, %dma_wait3A_217, %dma_wait3A_218] : memref<2x16x100x1x384xi32, #tpu.memory_space<hbm>> -> memref<1x1x1x1x384xi32, #tpu.memory_space<hbm>>
        %dma_wait3A_220 = tpu.memref_squeeze %dma_wait3A_219 : memref<1x1x1x1x384xi32, #tpu.memory_space<hbm>> -> memref<1x384xi32, #tpu.memory_space<hbm>>
        tpu.wait_dma2 semaphore(%run_scoped3A_205 : memref<!tpu.dma_semaphore, #tpu.memory_space<semaphore_mem>>) src(%dma_wait3A_220 : memref<1x384xi32, #tpu.memory_space<hbm>>) dst(%arg8 : memref<1x384xi32, #tpu.memory_space<vmem>>)
        tpu.yield
      }) : () -> ()
      %dma_start3A_178 = arith.constant 0 : i32
      %dma_start3A_179 = arith.constant 128 : i32
      %dma_start3A_180 = tpu.memref_slice %arg8[%dma_start3A_178, %dma_start3A_179] : memref<1x384xi32, #tpu.memory_space<vmem>> -> memref<1x100xi32, #tpu.memory_space<vmem>>
      %dma_start3A_181 = tpu.memref_squeeze %dma_start3A_180 : memref<1x100xi32, #tpu.memory_space<vmem>> -> memref<100xi32, #tpu.memory_space<vmem>>
      %dma_start3A_182 = arith.constant 0 : i32
      %dma_start3A_183 = arith.constant 0 : i32
      %dma_start3A_184 = tpu.memref_slice %arg2[%dma_start3A_182, %dma_start3A_183] : memref<40000x128xf32, #tpu.memory_space<hbm>> -> memref<40000x128xf32, #tpu.memory_space<hbm>>
      tpu.enqueue_indirect_dma source(%dma_start3A_184 : memref<40000x128xf32, #tpu.memory_space<hbm>>) target(%arg11 : memref<100x128xf32, #tpu.memory_space<vmem>>) offsets(%dma_start3A_181 : memref<100xi32, #tpu.memory_space<vmem>>) semaphore(%arg16 : memref<!tpu.dma_semaphore, #tpu.memory_space<semaphore_mem>>)
      tpu.wait_dma2 semaphore(%arg17 : memref<!tpu.dma_semaphore, #tpu.memory_space<semaphore_mem>>) src(%arg5 : memref<100x128xf32, #tpu.memory_space<hbm>>) dst(%arg12 : memref<100x128xf32, #tpu.memory_space<vmem>>)
      tpu.wait_dma2 semaphore(%arg18 : memref<!tpu.dma_semaphore, #tpu.memory_space<semaphore_mem>>) src(%arg5 : memref<100x128xf32, #tpu.memory_space<hbm>>) dst(%arg13 : memref<100x128xf32, #tpu.memory_space<vmem>>)
      %scan3A_185 = arith.constant 0 : i32
      %scan3A_186 = arith.constant 0 : i32
      %scan3A_187 = arith.constant 25 : i32
      %scan3A_188 = arith.addi %scan3A_186, %scan3A_187 : i32
      %scan3A_189 = arith.constant 1 : i32
      scf.for %scan3A_205 = %scan3A_186 to %scan3A_188 step %scan3A_189  : i32 {
        %mul3A_206 = arith.constant 4 : i32
        %mul3A_207 = arith.muli %mul3A_206, %scan3A_205 : i32
        %add3A_208 = arith.constant 0 : i32
        %add3A_209 = arith.addi %mul3A_207, %add3A_208 : i32
        %get3A = arith.index_cast %add3A_209 : i32 to index
        %get3A_210 = arith.constant 0 : index
        %get3A_211 = tpu.vector_load %arg12[%get3A, %get3A_210] {strides = array<i32>} : memref<100x128xf32, #tpu.memory_space<vmem>>, vector<16xf32>,
        %get3A_212 = arith.index_cast %add3A_209 : i32 to index
        %get3A_213 = arith.constant 0 : index
        %get3A_214 = tpu.vector_load %arg13[%get3A_212, %get3A_213] {strides = array<i32>} : memref<100x128xf32, #tpu.memory_space<vmem>>, vector<16xf32>,
        %add3A_215 = arith.addf %get3A_211, %get3A_214 : vector<16xf32>
        %neg3A = arith.constant 0.000000e+00 : f32
        %neg3A_216 = vector.broadcast %neg3A : f32 to vector<16xf32>
        %neg3A_217 = arith.subf %neg3A_216, %add3A_215 : vector<16xf32>
        %exp3A = math.exp %neg3A_217 : vector<16xf32>
        %add3A_218 = arith.constant 1.000000e+00 : f32
        %add3A_219 = vector.broadcast %add3A_218 : f32 to vector<16xf32>
        %add3A_220 = arith.addf %add3A_219, %exp3A : vector<16xf32>
        %div3A = arith.divf %add3A_215, %add3A_220 : vector<16xf32>
        %swap3A_221 = arith.index_cast %add3A_209 : i32 to index
        %swap3A_222 = arith.constant 0 : index
        %swap3A_223 = tpu.vector_load %arg12[%swap3A_221, %swap3A_222] {strides = array<i32>} : memref<100x128xf32, #tpu.memory_space<vmem>>, vector<16xf32>,
        tpu.vector_store %arg12[%swap3A_221, %swap3A_222], %div3A {strides = array<i32>} : memref<100x128xf32, #tpu.memory_space<vmem>>, vector<16xf32>,
        %get3A_224 = arith.index_cast %add3A_209 : i32 to index
        %get3A_225 = arith.constant 16 : index
        %get3A_226 = tpu.vector_load %arg12[%get3A_224, %get3A_225] {strides = array<i32>} : memref<100x128xf32, #tpu.memory_space<vmem>>, vector<16xf32>,
        %get3A_227 = arith.index_cast %add3A_209 : i32 to index
        %get3A_228 = arith.constant 16 : index
        %get3A_229 = tpu.vector_load %arg13[%get3A_227, %get3A_228] {strides = array<i32>} : memref<100x128xf32, #tpu.memory_space<vmem>>, vector<16xf32>,
        %add3A_230 = arith.addf %get3A_226, %get3A_229 : vector<16xf32>
        %neg3A_231 = arith.constant 0.000000e+00 : f32
        %neg3A_232 = vector.broadcast %neg3A_231 : f32 to vector<16xf32>
        %neg3A_233 = arith.subf %neg3A_232, %add3A_230 : vector<16xf32>
        %exp3A_234 = math.exp %neg3A_233 : vector<16xf32>
        %add3A_235 = arith.constant 1.000000e+00 : f32
        %add3A_236 = vector.broadcast %add3A_235 : f32 to vector<16xf32>
        %add3A_237 = arith.addf %add3A_236, %exp3A_234 : vector<16xf32>
        %div3A_238 = arith.divf %add3A_230, %add3A_237 : vector<16xf32>
        %swap3A_239 = arith.index_cast %add3A_209 : i32 to index
        %swap3A_240 = arith.constant 16 : index
        %swap3A_241 = tpu.vector_load %arg12[%swap3A_239, %swap3A_240] {strides = array<i32>} : memref<100x128xf32, #tpu.memory_space<vmem>>, vector<16xf32>,
        tpu.vector_store %arg12[%swap3A_239, %swap3A_240], %div3A_238 {strides = array<i32>} : memref<100x128xf32, #tpu.memory_space<vmem>>, vector<16xf32>,
        %get3A_242 = arith.index_cast %add3A_209 : i32 to index
        %get3A_243 = arith.constant 32 : index
        %get3A_244 = tpu.vector_load %arg12[%get3A_242, %get3A_243] {strides = array<i32>} : memref<100x128xf32, #tpu.memory_space<vmem>>, vector<16xf32>,
        %get3A_245 = arith.index_cast %add3A_209 : i32 to index
        %get3A_246 = arith.constant 32 : index
        %get3A_247 = tpu.vector_load %arg13[%get3A_245, %get3A_246] {strides = array<i32>} : memref<100x128xf32, #tpu.memory_space<vmem>>, vector<16xf32>,
        %add3A_248 = arith.addf %get3A_244, %get3A_247 : vector<16xf32>
        %neg3A_249 = arith.constant 0.000000e+00 : f32
        %neg3A_250 = vector.broadcast %neg3A_249 : f32 to vector<16xf32>
        %neg3A_251 = arith.subf %neg3A_250, %add3A_248 : vector<16xf32>
        %exp3A_252 = math.exp %neg3A_251 : vector<16xf32>
        %add3A_253 = arith.constant 1.000000e+00 : f32
        %add3A_254 = vector.broadcast %add3A_253 : f32 to vector<16xf32>
        %add3A_255 = arith.addf %add3A_254, %exp3A_252 : vector<16xf32>
        %div3A_256 = arith.divf %add3A_248, %add3A_255 : vector<16xf32>
        %swap3A_257 = arith.index_cast %add3A_209 : i32 to index
        %swap3A_258 = arith.constant 32 : index
        %swap3A_259 = tpu.vector_load %arg12[%swap3A_257, %swap3A_258] {strides = array<i32>} : memref<100x128xf32, #tpu.memory_space<vmem>>, vector<16xf32>,
        tpu.vector_store %arg12[%swap3A_257, %swap3A_258], %div3A_256 {strides = array<i32>} : memref<100x128xf32, #tpu.memory_space<vmem>>, vector<16xf32>,
        %get3A_260 = arith.index_cast %add3A_209 : i32 to index
        %get3A_261 = arith.constant 48 : index
        %get3A_262 = tpu.vector_load %arg12[%get3A_260, %get3A_261] {strides = array<i32>} : memref<100x128xf32, #tpu.memory_space<vmem>>, vector<16xf32>,
        %get3A_263 = arith.index_cast %add3A_209 : i32 to index
        %get3A_264 = arith.constant 48 : index
        %get3A_265 = tpu.vector_load %arg13[%get3A_263, %get3A_264] {strides = array<i32>} : memref<100x128xf32, #tpu.memory_space<vmem>>, vector<16xf32>,
        %add3A_266 = arith.addf %get3A_262, %get3A_265 : vector<16xf32>
        %neg3A_267 = arith.constant 0.000000e+00 : f32
        %neg3A_268 = vector.broadcast %neg3A_267 : f32 to vector<16xf32>
        %neg3A_269 = arith.subf %neg3A_268, %add3A_266 : vector<16xf32>
        %exp3A_270 = math.exp %neg3A_269 : vector<16xf32>
        %add3A_271 = arith.constant 1.000000e+00 : f32
        %add3A_272 = vector.broadcast %add3A_271 : f32 to vector<16xf32>
        %add3A_273 = arith.addf %add3A_272, %exp3A_270 : vector<16xf32>
        %div3A_274 = arith.divf %add3A_266, %add3A_273 : vector<16xf32>
        %swap3A_275 = arith.index_cast %add3A_209 : i32 to index
        %swap3A_276 = arith.constant 48 : index
        %swap3A_277 = tpu.vector_load %arg12[%swap3A_275, %swap3A_276] {strides = array<i32>} : memref<100x128xf32, #tpu.memory_space<vmem>>, vector<16xf32>,
        tpu.vector_store %arg12[%swap3A_275, %swap3A_276], %div3A_274 {strides = array<i32>} : memref<100x128xf32, #tpu.memory_space<vmem>>, vector<16xf32>,
        %get3A_278 = arith.index_cast %add3A_209 : i32 to index
        %get3A_279 = arith.constant 64 : index
        %get3A_280 = tpu.vector_load %arg12[%get3A_278, %get3A_279] {strides = array<i32>} : memref<100x128xf32, #tpu.memory_space<vmem>>, vector<16xf32>,
        %get3A_281 = arith.index_cast %add3A_209 : i32 to index
        %get3A_282 = arith.constant 64 : index
        %get3A_283 = tpu.vector_load %arg13[%get3A_281, %get3A_282] {strides = array<i32>} : memref<100x128xf32, #tpu.memory_space<vmem>>, vector<16xf32>,
        %add3A_284 = arith.addf %get3A_280, %get3A_283 : vector<16xf32>
        %neg3A_285 = arith.constant 0.000000e+00 : f32
        %neg3A_286 = vector.broadcast %neg3A_285 : f32 to vector<16xf32>
        %neg3A_287 = arith.subf %neg3A_286, %add3A_284 : vector<16xf32>
        %exp3A_288 = math.exp %neg3A_287 : vector<16xf32>
        %add3A_289 = arith.constant 1.000000e+00 : f32
        %add3A_290 = vector.broadcast %add3A_289 : f32 to vector<16xf32>
        %add3A_291 = arith.addf %add3A_290, %exp3A_288 : vector<16xf32>
        %div3A_292 = arith.divf %add3A_284, %add3A_291 : vector<16xf32>
        %swap3A_293 = arith.index_cast %add3A_209 : i32 to index
        %swap3A_294 = arith.constant 64 : index
        %swap3A_295 = tpu.vector_load %arg12[%swap3A_293, %swap3A_294] {strides = array<i32>} : memref<100x128xf32, #tpu.memory_space<vmem>>, vector<16xf32>,
        tpu.vector_store %arg12[%swap3A_293, %swap3A_294], %div3A_292 {strides = array<i32>} : memref<100x128xf32, #tpu.memory_space<vmem>>, vector<16xf32>,
        %get3A_296 = arith.index_cast %add3A_209 : i32 to index
        %get3A_297 = arith.constant 80 : index
        %get3A_298 = tpu.vector_load %arg12[%get3A_296, %get3A_297] {strides = array<i32>} : memref<100x128xf32, #tpu.memory_space<vmem>>, vector<16xf32>,
        %get3A_299 = arith.index_cast %add3A_209 : i32 to index
        %get3A_300 = arith.constant 80 : index
        %get3A_301 = tpu.vector_load %arg13[%get3A_299, %get3A_300] {strides = array<i32>} : memref<100x128xf32, #tpu.memory_space<vmem>>, vector<16xf32>,
        %add3A_302 = arith.addf %get3A_298, %get3A_301 : vector<16xf32>
        %neg3A_303 = arith.constant 0.000000e+00 : f32
        %neg3A_304 = vector.broadcast %neg3A_303 : f32 to vector<16xf32>
        %neg3A_305 = arith.subf %neg3A_304, %add3A_302 : vector<16xf32>
        %exp3A_306 = math.exp %neg3A_305 : vector<16xf32>
        %add3A_307 = arith.constant 1.000000e+00 : f32
        %add3A_308 = vector.broadcast %add3A_307 : f32 to vector<16xf32>
        %add3A_309 = arith.addf %add3A_308, %exp3A_306 : vector<16xf32>
        %div3A_310 = arith.divf %add3A_302, %add3A_309 : vector<16xf32>
        %swap3A_311 = arith.index_cast %add3A_209 : i32 to index
        %swap3A_312 = arith.constant 80 : index
        %swap3A_313 = tpu.vector_load %arg12[%swap3A_311, %swap3A_312] {strides = array<i32>} : memref<100x128xf32, #tpu.memory_space<vmem>>, vector<16xf32>,
        tpu.vector_store %arg12[%swap3A_311, %swap3A_312], %div3A_310 {strides = array<i32>} : memref<100x128xf32, #tpu.memory_space<vmem>>, vector<16xf32>,
        %get3A_314 = arith.index_cast %add3A_209 : i32 to index
        %get3A_315 = arith.constant 96 : index
        %get3A_316 = tpu.vector_load %arg12[%get3A_314, %get3A_315] {strides = array<i32>} : memref<100x128xf32, #tpu.memory_space<vmem>>, vector<16xf32>,
        %get3A_317 = arith.index_cast %add3A_209 : i32 to index
        %get3A_318 = arith.constant 96 : index
        %get3A_319 = tpu.vector_load %arg13[%get3A_317, %get3A_318] {strides = array<i32>} : memref<100x128xf32, #tpu.memory_space<vmem>>, vector<16xf32>,
        %add3A_320 = arith.addf %get3A_316, %get3A_319 : vector<16xf32>
        %neg3A_321 = arith.constant 0.000000e+00 : f32
        %neg3A_322 = vector.broadcast %neg3A_321 : f32 to vector<16xf32>
        %neg3A_323 = arith.subf %neg3A_322, %add3A_320 : vector<16xf32>
        %exp3A_324 = math.exp %neg3A_323 : vector<16xf32>
        %add3A_325 = arith.constant 1.000000e+00 : f32
        %add3A_326 = vector.broadcast %add3A_325 : f32 to vector<16xf32>
        %add3A_327 = arith.addf %add3A_326, %exp3A_324 : vector<16xf32>
        %div3A_328 = arith.divf %add3A_320, %add3A_327 : vector<16xf32>
        %swap3A_329 = arith.index_cast %add3A_209 : i32 to index
        %swap3A_330 = arith.constant 96 : index
        %swap3A_331 = tpu.vector_load %arg12[%swap3A_329, %swap3A_330] {strides = array<i32>} : memref<100x128xf32, #tpu.memory_space<vmem>>, vector<16xf32>,
        tpu.vector_store %arg12[%swap3A_329, %swap3A_330], %div3A_328 {strides = array<i32>} : memref<100x128xf32, #tpu.memory_space<vmem>>, vector<16xf32>,
        %get3A_332 = arith.index_cast %add3A_209 : i32 to index
        %get3A_333 = arith.constant 112 : index
        %get3A_334 = tpu.vector_load %arg12[%get3A_332, %get3A_333] {strides = array<i32>} : memref<100x128xf32, #tpu.memory_space<vmem>>, vector<16xf32>,
        %get3A_335 = arith.index_cast %add3A_209 : i32 to index
        %get3A_336 = arith.constant 112 : index
        %get3A_337 = tpu.vector_load %arg13[%get3A_335, %get3A_336] {strides = array<i32>} : memref<100x128xf32, #tpu.memory_space<vmem>>, vector<16xf32>,
        %add3A_338 = arith.addf %get3A_334, %get3A_337 : vector<16xf32>
        %neg3A_339 = arith.constant 0.000000e+00 : f32
        %neg3A_340 = vector.broadcast %neg3A_339 : f32 to vector<16xf32>
        %neg3A_341 = arith.subf %neg3A_340, %add3A_338 : vector<16xf32>
        %exp3A_342 = math.exp %neg3A_341 : vector<16xf32>
        %add3A_343 = arith.constant 1.000000e+00 : f32
        %add3A_344 = vector.broadcast %add3A_343 : f32 to vector<16xf32>
        %add3A_345 = arith.addf %add3A_344, %exp3A_342 : vector<16xf32>
        %div3A_346 = arith.divf %add3A_338, %add3A_345 : vector<16xf32>
        %swap3A_347 = arith.index_cast %add3A_209 : i32 to index
        %swap3A_348 = arith.constant 112 : index
        %swap3A_349 = tpu.vector_load %arg12[%swap3A_347, %swap3A_348] {strides = array<i32>} : memref<100x128xf32, #tpu.memory_space<vmem>>, vector<16xf32>,
        tpu.vector_store %arg12[%swap3A_347, %swap3A_348], %div3A_346 {strides = array<i32>} : memref<100x128xf32, #tpu.memory_space<vmem>>, vector<16xf32>,
        %mul3A_350 = arith.constant 4 : i32
        %mul3A_351 = arith.muli %mul3A_350, %scan3A_205 : i32
        %add3A_352 = arith.constant 1 : i32
        %add3A_353 = arith.addi %mul3A_351, %add3A_352 : i32
        %get3A_354 = arith.index_cast %add3A_353 : i32 to index
        %get3A_355 = arith.constant 0 : index
        %get3A_356 = tpu.vector_load %arg12[%get3A_354, %get3A_355] {strides = array<i32>} : memref<100x128xf32, #tpu.memory_space<vmem>>, vector<16xf32>,
        %get3A_357 = arith.index_cast %add3A_353 : i32 to index
        %get3A_358 = arith.constant 0 : index
        %get3A_359 = tpu.vector_load %arg13[%get3A_357, %get3A_358] {strides = array<i32>} : memref<100x128xf32, #tpu.memory_space<vmem>>, vector<16xf32>,
        %add3A_360 = arith.addf %get3A_356, %get3A_359 : vector<16xf32>
        %neg3A_361 = arith.constant 0.000000e+00 : f32
        %neg3A_362 = vector.broadcast %neg3A_361 : f32 to vector<16xf32>
        %neg3A_363 = arith.subf %neg3A_362, %add3A_360 : vector<16xf32>
        %exp3A_364 = math.exp %neg3A_363 : vector<16xf32>
        %add3A_365 = arith.constant 1.000000e+00 : f32
        %add3A_366 = vector.broadcast %add3A_365 : f32 to vector<16xf32>
        %add3A_367 = arith.addf %add3A_366, %exp3A_364 : vector<16xf32>
        %div3A_368 = arith.divf %add3A_360, %add3A_367 : vector<16xf32>
        %swap3A_369 = arith.index_cast %add3A_353 : i32 to index
        %swap3A_370 = arith.constant 0 : index
        %swap3A_371 = tpu.vector_load %arg12[%swap3A_369, %swap3A_370] {strides = array<i32>} : memref<100x128xf32, #tpu.memory_space<vmem>>, vector<16xf32>,
        tpu.vector_store %arg12[%swap3A_369, %swap3A_370], %div3A_368 {strides = array<i32>} : memref<100x128xf32, #tpu.memory_space<vmem>>, vector<16xf32>,
        %get3A_372 = arith.index_cast %add3A_353 : i32 to index
        %get3A_373 = arith.constant 16 : index
        %get3A_374 = tpu.vector_load %arg12[%get3A_372, %get3A_373] {strides = array<i32>} : memref<100x128xf32, #tpu.memory_space<vmem>>, vector<16xf32>,
        %get3A_375 = arith.index_cast %add3A_353 : i32 to index
        %get3A_376 = arith.constant 16 : index
        %get3A_377 = tpu.vector_load %arg13[%get3A_375, %get3A_376] {strides = array<i32>} : memref<100x128xf32, #tpu.memory_space<vmem>>, vector<16xf32>,
        %add3A_378 = arith.addf %get3A_374, %get3A_377 : vector<16xf32>
        %neg3A_379 = arith.constant 0.000000e+00 : f32
        %neg3A_380 = vector.broadcast %neg3A_379 : f32 to vector<16xf32>
        %neg3A_381 = arith.subf %neg3A_380, %add3A_378 : vector<16xf32>
        %exp3A_382 = math.exp %neg3A_381 : vector<16xf32>
        %add3A_383 = arith.constant 1.000000e+00 : f32
        %add3A_384 = vector.broadcast %add3A_383 : f32 to vector<16xf32>
        %add3A_385 = arith.addf %add3A_384, %exp3A_382 : vector<16xf32>
        %div3A_386 = arith.divf %add3A_378, %add3A_385 : vector<16xf32>
        %swap3A_387 = arith.index_cast %add3A_353 : i32 to index
        %swap3A_388 = arith.constant 16 : index
        %swap3A_389 = tpu.vector_load %arg12[%swap3A_387, %swap3A_388] {strides = array<i32>} : memref<100x128xf32, #tpu.memory_space<vmem>>, vector<16xf32>,
        tpu.vector_store %arg12[%swap3A_387, %swap3A_388], %div3A_386 {strides = array<i32>} : memref<100x128xf32, #tpu.memory_space<vmem>>, vector<16xf32>,
        %get3A_390 = arith.index_cast %add3A_353 : i32 to index
        %get3A_391 = arith.constant 32 : index
        %get3A_392 = tpu.vector_load %arg12[%get3A_390, %get3A_391] {strides = array<i32>} : memref<100x128xf32, #tpu.memory_space<vmem>>, vector<16xf32>,
        %get3A_393 = arith.index_cast %add3A_353 : i32 to index
        %get3A_394 = arith.constant 32 : index
        %get3A_395 = tpu.vector_load %arg13[%get3A_393, %get3A_394] {strides = array<i32>} : memref<100x128xf32, #tpu.memory_space<vmem>>, vector<16xf32>,
        %add3A_396 = arith.addf %get3A_392, %get3A_395 : vector<16xf32>
        %neg3A_397 = arith.constant 0.000000e+00 : f32
        %neg3A_398 = vector.broadcast %neg3A_397 : f32 to vector<16xf32>
        %neg3A_399 = arith.subf %neg3A_398, %add3A_396 : vector<16xf32>
        %exp3A_400 = math.exp %neg3A_399 : vector<16xf32>
        %add3A_401 = arith.constant 1.000000e+00 : f32
        %add3A_402 = vector.broadcast %add3A_401 : f32 to vector<16xf32>
        %add3A_403 = arith.addf %add3A_402, %exp3A_400 : vector<16xf32>
        %div3A_404 = arith.divf %add3A_396, %add3A_403 : vector<16xf32>
        %swap3A_405 = arith.index_cast %add3A_353 : i32 to index
        %swap3A_406 = arith.constant 32 : index
        %swap3A_407 = tpu.vector_load %arg12[%swap3A_405, %swap3A_406] {strides = array<i32>} : memref<100x128xf32, #tpu.memory_space<vmem>>, vector<16xf32>,
        tpu.vector_store %arg12[%swap3A_405, %swap3A_406], %div3A_404 {strides = array<i32>} : memref<100x128xf32, #tpu.memory_space<vmem>>, vector<16xf32>,
        %get3A_408 = arith.index_cast %add3A_353 : i32 to index
        %get3A_409 = arith.constant 48 : index
        %get3A_410 = tpu.vector_load %arg12[%get3A_408, %get3A_409] {strides = array<i32>} : memref<100x128xf32, #tpu.memory_space<vmem>>, vector<16xf32>,
        %get3A_411 = arith.index_cast %add3A_353 : i32 to index
        %get3A_412 = arith.constant 48 : index
        %get3A_413 = tpu.vector_load %arg13[%get3A_411, %get3A_412] {strides = array<i32>} : memref<100x128xf32, #tpu.memory_space<vmem>>, vector<16xf32>,
        %add3A_414 = arith.addf %get3A_410, %get3A_413 : vector<16xf32>
        %neg3A_415 = arith.constant 0.000000e+00 : f32
        %neg3A_416 = vector.broadcast %neg3A_415 : f32 to vector<16xf32>
        %neg3A_417 = arith.subf %neg3A_416, %add3A_414 : vector<16xf32>
        %exp3A_418 = math.exp %neg3A_417 : vector<16xf32>
        %add3A_419 = arith.constant 1.000000e+00 : f32
        %add3A_420 = vector.broadcast %add3A_419 : f32 to vector<16xf32>
        %add3A_421 = arith.addf %add3A_420, %exp3A_418 : vector<16xf32>
        %div3A_422 = arith.divf %add3A_414, %add3A_421 : vector<16xf32>
        %swap3A_423 = arith.index_cast %add3A_353 : i32 to index
        %swap3A_424 = arith.constant 48 : index
        %swap3A_425 = tpu.vector_load %arg12[%swap3A_423, %swap3A_424] {strides = array<i32>} : memref<100x128xf32, #tpu.memory_space<vmem>>, vector<16xf32>,
        tpu.vector_store %arg12[%swap3A_423, %swap3A_424], %div3A_422 {strides = array<i32>} : memref<100x128xf32, #tpu.memory_space<vmem>>, vector<16xf32>,
        %get3A_426 = arith.index_cast %add3A_353 : i32 to index
        %get3A_427 = arith.constant 64 : index
        %get3A_428 = tpu.vector_load %arg12[%get3A_426, %get3A_427] {strides = array<i32>} : memref<100x128xf32, #tpu.memory_space<vmem>>, vector<16xf32>,
        %get3A_429 = arith.index_cast %add3A_353 : i32 to index
        %get3A_430 = arith.constant 64 : index
        %get3A_431 = tpu.vector_load %arg13[%get3A_429, %get3A_430] {strides = array<i32>} : memref<100x128xf32, #tpu.memory_space<vmem>>, vector<16xf32>,
        %add3A_432 = arith.addf %get3A_428, %get3A_431 : vector<16xf32>
        %neg3A_433 = arith.constant 0.000000e+00 : f32
        %neg3A_434 = vector.broadcast %neg3A_433 : f32 to vector<16xf32>
        %neg3A_435 = arith.subf %neg3A_434, %add3A_432 : vector<16xf32>
        %exp3A_436 = math.exp %neg3A_435 : vector<16xf32>
        %add3A_437 = arith.constant 1.000000e+00 : f32
        %add3A_438 = vector.broadcast %add3A_437 : f32 to vector<16xf32>
        %add3A_439 = arith.addf %add3A_438, %exp3A_436 : vector<16xf32>
        %div3A_440 = arith.divf %add3A_432, %add3A_439 : vector<16xf32>
        %swap3A_441 = arith.index_cast %add3A_353 : i32 to index
        %swap3A_442 = arith.constant 64 : index
        %swap3A_443 = tpu.vector_load %arg12[%swap3A_441, %swap3A_442] {strides = array<i32>} : memref<100x128xf32, #tpu.memory_space<vmem>>, vector<16xf32>,
        tpu.vector_store %arg12[%swap3A_441, %swap3A_442], %div3A_440 {strides = array<i32>} : memref<100x128xf32, #tpu.memory_space<vmem>>, vector<16xf32>,
        %get3A_444 = arith.index_cast %add3A_353 : i32 to index
        %get3A_445 = arith.constant 80 : index
        %get3A_446 = tpu.vector_load %arg12[%get3A_444, %get3A_445] {strides = array<i32>} : memref<100x128xf32, #tpu.memory_space<vmem>>, vector<16xf32>,
        %get3A_447 = arith.index_cast %add3A_353 : i32 to index
        %get3A_448 = arith.constant 80 : index
        %get3A_449 = tpu.vector_load %arg13[%get3A_447, %get3A_448] {strides = array<i32>} : memref<100x128xf32, #tpu.memory_space<vmem>>, vector<16xf32>,
        %add3A_450 = arith.addf %get3A_446, %get3A_449 : vector<16xf32>
        %neg3A_451 = arith.constant 0.000000e+00 : f32
        %neg3A_452 = vector.broadcast %neg3A_451 : f32 to vector<16xf32>
        %neg3A_453 = arith.subf %neg3A_452, %add3A_450 : vector<16xf32>
        %exp3A_454 = math.exp %neg3A_453 : vector<16xf32>
        %add3A_455 = arith.constant 1.000000e+00 : f32
        %add3A_456 = vector.broadcast %add3A_455 : f32 to vector<16xf32>
        %add3A_457 = arith.addf %add3A_456, %exp3A_454 : vector<16xf32>
        %div3A_458 = arith.divf %add3A_450, %add3A_457 : vector<16xf32>
        %swap3A_459 = arith.index_cast %add3A_353 : i32 to index
        %swap3A_460 = arith.constant 80 : index
        %swap3A_461 = tpu.vector_load %arg12[%swap3A_459, %swap3A_460] {strides = array<i32>} : memref<100x128xf32, #tpu.memory_space<vmem>>, vector<16xf32>,
        tpu.vector_store %arg12[%swap3A_459, %swap3A_460], %div3A_458 {strides = array<i32>} : memref<100x128xf32, #tpu.memory_space<vmem>>, vector<16xf32>,
        %get3A_462 = arith.index_cast %add3A_353 : i32 to index
        %get3A_463 = arith.constant 96 : index
        %get3A_464 = tpu.vector_load %arg12[%get3A_462, %get3A_463] {strides = array<i32>} : memref<100x128xf32, #tpu.memory_space<vmem>>, vector<16xf32>,
        %get3A_465 = arith.index_cast %add3A_353 : i32 to index
        %get3A_466 = arith.constant 96 : index
        %get3A_467 = tpu.vector_load %arg13[%get3A_465, %get3A_466] {strides = array<i32>} : memref<100x128xf32, #tpu.memory_space<vmem>>, vector<16xf32>,
        %add3A_468 = arith.addf %get3A_464, %get3A_467 : vector<16xf32>
        %neg3A_469 = arith.constant 0.000000e+00 : f32
        %neg3A_470 = vector.broadcast %neg3A_469 : f32 to vector<16xf32>
        %neg3A_471 = arith.subf %neg3A_470, %add3A_468 : vector<16xf32>
        %exp3A_472 = math.exp %neg3A_471 : vector<16xf32>
        %add3A_473 = arith.constant 1.000000e+00 : f32
        %add3A_474 = vector.broadcast %add3A_473 : f32 to vector<16xf32>
        %add3A_475 = arith.addf %add3A_474, %exp3A_472 : vector<16xf32>
        %div3A_476 = arith.divf %add3A_468, %add3A_475 : vector<16xf32>
        %swap3A_477 = arith.index_cast %add3A_353 : i32 to index
        %swap3A_478 = arith.constant 96 : index
        %swap3A_479 = tpu.vector_load %arg12[%swap3A_477, %swap3A_478] {strides = array<i32>} : memref<100x128xf32, #tpu.memory_space<vmem>>, vector<16xf32>,
        tpu.vector_store %arg12[%swap3A_477, %swap3A_478], %div3A_476 {strides = array<i32>} : memref<100x128xf32, #tpu.memory_space<vmem>>, vector<16xf32>,
        %get3A_480 = arith.index_cast %add3A_353 : i32 to index
        %get3A_481 = arith.constant 112 : index
        %get3A_482 = tpu.vector_load %arg12[%get3A_480, %get3A_481] {strides = array<i32>} : memref<100x128xf32, #tpu.memory_space<vmem>>, vector<16xf32>,
        %get3A_483 = arith.index_cast %add3A_353 : i32 to index
        %get3A_484 = arith.constant 112 : index
        %get3A_485 = tpu.vector_load %arg13[%get3A_483, %get3A_484] {strides = array<i32>} : memref<100x128xf32, #tpu.memory_space<vmem>>, vector<16xf32>,
        %add3A_486 = arith.addf %get3A_482, %get3A_485 : vector<16xf32>
        %neg3A_487 = arith.constant 0.000000e+00 : f32
        %neg3A_488 = vector.broadcast %neg3A_487 : f32 to vector<16xf32>
        %neg3A_489 = arith.subf %neg3A_488, %add3A_486 : vector<16xf32>
        %exp3A_490 = math.exp %neg3A_489 : vector<16xf32>
        %add3A_491 = arith.constant 1.000000e+00 : f32
        %add3A_492 = vector.broadcast %add3A_491 : f32 to vector<16xf32>
        %add3A_493 = arith.addf %add3A_492, %exp3A_490 : vector<16xf32>
        %div3A_494 = arith.divf %add3A_486, %add3A_493 : vector<16xf32>
        %swap3A_495 = arith.index_cast %add3A_353 : i32 to index
        %swap3A_496 = arith.constant 112 : index
        %swap3A_497 = tpu.vector_load %arg12[%swap3A_495, %swap3A_496] {strides = array<i32>} : memref<100x128xf32, #tpu.memory_space<vmem>>, vector<16xf32>,
        tpu.vector_store %arg12[%swap3A_495, %swap3A_496], %div3A_494 {strides = array<i32>} : memref<100x128xf32, #tpu.memory_space<vmem>>, vector<16xf32>,
        %mul3A_498 = arith.constant 4 : i32
        %mul3A_499 = arith.muli %mul3A_498, %scan3A_205 : i32
        %add3A_500 = arith.constant 2 : i32
        %add3A_501 = arith.addi %mul3A_499, %add3A_500 : i32
        %get3A_502 = arith.index_cast %add3A_501 : i32 to index
        %get3A_503 = arith.constant 0 : index
        %get3A_504 = tpu.vector_load %arg12[%get3A_502, %get3A_503] {strides = array<i32>} : memref<100x128xf32, #tpu.memory_space<vmem>>, vector<16xf32>,
        %get3A_505 = arith.index_cast %add3A_501 : i32 to index
        %get3A_506 = arith.constant 0 : index
        %get3A_507 = tpu.vector_load %arg13[%get3A_505, %get3A_506] {strides = array<i32>} : memref<100x128xf32, #tpu.memory_space<vmem>>, vector<16xf32>,
        %add3A_508 = arith.addf %get3A_504, %get3A_507 : vector<16xf32>
        %neg3A_509 = arith.constant 0.000000e+00 : f32
        %neg3A_510 = vector.broadcast %neg3A_509 : f32 to vector<16xf32>
        %neg3A_511 = arith.subf %neg3A_510, %add3A_508 : vector<16xf32>
        %exp3A_512 = math.exp %neg3A_511 : vector<16xf32>
        %add3A_513 = arith.constant 1.000000e+00 : f32
        %add3A_514 = vector.broadcast %add3A_513 : f32 to vector<16xf32>
        %add3A_515 = arith.addf %add3A_514, %exp3A_512 : vector<16xf32>
        %div3A_516 = arith.divf %add3A_508, %add3A_515 : vector<16xf32>
        %swap3A_517 = arith.index_cast %add3A_501 : i32 to index
        %swap3A_518 = arith.constant 0 : index
        %swap3A_519 = tpu.vector_load %arg12[%swap3A_517, %swap3A_518] {strides = array<i32>} : memref<100x128xf32, #tpu.memory_space<vmem>>, vector<16xf32>,
        tpu.vector_store %arg12[%swap3A_517, %swap3A_518], %div3A_516 {strides = array<i32>} : memref<100x128xf32, #tpu.memory_space<vmem>>, vector<16xf32>,
        %get3A_520 = arith.index_cast %add3A_501 : i32 to index
        %get3A_521 = arith.constant 16 : index
        %get3A_522 = tpu.vector_load %arg12[%get3A_520, %get3A_521] {strides = array<i32>} : memref<100x128xf32, #tpu.memory_space<vmem>>, vector<16xf32>,
        %get3A_523 = arith.index_cast %add3A_501 : i32 to index
        %get3A_524 = arith.constant 16 : index
        %get3A_525 = tpu.vector_load %arg13[%get3A_523, %get3A_524] {strides = array<i32>} : memref<100x128xf32, #tpu.memory_space<vmem>>, vector<16xf32>,
        %add3A_526 = arith.addf %get3A_522, %get3A_525 : vector<16xf32>
        %neg3A_527 = arith.constant 0.000000e+00 : f32
        %neg3A_528 = vector.broadcast %neg3A_527 : f32 to vector<16xf32>
        %neg3A_529 = arith.subf %neg3A_528, %add3A_526 : vector<16xf32>
        %exp3A_530 = math.exp %neg3A_529 : vector<16xf32>
        %add3A_531 = arith.constant 1.000000e+00 : f32
        %add3A_532 = vector.broadcast %add3A_531 : f32 to vector<16xf32>
        %add3A_533 = arith.addf %add3A_532, %exp3A_530 : vector<16xf32>
        %div3A_534 = arith.divf %add3A_526, %add3A_533 : vector<16xf32>
        %swap3A_535 = arith.index_cast %add3A_501 : i32 to index
        %swap3A_536 = arith.constant 16 : index
        %swap3A_537 = tpu.vector_load %arg12[%swap3A_535, %swap3A_536] {strides = array<i32>} : memref<100x128xf32, #tpu.memory_space<vmem>>, vector<16xf32>,
        tpu.vector_store %arg12[%swap3A_535, %swap3A_536], %div3A_534 {strides = array<i32>} : memref<100x128xf32, #tpu.memory_space<vmem>>, vector<16xf32>,
        %get3A_538 = arith.index_cast %add3A_501 : i32 to index
        %get3A_539 = arith.constant 32 : index
        %get3A_540 = tpu.vector_load %arg12[%get3A_538, %get3A_539] {strides = array<i32>} : memref<100x128xf32, #tpu.memory_space<vmem>>, vector<16xf32>,
        %get3A_541 = arith.index_cast %add3A_501 : i32 to index
        %get3A_542 = arith.constant 32 : index
        %get3A_543 = tpu.vector_load %arg13[%get3A_541, %get3A_542] {strides = array<i32>} : memref<100x128xf32, #tpu.memory_space<vmem>>, vector<16xf32>,
        %add3A_544 = arith.addf %get3A_540, %get3A_543 : vector<16xf32>
        %neg3A_545 = arith.constant 0.000000e+00 : f32
        %neg3A_546 = vector.broadcast %neg3A_545 : f32 to vector<16xf32>
        %neg3A_547 = arith.subf %neg3A_546, %add3A_544 : vector<16xf32>
        %exp3A_548 = math.exp %neg3A_547 : vector<16xf32>
        %add3A_549 = arith.constant 1.000000e+00 : f32
        %add3A_550 = vector.broadcast %add3A_549 : f32 to vector<16xf32>
        %add3A_551 = arith.addf %add3A_550, %exp3A_548 : vector<16xf32>
        %div3A_552 = arith.divf %add3A_544, %add3A_551 : vector<16xf32>
        %swap3A_553 = arith.index_cast %add3A_501 : i32 to index
        %swap3A_554 = arith.constant 32 : index
        %swap3A_555 = tpu.vector_load %arg12[%swap3A_553, %swap3A_554] {strides = array<i32>} : memref<100x128xf32, #tpu.memory_space<vmem>>, vector<16xf32>,
        tpu.vector_store %arg12[%swap3A_553, %swap3A_554], %div3A_552 {strides = array<i32>} : memref<100x128xf32, #tpu.memory_space<vmem>>, vector<16xf32>,
        %get3A_556 = arith.index_cast %add3A_501 : i32 to index
        %get3A_557 = arith.constant 48 : index
        %get3A_558 = tpu.vector_load %arg12[%get3A_556, %get3A_557] {strides = array<i32>} : memref<100x128xf32, #tpu.memory_space<vmem>>, vector<16xf32>,
        %get3A_559 = arith.index_cast %add3A_501 : i32 to index
        %get3A_560 = arith.constant 48 : index
        %get3A_561 = tpu.vector_load %arg13[%get3A_559, %get3A_560] {strides = array<i32>} : memref<100x128xf32, #tpu.memory_space<vmem>>, vector<16xf32>,
        %add3A_562 = arith.addf %get3A_558, %get3A_561 : vector<16xf32>
        %neg3A_563 = arith.constant 0.000000e+00 : f32
        %neg3A_564 = vector.broadcast %neg3A_563 : f32 to vector<16xf32>
        %neg3A_565 = arith.subf %neg3A_564, %add3A_562 : vector<16xf32>
        %exp3A_566 = math.exp %neg3A_565 : vector<16xf32>
        %add3A_567 = arith.constant 1.000000e+00 : f32
        %add3A_568 = vector.broadcast %add3A_567 : f32 to vector<16xf32>
        %add3A_569 = arith.addf %add3A_568, %exp3A_566 : vector<16xf32>
        %div3A_570 = arith.divf %add3A_562, %add3A_569 : vector<16xf32>
        %swap3A_571 = arith.index_cast %add3A_501 : i32 to index
        %swap3A_572 = arith.constant 48 : index
        %swap3A_573 = tpu.vector_load %arg12[%swap3A_571, %swap3A_572] {strides = array<i32>} : memref<100x128xf32, #tpu.memory_space<vmem>>, vector<16xf32>,
        tpu.vector_store %arg12[%swap3A_571, %swap3A_572], %div3A_570 {strides = array<i32>} : memref<100x128xf32, #tpu.memory_space<vmem>>, vector<16xf32>,
        %get3A_574 = arith.index_cast %add3A_501 : i32 to index
        %get3A_575 = arith.constant 64 : index
        %get3A_576 = tpu.vector_load %arg12[%get3A_574, %get3A_575] {strides = array<i32>} : memref<100x128xf32, #tpu.memory_space<vmem>>, vector<16xf32>,
        %get3A_577 = arith.index_cast %add3A_501 : i32 to index
        %get3A_578 = arith.constant 64 : index
        %get3A_579 = tpu.vector_load %arg13[%get3A_577, %get3A_578] {strides = array<i32>} : memref<100x128xf32, #tpu.memory_space<vmem>>, vector<16xf32>,
        %add3A_580 = arith.addf %get3A_576, %get3A_579 : vector<16xf32>
        %neg3A_581 = arith.constant 0.000000e+00 : f32
        %neg3A_582 = vector.broadcast %neg3A_581 : f32 to vector<16xf32>
        %neg3A_583 = arith.subf %neg3A_582, %add3A_580 : vector<16xf32>
        %exp3A_584 = math.exp %neg3A_583 : vector<16xf32>
        %add3A_585 = arith.constant 1.000000e+00 : f32
        %add3A_586 = vector.broadcast %add3A_585 : f32 to vector<16xf32>
        %add3A_587 = arith.addf %add3A_586, %exp3A_584 : vector<16xf32>
        %div3A_588 = arith.divf %add3A_580, %add3A_587 : vector<16xf32>
        %swap3A_589 = arith.index_cast %add3A_501 : i32 to index
        %swap3A_590 = arith.constant 64 : index
        %swap3A_591 = tpu.vector_load %arg12[%swap3A_589, %swap3A_590] {strides = array<i32>} : memref<100x128xf32, #tpu.memory_space<vmem>>, vector<16xf32>,
        tpu.vector_store %arg12[%swap3A_589, %swap3A_590], %div3A_588 {strides = array<i32>} : memref<100x128xf32, #tpu.memory_space<vmem>>, vector<16xf32>,
        %get3A_592 = arith.index_cast %add3A_501 : i32 to index
        %get3A_593 = arith.constant 80 : index
        %get3A_594 = tpu.vector_load %arg12[%get3A_592, %get3A_593] {strides = array<i32>} : memref<100x128xf32, #tpu.memory_space<vmem>>, vector<16xf32>,
        %get3A_595 = arith.index_cast %add3A_501 : i32 to index
        %get3A_596 = arith.constant 80 : index
        %get3A_597 = tpu.vector_load %arg13[%get3A_595, %get3A_596] {strides = array<i32>} : memref<100x128xf32, #tpu.memory_space<vmem>>, vector<16xf32>,
        %add3A_598 = arith.addf %get3A_594, %get3A_597 : vector<16xf32>
        %neg3A_599 = arith.constant 0.000000e+00 : f32
        %neg3A_600 = vector.broadcast %neg3A_599 : f32 to vector<16xf32>
        %neg3A_601 = arith.subf %neg3A_600, %add3A_598 : vector<16xf32>
        %exp3A_602 = math.exp %neg3A_601 : vector<16xf32>
        %add3A_603 = arith.constant 1.000000e+00 : f32
        %add3A_604 = vector.broadcast %add3A_603 : f32 to vector<16xf32>
        %add3A_605 = arith.addf %add3A_604, %exp3A_602 : vector<16xf32>
        %div3A_606 = arith.divf %add3A_598, %add3A_605 : vector<16xf32>
        %swap3A_607 = arith.index_cast %add3A_501 : i32 to index
        %swap3A_608 = arith.constant 80 : index
        %swap3A_609 = tpu.vector_load %arg12[%swap3A_607, %swap3A_608] {strides = array<i32>} : memref<100x128xf32, #tpu.memory_space<vmem>>, vector<16xf32>,
        tpu.vector_store %arg12[%swap3A_607, %swap3A_608], %div3A_606 {strides = array<i32>} : memref<100x128xf32, #tpu.memory_space<vmem>>, vector<16xf32>,
        %get3A_610 = arith.index_cast %add3A_501 : i32 to index
        %get3A_611 = arith.constant 96 : index
        %get3A_612 = tpu.vector_load %arg12[%get3A_610, %get3A_611] {strides = array<i32>} : memref<100x128xf32, #tpu.memory_space<vmem>>, vector<16xf32>,
        %get3A_613 = arith.index_cast %add3A_501 : i32 to index
        %get3A_614 = arith.constant 96 : index
        %get3A_615 = tpu.vector_load %arg13[%get3A_613, %get3A_614] {strides = array<i32>} : memref<100x128xf32, #tpu.memory_space<vmem>>, vector<16xf32>,
        %add3A_616 = arith.addf %get3A_612, %get3A_615 : vector<16xf32>
        %neg3A_617 = arith.constant 0.000000e+00 : f32
        %neg3A_618 = vector.broadcast %neg3A_617 : f32 to vector<16xf32>
        %neg3A_619 = arith.subf %neg3A_618, %add3A_616 : vector<16xf32>
        %exp3A_620 = math.exp %neg3A_619 : vector<16xf32>
        %add3A_621 = arith.constant 1.000000e+00 : f32
        %add3A_622 = vector.broadcast %add3A_621 : f32 to vector<16xf32>
        %add3A_623 = arith.addf %add3A_622, %exp3A_620 : vector<16xf32>
        %div3A_624 = arith.divf %add3A_616, %add3A_623 : vector<16xf32>
        %swap3A_625 = arith.index_cast %add3A_501 : i32 to index
        %swap3A_626 = arith.constant 96 : index
        %swap3A_627 = tpu.vector_load %arg12[%swap3A_625, %swap3A_626] {strides = array<i32>} : memref<100x128xf32, #tpu.memory_space<vmem>>, vector<16xf32>,
        tpu.vector_store %arg12[%swap3A_625, %swap3A_626], %div3A_624 {strides = array<i32>} : memref<100x128xf32, #tpu.memory_space<vmem>>, vector<16xf32>,
        %get3A_628 = arith.index_cast %add3A_501 : i32 to index
        %get3A_629 = arith.constant 112 : index
        %get3A_630 = tpu.vector_load %arg12[%get3A_628, %get3A_629] {strides = array<i32>} : memref<100x128xf32, #tpu.memory_space<vmem>>, vector<16xf32>,
        %get3A_631 = arith.index_cast %add3A_501 : i32 to index
        %get3A_632 = arith.constant 112 : index
        %get3A_633 = tpu.vector_load %arg13[%get3A_631, %get3A_632] {strides = array<i32>} : memref<100x128xf32, #tpu.memory_space<vmem>>, vector<16xf32>,
        %add3A_634 = arith.addf %get3A_630, %get3A_633 : vector<16xf32>
        %neg3A_635 = arith.constant 0.000000e+00 : f32
        %neg3A_636 = vector.broadcast %neg3A_635 : f32 to vector<16xf32>
        %neg3A_637 = arith.subf %neg3A_636, %add3A_634 : vector<16xf32>
        %exp3A_638 = math.exp %neg3A_637 : vector<16xf32>
        %add3A_639 = arith.constant 1.000000e+00 : f32
        %add3A_640 = vector.broadcast %add3A_639 : f32 to vector<16xf32>
        %add3A_641 = arith.addf %add3A_640, %exp3A_638 : vector<16xf32>
        %div3A_642 = arith.divf %add3A_634, %add3A_641 : vector<16xf32>
        %swap3A_643 = arith.index_cast %add3A_501 : i32 to index
        %swap3A_644 = arith.constant 112 : index
        %swap3A_645 = tpu.vector_load %arg12[%swap3A_643, %swap3A_644] {strides = array<i32>} : memref<100x128xf32, #tpu.memory_space<vmem>>, vector<16xf32>,
        tpu.vector_store %arg12[%swap3A_643, %swap3A_644], %div3A_642 {strides = array<i32>} : memref<100x128xf32, #tpu.memory_space<vmem>>, vector<16xf32>,
        %mul3A_646 = arith.constant 4 : i32
        %mul3A_647 = arith.muli %mul3A_646, %scan3A_205 : i32
        %add3A_648 = arith.constant 3 : i32
        %add3A_649 = arith.addi %mul3A_647, %add3A_648 : i32
        %get3A_650 = arith.index_cast %add3A_649 : i32 to index
        %get3A_651 = arith.constant 0 : index
        %get3A_652 = tpu.vector_load %arg12[%get3A_650, %get3A_651] {strides = array<i32>} : memref<100x128xf32, #tpu.memory_space<vmem>>, vector<16xf32>,
        %get3A_653 = arith.index_cast %add3A_649 : i32 to index
        %get3A_654 = arith.constant 0 : index
        %get3A_655 = tpu.vector_load %arg13[%get3A_653, %get3A_654] {strides = array<i32>} : memref<100x128xf32, #tpu.memory_space<vmem>>, vector<16xf32>,
        %add3A_656 = arith.addf %get3A_652, %get3A_655 : vector<16xf32>
        %neg3A_657 = arith.constant 0.000000e+00 : f32
        %neg3A_658 = vector.broadcast %neg3A_657 : f32 to vector<16xf32>
        %neg3A_659 = arith.subf %neg3A_658, %add3A_656 : vector<16xf32>
        %exp3A_660 = math.exp %neg3A_659 : vector<16xf32>
        %add3A_661 = arith.constant 1.000000e+00 : f32
        %add3A_662 = vector.broadcast %add3A_661 : f32 to vector<16xf32>
        %add3A_663 = arith.addf %add3A_662, %exp3A_660 : vector<16xf32>
        %div3A_664 = arith.divf %add3A_656, %add3A_663 : vector<16xf32>
        %swap3A_665 = arith.index_cast %add3A_649 : i32 to index
        %swap3A_666 = arith.constant 0 : index
        %swap3A_667 = tpu.vector_load %arg12[%swap3A_665, %swap3A_666] {strides = array<i32>} : memref<100x128xf32, #tpu.memory_space<vmem>>, vector<16xf32>,
        tpu.vector_store %arg12[%swap3A_665, %swap3A_666], %div3A_664 {strides = array<i32>} : memref<100x128xf32, #tpu.memory_space<vmem>>, vector<16xf32>,
        %get3A_668 = arith.index_cast %add3A_649 : i32 to index
        %get3A_669 = arith.constant 16 : index
        %get3A_670 = tpu.vector_load %arg12[%get3A_668, %get3A_669] {strides = array<i32>} : memref<100x128xf32, #tpu.memory_space<vmem>>, vector<16xf32>,
        %get3A_671 = arith.index_cast %add3A_649 : i32 to index
        %get3A_672 = arith.constant 16 : index
        %get3A_673 = tpu.vector_load %arg13[%get3A_671, %get3A_672] {strides = array<i32>} : memref<100x128xf32, #tpu.memory_space<vmem>>, vector<16xf32>,
        %add3A_674 = arith.addf %get3A_670, %get3A_673 : vector<16xf32>
        %neg3A_675 = arith.constant 0.000000e+00 : f32
        %neg3A_676 = vector.broadcast %neg3A_675 : f32 to vector<16xf32>
        %neg3A_677 = arith.subf %neg3A_676, %add3A_674 : vector<16xf32>
        %exp3A_678 = math.exp %neg3A_677 : vector<16xf32>
        %add3A_679 = arith.constant 1.000000e+00 : f32
        %add3A_680 = vector.broadcast %add3A_679 : f32 to vector<16xf32>
        %add3A_681 = arith.addf %add3A_680, %exp3A_678 : vector<16xf32>
        %div3A_682 = arith.divf %add3A_674, %add3A_681 : vector<16xf32>
        %swap3A_683 = arith.index_cast %add3A_649 : i32 to index
        %swap3A_684 = arith.constant 16 : index
        %swap3A_685 = tpu.vector_load %arg12[%swap3A_683, %swap3A_684] {strides = array<i32>} : memref<100x128xf32, #tpu.memory_space<vmem>>, vector<16xf32>,
        tpu.vector_store %arg12[%swap3A_683, %swap3A_684], %div3A_682 {strides = array<i32>} : memref<100x128xf32, #tpu.memory_space<vmem>>, vector<16xf32>,
        %get3A_686 = arith.index_cast %add3A_649 : i32 to index
        %get3A_687 = arith.constant 32 : index
        %get3A_688 = tpu.vector_load %arg12[%get3A_686, %get3A_687] {strides = array<i32>} : memref<100x128xf32, #tpu.memory_space<vmem>>, vector<16xf32>,
        %get3A_689 = arith.index_cast %add3A_649 : i32 to index
        %get3A_690 = arith.constant 32 : index
        %get3A_691 = tpu.vector_load %arg13[%get3A_689, %get3A_690] {strides = array<i32>} : memref<100x128xf32, #tpu.memory_space<vmem>>, vector<16xf32>,
        %add3A_692 = arith.addf %get3A_688, %get3A_691 : vector<16xf32>
        %neg3A_693 = arith.constant 0.000000e+00 : f32
        %neg3A_694 = vector.broadcast %neg3A_693 : f32 to vector<16xf32>
        %neg3A_695 = arith.subf %neg3A_694, %add3A_692 : vector<16xf32>
        %exp3A_696 = math.exp %neg3A_695 : vector<16xf32>
        %add3A_697 = arith.constant 1.000000e+00 : f32
        %add3A_698 = vector.broadcast %add3A_697 : f32 to vector<16xf32>
        %add3A_699 = arith.addf %add3A_698, %exp3A_696 : vector<16xf32>
        %div3A_700 = arith.divf %add3A_692, %add3A_699 : vector<16xf32>
        %swap3A_701 = arith.index_cast %add3A_649 : i32 to index
        %swap3A_702 = arith.constant 32 : index
        %swap3A_703 = tpu.vector_load %arg12[%swap3A_701, %swap3A_702] {strides = array<i32>} : memref<100x128xf32, #tpu.memory_space<vmem>>, vector<16xf32>,
        tpu.vector_store %arg12[%swap3A_701, %swap3A_702], %div3A_700 {strides = array<i32>} : memref<100x128xf32, #tpu.memory_space<vmem>>, vector<16xf32>,
        %get3A_704 = arith.index_cast %add3A_649 : i32 to index
        %get3A_705 = arith.constant 48 : index
        %get3A_706 = tpu.vector_load %arg12[%get3A_704, %get3A_705] {strides = array<i32>} : memref<100x128xf32, #tpu.memory_space<vmem>>, vector<16xf32>,
        %get3A_707 = arith.index_cast %add3A_649 : i32 to index
        %get3A_708 = arith.constant 48 : index
        %get3A_709 = tpu.vector_load %arg13[%get3A_707, %get3A_708] {strides = array<i32>} : memref<100x128xf32, #tpu.memory_space<vmem>>, vector<16xf32>,
        %add3A_710 = arith.addf %get3A_706, %get3A_709 : vector<16xf32>
        %neg3A_711 = arith.constant 0.000000e+00 : f32
        %neg3A_712 = vector.broadcast %neg3A_711 : f32 to vector<16xf32>
        %neg3A_713 = arith.subf %neg3A_712, %add3A_710 : vector<16xf32>
        %exp3A_714 = math.exp %neg3A_713 : vector<16xf32>
        %add3A_715 = arith.constant 1.000000e+00 : f32
        %add3A_716 = vector.broadcast %add3A_715 : f32 to vector<16xf32>
        %add3A_717 = arith.addf %add3A_716, %exp3A_714 : vector<16xf32>
        %div3A_718 = arith.divf %add3A_710, %add3A_717 : vector<16xf32>
        %swap3A_719 = arith.index_cast %add3A_649 : i32 to index
        %swap3A_720 = arith.constant 48 : index
        %swap3A_721 = tpu.vector_load %arg12[%swap3A_719, %swap3A_720] {strides = array<i32>} : memref<100x128xf32, #tpu.memory_space<vmem>>, vector<16xf32>,
        tpu.vector_store %arg12[%swap3A_719, %swap3A_720], %div3A_718 {strides = array<i32>} : memref<100x128xf32, #tpu.memory_space<vmem>>, vector<16xf32>,
        %get3A_722 = arith.index_cast %add3A_649 : i32 to index
        %get3A_723 = arith.constant 64 : index
        %get3A_724 = tpu.vector_load %arg12[%get3A_722, %get3A_723] {strides = array<i32>} : memref<100x128xf32, #tpu.memory_space<vmem>>, vector<16xf32>,
        %get3A_725 = arith.index_cast %add3A_649 : i32 to index
        %get3A_726 = arith.constant 64 : index
        %get3A_727 = tpu.vector_load %arg13[%get3A_725, %get3A_726] {strides = array<i32>} : memref<100x128xf32, #tpu.memory_space<vmem>>, vector<16xf32>,
        %add3A_728 = arith.addf %get3A_724, %get3A_727 : vector<16xf32>
        %neg3A_729 = arith.constant 0.000000e+00 : f32
        %neg3A_730 = vector.broadcast %neg3A_729 : f32 to vector<16xf32>
        %neg3A_731 = arith.subf %neg3A_730, %add3A_728 : vector<16xf32>
        %exp3A_732 = math.exp %neg3A_731 : vector<16xf32>
        %add3A_733 = arith.constant 1.000000e+00 : f32
        %add3A_734 = vector.broadcast %add3A_733 : f32 to vector<16xf32>
        %add3A_735 = arith.addf %add3A_734, %exp3A_732 : vector<16xf32>
        %div3A_736 = arith.divf %add3A_728, %add3A_735 : vector<16xf32>
        %swap3A_737 = arith.index_cast %add3A_649 : i32 to index
        %swap3A_738 = arith.constant 64 : index
        %swap3A_739 = tpu.vector_load %arg12[%swap3A_737, %swap3A_738] {strides = array<i32>} : memref<100x128xf32, #tpu.memory_space<vmem>>, vector<16xf32>,
        tpu.vector_store %arg12[%swap3A_737, %swap3A_738], %div3A_736 {strides = array<i32>} : memref<100x128xf32, #tpu.memory_space<vmem>>, vector<16xf32>,
        %get3A_740 = arith.index_cast %add3A_649 : i32 to index
        %get3A_741 = arith.constant 80 : index
        %get3A_742 = tpu.vector_load %arg12[%get3A_740, %get3A_741] {strides = array<i32>} : memref<100x128xf32, #tpu.memory_space<vmem>>, vector<16xf32>,
        %get3A_743 = arith.index_cast %add3A_649 : i32 to index
        %get3A_744 = arith.constant 80 : index
        %get3A_745 = tpu.vector_load %arg13[%get3A_743, %get3A_744] {strides = array<i32>} : memref<100x128xf32, #tpu.memory_space<vmem>>, vector<16xf32>,
        %add3A_746 = arith.addf %get3A_742, %get3A_745 : vector<16xf32>
        %neg3A_747 = arith.constant 0.000000e+00 : f32
        %neg3A_748 = vector.broadcast %neg3A_747 : f32 to vector<16xf32>
        %neg3A_749 = arith.subf %neg3A_748, %add3A_746 : vector<16xf32>
        %exp3A_750 = math.exp %neg3A_749 : vector<16xf32>
        %add3A_751 = arith.constant 1.000000e+00 : f32
        %add3A_752 = vector.broadcast %add3A_751 : f32 to vector<16xf32>
        %add3A_753 = arith.addf %add3A_752, %exp3A_750 : vector<16xf32>
        %div3A_754 = arith.divf %add3A_746, %add3A_753 : vector<16xf32>
        %swap3A_755 = arith.index_cast %add3A_649 : i32 to index
        %swap3A_756 = arith.constant 80 : index
        %swap3A_757 = tpu.vector_load %arg12[%swap3A_755, %swap3A_756] {strides = array<i32>} : memref<100x128xf32, #tpu.memory_space<vmem>>, vector<16xf32>,
        tpu.vector_store %arg12[%swap3A_755, %swap3A_756], %div3A_754 {strides = array<i32>} : memref<100x128xf32, #tpu.memory_space<vmem>>, vector<16xf32>,
        %get3A_758 = arith.index_cast %add3A_649 : i32 to index
        %get3A_759 = arith.constant 96 : index
        %get3A_760 = tpu.vector_load %arg12[%get3A_758, %get3A_759] {strides = array<i32>} : memref<100x128xf32, #tpu.memory_space<vmem>>, vector<16xf32>,
        %get3A_761 = arith.index_cast %add3A_649 : i32 to index
        %get3A_762 = arith.constant 96 : index
        %get3A_763 = tpu.vector_load %arg13[%get3A_761, %get3A_762] {strides = array<i32>} : memref<100x128xf32, #tpu.memory_space<vmem>>, vector<16xf32>,
        %add3A_764 = arith.addf %get3A_760, %get3A_763 : vector<16xf32>
        %neg3A_765 = arith.constant 0.000000e+00 : f32
        %neg3A_766 = vector.broadcast %neg3A_765 : f32 to vector<16xf32>
        %neg3A_767 = arith.subf %neg3A_766, %add3A_764 : vector<16xf32>
        %exp3A_768 = math.exp %neg3A_767 : vector<16xf32>
        %add3A_769 = arith.constant 1.000000e+00 : f32
        %add3A_770 = vector.broadcast %add3A_769 : f32 to vector<16xf32>
        %add3A_771 = arith.addf %add3A_770, %exp3A_768 : vector<16xf32>
        %div3A_772 = arith.divf %add3A_764, %add3A_771 : vector<16xf32>
        %swap3A_773 = arith.index_cast %add3A_649 : i32 to index
        %swap3A_774 = arith.constant 96 : index
        %swap3A_775 = tpu.vector_load %arg12[%swap3A_773, %swap3A_774] {strides = array<i32>} : memref<100x128xf32, #tpu.memory_space<vmem>>, vector<16xf32>,
        tpu.vector_store %arg12[%swap3A_773, %swap3A_774], %div3A_772 {strides = array<i32>} : memref<100x128xf32, #tpu.memory_space<vmem>>, vector<16xf32>,
        %get3A_776 = arith.index_cast %add3A_649 : i32 to index
        %get3A_777 = arith.constant 112 : index
        %get3A_778 = tpu.vector_load %arg12[%get3A_776, %get3A_777] {strides = array<i32>} : memref<100x128xf32, #tpu.memory_space<vmem>>, vector<16xf32>,
        %get3A_779 = arith.index_cast %add3A_649 : i32 to index
        %get3A_780 = arith.constant 112 : index
        %get3A_781 = tpu.vector_load %arg13[%get3A_779, %get3A_780] {strides = array<i32>} : memref<100x128xf32, #tpu.memory_space<vmem>>, vector<16xf32>,
        %add3A_782 = arith.addf %get3A_778, %get3A_781 : vector<16xf32>
        %neg3A_783 = arith.constant 0.000000e+00 : f32
        %neg3A_784 = vector.broadcast %neg3A_783 : f32 to vector<16xf32>
        %neg3A_785 = arith.subf %neg3A_784, %add3A_782 : vector<16xf32>
        %exp3A_786 = math.exp %neg3A_785 : vector<16xf32>
        %add3A_787 = arith.constant 1.000000e+00 : f32
        %add3A_788 = vector.broadcast %add3A_787 : f32 to vector<16xf32>
        %add3A_789 = arith.addf %add3A_788, %exp3A_786 : vector<16xf32>
        %div3A_790 = arith.divf %add3A_782, %add3A_789 : vector<16xf32>
        %swap3A_791 = arith.index_cast %add3A_649 : i32 to index
        %swap3A_792 = arith.constant 112 : index
        %swap3A_793 = tpu.vector_load %arg12[%swap3A_791, %swap3A_792] {strides = array<i32>} : memref<100x128xf32, #tpu.memory_space<vmem>>, vector<16xf32>,
        tpu.vector_store %arg12[%swap3A_791, %swap3A_792], %div3A_790 {strides = array<i32>} : memref<100x128xf32, #tpu.memory_space<vmem>>, vector<16xf32>,
      }
      %scan3A_190 = arith.constant 25 : i32
      %dma_start3A_191 = arith.constant 0 : i32
      %dma_start3A_192 = arith.constant 256 : i32
      %dma_start3A_193 = tpu.memref_slice %arg8[%dma_start3A_191, %dma_start3A_192] : memref<1x384xi32, #tpu.memory_space<vmem>> -> memref<1x100xi32, #tpu.memory_space<vmem>>
      %dma_start3A_194 = tpu.memref_squeeze %dma_start3A_193 : memref<1x100xi32, #tpu.memory_space<vmem>> -> memref<100xi32, #tpu.memory_space<vmem>>
      %dma_start3A_195 = arith.constant 0 : i32
      %dma_start3A_196 = arith.constant 0 : i32
      %dma_start3A_197 = tpu.memref_slice %arg2[%dma_start3A_195, %dma_start3A_196] : memref<40000x128xf32, #tpu.memory_space<hbm>> -> memref<40000x128xf32, #tpu.memory_space<hbm>>
      tpu.enqueue_indirect_dma source(%dma_start3A_197 : memref<40000x128xf32, #tpu.memory_space<hbm>>) target(%arg13 : memref<100x128xf32, #tpu.memory_space<vmem>>) offsets(%dma_start3A_194 : memref<100xi32, #tpu.memory_space<vmem>>) semaphore(%arg18 : memref<!tpu.dma_semaphore, #tpu.memory_space<semaphore_mem>>)
      %dma_start3A_198 = arith.constant 0 : i32
      %dma_start3A_199 = arith.constant 0 : i32
      %dma_start3A_200 = tpu.memref_slice %arg9[%dma_start3A_198, %dma_start3A_199] : memref<1x384xi32, #tpu.memory_space<vmem>> -> memref<1x100xi32, #tpu.memory_space<vmem>>
      %dma_start3A_201 = tpu.memref_squeeze %dma_start3A_200 : memref<1x100xi32, #tpu.memory_space<vmem>> -> memref<100xi32, #tpu.memory_space<vmem>>
      %dma_start3A_202 = arith.constant 0 : i32
      %dma_start3A_203 = arith.constant 0 : i32
      %dma_start3A_204 = tpu.memref_slice %arg15[%dma_start3A_202, %dma_start3A_203] : memref<10080x128xf32, #tpu.memory_space<vmem_shared>> -> memref<10080x128xf32, #tpu.memory_space<vmem_shared>>
      tpu.enqueue_indirect_dma source(%arg12 : memref<100x128xf32, #tpu.memory_space<vmem>>) target(%dma_start3A_204 : memref<10080x128xf32, #tpu.memory_space<vmem_shared>>) offsets(%dma_start3A_201 : memref<100xi32, #tpu.memory_space<vmem>>) semaphore(%arg20 : memref<!tpu.dma_semaphore, #tpu.memory_space<semaphore_mem>>) {add = true}
    }
    %scan3A_77 = arith.constant 49 : i32
    tpu.wait_dma2 semaphore(%arg16 : memref<!tpu.dma_semaphore, #tpu.memory_space<semaphore_mem>>) src(%arg5 : memref<100x128xf32, #tpu.memory_space<hbm>>) dst(%arg11 : memref<100x128xf32, #tpu.memory_space<vmem>>)
    tpu.wait_dma2 semaphore(%arg18 : memref<!tpu.dma_semaphore, #tpu.memory_space<semaphore_mem>>) src(%arg5 : memref<100x128xf32, #tpu.memory_space<hbm>>) dst(%arg13 : memref<100x128xf32, #tpu.memory_space<vmem>>)
    %scan3A_78 = arith.constant 0 : i32
    %scan3A_79 = arith.constant 0 : i32
    %scan3A_80 = arith.constant 25 : i32
    %scan3A_81 = arith.addi %scan3A_79, %scan3A_80 : i32
    %scan3A_82 = arith.constant 1 : i32
    scf.for %scan3A_134 = %scan3A_79 to %scan3A_81 step %scan3A_82  : i32 {
      %mul3A_135 = arith.constant 4 : i32
      %mul3A_136 = arith.muli %mul3A_135, %scan3A_134 : i32
      %add3A_137 = arith.constant 0 : i32
      %add3A_138 = arith.addi %mul3A_136, %add3A_137 : i32
      %get3A = arith.index_cast %add3A_138 : i32 to index
      %get3A_139 = arith.constant 0 : index
      %get3A_140 = tpu.vector_load %arg11[%get3A, %get3A_139] {strides = array<i32>} : memref<100x128xf32, #tpu.memory_space<vmem>>, vector<16xf32>,
      %get3A_141 = arith.index_cast %add3A_138 : i32 to index
      %get3A_142 = arith.constant 0 : index
      %get3A_143 = tpu.vector_load %arg13[%get3A_141, %get3A_142] {strides = array<i32>} : memref<100x128xf32, #tpu.memory_space<vmem>>, vector<16xf32>,
      %add3A_144 = arith.addf %get3A_140, %get3A_143 : vector<16xf32>
      %neg3A = arith.constant 0.000000e+00 : f32
      %neg3A_145 = vector.broadcast %neg3A : f32 to vector<16xf32>
      %neg3A_146 = arith.subf %neg3A_145, %add3A_144 : vector<16xf32>
      %exp3A = math.exp %neg3A_146 : vector<16xf32>
      %add3A_147 = arith.constant 1.000000e+00 : f32
      %add3A_148 = vector.broadcast %add3A_147 : f32 to vector<16xf32>
      %add3A_149 = arith.addf %add3A_148, %exp3A : vector<16xf32>
      %div3A = arith.divf %add3A_144, %add3A_149 : vector<16xf32>
      %swap3A_150 = arith.index_cast %add3A_138 : i32 to index
      %swap3A_151 = arith.constant 0 : index
      %swap3A_152 = tpu.vector_load %arg11[%swap3A_150, %swap3A_151] {strides = array<i32>} : memref<100x128xf32, #tpu.memory_space<vmem>>, vector<16xf32>,
      tpu.vector_store %arg11[%swap3A_150, %swap3A_151], %div3A {strides = array<i32>} : memref<100x128xf32, #tpu.memory_space<vmem>>, vector<16xf32>,
      %get3A_153 = arith.index_cast %add3A_138 : i32 to index
      %get3A_154 = arith.constant 16 : index
      %get3A_155 = tpu.vector_load %arg11[%get3A_153, %get3A_154] {strides = array<i32>} : memref<100x128xf32, #tpu.memory_space<vmem>>, vector<16xf32>,
      %get3A_156 = arith.index_cast %add3A_138 : i32 to index
      %get3A_157 = arith.constant 16 : index
      %get3A_158 = tpu.vector_load %arg13[%get3A_156, %get3A_157] {strides = array<i32>} : memref<100x128xf32, #tpu.memory_space<vmem>>, vector<16xf32>,
      %add3A_159 = arith.addf %get3A_155, %get3A_158 : vector<16xf32>
      %neg3A_160 = arith.constant 0.000000e+00 : f32
      %neg3A_161 = vector.broadcast %neg3A_160 : f32 to vector<16xf32>
      %neg3A_162 = arith.subf %neg3A_161, %add3A_159 : vector<16xf32>
      %exp3A_163 = math.exp %neg3A_162 : vector<16xf32>
      %add3A_164 = arith.constant 1.000000e+00 : f32
      %add3A_165 = vector.broadcast %add3A_164 : f32 to vector<16xf32>
      %add3A_166 = arith.addf %add3A_165, %exp3A_163 : vector<16xf32>
      %div3A_167 = arith.divf %add3A_159, %add3A_166 : vector<16xf32>
      %swap3A_168 = arith.index_cast %add3A_138 : i32 to index
      %swap3A_169 = arith.constant 16 : index
      %swap3A_170 = tpu.vector_load %arg11[%swap3A_168, %swap3A_169] {strides = array<i32>} : memref<100x128xf32, #tpu.memory_space<vmem>>, vector<16xf32>,
      tpu.vector_store %arg11[%swap3A_168, %swap3A_169], %div3A_167 {strides = array<i32>} : memref<100x128xf32, #tpu.memory_space<vmem>>, vector<16xf32>,
      %get3A_171 = arith.index_cast %add3A_138 : i32 to index
      %get3A_172 = arith.constant 32 : index
      %get3A_173 = tpu.vector_load %arg11[%get3A_171, %get3A_172] {strides = array<i32>} : memref<100x128xf32, #tpu.memory_space<vmem>>, vector<16xf32>,
      %get3A_174 = arith.index_cast %add3A_138 : i32 to index
      %get3A_175 = arith.constant 32 : index
      %get3A_176 = tpu.vector_load %arg13[%get3A_174, %get3A_175] {strides = array<i32>} : memref<100x128xf32, #tpu.memory_space<vmem>>, vector<16xf32>,
      %add3A_177 = arith.addf %get3A_173, %get3A_176 : vector<16xf32>
      %neg3A_178 = arith.constant 0.000000e+00 : f32
      %neg3A_179 = vector.broadcast %neg3A_178 : f32 to vector<16xf32>
      %neg3A_180 = arith.subf %neg3A_179, %add3A_177 : vector<16xf32>
      %exp3A_181 = math.exp %neg3A_180 : vector<16xf32>
      %add3A_182 = arith.constant 1.000000e+00 : f32
      %add3A_183 = vector.broadcast %add3A_182 : f32 to vector<16xf32>
      %add3A_184 = arith.addf %add3A_183, %exp3A_181 : vector<16xf32>
      %div3A_185 = arith.divf %add3A_177, %add3A_184 : vector<16xf32>
      %swap3A_186 = arith.index_cast %add3A_138 : i32 to index
      %swap3A_187 = arith.constant 32 : index
      %swap3A_188 = tpu.vector_load %arg11[%swap3A_186, %swap3A_187] {strides = array<i32>} : memref<100x128xf32, #tpu.memory_space<vmem>>, vector<16xf32>,
      tpu.vector_store %arg11[%swap3A_186, %swap3A_187], %div3A_185 {strides = array<i32>} : memref<100x128xf32, #tpu.memory_space<vmem>>, vector<16xf32>,
      %get3A_189 = arith.index_cast %add3A_138 : i32 to index
      %get3A_190 = arith.constant 48 : index
      %get3A_191 = tpu.vector_load %arg11[%get3A_189, %get3A_190] {strides = array<i32>} : memref<100x128xf32, #tpu.memory_space<vmem>>, vector<16xf32>,
      %get3A_192 = arith.index_cast %add3A_138 : i32 to index
      %get3A_193 = arith.constant 48 : index
      %get3A_194 = tpu.vector_load %arg13[%get3A_192, %get3A_193] {strides = array<i32>} : memref<100x128xf32, #tpu.memory_space<vmem>>, vector<16xf32>,
      %add3A_195 = arith.addf %get3A_191, %get3A_194 : vector<16xf32>
      %neg3A_196 = arith.constant 0.000000e+00 : f32
      %neg3A_197 = vector.broadcast %neg3A_196 : f32 to vector<16xf32>
      %neg3A_198 = arith.subf %neg3A_197, %add3A_195 : vector<16xf32>
      %exp3A_199 = math.exp %neg3A_198 : vector<16xf32>
      %add3A_200 = arith.constant 1.000000e+00 : f32
      %add3A_201 = vector.broadcast %add3A_200 : f32 to vector<16xf32>
      %add3A_202 = arith.addf %add3A_201, %exp3A_199 : vector<16xf32>
      %div3A_203 = arith.divf %add3A_195, %add3A_202 : vector<16xf32>
      %swap3A_204 = arith.index_cast %add3A_138 : i32 to index
      %swap3A_205 = arith.constant 48 : index
      %swap3A_206 = tpu.vector_load %arg11[%swap3A_204, %swap3A_205] {strides = array<i32>} : memref<100x128xf32, #tpu.memory_space<vmem>>, vector<16xf32>,
      tpu.vector_store %arg11[%swap3A_204, %swap3A_205], %div3A_203 {strides = array<i32>} : memref<100x128xf32, #tpu.memory_space<vmem>>, vector<16xf32>,
      %get3A_207 = arith.index_cast %add3A_138 : i32 to index
      %get3A_208 = arith.constant 64 : index
      %get3A_209 = tpu.vector_load %arg11[%get3A_207, %get3A_208] {strides = array<i32>} : memref<100x128xf32, #tpu.memory_space<vmem>>, vector<16xf32>,
      %get3A_210 = arith.index_cast %add3A_138 : i32 to index
      %get3A_211 = arith.constant 64 : index
      %get3A_212 = tpu.vector_load %arg13[%get3A_210, %get3A_211] {strides = array<i32>} : memref<100x128xf32, #tpu.memory_space<vmem>>, vector<16xf32>,
      %add3A_213 = arith.addf %get3A_209, %get3A_212 : vector<16xf32>
      %neg3A_214 = arith.constant 0.000000e+00 : f32
      %neg3A_215 = vector.broadcast %neg3A_214 : f32 to vector<16xf32>
      %neg3A_216 = arith.subf %neg3A_215, %add3A_213 : vector<16xf32>
      %exp3A_217 = math.exp %neg3A_216 : vector<16xf32>
      %add3A_218 = arith.constant 1.000000e+00 : f32
      %add3A_219 = vector.broadcast %add3A_218 : f32 to vector<16xf32>
      %add3A_220 = arith.addf %add3A_219, %exp3A_217 : vector<16xf32>
      %div3A_221 = arith.divf %add3A_213, %add3A_220 : vector<16xf32>
      %swap3A_222 = arith.index_cast %add3A_138 : i32 to index
      %swap3A_223 = arith.constant 64 : index
      %swap3A_224 = tpu.vector_load %arg11[%swap3A_222, %swap3A_223] {strides = array<i32>} : memref<100x128xf32, #tpu.memory_space<vmem>>, vector<16xf32>,
      tpu.vector_store %arg11[%swap3A_222, %swap3A_223], %div3A_221 {strides = array<i32>} : memref<100x128xf32, #tpu.memory_space<vmem>>, vector<16xf32>,
      %get3A_225 = arith.index_cast %add3A_138 : i32 to index
      %get3A_226 = arith.constant 80 : index
      %get3A_227 = tpu.vector_load %arg11[%get3A_225, %get3A_226] {strides = array<i32>} : memref<100x128xf32, #tpu.memory_space<vmem>>, vector<16xf32>,
      %get3A_228 = arith.index_cast %add3A_138 : i32 to index
      %get3A_229 = arith.constant 80 : index
      %get3A_230 = tpu.vector_load %arg13[%get3A_228, %get3A_229] {strides = array<i32>} : memref<100x128xf32, #tpu.memory_space<vmem>>, vector<16xf32>,
      %add3A_231 = arith.addf %get3A_227, %get3A_230 : vector<16xf32>
      %neg3A_232 = arith.constant 0.000000e+00 : f32
      %neg3A_233 = vector.broadcast %neg3A_232 : f32 to vector<16xf32>
      %neg3A_234 = arith.subf %neg3A_233, %add3A_231 : vector<16xf32>
      %exp3A_235 = math.exp %neg3A_234 : vector<16xf32>
      %add3A_236 = arith.constant 1.000000e+00 : f32
      %add3A_237 = vector.broadcast %add3A_236 : f32 to vector<16xf32>
      %add3A_238 = arith.addf %add3A_237, %exp3A_235 : vector<16xf32>
      %div3A_239 = arith.divf %add3A_231, %add3A_238 : vector<16xf32>
      %swap3A_240 = arith.index_cast %add3A_138 : i32 to index
      %swap3A_241 = arith.constant 80 : index
      %swap3A_242 = tpu.vector_load %arg11[%swap3A_240, %swap3A_241] {strides = array<i32>} : memref<100x128xf32, #tpu.memory_space<vmem>>, vector<16xf32>,
      tpu.vector_store %arg11[%swap3A_240, %swap3A_241], %div3A_239 {strides = array<i32>} : memref<100x128xf32, #tpu.memory_space<vmem>>, vector<16xf32>,
      %get3A_243 = arith.index_cast %add3A_138 : i32 to index
      %get3A_244 = arith.constant 96 : index
      %get3A_245 = tpu.vector_load %arg11[%get3A_243, %get3A_244] {strides = array<i32>} : memref<100x128xf32, #tpu.memory_space<vmem>>, vector<16xf32>,
      %get3A_246 = arith.index_cast %add3A_138 : i32 to index
      %get3A_247 = arith.constant 96 : index
      %get3A_248 = tpu.vector_load %arg13[%get3A_246, %get3A_247] {strides = array<i32>} : memref<100x128xf32, #tpu.memory_space<vmem>>, vector<16xf32>,
      %add3A_249 = arith.addf %get3A_245, %get3A_248 : vector<16xf32>
      %neg3A_250 = arith.constant 0.000000e+00 : f32
      %neg3A_251 = vector.broadcast %neg3A_250 : f32 to vector<16xf32>
      %neg3A_252 = arith.subf %neg3A_251, %add3A_249 : vector<16xf32>
      %exp3A_253 = math.exp %neg3A_252 : vector<16xf32>
      %add3A_254 = arith.constant 1.000000e+00 : f32
      %add3A_255 = vector.broadcast %add3A_254 : f32 to vector<16xf32>
      %add3A_256 = arith.addf %add3A_255, %exp3A_253 : vector<16xf32>
      %div3A_257 = arith.divf %add3A_249, %add3A_256 : vector<16xf32>
      %swap3A_258 = arith.index_cast %add3A_138 : i32 to index
      %swap3A_259 = arith.constant 96 : index
      %swap3A_260 = tpu.vector_load %arg11[%swap3A_258, %swap3A_259] {strides = array<i32>} : memref<100x128xf32, #tpu.memory_space<vmem>>, vector<16xf32>,
      tpu.vector_store %arg11[%swap3A_258, %swap3A_259], %div3A_257 {strides = array<i32>} : memref<100x128xf32, #tpu.memory_space<vmem>>, vector<16xf32>,
      %get3A_261 = arith.index_cast %add3A_138 : i32 to index
      %get3A_262 = arith.constant 112 : index
      %get3A_263 = tpu.vector_load %arg11[%get3A_261, %get3A_262] {strides = array<i32>} : memref<100x128xf32, #tpu.memory_space<vmem>>, vector<16xf32>,
      %get3A_264 = arith.index_cast %add3A_138 : i32 to index
      %get3A_265 = arith.constant 112 : index
      %get3A_266 = tpu.vector_load %arg13[%get3A_264, %get3A_265] {strides = array<i32>} : memref<100x128xf32, #tpu.memory_space<vmem>>, vector<16xf32>,
      %add3A_267 = arith.addf %get3A_263, %get3A_266 : vector<16xf32>
      %neg3A_268 = arith.constant 0.000000e+00 : f32
      %neg3A_269 = vector.broadcast %neg3A_268 : f32 to vector<16xf32>
      %neg3A_270 = arith.subf %neg3A_269, %add3A_267 : vector<16xf32>
      %exp3A_271 = math.exp %neg3A_270 : vector<16xf32>
      %add3A_272 = arith.constant 1.000000e+00 : f32
      %add3A_273 = vector.broadcast %add3A_272 : f32 to vector<16xf32>
      %add3A_274 = arith.addf %add3A_273, %exp3A_271 : vector<16xf32>
      %div3A_275 = arith.divf %add3A_267, %add3A_274 : vector<16xf32>
      %swap3A_276 = arith.index_cast %add3A_138 : i32 to index
      %swap3A_277 = arith.constant 112 : index
      %swap3A_278 = tpu.vector_load %arg11[%swap3A_276, %swap3A_277] {strides = array<i32>} : memref<100x128xf32, #tpu.memory_space<vmem>>, vector<16xf32>,
      tpu.vector_store %arg11[%swap3A_276, %swap3A_277], %div3A_275 {strides = array<i32>} : memref<100x128xf32, #tpu.memory_space<vmem>>, vector<16xf32>,
      %mul3A_279 = arith.constant 4 : i32
      %mul3A_280 = arith.muli %mul3A_279, %scan3A_134 : i32
      %add3A_281 = arith.constant 1 : i32
      %add3A_282 = arith.addi %mul3A_280, %add3A_281 : i32
      %get3A_283 = arith.index_cast %add3A_282 : i32 to index
      %get3A_284 = arith.constant 0 : index
      %get3A_285 = tpu.vector_load %arg11[%get3A_283, %get3A_284] {strides = array<i32>} : memref<100x128xf32, #tpu.memory_space<vmem>>, vector<16xf32>,
      %get3A_286 = arith.index_cast %add3A_282 : i32 to index
      %get3A_287 = arith.constant 0 : index
      %get3A_288 = tpu.vector_load %arg13[%get3A_286, %get3A_287] {strides = array<i32>} : memref<100x128xf32, #tpu.memory_space<vmem>>, vector<16xf32>,
      %add3A_289 = arith.addf %get3A_285, %get3A_288 : vector<16xf32>
      %neg3A_290 = arith.constant 0.000000e+00 : f32
      %neg3A_291 = vector.broadcast %neg3A_290 : f32 to vector<16xf32>
      %neg3A_292 = arith.subf %neg3A_291, %add3A_289 : vector<16xf32>
      %exp3A_293 = math.exp %neg3A_292 : vector<16xf32>
      %add3A_294 = arith.constant 1.000000e+00 : f32
      %add3A_295 = vector.broadcast %add3A_294 : f32 to vector<16xf32>
      %add3A_296 = arith.addf %add3A_295, %exp3A_293 : vector<16xf32>
      %div3A_297 = arith.divf %add3A_289, %add3A_296 : vector<16xf32>
      %swap3A_298 = arith.index_cast %add3A_282 : i32 to index
      %swap3A_299 = arith.constant 0 : index
      %swap3A_300 = tpu.vector_load %arg11[%swap3A_298, %swap3A_299] {strides = array<i32>} : memref<100x128xf32, #tpu.memory_space<vmem>>, vector<16xf32>,
      tpu.vector_store %arg11[%swap3A_298, %swap3A_299], %div3A_297 {strides = array<i32>} : memref<100x128xf32, #tpu.memory_space<vmem>>, vector<16xf32>,
      %get3A_301 = arith.index_cast %add3A_282 : i32 to index
      %get3A_302 = arith.constant 16 : index
      %get3A_303 = tpu.vector_load %arg11[%get3A_301, %get3A_302] {strides = array<i32>} : memref<100x128xf32, #tpu.memory_space<vmem>>, vector<16xf32>,
      %get3A_304 = arith.index_cast %add3A_282 : i32 to index
      %get3A_305 = arith.constant 16 : index
      %get3A_306 = tpu.vector_load %arg13[%get3A_304, %get3A_305] {strides = array<i32>} : memref<100x128xf32, #tpu.memory_space<vmem>>, vector<16xf32>,
      %add3A_307 = arith.addf %get3A_303, %get3A_306 : vector<16xf32>
      %neg3A_308 = arith.constant 0.000000e+00 : f32
      %neg3A_309 = vector.broadcast %neg3A_308 : f32 to vector<16xf32>
      %neg3A_310 = arith.subf %neg3A_309, %add3A_307 : vector<16xf32>
      %exp3A_311 = math.exp %neg3A_310 : vector<16xf32>
      %add3A_312 = arith.constant 1.000000e+00 : f32
      %add3A_313 = vector.broadcast %add3A_312 : f32 to vector<16xf32>
      %add3A_314 = arith.addf %add3A_313, %exp3A_311 : vector<16xf32>
      %div3A_315 = arith.divf %add3A_307, %add3A_314 : vector<16xf32>
      %swap3A_316 = arith.index_cast %add3A_282 : i32 to index
      %swap3A_317 = arith.constant 16 : index
      %swap3A_318 = tpu.vector_load %arg11[%swap3A_316, %swap3A_317] {strides = array<i32>} : memref<100x128xf32, #tpu.memory_space<vmem>>, vector<16xf32>,
      tpu.vector_store %arg11[%swap3A_316, %swap3A_317], %div3A_315 {strides = array<i32>} : memref<100x128xf32, #tpu.memory_space<vmem>>, vector<16xf32>,
      %get3A_319 = arith.index_cast %add3A_282 : i32 to index
      %get3A_320 = arith.constant 32 : index
      %get3A_321 = tpu.vector_load %arg11[%get3A_319, %get3A_320] {strides = array<i32>} : memref<100x128xf32, #tpu.memory_space<vmem>>, vector<16xf32>,
      %get3A_322 = arith.index_cast %add3A_282 : i32 to index
      %get3A_323 = arith.constant 32 : index
      %get3A_324 = tpu.vector_load %arg13[%get3A_322, %get3A_323] {strides = array<i32>} : memref<100x128xf32, #tpu.memory_space<vmem>>, vector<16xf32>,
      %add3A_325 = arith.addf %get3A_321, %get3A_324 : vector<16xf32>
      %neg3A_326 = arith.constant 0.000000e+00 : f32
      %neg3A_327 = vector.broadcast %neg3A_326 : f32 to vector<16xf32>
      %neg3A_328 = arith.subf %neg3A_327, %add3A_325 : vector<16xf32>
      %exp3A_329 = math.exp %neg3A_328 : vector<16xf32>
      %add3A_330 = arith.constant 1.000000e+00 : f32
      %add3A_331 = vector.broadcast %add3A_330 : f32 to vector<16xf32>
      %add3A_332 = arith.addf %add3A_331, %exp3A_329 : vector<16xf32>
      %div3A_333 = arith.divf %add3A_325, %add3A_332 : vector<16xf32>
      %swap3A_334 = arith.index_cast %add3A_282 : i32 to index
      %swap3A_335 = arith.constant 32 : index
      %swap3A_336 = tpu.vector_load %arg11[%swap3A_334, %swap3A_335] {strides = array<i32>} : memref<100x128xf32, #tpu.memory_space<vmem>>, vector<16xf32>,
      tpu.vector_store %arg11[%swap3A_334, %swap3A_335], %div3A_333 {strides = array<i32>} : memref<100x128xf32, #tpu.memory_space<vmem>>, vector<16xf32>,
      %get3A_337 = arith.index_cast %add3A_282 : i32 to index
      %get3A_338 = arith.constant 48 : index
      %get3A_339 = tpu.vector_load %arg11[%get3A_337, %get3A_338] {strides = array<i32>} : memref<100x128xf32, #tpu.memory_space<vmem>>, vector<16xf32>,
      %get3A_340 = arith.index_cast %add3A_282 : i32 to index
      %get3A_341 = arith.constant 48 : index
      %get3A_342 = tpu.vector_load %arg13[%get3A_340, %get3A_341] {strides = array<i32>} : memref<100x128xf32, #tpu.memory_space<vmem>>, vector<16xf32>,
      %add3A_343 = arith.addf %get3A_339, %get3A_342 : vector<16xf32>
      %neg3A_344 = arith.constant 0.000000e+00 : f32
      %neg3A_345 = vector.broadcast %neg3A_344 : f32 to vector<16xf32>
      %neg3A_346 = arith.subf %neg3A_345, %add3A_343 : vector<16xf32>
      %exp3A_347 = math.exp %neg3A_346 : vector<16xf32>
      %add3A_348 = arith.constant 1.000000e+00 : f32
      %add3A_349 = vector.broadcast %add3A_348 : f32 to vector<16xf32>
      %add3A_350 = arith.addf %add3A_349, %exp3A_347 : vector<16xf32>
      %div3A_351 = arith.divf %add3A_343, %add3A_350 : vector<16xf32>
      %swap3A_352 = arith.index_cast %add3A_282 : i32 to index
      %swap3A_353 = arith.constant 48 : index
      %swap3A_354 = tpu.vector_load %arg11[%swap3A_352, %swap3A_353] {strides = array<i32>} : memref<100x128xf32, #tpu.memory_space<vmem>>, vector<16xf32>,
      tpu.vector_store %arg11[%swap3A_352, %swap3A_353], %div3A_351 {strides = array<i32>} : memref<100x128xf32, #tpu.memory_space<vmem>>, vector<16xf32>,
      %get3A_355 = arith.index_cast %add3A_282 : i32 to index
      %get3A_356 = arith.constant 64 : index
      %get3A_357 = tpu.vector_load %arg11[%get3A_355, %get3A_356] {strides = array<i32>} : memref<100x128xf32, #tpu.memory_space<vmem>>, vector<16xf32>,
      %get3A_358 = arith.index_cast %add3A_282 : i32 to index
      %get3A_359 = arith.constant 64 : index
      %get3A_360 = tpu.vector_load %arg13[%get3A_358, %get3A_359] {strides = array<i32>} : memref<100x128xf32, #tpu.memory_space<vmem>>, vector<16xf32>,
      %add3A_361 = arith.addf %get3A_357, %get3A_360 : vector<16xf32>
      %neg3A_362 = arith.constant 0.000000e+00 : f32
      %neg3A_363 = vector.broadcast %neg3A_362 : f32 to vector<16xf32>
      %neg3A_364 = arith.subf %neg3A_363, %add3A_361 : vector<16xf32>
      %exp3A_365 = math.exp %neg3A_364 : vector<16xf32>
      %add3A_366 = arith.constant 1.000000e+00 : f32
      %add3A_367 = vector.broadcast %add3A_366 : f32 to vector<16xf32>
      %add3A_368 = arith.addf %add3A_367, %exp3A_365 : vector<16xf32>
      %div3A_369 = arith.divf %add3A_361, %add3A_368 : vector<16xf32>
      %swap3A_370 = arith.index_cast %add3A_282 : i32 to index
      %swap3A_371 = arith.constant 64 : index
      %swap3A_372 = tpu.vector_load %arg11[%swap3A_370, %swap3A_371] {strides = array<i32>} : memref<100x128xf32, #tpu.memory_space<vmem>>, vector<16xf32>,
      tpu.vector_store %arg11[%swap3A_370, %swap3A_371], %div3A_369 {strides = array<i32>} : memref<100x128xf32, #tpu.memory_space<vmem>>, vector<16xf32>,
      %get3A_373 = arith.index_cast %add3A_282 : i32 to index
      %get3A_374 = arith.constant 80 : index
      %get3A_375 = tpu.vector_load %arg11[%get3A_373, %get3A_374] {strides = array<i32>} : memref<100x128xf32, #tpu.memory_space<vmem>>, vector<16xf32>,
      %get3A_376 = arith.index_cast %add3A_282 : i32 to index
      %get3A_377 = arith.constant 80 : index
      %get3A_378 = tpu.vector_load %arg13[%get3A_376, %get3A_377] {strides = array<i32>} : memref<100x128xf32, #tpu.memory_space<vmem>>, vector<16xf32>,
      %add3A_379 = arith.addf %get3A_375, %get3A_378 : vector<16xf32>
      %neg3A_380 = arith.constant 0.000000e+00 : f32
      %neg3A_381 = vector.broadcast %neg3A_380 : f32 to vector<16xf32>
      %neg3A_382 = arith.subf %neg3A_381, %add3A_379 : vector<16xf32>
      %exp3A_383 = math.exp %neg3A_382 : vector<16xf32>
      %add3A_384 = arith.constant 1.000000e+00 : f32
      %add3A_385 = vector.broadcast %add3A_384 : f32 to vector<16xf32>
      %add3A_386 = arith.addf %add3A_385, %exp3A_383 : vector<16xf32>
      %div3A_387 = arith.divf %add3A_379, %add3A_386 : vector<16xf32>
      %swap3A_388 = arith.index_cast %add3A_282 : i32 to index
      %swap3A_389 = arith.constant 80 : index
      %swap3A_390 = tpu.vector_load %arg11[%swap3A_388, %swap3A_389] {strides = array<i32>} : memref<100x128xf32, #tpu.memory_space<vmem>>, vector<16xf32>,
      tpu.vector_store %arg11[%swap3A_388, %swap3A_389], %div3A_387 {strides = array<i32>} : memref<100x128xf32, #tpu.memory_space<vmem>>, vector<16xf32>,
      %get3A_391 = arith.index_cast %add3A_282 : i32 to index
      %get3A_392 = arith.constant 96 : index
      %get3A_393 = tpu.vector_load %arg11[%get3A_391, %get3A_392] {strides = array<i32>} : memref<100x128xf32, #tpu.memory_space<vmem>>, vector<16xf32>,
      %get3A_394 = arith.index_cast %add3A_282 : i32 to index
      %get3A_395 = arith.constant 96 : index
      %get3A_396 = tpu.vector_load %arg13[%get3A_394, %get3A_395] {strides = array<i32>} : memref<100x128xf32, #tpu.memory_space<vmem>>, vector<16xf32>,
      %add3A_397 = arith.addf %get3A_393, %get3A_396 : vector<16xf32>
      %neg3A_398 = arith.constant 0.000000e+00 : f32
      %neg3A_399 = vector.broadcast %neg3A_398 : f32 to vector<16xf32>
      %neg3A_400 = arith.subf %neg3A_399, %add3A_397 : vector<16xf32>
      %exp3A_401 = math.exp %neg3A_400 : vector<16xf32>
      %add3A_402 = arith.constant 1.000000e+00 : f32
      %add3A_403 = vector.broadcast %add3A_402 : f32 to vector<16xf32>
      %add3A_404 = arith.addf %add3A_403, %exp3A_401 : vector<16xf32>
      %div3A_405 = arith.divf %add3A_397, %add3A_404 : vector<16xf32>
      %swap3A_406 = arith.index_cast %add3A_282 : i32 to index
      %swap3A_407 = arith.constant 96 : index
      %swap3A_408 = tpu.vector_load %arg11[%swap3A_406, %swap3A_407] {strides = array<i32>} : memref<100x128xf32, #tpu.memory_space<vmem>>, vector<16xf32>,
      tpu.vector_store %arg11[%swap3A_406, %swap3A_407], %div3A_405 {strides = array<i32>} : memref<100x128xf32, #tpu.memory_space<vmem>>, vector<16xf32>,
      %get3A_409 = arith.index_cast %add3A_282 : i32 to index
      %get3A_410 = arith.constant 112 : index
      %get3A_411 = tpu.vector_load %arg11[%get3A_409, %get3A_410] {strides = array<i32>} : memref<100x128xf32, #tpu.memory_space<vmem>>, vector<16xf32>,
      %get3A_412 = arith.index_cast %add3A_282 : i32 to index
      %get3A_413 = arith.constant 112 : index
      %get3A_414 = tpu.vector_load %arg13[%get3A_412, %get3A_413] {strides = array<i32>} : memref<100x128xf32, #tpu.memory_space<vmem>>, vector<16xf32>,
      %add3A_415 = arith.addf %get3A_411, %get3A_414 : vector<16xf32>
      %neg3A_416 = arith.constant 0.000000e+00 : f32
      %neg3A_417 = vector.broadcast %neg3A_416 : f32 to vector<16xf32>
      %neg3A_418 = arith.subf %neg3A_417, %add3A_415 : vector<16xf32>
      %exp3A_419 = math.exp %neg3A_418 : vector<16xf32>
      %add3A_420 = arith.constant 1.000000e+00 : f32
      %add3A_421 = vector.broadcast %add3A_420 : f32 to vector<16xf32>
      %add3A_422 = arith.addf %add3A_421, %exp3A_419 : vector<16xf32>
      %div3A_423 = arith.divf %add3A_415, %add3A_422 : vector<16xf32>
      %swap3A_424 = arith.index_cast %add3A_282 : i32 to index
      %swap3A_425 = arith.constant 112 : index
      %swap3A_426 = tpu.vector_load %arg11[%swap3A_424, %swap3A_425] {strides = array<i32>} : memref<100x128xf32, #tpu.memory_space<vmem>>, vector<16xf32>,
      tpu.vector_store %arg11[%swap3A_424, %swap3A_425], %div3A_423 {strides = array<i32>} : memref<100x128xf32, #tpu.memory_space<vmem>>, vector<16xf32>,
      %mul3A_427 = arith.constant 4 : i32
      %mul3A_428 = arith.muli %mul3A_427, %scan3A_134 : i32
      %add3A_429 = arith.constant 2 : i32
      %add3A_430 = arith.addi %mul3A_428, %add3A_429 : i32
      %get3A_431 = arith.index_cast %add3A_430 : i32 to index
      %get3A_432 = arith.constant 0 : index
      %get3A_433 = tpu.vector_load %arg11[%get3A_431, %get3A_432] {strides = array<i32>} : memref<100x128xf32, #tpu.memory_space<vmem>>, vector<16xf32>,
      %get3A_434 = arith.index_cast %add3A_430 : i32 to index
      %get3A_435 = arith.constant 0 : index
      %get3A_436 = tpu.vector_load %arg13[%get3A_434, %get3A_435] {strides = array<i32>} : memref<100x128xf32, #tpu.memory_space<vmem>>, vector<16xf32>,
      %add3A_437 = arith.addf %get3A_433, %get3A_436 : vector<16xf32>
      %neg3A_438 = arith.constant 0.000000e+00 : f32
      %neg3A_439 = vector.broadcast %neg3A_438 : f32 to vector<16xf32>
      %neg3A_440 = arith.subf %neg3A_439, %add3A_437 : vector<16xf32>
      %exp3A_441 = math.exp %neg3A_440 : vector<16xf32>
      %add3A_442 = arith.constant 1.000000e+00 : f32
      %add3A_443 = vector.broadcast %add3A_442 : f32 to vector<16xf32>
      %add3A_444 = arith.addf %add3A_443, %exp3A_441 : vector<16xf32>
      %div3A_445 = arith.divf %add3A_437, %add3A_444 : vector<16xf32>
      %swap3A_446 = arith.index_cast %add3A_430 : i32 to index
      %swap3A_447 = arith.constant 0 : index
      %swap3A_448 = tpu.vector_load %arg11[%swap3A_446, %swap3A_447] {strides = array<i32>} : memref<100x128xf32, #tpu.memory_space<vmem>>, vector<16xf32>,
      tpu.vector_store %arg11[%swap3A_446, %swap3A_447], %div3A_445 {strides = array<i32>} : memref<100x128xf32, #tpu.memory_space<vmem>>, vector<16xf32>,
      %get3A_449 = arith.index_cast %add3A_430 : i32 to index
      %get3A_450 = arith.constant 16 : index
      %get3A_451 = tpu.vector_load %arg11[%get3A_449, %get3A_450] {strides = array<i32>} : memref<100x128xf32, #tpu.memory_space<vmem>>, vector<16xf32>,
      %get3A_452 = arith.index_cast %add3A_430 : i32 to index
      %get3A_453 = arith.constant 16 : index
      %get3A_454 = tpu.vector_load %arg13[%get3A_452, %get3A_453] {strides = array<i32>} : memref<100x128xf32, #tpu.memory_space<vmem>>, vector<16xf32>,
      %add3A_455 = arith.addf %get3A_451, %get3A_454 : vector<16xf32>
      %neg3A_456 = arith.constant 0.000000e+00 : f32
      %neg3A_457 = vector.broadcast %neg3A_456 : f32 to vector<16xf32>
      %neg3A_458 = arith.subf %neg3A_457, %add3A_455 : vector<16xf32>
      %exp3A_459 = math.exp %neg3A_458 : vector<16xf32>
      %add3A_460 = arith.constant 1.000000e+00 : f32
      %add3A_461 = vector.broadcast %add3A_460 : f32 to vector<16xf32>
      %add3A_462 = arith.addf %add3A_461, %exp3A_459 : vector<16xf32>
      %div3A_463 = arith.divf %add3A_455, %add3A_462 : vector<16xf32>
      %swap3A_464 = arith.index_cast %add3A_430 : i32 to index
      %swap3A_465 = arith.constant 16 : index
      %swap3A_466 = tpu.vector_load %arg11[%swap3A_464, %swap3A_465] {strides = array<i32>} : memref<100x128xf32, #tpu.memory_space<vmem>>, vector<16xf32>,
      tpu.vector_store %arg11[%swap3A_464, %swap3A_465], %div3A_463 {strides = array<i32>} : memref<100x128xf32, #tpu.memory_space<vmem>>, vector<16xf32>,
      %get3A_467 = arith.index_cast %add3A_430 : i32 to index
      %get3A_468 = arith.constant 32 : index
      %get3A_469 = tpu.vector_load %arg11[%get3A_467, %get3A_468] {strides = array<i32>} : memref<100x128xf32, #tpu.memory_space<vmem>>, vector<16xf32>,
      %get3A_470 = arith.index_cast %add3A_430 : i32 to index
      %get3A_471 = arith.constant 32 : index
      %get3A_472 = tpu.vector_load %arg13[%get3A_470, %get3A_471] {strides = array<i32>} : memref<100x128xf32, #tpu.memory_space<vmem>>, vector<16xf32>,
      %add3A_473 = arith.addf %get3A_469, %get3A_472 : vector<16xf32>
      %neg3A_474 = arith.constant 0.000000e+00 : f32
      %neg3A_475 = vector.broadcast %neg3A_474 : f32 to vector<16xf32>
      %neg3A_476 = arith.subf %neg3A_475, %add3A_473 : vector<16xf32>
      %exp3A_477 = math.exp %neg3A_476 : vector<16xf32>
      %add3A_478 = arith.constant 1.000000e+00 : f32
      %add3A_479 = vector.broadcast %add3A_478 : f32 to vector<16xf32>
      %add3A_480 = arith.addf %add3A_479, %exp3A_477 : vector<16xf32>
      %div3A_481 = arith.divf %add3A_473, %add3A_480 : vector<16xf32>
      %swap3A_482 = arith.index_cast %add3A_430 : i32 to index
      %swap3A_483 = arith.constant 32 : index
      %swap3A_484 = tpu.vector_load %arg11[%swap3A_482, %swap3A_483] {strides = array<i32>} : memref<100x128xf32, #tpu.memory_space<vmem>>, vector<16xf32>,
      tpu.vector_store %arg11[%swap3A_482, %swap3A_483], %div3A_481 {strides = array<i32>} : memref<100x128xf32, #tpu.memory_space<vmem>>, vector<16xf32>,
      %get3A_485 = arith.index_cast %add3A_430 : i32 to index
      %get3A_486 = arith.constant 48 : index
      %get3A_487 = tpu.vector_load %arg11[%get3A_485, %get3A_486] {strides = array<i32>} : memref<100x128xf32, #tpu.memory_space<vmem>>, vector<16xf32>,
      %get3A_488 = arith.index_cast %add3A_430 : i32 to index
      %get3A_489 = arith.constant 48 : index
      %get3A_490 = tpu.vector_load %arg13[%get3A_488, %get3A_489] {strides = array<i32>} : memref<100x128xf32, #tpu.memory_space<vmem>>, vector<16xf32>,
      %add3A_491 = arith.addf %get3A_487, %get3A_490 : vector<16xf32>
      %neg3A_492 = arith.constant 0.000000e+00 : f32
      %neg3A_493 = vector.broadcast %neg3A_492 : f32 to vector<16xf32>
      %neg3A_494 = arith.subf %neg3A_493, %add3A_491 : vector<16xf32>
      %exp3A_495 = math.exp %neg3A_494 : vector<16xf32>
      %add3A_496 = arith.constant 1.000000e+00 : f32
      %add3A_497 = vector.broadcast %add3A_496 : f32 to vector<16xf32>
      %add3A_498 = arith.addf %add3A_497, %exp3A_495 : vector<16xf32>
      %div3A_499 = arith.divf %add3A_491, %add3A_498 : vector<16xf32>
      %swap3A_500 = arith.index_cast %add3A_430 : i32 to index
      %swap3A_501 = arith.constant 48 : index
      %swap3A_502 = tpu.vector_load %arg11[%swap3A_500, %swap3A_501] {strides = array<i32>} : memref<100x128xf32, #tpu.memory_space<vmem>>, vector<16xf32>,
      tpu.vector_store %arg11[%swap3A_500, %swap3A_501], %div3A_499 {strides = array<i32>} : memref<100x128xf32, #tpu.memory_space<vmem>>, vector<16xf32>,
      %get3A_503 = arith.index_cast %add3A_430 : i32 to index
      %get3A_504 = arith.constant 64 : index
      %get3A_505 = tpu.vector_load %arg11[%get3A_503, %get3A_504] {strides = array<i32>} : memref<100x128xf32, #tpu.memory_space<vmem>>, vector<16xf32>,
      %get3A_506 = arith.index_cast %add3A_430 : i32 to index
      %get3A_507 = arith.constant 64 : index
      %get3A_508 = tpu.vector_load %arg13[%get3A_506, %get3A_507] {strides = array<i32>} : memref<100x128xf32, #tpu.memory_space<vmem>>, vector<16xf32>,
      %add3A_509 = arith.addf %get3A_505, %get3A_508 : vector<16xf32>
      %neg3A_510 = arith.constant 0.000000e+00 : f32
      %neg3A_511 = vector.broadcast %neg3A_510 : f32 to vector<16xf32>
      %neg3A_512 = arith.subf %neg3A_511, %add3A_509 : vector<16xf32>
      %exp3A_513 = math.exp %neg3A_512 : vector<16xf32>
      %add3A_514 = arith.constant 1.000000e+00 : f32
      %add3A_515 = vector.broadcast %add3A_514 : f32 to vector<16xf32>
      %add3A_516 = arith.addf %add3A_515, %exp3A_513 : vector<16xf32>
      %div3A_517 = arith.divf %add3A_509, %add3A_516 : vector<16xf32>
      %swap3A_518 = arith.index_cast %add3A_430 : i32 to index
      %swap3A_519 = arith.constant 64 : index
      %swap3A_520 = tpu.vector_load %arg11[%swap3A_518, %swap3A_519] {strides = array<i32>} : memref<100x128xf32, #tpu.memory_space<vmem>>, vector<16xf32>,
      tpu.vector_store %arg11[%swap3A_518, %swap3A_519], %div3A_517 {strides = array<i32>} : memref<100x128xf32, #tpu.memory_space<vmem>>, vector<16xf32>,
      %get3A_521 = arith.index_cast %add3A_430 : i32 to index
      %get3A_522 = arith.constant 80 : index
      %get3A_523 = tpu.vector_load %arg11[%get3A_521, %get3A_522] {strides = array<i32>} : memref<100x128xf32, #tpu.memory_space<vmem>>, vector<16xf32>,
      %get3A_524 = arith.index_cast %add3A_430 : i32 to index
      %get3A_525 = arith.constant 80 : index
      %get3A_526 = tpu.vector_load %arg13[%get3A_524, %get3A_525] {strides = array<i32>} : memref<100x128xf32, #tpu.memory_space<vmem>>, vector<16xf32>,
      %add3A_527 = arith.addf %get3A_523, %get3A_526 : vector<16xf32>
      %neg3A_528 = arith.constant 0.000000e+00 : f32
      %neg3A_529 = vector.broadcast %neg3A_528 : f32 to vector<16xf32>
      %neg3A_530 = arith.subf %neg3A_529, %add3A_527 : vector<16xf32>
      %exp3A_531 = math.exp %neg3A_530 : vector<16xf32>
      %add3A_532 = arith.constant 1.000000e+00 : f32
      %add3A_533 = vector.broadcast %add3A_532 : f32 to vector<16xf32>
      %add3A_534 = arith.addf %add3A_533, %exp3A_531 : vector<16xf32>
      %div3A_535 = arith.divf %add3A_527, %add3A_534 : vector<16xf32>
      %swap3A_536 = arith.index_cast %add3A_430 : i32 to index
      %swap3A_537 = arith.constant 80 : index
      %swap3A_538 = tpu.vector_load %arg11[%swap3A_536, %swap3A_537] {strides = array<i32>} : memref<100x128xf32, #tpu.memory_space<vmem>>, vector<16xf32>,
      tpu.vector_store %arg11[%swap3A_536, %swap3A_537], %div3A_535 {strides = array<i32>} : memref<100x128xf32, #tpu.memory_space<vmem>>, vector<16xf32>,
      %get3A_539 = arith.index_cast %add3A_430 : i32 to index
      %get3A_540 = arith.constant 96 : index
      %get3A_541 = tpu.vector_load %arg11[%get3A_539, %get3A_540] {strides = array<i32>} : memref<100x128xf32, #tpu.memory_space<vmem>>, vector<16xf32>,
      %get3A_542 = arith.index_cast %add3A_430 : i32 to index
      %get3A_543 = arith.constant 96 : index
      %get3A_544 = tpu.vector_load %arg13[%get3A_542, %get3A_543] {strides = array<i32>} : memref<100x128xf32, #tpu.memory_space<vmem>>, vector<16xf32>,
      %add3A_545 = arith.addf %get3A_541, %get3A_544 : vector<16xf32>
      %neg3A_546 = arith.constant 0.000000e+00 : f32
      %neg3A_547 = vector.broadcast %neg3A_546 : f32 to vector<16xf32>
      %neg3A_548 = arith.subf %neg3A_547, %add3A_545 : vector<16xf32>
      %exp3A_549 = math.exp %neg3A_548 : vector<16xf32>
      %add3A_550 = arith.constant 1.000000e+00 : f32
      %add3A_551 = vector.broadcast %add3A_550 : f32 to vector<16xf32>
      %add3A_552 = arith.addf %add3A_551, %exp3A_549 : vector<16xf32>
      %div3A_553 = arith.divf %add3A_545, %add3A_552 : vector<16xf32>
      %swap3A_554 = arith.index_cast %add3A_430 : i32 to index
      %swap3A_555 = arith.constant 96 : index
      %swap3A_556 = tpu.vector_load %arg11[%swap3A_554, %swap3A_555] {strides = array<i32>} : memref<100x128xf32, #tpu.memory_space<vmem>>, vector<16xf32>,
      tpu.vector_store %arg11[%swap3A_554, %swap3A_555], %div3A_553 {strides = array<i32>} : memref<100x128xf32, #tpu.memory_space<vmem>>, vector<16xf32>,
      %get3A_557 = arith.index_cast %add3A_430 : i32 to index
      %get3A_558 = arith.constant 112 : index
      %get3A_559 = tpu.vector_load %arg11[%get3A_557, %get3A_558] {strides = array<i32>} : memref<100x128xf32, #tpu.memory_space<vmem>>, vector<16xf32>,
      %get3A_560 = arith.index_cast %add3A_430 : i32 to index
      %get3A_561 = arith.constant 112 : index
      %get3A_562 = tpu.vector_load %arg13[%get3A_560, %get3A_561] {strides = array<i32>} : memref<100x128xf32, #tpu.memory_space<vmem>>, vector<16xf32>,
      %add3A_563 = arith.addf %get3A_559, %get3A_562 : vector<16xf32>
      %neg3A_564 = arith.constant 0.000000e+00 : f32
      %neg3A_565 = vector.broadcast %neg3A_564 : f32 to vector<16xf32>
      %neg3A_566 = arith.subf %neg3A_565, %add3A_563 : vector<16xf32>
      %exp3A_567 = math.exp %neg3A_566 : vector<16xf32>
      %add3A_568 = arith.constant 1.000000e+00 : f32
      %add3A_569 = vector.broadcast %add3A_568 : f32 to vector<16xf32>
      %add3A_570 = arith.addf %add3A_569, %exp3A_567 : vector<16xf32>
      %div3A_571 = arith.divf %add3A_563, %add3A_570 : vector<16xf32>
      %swap3A_572 = arith.index_cast %add3A_430 : i32 to index
      %swap3A_573 = arith.constant 112 : index
      %swap3A_574 = tpu.vector_load %arg11[%swap3A_572, %swap3A_573] {strides = array<i32>} : memref<100x128xf32, #tpu.memory_space<vmem>>, vector<16xf32>,
      tpu.vector_store %arg11[%swap3A_572, %swap3A_573], %div3A_571 {strides = array<i32>} : memref<100x128xf32, #tpu.memory_space<vmem>>, vector<16xf32>,
      %mul3A_575 = arith.constant 4 : i32
      %mul3A_576 = arith.muli %mul3A_575, %scan3A_134 : i32
      %add3A_577 = arith.constant 3 : i32
      %add3A_578 = arith.addi %mul3A_576, %add3A_577 : i32
      %get3A_579 = arith.index_cast %add3A_578 : i32 to index
      %get3A_580 = arith.constant 0 : index
      %get3A_581 = tpu.vector_load %arg11[%get3A_579, %get3A_580] {strides = array<i32>} : memref<100x128xf32, #tpu.memory_space<vmem>>, vector<16xf32>,
      %get3A_582 = arith.index_cast %add3A_578 : i32 to index
      %get3A_583 = arith.constant 0 : index
      %get3A_584 = tpu.vector_load %arg13[%get3A_582, %get3A_583] {strides = array<i32>} : memref<100x128xf32, #tpu.memory_space<vmem>>, vector<16xf32>,
      %add3A_585 = arith.addf %get3A_581, %get3A_584 : vector<16xf32>
      %neg3A_586 = arith.constant 0.000000e+00 : f32
      %neg3A_587 = vector.broadcast %neg3A_586 : f32 to vector<16xf32>
      %neg3A_588 = arith.subf %neg3A_587, %add3A_585 : vector<16xf32>
      %exp3A_589 = math.exp %neg3A_588 : vector<16xf32>
      %add3A_590 = arith.constant 1.000000e+00 : f32
      %add3A_591 = vector.broadcast %add3A_590 : f32 to vector<16xf32>
      %add3A_592 = arith.addf %add3A_591, %exp3A_589 : vector<16xf32>
      %div3A_593 = arith.divf %add3A_585, %add3A_592 : vector<16xf32>
      %swap3A_594 = arith.index_cast %add3A_578 : i32 to index
      %swap3A_595 = arith.constant 0 : index
      %swap3A_596 = tpu.vector_load %arg11[%swap3A_594, %swap3A_595] {strides = array<i32>} : memref<100x128xf32, #tpu.memory_space<vmem>>, vector<16xf32>,
      tpu.vector_store %arg11[%swap3A_594, %swap3A_595], %div3A_593 {strides = array<i32>} : memref<100x128xf32, #tpu.memory_space<vmem>>, vector<16xf32>,
      %get3A_597 = arith.index_cast %add3A_578 : i32 to index
      %get3A_598 = arith.constant 16 : index
      %get3A_599 = tpu.vector_load %arg11[%get3A_597, %get3A_598] {strides = array<i32>} : memref<100x128xf32, #tpu.memory_space<vmem>>, vector<16xf32>,
      %get3A_600 = arith.index_cast %add3A_578 : i32 to index
      %get3A_601 = arith.constant 16 : index
      %get3A_602 = tpu.vector_load %arg13[%get3A_600, %get3A_601] {strides = array<i32>} : memref<100x128xf32, #tpu.memory_space<vmem>>, vector<16xf32>,
      %add3A_603 = arith.addf %get3A_599, %get3A_602 : vector<16xf32>
      %neg3A_604 = arith.constant 0.000000e+00 : f32
      %neg3A_605 = vector.broadcast %neg3A_604 : f32 to vector<16xf32>
      %neg3A_606 = arith.subf %neg3A_605, %add3A_603 : vector<16xf32>
      %exp3A_607 = math.exp %neg3A_606 : vector<16xf32>
      %add3A_608 = arith.constant 1.000000e+00 : f32
      %add3A_609 = vector.broadcast %add3A_608 : f32 to vector<16xf32>
      %add3A_610 = arith.addf %add3A_609, %exp3A_607 : vector<16xf32>
      %div3A_611 = arith.divf %add3A_603, %add3A_610 : vector<16xf32>
      %swap3A_612 = arith.index_cast %add3A_578 : i32 to index
      %swap3A_613 = arith.constant 16 : index
      %swap3A_614 = tpu.vector_load %arg11[%swap3A_612, %swap3A_613] {strides = array<i32>} : memref<100x128xf32, #tpu.memory_space<vmem>>, vector<16xf32>,
      tpu.vector_store %arg11[%swap3A_612, %swap3A_613], %div3A_611 {strides = array<i32>} : memref<100x128xf32, #tpu.memory_space<vmem>>, vector<16xf32>,
      %get3A_615 = arith.index_cast %add3A_578 : i32 to index
      %get3A_616 = arith.constant 32 : index
      %get3A_617 = tpu.vector_load %arg11[%get3A_615, %get3A_616] {strides = array<i32>} : memref<100x128xf32, #tpu.memory_space<vmem>>, vector<16xf32>,
      %get3A_618 = arith.index_cast %add3A_578 : i32 to index
      %get3A_619 = arith.constant 32 : index
      %get3A_620 = tpu.vector_load %arg13[%get3A_618, %get3A_619] {strides = array<i32>} : memref<100x128xf32, #tpu.memory_space<vmem>>, vector<16xf32>,
      %add3A_621 = arith.addf %get3A_617, %get3A_620 : vector<16xf32>
      %neg3A_622 = arith.constant 0.000000e+00 : f32
      %neg3A_623 = vector.broadcast %neg3A_622 : f32 to vector<16xf32>
      %neg3A_624 = arith.subf %neg3A_623, %add3A_621 : vector<16xf32>
      %exp3A_625 = math.exp %neg3A_624 : vector<16xf32>
      %add3A_626 = arith.constant 1.000000e+00 : f32
      %add3A_627 = vector.broadcast %add3A_626 : f32 to vector<16xf32>
      %add3A_628 = arith.addf %add3A_627, %exp3A_625 : vector<16xf32>
      %div3A_629 = arith.divf %add3A_621, %add3A_628 : vector<16xf32>
      %swap3A_630 = arith.index_cast %add3A_578 : i32 to index
      %swap3A_631 = arith.constant 32 : index
      %swap3A_632 = tpu.vector_load %arg11[%swap3A_630, %swap3A_631] {strides = array<i32>} : memref<100x128xf32, #tpu.memory_space<vmem>>, vector<16xf32>,
      tpu.vector_store %arg11[%swap3A_630, %swap3A_631], %div3A_629 {strides = array<i32>} : memref<100x128xf32, #tpu.memory_space<vmem>>, vector<16xf32>,
      %get3A_633 = arith.index_cast %add3A_578 : i32 to index
      %get3A_634 = arith.constant 48 : index
      %get3A_635 = tpu.vector_load %arg11[%get3A_633, %get3A_634] {strides = array<i32>} : memref<100x128xf32, #tpu.memory_space<vmem>>, vector<16xf32>,
      %get3A_636 = arith.index_cast %add3A_578 : i32 to index
      %get3A_637 = arith.constant 48 : index
      %get3A_638 = tpu.vector_load %arg13[%get3A_636, %get3A_637] {strides = array<i32>} : memref<100x128xf32, #tpu.memory_space<vmem>>, vector<16xf32>,
      %add3A_639 = arith.addf %get3A_635, %get3A_638 : vector<16xf32>
      %neg3A_640 = arith.constant 0.000000e+00 : f32
      %neg3A_641 = vector.broadcast %neg3A_640 : f32 to vector<16xf32>
      %neg3A_642 = arith.subf %neg3A_641, %add3A_639 : vector<16xf32>
      %exp3A_643 = math.exp %neg3A_642 : vector<16xf32>
      %add3A_644 = arith.constant 1.000000e+00 : f32
      %add3A_645 = vector.broadcast %add3A_644 : f32 to vector<16xf32>
      %add3A_646 = arith.addf %add3A_645, %exp3A_643 : vector<16xf32>
      %div3A_647 = arith.divf %add3A_639, %add3A_646 : vector<16xf32>
      %swap3A_648 = arith.index_cast %add3A_578 : i32 to index
      %swap3A_649 = arith.constant 48 : index
      %swap3A_650 = tpu.vector_load %arg11[%swap3A_648, %swap3A_649] {strides = array<i32>} : memref<100x128xf32, #tpu.memory_space<vmem>>, vector<16xf32>,
      tpu.vector_store %arg11[%swap3A_648, %swap3A_649], %div3A_647 {strides = array<i32>} : memref<100x128xf32, #tpu.memory_space<vmem>>, vector<16xf32>,
      %get3A_651 = arith.index_cast %add3A_578 : i32 to index
      %get3A_652 = arith.constant 64 : index
      %get3A_653 = tpu.vector_load %arg11[%get3A_651, %get3A_652] {strides = array<i32>} : memref<100x128xf32, #tpu.memory_space<vmem>>, vector<16xf32>,
      %get3A_654 = arith.index_cast %add3A_578 : i32 to index
      %get3A_655 = arith.constant 64 : index
      %get3A_656 = tpu.vector_load %arg13[%get3A_654, %get3A_655] {strides = array<i32>} : memref<100x128xf32, #tpu.memory_space<vmem>>, vector<16xf32>,
      %add3A_657 = arith.addf %get3A_653, %get3A_656 : vector<16xf32>
      %neg3A_658 = arith.constant 0.000000e+00 : f32
      %neg3A_659 = vector.broadcast %neg3A_658 : f32 to vector<16xf32>
      %neg3A_660 = arith.subf %neg3A_659, %add3A_657 : vector<16xf32>
      %exp3A_661 = math.exp %neg3A_660 : vector<16xf32>
      %add3A_662 = arith.constant 1.000000e+00 : f32
      %add3A_663 = vector.broadcast %add3A_662 : f32 to vector<16xf32>
      %add3A_664 = arith.addf %add3A_663, %exp3A_661 : vector<16xf32>
      %div3A_665 = arith.divf %add3A_657, %add3A_664 : vector<16xf32>
      %swap3A_666 = arith.index_cast %add3A_578 : i32 to index
      %swap3A_667 = arith.constant 64 : index
      %swap3A_668 = tpu.vector_load %arg11[%swap3A_666, %swap3A_667] {strides = array<i32>} : memref<100x128xf32, #tpu.memory_space<vmem>>, vector<16xf32>,
      tpu.vector_store %arg11[%swap3A_666, %swap3A_667], %div3A_665 {strides = array<i32>} : memref<100x128xf32, #tpu.memory_space<vmem>>, vector<16xf32>,
      %get3A_669 = arith.index_cast %add3A_578 : i32 to index
      %get3A_670 = arith.constant 80 : index
      %get3A_671 = tpu.vector_load %arg11[%get3A_669, %get3A_670] {strides = array<i32>} : memref<100x128xf32, #tpu.memory_space<vmem>>, vector<16xf32>,
      %get3A_672 = arith.index_cast %add3A_578 : i32 to index
      %get3A_673 = arith.constant 80 : index
      %get3A_674 = tpu.vector_load %arg13[%get3A_672, %get3A_673] {strides = array<i32>} : memref<100x128xf32, #tpu.memory_space<vmem>>, vector<16xf32>,
      %add3A_675 = arith.addf %get3A_671, %get3A_674 : vector<16xf32>
      %neg3A_676 = arith.constant 0.000000e+00 : f32
      %neg3A_677 = vector.broadcast %neg3A_676 : f32 to vector<16xf32>
      %neg3A_678 = arith.subf %neg3A_677, %add3A_675 : vector<16xf32>
      %exp3A_679 = math.exp %neg3A_678 : vector<16xf32>
      %add3A_680 = arith.constant 1.000000e+00 : f32
      %add3A_681 = vector.broadcast %add3A_680 : f32 to vector<16xf32>
      %add3A_682 = arith.addf %add3A_681, %exp3A_679 : vector<16xf32>
      %div3A_683 = arith.divf %add3A_675, %add3A_682 : vector<16xf32>
      %swap3A_684 = arith.index_cast %add3A_578 : i32 to index
      %swap3A_685 = arith.constant 80 : index
      %swap3A_686 = tpu.vector_load %arg11[%swap3A_684, %swap3A_685] {strides = array<i32>} : memref<100x128xf32, #tpu.memory_space<vmem>>, vector<16xf32>,
      tpu.vector_store %arg11[%swap3A_684, %swap3A_685], %div3A_683 {strides = array<i32>} : memref<100x128xf32, #tpu.memory_space<vmem>>, vector<16xf32>,
      %get3A_687 = arith.index_cast %add3A_578 : i32 to index
      %get3A_688 = arith.constant 96 : index
      %get3A_689 = tpu.vector_load %arg11[%get3A_687, %get3A_688] {strides = array<i32>} : memref<100x128xf32, #tpu.memory_space<vmem>>, vector<16xf32>,
      %get3A_690 = arith.index_cast %add3A_578 : i32 to index
      %get3A_691 = arith.constant 96 : index
      %get3A_692 = tpu.vector_load %arg13[%get3A_690, %get3A_691] {strides = array<i32>} : memref<100x128xf32, #tpu.memory_space<vmem>>, vector<16xf32>,
      %add3A_693 = arith.addf %get3A_689, %get3A_692 : vector<16xf32>
      %neg3A_694 = arith.constant 0.000000e+00 : f32
      %neg3A_695 = vector.broadcast %neg3A_694 : f32 to vector<16xf32>
      %neg3A_696 = arith.subf %neg3A_695, %add3A_693 : vector<16xf32>
      %exp3A_697 = math.exp %neg3A_696 : vector<16xf32>
      %add3A_698 = arith.constant 1.000000e+00 : f32
      %add3A_699 = vector.broadcast %add3A_698 : f32 to vector<16xf32>
      %add3A_700 = arith.addf %add3A_699, %exp3A_697 : vector<16xf32>
      %div3A_701 = arith.divf %add3A_693, %add3A_700 : vector<16xf32>
      %swap3A_702 = arith.index_cast %add3A_578 : i32 to index
      %swap3A_703 = arith.constant 96 : index
      %swap3A_704 = tpu.vector_load %arg11[%swap3A_702, %swap3A_703] {strides = array<i32>} : memref<100x128xf32, #tpu.memory_space<vmem>>, vector<16xf32>,
      tpu.vector_store %arg11[%swap3A_702, %swap3A_703], %div3A_701 {strides = array<i32>} : memref<100x128xf32, #tpu.memory_space<vmem>>, vector<16xf32>,
      %get3A_705 = arith.index_cast %add3A_578 : i32 to index
      %get3A_706 = arith.constant 112 : index
      %get3A_707 = tpu.vector_load %arg11[%get3A_705, %get3A_706] {strides = array<i32>} : memref<100x128xf32, #tpu.memory_space<vmem>>, vector<16xf32>,
      %get3A_708 = arith.index_cast %add3A_578 : i32 to index
      %get3A_709 = arith.constant 112 : index
      %get3A_710 = tpu.vector_load %arg13[%get3A_708, %get3A_709] {strides = array<i32>} : memref<100x128xf32, #tpu.memory_space<vmem>>, vector<16xf32>,
      %add3A_711 = arith.addf %get3A_707, %get3A_710 : vector<16xf32>
      %neg3A_712 = arith.constant 0.000000e+00 : f32
      %neg3A_713 = vector.broadcast %neg3A_712 : f32 to vector<16xf32>
      %neg3A_714 = arith.subf %neg3A_713, %add3A_711 : vector<16xf32>
      %exp3A_715 = math.exp %neg3A_714 : vector<16xf32>
      %add3A_716 = arith.constant 1.000000e+00 : f32
      %add3A_717 = vector.broadcast %add3A_716 : f32 to vector<16xf32>
      %add3A_718 = arith.addf %add3A_717, %exp3A_715 : vector<16xf32>
      %div3A_719 = arith.divf %add3A_711, %add3A_718 : vector<16xf32>
      %swap3A_720 = arith.index_cast %add3A_578 : i32 to index
      %swap3A_721 = arith.constant 112 : index
      %swap3A_722 = tpu.vector_load %arg11[%swap3A_720, %swap3A_721] {strides = array<i32>} : memref<100x128xf32, #tpu.memory_space<vmem>>, vector<16xf32>,
      tpu.vector_store %arg11[%swap3A_720, %swap3A_721], %div3A_719 {strides = array<i32>} : memref<100x128xf32, #tpu.memory_space<vmem>>, vector<16xf32>,
    }
    %scan3A_83 = arith.constant 25 : i32
    tpu.wait_dma2 semaphore(%arg20 : memref<!tpu.dma_semaphore, #tpu.memory_space<semaphore_mem>>) src(%arg5 : memref<100x128xf32, #tpu.memory_space<hbm>>) dst(%arg12 : memref<100x128xf32, #tpu.memory_space<vmem>>)
    %run_scoped3A_84 = arith.constant 99 : i32
    "tpu.region"() ({
      %run_scoped3A_134 = tpu.sem_alloc : memref<!tpu.dma_semaphore, #tpu.memory_space<semaphore_mem>>
      %dma_start3A_135 = arith.constant 0 : i32
      %dma_start3A_136 = arith.constant 0 : i32
      %dma_start3A_137 = tpu.memref_slice %arg3[%arg0, %arg1, %run_scoped3A_84, %dma_start3A_135, %dma_start3A_136] : memref<2x16x100x1x384xi32, #tpu.memory_space<hbm>> -> memref<1x1x1x1x384xi32, #tpu.memory_space<hbm>>
      %dma_start3A_138 = tpu.memref_squeeze %dma_start3A_137 : memref<1x1x1x1x384xi32, #tpu.memory_space<hbm>> -> memref<1x384xi32, #tpu.memory_space<hbm>>
      %dma_start3A_139 = arith.constant 0 : i32
      %dma_start3A_140 = arith.constant 0 : i32
      %dma_start3A_141 = tpu.memref_slice %arg3[%arg0, %arg1, %run_scoped3A_84, %dma_start3A_139, %dma_start3A_140] : memref<2x16x100x1x384xi32, #tpu.memory_space<hbm>> -> memref<1x1x1x1x384xi32, #tpu.memory_space<hbm>>
      %dma_start3A_142 = tpu.memref_squeeze %dma_start3A_141 : memref<1x1x1x1x384xi32, #tpu.memory_space<hbm>> -> memref<1x384xi32, #tpu.memory_space<hbm>>
      tpu.enqueue_dma source(%dma_start3A_142 : memref<1x384xi32, #tpu.memory_space<hbm>>) target(%arg9 : memref<1x384xi32, #tpu.memory_space<vmem>>) target_semaphore(%run_scoped3A_134 : memref<!tpu.dma_semaphore, #tpu.memory_space<semaphore_mem>>)
      %dma_wait3A = arith.constant 0 : i32
      %dma_wait3A_143 = arith.constant 0 : i32
      %dma_wait3A_144 = tpu.memref_slice %arg3[%arg0, %arg1, %run_scoped3A_84, %dma_wait3A, %dma_wait3A_143] : memref<2x16x100x1x384xi32, #tpu.memory_space<hbm>> -> memref<1x1x1x1x384xi32, #tpu.memory_space<hbm>>
      %dma_wait3A_145 = tpu.memref_squeeze %dma_wait3A_144 : memref<1x1x1x1x384xi32, #tpu.memory_space<hbm>> -> memref<1x384xi32, #tpu.memory_space<hbm>>
      %dma_wait3A_146 = arith.constant 0 : i32
      %dma_wait3A_147 = arith.constant 0 : i32
      %dma_wait3A_148 = tpu.memref_slice %arg3[%arg0, %arg1, %run_scoped3A_84, %dma_wait3A_146, %dma_wait3A_147] : memref<2x16x100x1x384xi32, #tpu.memory_space<hbm>> -> memref<1x1x1x1x384xi32, #tpu.memory_space<hbm>>
      %dma_wait3A_149 = tpu.memref_squeeze %dma_wait3A_148 : memref<1x1x1x1x384xi32, #tpu.memory_space<hbm>> -> memref<1x384xi32, #tpu.memory_space<hbm>>
      tpu.wait_dma2 semaphore(%run_scoped3A_134 : memref<!tpu.dma_semaphore, #tpu.memory_space<semaphore_mem>>) src(%dma_wait3A_149 : memref<1x384xi32, #tpu.memory_space<hbm>>) dst(%arg9 : memref<1x384xi32, #tpu.memory_space<vmem>>)
      tpu.yield
    }) : () -> ()
    %dma_start3A_85 = arith.constant 0 : i32
    %dma_start3A_86 = arith.constant 128 : i32
    %dma_start3A_87 = tpu.memref_slice %arg9[%dma_start3A_85, %dma_start3A_86] : memref<1x384xi32, #tpu.memory_space<vmem>> -> memref<1x100xi32, #tpu.memory_space<vmem>>
    %dma_start3A_88 = tpu.memref_squeeze %dma_start3A_87 : memref<1x100xi32, #tpu.memory_space<vmem>> -> memref<100xi32, #tpu.memory_space<vmem>>
    %dma_start3A_89 = arith.constant 0 : i32
    %dma_start3A_90 = arith.constant 0 : i32
    %dma_start3A_91 = tpu.memref_slice %arg2[%dma_start3A_89, %dma_start3A_90] : memref<40000x128xf32, #tpu.memory_space<hbm>> -> memref<40000x128xf32, #tpu.memory_space<hbm>>
    tpu.enqueue_indirect_dma source(%dma_start3A_91 : memref<40000x128xf32, #tpu.memory_space<hbm>>) target(%arg12 : memref<100x128xf32, #tpu.memory_space<vmem>>) offsets(%dma_start3A_88 : memref<100xi32, #tpu.memory_space<vmem>>) semaphore(%arg17 : memref<!tpu.dma_semaphore, #tpu.memory_space<semaphore_mem>>)
    %dma_start3A_92 = arith.constant 0 : i32
    %dma_start3A_93 = arith.constant 256 : i32
    %dma_start3A_94 = tpu.memref_slice %arg9[%dma_start3A_92, %dma_start3A_93] : memref<1x384xi32, #tpu.memory_space<vmem>> -> memref<1x100xi32, #tpu.memory_space<vmem>>
    %dma_start3A_95 = tpu.memref_squeeze %dma_start3A_94 : memref<1x100xi32, #tpu.memory_space<vmem>> -> memref<100xi32, #tpu.memory_space<vmem>>
    %dma_start3A_96 = arith.constant 0 : i32
    %dma_start3A_97 = arith.constant 0 : i32
    %dma_start3A_98 = tpu.memref_slice %arg2[%dma_start3A_96, %dma_start3A_97] : memref<40000x128xf32, #tpu.memory_space<hbm>> -> memref<40000x128xf32, #tpu.memory_space<hbm>>
    tpu.enqueue_indirect_dma source(%dma_start3A_98 : memref<40000x128xf32, #tpu.memory_space<hbm>>) target(%arg13 : memref<100x128xf32, #tpu.memory_space<vmem>>) offsets(%dma_start3A_95 : memref<100xi32, #tpu.memory_space<vmem>>) semaphore(%arg18 : memref<!tpu.dma_semaphore, #tpu.memory_space<semaphore_mem>>)
    %dma_start3A_99 = arith.constant 0 : i32
    %dma_start3A_100 = arith.constant 0 : i32
    %dma_start3A_101 = tpu.memref_slice %arg8[%dma_start3A_99, %dma_start3A_100] : memref<1x384xi32, #tpu.memory_space<vmem>> -> memref<1x100xi32, #tpu.memory_space<vmem>>
    %dma_start3A_102 = tpu.memref_squeeze %dma_start3A_101 : memref<1x100xi32, #tpu.memory_space<vmem>> -> memref<100xi32, #tpu.memory_space<vmem>>
    %dma_start3A_103 = arith.constant 0 : i32
    %dma_start3A_104 = arith.constant 0 : i32
    %dma_start3A_105 = tpu.memref_slice %arg15[%dma_start3A_103, %dma_start3A_104] : memref<10080x128xf32, #tpu.memory_space<vmem_shared>> -> memref<10080x128xf32, #tpu.memory_space<vmem_shared>>
    tpu.enqueue_indirect_dma source(%arg11 : memref<100x128xf32, #tpu.memory_space<vmem>>) target(%dma_start3A_105 : memref<10080x128xf32, #tpu.memory_space<vmem_shared>>) offsets(%dma_start3A_102 : memref<100xi32, #tpu.memory_space<vmem>>) semaphore(%arg19 : memref<!tpu.dma_semaphore, #tpu.memory_space<semaphore_mem>>) {add = true}
    tpu.wait_dma2 semaphore(%arg17 : memref<!tpu.dma_semaphore, #tpu.memory_space<semaphore_mem>>) src(%arg5 : memref<100x128xf32, #tpu.memory_space<hbm>>) dst(%arg12 : memref<100x128xf32, #tpu.memory_space<vmem>>)
    tpu.wait_dma2 semaphore(%arg18 : memref<!tpu.dma_semaphore, #tpu.memory_space<semaphore_mem>>) src(%arg5 : memref<100x128xf32, #tpu.memory_space<hbm>>) dst(%arg13 : memref<100x128xf32, #tpu.memory_space<vmem>>)
    %scan3A_106 = arith.constant 0 : i32
    %scan3A_107 = arith.constant 0 : i32
    %scan3A_108 = arith.constant 25 : i32
    %scan3A_109 = arith.addi %scan3A_107, %scan3A_108 : i32
    %scan3A_110 = arith.constant 1 : i32
    scf.for %scan3A_134 = %scan3A_107 to %scan3A_109 step %scan3A_110  : i32 {
      %mul3A_135 = arith.constant 4 : i32
      %mul3A_136 = arith.muli %mul3A_135, %scan3A_134 : i32
      %add3A_137 = arith.constant 0 : i32
      %add3A_138 = arith.addi %mul3A_136, %add3A_137 : i32
      %get3A = arith.index_cast %add3A_138 : i32 to index
      %get3A_139 = arith.constant 0 : index
      %get3A_140 = tpu.vector_load %arg12[%get3A, %get3A_139] {strides = array<i32>} : memref<100x128xf32, #tpu.memory_space<vmem>>, vector<16xf32>,
      %get3A_141 = arith.index_cast %add3A_138 : i32 to index
      %get3A_142 = arith.constant 0 : index
      %get3A_143 = tpu.vector_load %arg13[%get3A_141, %get3A_142] {strides = array<i32>} : memref<100x128xf32, #tpu.memory_space<vmem>>, vector<16xf32>,
      %add3A_144 = arith.addf %get3A_140, %get3A_143 : vector<16xf32>
      %neg3A = arith.constant 0.000000e+00 : f32
      %neg3A_145 = vector.broadcast %neg3A : f32 to vector<16xf32>
      %neg3A_146 = arith.subf %neg3A_145, %add3A_144 : vector<16xf32>
      %exp3A = math.exp %neg3A_146 : vector<16xf32>
      %add3A_147 = arith.constant 1.000000e+00 : f32
      %add3A_148 = vector.broadcast %add3A_147 : f32 to vector<16xf32>
      %add3A_149 = arith.addf %add3A_148, %exp3A : vector<16xf32>
      %div3A = arith.divf %add3A_144, %add3A_149 : vector<16xf32>
      %swap3A_150 = arith.index_cast %add3A_138 : i32 to index
      %swap3A_151 = arith.constant 0 : index
      %swap3A_152 = tpu.vector_load %arg12[%swap3A_150, %swap3A_151] {strides = array<i32>} : memref<100x128xf32, #tpu.memory_space<vmem>>, vector<16xf32>,
      tpu.vector_store %arg12[%swap3A_150, %swap3A_151], %div3A {strides = array<i32>} : memref<100x128xf32, #tpu.memory_space<vmem>>, vector<16xf32>,
      %get3A_153 = arith.index_cast %add3A_138 : i32 to index
      %get3A_154 = arith.constant 16 : index
      %get3A_155 = tpu.vector_load %arg12[%get3A_153, %get3A_154] {strides = array<i32>} : memref<100x128xf32, #tpu.memory_space<vmem>>, vector<16xf32>,
      %get3A_156 = arith.index_cast %add3A_138 : i32 to index
      %get3A_157 = arith.constant 16 : index
      %get3A_158 = tpu.vector_load %arg13[%get3A_156, %get3A_157] {strides = array<i32>} : memref<100x128xf32, #tpu.memory_space<vmem>>, vector<16xf32>,
      %add3A_159 = arith.addf %get3A_155, %get3A_158 : vector<16xf32>
      %neg3A_160 = arith.constant 0.000000e+00 : f32
      %neg3A_161 = vector.broadcast %neg3A_160 : f32 to vector<16xf32>
      %neg3A_162 = arith.subf %neg3A_161, %add3A_159 : vector<16xf32>
      %exp3A_163 = math.exp %neg3A_162 : vector<16xf32>
      %add3A_164 = arith.constant 1.000000e+00 : f32
      %add3A_165 = vector.broadcast %add3A_164 : f32 to vector<16xf32>
      %add3A_166 = arith.addf %add3A_165, %exp3A_163 : vector<16xf32>
      %div3A_167 = arith.divf %add3A_159, %add3A_166 : vector<16xf32>
      %swap3A_168 = arith.index_cast %add3A_138 : i32 to index
      %swap3A_169 = arith.constant 16 : index
      %swap3A_170 = tpu.vector_load %arg12[%swap3A_168, %swap3A_169] {strides = array<i32>} : memref<100x128xf32, #tpu.memory_space<vmem>>, vector<16xf32>,
      tpu.vector_store %arg12[%swap3A_168, %swap3A_169], %div3A_167 {strides = array<i32>} : memref<100x128xf32, #tpu.memory_space<vmem>>, vector<16xf32>,
      %get3A_171 = arith.index_cast %add3A_138 : i32 to index
      %get3A_172 = arith.constant 32 : index
      %get3A_173 = tpu.vector_load %arg12[%get3A_171, %get3A_172] {strides = array<i32>} : memref<100x128xf32, #tpu.memory_space<vmem>>, vector<16xf32>,
      %get3A_174 = arith.index_cast %add3A_138 : i32 to index
      %get3A_175 = arith.constant 32 : index
      %get3A_176 = tpu.vector_load %arg13[%get3A_174, %get3A_175] {strides = array<i32>} : memref<100x128xf32, #tpu.memory_space<vmem>>, vector<16xf32>,
      %add3A_177 = arith.addf %get3A_173, %get3A_176 : vector<16xf32>
      %neg3A_178 = arith.constant 0.000000e+00 : f32
      %neg3A_179 = vector.broadcast %neg3A_178 : f32 to vector<16xf32>
      %neg3A_180 = arith.subf %neg3A_179, %add3A_177 : vector<16xf32>
      %exp3A_181 = math.exp %neg3A_180 : vector<16xf32>
      %add3A_182 = arith.constant 1.000000e+00 : f32
      %add3A_183 = vector.broadcast %add3A_182 : f32 to vector<16xf32>
      %add3A_184 = arith.addf %add3A_183, %exp3A_181 : vector<16xf32>
      %div3A_185 = arith.divf %add3A_177, %add3A_184 : vector<16xf32>
      %swap3A_186 = arith.index_cast %add3A_138 : i32 to index
      %swap3A_187 = arith.constant 32 : index
      %swap3A_188 = tpu.vector_load %arg12[%swap3A_186, %swap3A_187] {strides = array<i32>} : memref<100x128xf32, #tpu.memory_space<vmem>>, vector<16xf32>,
      tpu.vector_store %arg12[%swap3A_186, %swap3A_187], %div3A_185 {strides = array<i32>} : memref<100x128xf32, #tpu.memory_space<vmem>>, vector<16xf32>,
      %get3A_189 = arith.index_cast %add3A_138 : i32 to index
      %get3A_190 = arith.constant 48 : index
      %get3A_191 = tpu.vector_load %arg12[%get3A_189, %get3A_190] {strides = array<i32>} : memref<100x128xf32, #tpu.memory_space<vmem>>, vector<16xf32>,
      %get3A_192 = arith.index_cast %add3A_138 : i32 to index
      %get3A_193 = arith.constant 48 : index
      %get3A_194 = tpu.vector_load %arg13[%get3A_192, %get3A_193] {strides = array<i32>} : memref<100x128xf32, #tpu.memory_space<vmem>>, vector<16xf32>,
      %add3A_195 = arith.addf %get3A_191, %get3A_194 : vector<16xf32>
      %neg3A_196 = arith.constant 0.000000e+00 : f32
      %neg3A_197 = vector.broadcast %neg3A_196 : f32 to vector<16xf32>
      %neg3A_198 = arith.subf %neg3A_197, %add3A_195 : vector<16xf32>
      %exp3A_199 = math.exp %neg3A_198 : vector<16xf32>
      %add3A_200 = arith.constant 1.000000e+00 : f32
      %add3A_201 = vector.broadcast %add3A_200 : f32 to vector<16xf32>
      %add3A_202 = arith.addf %add3A_201, %exp3A_199 : vector<16xf32>
      %div3A_203 = arith.divf %add3A_195, %add3A_202 : vector<16xf32>
      %swap3A_204 = arith.index_cast %add3A_138 : i32 to index
      %swap3A_205 = arith.constant 48 : index
      %swap3A_206 = tpu.vector_load %arg12[%swap3A_204, %swap3A_205] {strides = array<i32>} : memref<100x128xf32, #tpu.memory_space<vmem>>, vector<16xf32>,
      tpu.vector_store %arg12[%swap3A_204, %swap3A_205], %div3A_203 {strides = array<i32>} : memref<100x128xf32, #tpu.memory_space<vmem>>, vector<16xf32>,
      %get3A_207 = arith.index_cast %add3A_138 : i32 to index
      %get3A_208 = arith.constant 64 : index
      %get3A_209 = tpu.vector_load %arg12[%get3A_207, %get3A_208] {strides = array<i32>} : memref<100x128xf32, #tpu.memory_space<vmem>>, vector<16xf32>,
      %get3A_210 = arith.index_cast %add3A_138 : i32 to index
      %get3A_211 = arith.constant 64 : index
      %get3A_212 = tpu.vector_load %arg13[%get3A_210, %get3A_211] {strides = array<i32>} : memref<100x128xf32, #tpu.memory_space<vmem>>, vector<16xf32>,
      %add3A_213 = arith.addf %get3A_209, %get3A_212 : vector<16xf32>
      %neg3A_214 = arith.constant 0.000000e+00 : f32
      %neg3A_215 = vector.broadcast %neg3A_214 : f32 to vector<16xf32>
      %neg3A_216 = arith.subf %neg3A_215, %add3A_213 : vector<16xf32>
      %exp3A_217 = math.exp %neg3A_216 : vector<16xf32>
      %add3A_218 = arith.constant 1.000000e+00 : f32
      %add3A_219 = vector.broadcast %add3A_218 : f32 to vector<16xf32>
      %add3A_220 = arith.addf %add3A_219, %exp3A_217 : vector<16xf32>
      %div3A_221 = arith.divf %add3A_213, %add3A_220 : vector<16xf32>
      %swap3A_222 = arith.index_cast %add3A_138 : i32 to index
      %swap3A_223 = arith.constant 64 : index
      %swap3A_224 = tpu.vector_load %arg12[%swap3A_222, %swap3A_223] {strides = array<i32>} : memref<100x128xf32, #tpu.memory_space<vmem>>, vector<16xf32>,
      tpu.vector_store %arg12[%swap3A_222, %swap3A_223], %div3A_221 {strides = array<i32>} : memref<100x128xf32, #tpu.memory_space<vmem>>, vector<16xf32>,
      %get3A_225 = arith.index_cast %add3A_138 : i32 to index
      %get3A_226 = arith.constant 80 : index
      %get3A_227 = tpu.vector_load %arg12[%get3A_225, %get3A_226] {strides = array<i32>} : memref<100x128xf32, #tpu.memory_space<vmem>>, vector<16xf32>,
      %get3A_228 = arith.index_cast %add3A_138 : i32 to index
      %get3A_229 = arith.constant 80 : index
      %get3A_230 = tpu.vector_load %arg13[%get3A_228, %get3A_229] {strides = array<i32>} : memref<100x128xf32, #tpu.memory_space<vmem>>, vector<16xf32>,
      %add3A_231 = arith.addf %get3A_227, %get3A_230 : vector<16xf32>
      %neg3A_232 = arith.constant 0.000000e+00 : f32
      %neg3A_233 = vector.broadcast %neg3A_232 : f32 to vector<16xf32>
      %neg3A_234 = arith.subf %neg3A_233, %add3A_231 : vector<16xf32>
      %exp3A_235 = math.exp %neg3A_234 : vector<16xf32>
      %add3A_236 = arith.constant 1.000000e+00 : f32
      %add3A_237 = vector.broadcast %add3A_236 : f32 to vector<16xf32>
      %add3A_238 = arith.addf %add3A_237, %exp3A_235 : vector<16xf32>
      %div3A_239 = arith.divf %add3A_231, %add3A_238 : vector<16xf32>
      %swap3A_240 = arith.index_cast %add3A_138 : i32 to index
      %swap3A_241 = arith.constant 80 : index
      %swap3A_242 = tpu.vector_load %arg12[%swap3A_240, %swap3A_241] {strides = array<i32>} : memref<100x128xf32, #tpu.memory_space<vmem>>, vector<16xf32>,
      tpu.vector_store %arg12[%swap3A_240, %swap3A_241], %div3A_239 {strides = array<i32>} : memref<100x128xf32, #tpu.memory_space<vmem>>, vector<16xf32>,
      %get3A_243 = arith.index_cast %add3A_138 : i32 to index
      %get3A_244 = arith.constant 96 : index
      %get3A_245 = tpu.vector_load %arg12[%get3A_243, %get3A_244] {strides = array<i32>} : memref<100x128xf32, #tpu.memory_space<vmem>>, vector<16xf32>,
      %get3A_246 = arith.index_cast %add3A_138 : i32 to index
      %get3A_247 = arith.constant 96 : index
      %get3A_248 = tpu.vector_load %arg13[%get3A_246, %get3A_247] {strides = array<i32>} : memref<100x128xf32, #tpu.memory_space<vmem>>, vector<16xf32>,
      %add3A_249 = arith.addf %get3A_245, %get3A_248 : vector<16xf32>
      %neg3A_250 = arith.constant 0.000000e+00 : f32
      %neg3A_251 = vector.broadcast %neg3A_250 : f32 to vector<16xf32>
      %neg3A_252 = arith.subf %neg3A_251, %add3A_249 : vector<16xf32>
      %exp3A_253 = math.exp %neg3A_252 : vector<16xf32>
      %add3A_254 = arith.constant 1.000000e+00 : f32
      %add3A_255 = vector.broadcast %add3A_254 : f32 to vector<16xf32>
      %add3A_256 = arith.addf %add3A_255, %exp3A_253 : vector<16xf32>
      %div3A_257 = arith.divf %add3A_249, %add3A_256 : vector<16xf32>
      %swap3A_258 = arith.index_cast %add3A_138 : i32 to index
      %swap3A_259 = arith.constant 96 : index
      %swap3A_260 = tpu.vector_load %arg12[%swap3A_258, %swap3A_259] {strides = array<i32>} : memref<100x128xf32, #tpu.memory_space<vmem>>, vector<16xf32>,
      tpu.vector_store %arg12[%swap3A_258, %swap3A_259], %div3A_257 {strides = array<i32>} : memref<100x128xf32, #tpu.memory_space<vmem>>, vector<16xf32>,
      %get3A_261 = arith.index_cast %add3A_138 : i32 to index
      %get3A_262 = arith.constant 112 : index
      %get3A_263 = tpu.vector_load %arg12[%get3A_261, %get3A_262] {strides = array<i32>} : memref<100x128xf32, #tpu.memory_space<vmem>>, vector<16xf32>,
      %get3A_264 = arith.index_cast %add3A_138 : i32 to index
      %get3A_265 = arith.constant 112 : index
      %get3A_266 = tpu.vector_load %arg13[%get3A_264, %get3A_265] {strides = array<i32>} : memref<100x128xf32, #tpu.memory_space<vmem>>, vector<16xf32>,
      %add3A_267 = arith.addf %get3A_263, %get3A_266 : vector<16xf32>
      %neg3A_268 = arith.constant 0.000000e+00 : f32
      %neg3A_269 = vector.broadcast %neg3A_268 : f32 to vector<16xf32>
      %neg3A_270 = arith.subf %neg3A_269, %add3A_267 : vector<16xf32>
      %exp3A_271 = math.exp %neg3A_270 : vector<16xf32>
      %add3A_272 = arith.constant 1.000000e+00 : f32
      %add3A_273 = vector.broadcast %add3A_272 : f32 to vector<16xf32>
      %add3A_274 = arith.addf %add3A_273, %exp3A_271 : vector<16xf32>
      %div3A_275 = arith.divf %add3A_267, %add3A_274 : vector<16xf32>
      %swap3A_276 = arith.index_cast %add3A_138 : i32 to index
      %swap3A_277 = arith.constant 112 : index
      %swap3A_278 = tpu.vector_load %arg12[%swap3A_276, %swap3A_277] {strides = array<i32>} : memref<100x128xf32, #tpu.memory_space<vmem>>, vector<16xf32>,
      tpu.vector_store %arg12[%swap3A_276, %swap3A_277], %div3A_275 {strides = array<i32>} : memref<100x128xf32, #tpu.memory_space<vmem>>, vector<16xf32>,
      %mul3A_279 = arith.constant 4 : i32
      %mul3A_280 = arith.muli %mul3A_279, %scan3A_134 : i32
      %add3A_281 = arith.constant 1 : i32
      %add3A_282 = arith.addi %mul3A_280, %add3A_281 : i32
      %get3A_283 = arith.index_cast %add3A_282 : i32 to index
      %get3A_284 = arith.constant 0 : index
      %get3A_285 = tpu.vector_load %arg12[%get3A_283, %get3A_284] {strides = array<i32>} : memref<100x128xf32, #tpu.memory_space<vmem>>, vector<16xf32>,
      %get3A_286 = arith.index_cast %add3A_282 : i32 to index
      %get3A_287 = arith.constant 0 : index
      %get3A_288 = tpu.vector_load %arg13[%get3A_286, %get3A_287] {strides = array<i32>} : memref<100x128xf32, #tpu.memory_space<vmem>>, vector<16xf32>,
      %add3A_289 = arith.addf %get3A_285, %get3A_288 : vector<16xf32>
      %neg3A_290 = arith.constant 0.000000e+00 : f32
      %neg3A_291 = vector.broadcast %neg3A_290 : f32 to vector<16xf32>
      %neg3A_292 = arith.subf %neg3A_291, %add3A_289 : vector<16xf32>
      %exp3A_293 = math.exp %neg3A_292 : vector<16xf32>
      %add3A_294 = arith.constant 1.000000e+00 : f32
      %add3A_295 = vector.broadcast %add3A_294 : f32 to vector<16xf32>
      %add3A_296 = arith.addf %add3A_295, %exp3A_293 : vector<16xf32>
      %div3A_297 = arith.divf %add3A_289, %add3A_296 : vector<16xf32>
      %swap3A_298 = arith.index_cast %add3A_282 : i32 to index
      %swap3A_299 = arith.constant 0 : index
      %swap3A_300 = tpu.vector_load %arg12[%swap3A_298, %swap3A_299] {strides = array<i32>} : memref<100x128xf32, #tpu.memory_space<vmem>>, vector<16xf32>,
      tpu.vector_store %arg12[%swap3A_298, %swap3A_299], %div3A_297 {strides = array<i32>} : memref<100x128xf32, #tpu.memory_space<vmem>>, vector<16xf32>,
      %get3A_301 = arith.index_cast %add3A_282 : i32 to index
      %get3A_302 = arith.constant 16 : index
      %get3A_303 = tpu.vector_load %arg12[%get3A_301, %get3A_302] {strides = array<i32>} : memref<100x128xf32, #tpu.memory_space<vmem>>, vector<16xf32>,
      %get3A_304 = arith.index_cast %add3A_282 : i32 to index
      %get3A_305 = arith.constant 16 : index
      %get3A_306 = tpu.vector_load %arg13[%get3A_304, %get3A_305] {strides = array<i32>} : memref<100x128xf32, #tpu.memory_space<vmem>>, vector<16xf32>,
      %add3A_307 = arith.addf %get3A_303, %get3A_306 : vector<16xf32>
      %neg3A_308 = arith.constant 0.000000e+00 : f32
      %neg3A_309 = vector.broadcast %neg3A_308 : f32 to vector<16xf32>
      %neg3A_310 = arith.subf %neg3A_309, %add3A_307 : vector<16xf32>
      %exp3A_311 = math.exp %neg3A_310 : vector<16xf32>
      %add3A_312 = arith.constant 1.000000e+00 : f32
      %add3A_313 = vector.broadcast %add3A_312 : f32 to vector<16xf32>
      %add3A_314 = arith.addf %add3A_313, %exp3A_311 : vector<16xf32>
      %div3A_315 = arith.divf %add3A_307, %add3A_314 : vector<16xf32>
      %swap3A_316 = arith.index_cast %add3A_282 : i32 to index
      %swap3A_317 = arith.constant 16 : index
      %swap3A_318 = tpu.vector_load %arg12[%swap3A_316, %swap3A_317] {strides = array<i32>} : memref<100x128xf32, #tpu.memory_space<vmem>>, vector<16xf32>,
      tpu.vector_store %arg12[%swap3A_316, %swap3A_317], %div3A_315 {strides = array<i32>} : memref<100x128xf32, #tpu.memory_space<vmem>>, vector<16xf32>,
      %get3A_319 = arith.index_cast %add3A_282 : i32 to index
      %get3A_320 = arith.constant 32 : index
      %get3A_321 = tpu.vector_load %arg12[%get3A_319, %get3A_320] {strides = array<i32>} : memref<100x128xf32, #tpu.memory_space<vmem>>, vector<16xf32>,
      %get3A_322 = arith.index_cast %add3A_282 : i32 to index
      %get3A_323 = arith.constant 32 : index
      %get3A_324 = tpu.vector_load %arg13[%get3A_322, %get3A_323] {strides = array<i32>} : memref<100x128xf32, #tpu.memory_space<vmem>>, vector<16xf32>,
      %add3A_325 = arith.addf %get3A_321, %get3A_324 : vector<16xf32>
      %neg3A_326 = arith.constant 0.000000e+00 : f32
      %neg3A_327 = vector.broadcast %neg3A_326 : f32 to vector<16xf32>
      %neg3A_328 = arith.subf %neg3A_327, %add3A_325 : vector<16xf32>
      %exp3A_329 = math.exp %neg3A_328 : vector<16xf32>
      %add3A_330 = arith.constant 1.000000e+00 : f32
      %add3A_331 = vector.broadcast %add3A_330 : f32 to vector<16xf32>
      %add3A_332 = arith.addf %add3A_331, %exp3A_329 : vector<16xf32>
      %div3A_333 = arith.divf %add3A_325, %add3A_332 : vector<16xf32>
      %swap3A_334 = arith.index_cast %add3A_282 : i32 to index
      %swap3A_335 = arith.constant 32 : index
      %swap3A_336 = tpu.vector_load %arg12[%swap3A_334, %swap3A_335] {strides = array<i32>} : memref<100x128xf32, #tpu.memory_space<vmem>>, vector<16xf32>,
      tpu.vector_store %arg12[%swap3A_334, %swap3A_335], %div3A_333 {strides = array<i32>} : memref<100x128xf32, #tpu.memory_space<vmem>>, vector<16xf32>,
      %get3A_337 = arith.index_cast %add3A_282 : i32 to index
      %get3A_338 = arith.constant 48 : index
      %get3A_339 = tpu.vector_load %arg12[%get3A_337, %get3A_338] {strides = array<i32>} : memref<100x128xf32, #tpu.memory_space<vmem>>, vector<16xf32>,
      %get3A_340 = arith.index_cast %add3A_282 : i32 to index
      %get3A_341 = arith.constant 48 : index
      %get3A_342 = tpu.vector_load %arg13[%get3A_340, %get3A_341] {strides = array<i32>} : memref<100x128xf32, #tpu.memory_space<vmem>>, vector<16xf32>,
      %add3A_343 = arith.addf %get3A_339, %get3A_342 : vector<16xf32>
      %neg3A_344 = arith.constant 0.000000e+00 : f32
      %neg3A_345 = vector.broadcast %neg3A_344 : f32 to vector<16xf32>
      %neg3A_346 = arith.subf %neg3A_345, %add3A_343 : vector<16xf32>
      %exp3A_347 = math.exp %neg3A_346 : vector<16xf32>
      %add3A_348 = arith.constant 1.000000e+00 : f32
      %add3A_349 = vector.broadcast %add3A_348 : f32 to vector<16xf32>
      %add3A_350 = arith.addf %add3A_349, %exp3A_347 : vector<16xf32>
      %div3A_351 = arith.divf %add3A_343, %add3A_350 : vector<16xf32>
      %swap3A_352 = arith.index_cast %add3A_282 : i32 to index
      %swap3A_353 = arith.constant 48 : index
      %swap3A_354 = tpu.vector_load %arg12[%swap3A_352, %swap3A_353] {strides = array<i32>} : memref<100x128xf32, #tpu.memory_space<vmem>>, vector<16xf32>,
      tpu.vector_store %arg12[%swap3A_352, %swap3A_353], %div3A_351 {strides = array<i32>} : memref<100x128xf32, #tpu.memory_space<vmem>>, vector<16xf32>,
      %get3A_355 = arith.index_cast %add3A_282 : i32 to index
      %get3A_356 = arith.constant 64 : index
      %get3A_357 = tpu.vector_load %arg12[%get3A_355, %get3A_356] {strides = array<i32>} : memref<100x128xf32, #tpu.memory_space<vmem>>, vector<16xf32>,
      %get3A_358 = arith.index_cast %add3A_282 : i32 to index
      %get3A_359 = arith.constant 64 : index
      %get3A_360 = tpu.vector_load %arg13[%get3A_358, %get3A_359] {strides = array<i32>} : memref<100x128xf32, #tpu.memory_space<vmem>>, vector<16xf32>,
      %add3A_361 = arith.addf %get3A_357, %get3A_360 : vector<16xf32>
      %neg3A_362 = arith.constant 0.000000e+00 : f32
      %neg3A_363 = vector.broadcast %neg3A_362 : f32 to vector<16xf32>
      %neg3A_364 = arith.subf %neg3A_363, %add3A_361 : vector<16xf32>
      %exp3A_365 = math.exp %neg3A_364 : vector<16xf32>
      %add3A_366 = arith.constant 1.000000e+00 : f32
      %add3A_367 = vector.broadcast %add3A_366 : f32 to vector<16xf32>
      %add3A_368 = arith.addf %add3A_367, %exp3A_365 : vector<16xf32>
      %div3A_369 = arith.divf %add3A_361, %add3A_368 : vector<16xf32>
      %swap3A_370 = arith.index_cast %add3A_282 : i32 to index
      %swap3A_371 = arith.constant 64 : index
      %swap3A_372 = tpu.vector_load %arg12[%swap3A_370, %swap3A_371] {strides = array<i32>} : memref<100x128xf32, #tpu.memory_space<vmem>>, vector<16xf32>,
      tpu.vector_store %arg12[%swap3A_370, %swap3A_371], %div3A_369 {strides = array<i32>} : memref<100x128xf32, #tpu.memory_space<vmem>>, vector<16xf32>,
      %get3A_373 = arith.index_cast %add3A_282 : i32 to index
      %get3A_374 = arith.constant 80 : index
      %get3A_375 = tpu.vector_load %arg12[%get3A_373, %get3A_374] {strides = array<i32>} : memref<100x128xf32, #tpu.memory_space<vmem>>, vector<16xf32>,
      %get3A_376 = arith.index_cast %add3A_282 : i32 to index
      %get3A_377 = arith.constant 80 : index
      %get3A_378 = tpu.vector_load %arg13[%get3A_376, %get3A_377] {strides = array<i32>} : memref<100x128xf32, #tpu.memory_space<vmem>>, vector<16xf32>,
      %add3A_379 = arith.addf %get3A_375, %get3A_378 : vector<16xf32>
      %neg3A_380 = arith.constant 0.000000e+00 : f32
      %neg3A_381 = vector.broadcast %neg3A_380 : f32 to vector<16xf32>
      %neg3A_382 = arith.subf %neg3A_381, %add3A_379 : vector<16xf32>
      %exp3A_383 = math.exp %neg3A_382 : vector<16xf32>
      %add3A_384 = arith.constant 1.000000e+00 : f32
      %add3A_385 = vector.broadcast %add3A_384 : f32 to vector<16xf32>
      %add3A_386 = arith.addf %add3A_385, %exp3A_383 : vector<16xf32>
      %div3A_387 = arith.divf %add3A_379, %add3A_386 : vector<16xf32>
      %swap3A_388 = arith.index_cast %add3A_282 : i32 to index
      %swap3A_389 = arith.constant 80 : index
      %swap3A_390 = tpu.vector_load %arg12[%swap3A_388, %swap3A_389] {strides = array<i32>} : memref<100x128xf32, #tpu.memory_space<vmem>>, vector<16xf32>,
      tpu.vector_store %arg12[%swap3A_388, %swap3A_389], %div3A_387 {strides = array<i32>} : memref<100x128xf32, #tpu.memory_space<vmem>>, vector<16xf32>,
      %get3A_391 = arith.index_cast %add3A_282 : i32 to index
      %get3A_392 = arith.constant 96 : index
      %get3A_393 = tpu.vector_load %arg12[%get3A_391, %get3A_392] {strides = array<i32>} : memref<100x128xf32, #tpu.memory_space<vmem>>, vector<16xf32>,
      %get3A_394 = arith.index_cast %add3A_282 : i32 to index
      %get3A_395 = arith.constant 96 : index
      %get3A_396 = tpu.vector_load %arg13[%get3A_394, %get3A_395] {strides = array<i32>} : memref<100x128xf32, #tpu.memory_space<vmem>>, vector<16xf32>,
      %add3A_397 = arith.addf %get3A_393, %get3A_396 : vector<16xf32>
      %neg3A_398 = arith.constant 0.000000e+00 : f32
      %neg3A_399 = vector.broadcast %neg3A_398 : f32 to vector<16xf32>
      %neg3A_400 = arith.subf %neg3A_399, %add3A_397 : vector<16xf32>
      %exp3A_401 = math.exp %neg3A_400 : vector<16xf32>
      %add3A_402 = arith.constant 1.000000e+00 : f32
      %add3A_403 = vector.broadcast %add3A_402 : f32 to vector<16xf32>
      %add3A_404 = arith.addf %add3A_403, %exp3A_401 : vector<16xf32>
      %div3A_405 = arith.divf %add3A_397, %add3A_404 : vector<16xf32>
      %swap3A_406 = arith.index_cast %add3A_282 : i32 to index
      %swap3A_407 = arith.constant 96 : index
      %swap3A_408 = tpu.vector_load %arg12[%swap3A_406, %swap3A_407] {strides = array<i32>} : memref<100x128xf32, #tpu.memory_space<vmem>>, vector<16xf32>,
      tpu.vector_store %arg12[%swap3A_406, %swap3A_407], %div3A_405 {strides = array<i32>} : memref<100x128xf32, #tpu.memory_space<vmem>>, vector<16xf32>,
      %get3A_409 = arith.index_cast %add3A_282 : i32 to index
      %get3A_410 = arith.constant 112 : index
      %get3A_411 = tpu.vector_load %arg12[%get3A_409, %get3A_410] {strides = array<i32>} : memref<100x128xf32, #tpu.memory_space<vmem>>, vector<16xf32>,
      %get3A_412 = arith.index_cast %add3A_282 : i32 to index
      %get3A_413 = arith.constant 112 : index
      %get3A_414 = tpu.vector_load %arg13[%get3A_412, %get3A_413] {strides = array<i32>} : memref<100x128xf32, #tpu.memory_space<vmem>>, vector<16xf32>,
      %add3A_415 = arith.addf %get3A_411, %get3A_414 : vector<16xf32>
      %neg3A_416 = arith.constant 0.000000e+00 : f32
      %neg3A_417 = vector.broadcast %neg3A_416 : f32 to vector<16xf32>
      %neg3A_418 = arith.subf %neg3A_417, %add3A_415 : vector<16xf32>
      %exp3A_419 = math.exp %neg3A_418 : vector<16xf32>
      %add3A_420 = arith.constant 1.000000e+00 : f32
      %add3A_421 = vector.broadcast %add3A_420 : f32 to vector<16xf32>
      %add3A_422 = arith.addf %add3A_421, %exp3A_419 : vector<16xf32>
      %div3A_423 = arith.divf %add3A_415, %add3A_422 : vector<16xf32>
      %swap3A_424 = arith.index_cast %add3A_282 : i32 to index
      %swap3A_425 = arith.constant 112 : index
      %swap3A_426 = tpu.vector_load %arg12[%swap3A_424, %swap3A_425] {strides = array<i32>} : memref<100x128xf32, #tpu.memory_space<vmem>>, vector<16xf32>,
      tpu.vector_store %arg12[%swap3A_424, %swap3A_425], %div3A_423 {strides = array<i32>} : memref<100x128xf32, #tpu.memory_space<vmem>>, vector<16xf32>,
      %mul3A_427 = arith.constant 4 : i32
      %mul3A_428 = arith.muli %mul3A_427, %scan3A_134 : i32
      %add3A_429 = arith.constant 2 : i32
      %add3A_430 = arith.addi %mul3A_428, %add3A_429 : i32
      %get3A_431 = arith.index_cast %add3A_430 : i32 to index
      %get3A_432 = arith.constant 0 : index
      %get3A_433 = tpu.vector_load %arg12[%get3A_431, %get3A_432] {strides = array<i32>} : memref<100x128xf32, #tpu.memory_space<vmem>>, vector<16xf32>,
      %get3A_434 = arith.index_cast %add3A_430 : i32 to index
      %get3A_435 = arith.constant 0 : index
      %get3A_436 = tpu.vector_load %arg13[%get3A_434, %get3A_435] {strides = array<i32>} : memref<100x128xf32, #tpu.memory_space<vmem>>, vector<16xf32>,
      %add3A_437 = arith.addf %get3A_433, %get3A_436 : vector<16xf32>
      %neg3A_438 = arith.constant 0.000000e+00 : f32
      %neg3A_439 = vector.broadcast %neg3A_438 : f32 to vector<16xf32>
      %neg3A_440 = arith.subf %neg3A_439, %add3A_437 : vector<16xf32>
      %exp3A_441 = math.exp %neg3A_440 : vector<16xf32>
      %add3A_442 = arith.constant 1.000000e+00 : f32
      %add3A_443 = vector.broadcast %add3A_442 : f32 to vector<16xf32>
      %add3A_444 = arith.addf %add3A_443, %exp3A_441 : vector<16xf32>
      %div3A_445 = arith.divf %add3A_437, %add3A_444 : vector<16xf32>
      %swap3A_446 = arith.index_cast %add3A_430 : i32 to index
      %swap3A_447 = arith.constant 0 : index
      %swap3A_448 = tpu.vector_load %arg12[%swap3A_446, %swap3A_447] {strides = array<i32>} : memref<100x128xf32, #tpu.memory_space<vmem>>, vector<16xf32>,
      tpu.vector_store %arg12[%swap3A_446, %swap3A_447], %div3A_445 {strides = array<i32>} : memref<100x128xf32, #tpu.memory_space<vmem>>, vector<16xf32>,
      %get3A_449 = arith.index_cast %add3A_430 : i32 to index
      %get3A_450 = arith.constant 16 : index
      %get3A_451 = tpu.vector_load %arg12[%get3A_449, %get3A_450] {strides = array<i32>} : memref<100x128xf32, #tpu.memory_space<vmem>>, vector<16xf32>,
      %get3A_452 = arith.index_cast %add3A_430 : i32 to index
      %get3A_453 = arith.constant 16 : index
      %get3A_454 = tpu.vector_load %arg13[%get3A_452, %get3A_453] {strides = array<i32>} : memref<100x128xf32, #tpu.memory_space<vmem>>, vector<16xf32>,
      %add3A_455 = arith.addf %get3A_451, %get3A_454 : vector<16xf32>
      %neg3A_456 = arith.constant 0.000000e+00 : f32
      %neg3A_457 = vector.broadcast %neg3A_456 : f32 to vector<16xf32>
      %neg3A_458 = arith.subf %neg3A_457, %add3A_455 : vector<16xf32>
      %exp3A_459 = math.exp %neg3A_458 : vector<16xf32>
      %add3A_460 = arith.constant 1.000000e+00 : f32
      %add3A_461 = vector.broadcast %add3A_460 : f32 to vector<16xf32>
      %add3A_462 = arith.addf %add3A_461, %exp3A_459 : vector<16xf32>
      %div3A_463 = arith.divf %add3A_455, %add3A_462 : vector<16xf32>
      %swap3A_464 = arith.index_cast %add3A_430 : i32 to index
      %swap3A_465 = arith.constant 16 : index
      %swap3A_466 = tpu.vector_load %arg12[%swap3A_464, %swap3A_465] {strides = array<i32>} : memref<100x128xf32, #tpu.memory_space<vmem>>, vector<16xf32>,
      tpu.vector_store %arg12[%swap3A_464, %swap3A_465], %div3A_463 {strides = array<i32>} : memref<100x128xf32, #tpu.memory_space<vmem>>, vector<16xf32>,
      %get3A_467 = arith.index_cast %add3A_430 : i32 to index
      %get3A_468 = arith.constant 32 : index
      %get3A_469 = tpu.vector_load %arg12[%get3A_467, %get3A_468] {strides = array<i32>} : memref<100x128xf32, #tpu.memory_space<vmem>>, vector<16xf32>,
      %get3A_470 = arith.index_cast %add3A_430 : i32 to index
      %get3A_471 = arith.constant 32 : index
      %get3A_472 = tpu.vector_load %arg13[%get3A_470, %get3A_471] {strides = array<i32>} : memref<100x128xf32, #tpu.memory_space<vmem>>, vector<16xf32>,
      %add3A_473 = arith.addf %get3A_469, %get3A_472 : vector<16xf32>
      %neg3A_474 = arith.constant 0.000000e+00 : f32
      %neg3A_475 = vector.broadcast %neg3A_474 : f32 to vector<16xf32>
      %neg3A_476 = arith.subf %neg3A_475, %add3A_473 : vector<16xf32>
      %exp3A_477 = math.exp %neg3A_476 : vector<16xf32>
      %add3A_478 = arith.constant 1.000000e+00 : f32
      %add3A_479 = vector.broadcast %add3A_478 : f32 to vector<16xf32>
      %add3A_480 = arith.addf %add3A_479, %exp3A_477 : vector<16xf32>
      %div3A_481 = arith.divf %add3A_473, %add3A_480 : vector<16xf32>
      %swap3A_482 = arith.index_cast %add3A_430 : i32 to index
      %swap3A_483 = arith.constant 32 : index
      %swap3A_484 = tpu.vector_load %arg12[%swap3A_482, %swap3A_483] {strides = array<i32>} : memref<100x128xf32, #tpu.memory_space<vmem>>, vector<16xf32>,
      tpu.vector_store %arg12[%swap3A_482, %swap3A_483], %div3A_481 {strides = array<i32>} : memref<100x128xf32, #tpu.memory_space<vmem>>, vector<16xf32>,
      %get3A_485 = arith.index_cast %add3A_430 : i32 to index
      %get3A_486 = arith.constant 48 : index
      %get3A_487 = tpu.vector_load %arg12[%get3A_485, %get3A_486] {strides = array<i32>} : memref<100x128xf32, #tpu.memory_space<vmem>>, vector<16xf32>,
      %get3A_488 = arith.index_cast %add3A_430 : i32 to index
      %get3A_489 = arith.constant 48 : index
      %get3A_490 = tpu.vector_load %arg13[%get3A_488, %get3A_489] {strides = array<i32>} : memref<100x128xf32, #tpu.memory_space<vmem>>, vector<16xf32>,
      %add3A_491 = arith.addf %get3A_487, %get3A_490 : vector<16xf32>
      %neg3A_492 = arith.constant 0.000000e+00 : f32
      %neg3A_493 = vector.broadcast %neg3A_492 : f32 to vector<16xf32>
      %neg3A_494 = arith.subf %neg3A_493, %add3A_491 : vector<16xf32>
      %exp3A_495 = math.exp %neg3A_494 : vector<16xf32>
      %add3A_496 = arith.constant 1.000000e+00 : f32
      %add3A_497 = vector.broadcast %add3A_496 : f32 to vector<16xf32>
      %add3A_498 = arith.addf %add3A_497, %exp3A_495 : vector<16xf32>
      %div3A_499 = arith.divf %add3A_491, %add3A_498 : vector<16xf32>
      %swap3A_500 = arith.index_cast %add3A_430 : i32 to index
      %swap3A_501 = arith.constant 48 : index
      %swap3A_502 = tpu.vector_load %arg12[%swap3A_500, %swap3A_501] {strides = array<i32>} : memref<100x128xf32, #tpu.memory_space<vmem>>, vector<16xf32>,
      tpu.vector_store %arg12[%swap3A_500, %swap3A_501], %div3A_499 {strides = array<i32>} : memref<100x128xf32, #tpu.memory_space<vmem>>, vector<16xf32>,
      %get3A_503 = arith.index_cast %add3A_430 : i32 to index
      %get3A_504 = arith.constant 64 : index
      %get3A_505 = tpu.vector_load %arg12[%get3A_503, %get3A_504] {strides = array<i32>} : memref<100x128xf32, #tpu.memory_space<vmem>>, vector<16xf32>,
      %get3A_506 = arith.index_cast %add3A_430 : i32 to index
      %get3A_507 = arith.constant 64 : index
      %get3A_508 = tpu.vector_load %arg13[%get3A_506, %get3A_507] {strides = array<i32>} : memref<100x128xf32, #tpu.memory_space<vmem>>, vector<16xf32>,
      %add3A_509 = arith.addf %get3A_505, %get3A_508 : vector<16xf32>
      %neg3A_510 = arith.constant 0.000000e+00 : f32
      %neg3A_511 = vector.broadcast %neg3A_510 : f32 to vector<16xf32>
      %neg3A_512 = arith.subf %neg3A_511, %add3A_509 : vector<16xf32>
      %exp3A_513 = math.exp %neg3A_512 : vector<16xf32>
      %add3A_514 = arith.constant 1.000000e+00 : f32
      %add3A_515 = vector.broadcast %add3A_514 : f32 to vector<16xf32>
      %add3A_516 = arith.addf %add3A_515, %exp3A_513 : vector<16xf32>
      %div3A_517 = arith.divf %add3A_509, %add3A_516 : vector<16xf32>
      %swap3A_518 = arith.index_cast %add3A_430 : i32 to index
      %swap3A_519 = arith.constant 64 : index
      %swap3A_520 = tpu.vector_load %arg12[%swap3A_518, %swap3A_519] {strides = array<i32>} : memref<100x128xf32, #tpu.memory_space<vmem>>, vector<16xf32>,
      tpu.vector_store %arg12[%swap3A_518, %swap3A_519], %div3A_517 {strides = array<i32>} : memref<100x128xf32, #tpu.memory_space<vmem>>, vector<16xf32>,
      %get3A_521 = arith.index_cast %add3A_430 : i32 to index
      %get3A_522 = arith.constant 80 : index
      %get3A_523 = tpu.vector_load %arg12[%get3A_521, %get3A_522] {strides = array<i32>} : memref<100x128xf32, #tpu.memory_space<vmem>>, vector<16xf32>,
      %get3A_524 = arith.index_cast %add3A_430 : i32 to index
      %get3A_525 = arith.constant 80 : index
      %get3A_526 = tpu.vector_load %arg13[%get3A_524, %get3A_525] {strides = array<i32>} : memref<100x128xf32, #tpu.memory_space<vmem>>, vector<16xf32>,
      %add3A_527 = arith.addf %get3A_523, %get3A_526 : vector<16xf32>
      %neg3A_528 = arith.constant 0.000000e+00 : f32
      %neg3A_529 = vector.broadcast %neg3A_528 : f32 to vector<16xf32>
      %neg3A_530 = arith.subf %neg3A_529, %add3A_527 : vector<16xf32>
      %exp3A_531 = math.exp %neg3A_530 : vector<16xf32>
      %add3A_532 = arith.constant 1.000000e+00 : f32
      %add3A_533 = vector.broadcast %add3A_532 : f32 to vector<16xf32>
      %add3A_534 = arith.addf %add3A_533, %exp3A_531 : vector<16xf32>
      %div3A_535 = arith.divf %add3A_527, %add3A_534 : vector<16xf32>
      %swap3A_536 = arith.index_cast %add3A_430 : i32 to index
      %swap3A_537 = arith.constant 80 : index
      %swap3A_538 = tpu.vector_load %arg12[%swap3A_536, %swap3A_537] {strides = array<i32>} : memref<100x128xf32, #tpu.memory_space<vmem>>, vector<16xf32>,
      tpu.vector_store %arg12[%swap3A_536, %swap3A_537], %div3A_535 {strides = array<i32>} : memref<100x128xf32, #tpu.memory_space<vmem>>, vector<16xf32>,
      %get3A_539 = arith.index_cast %add3A_430 : i32 to index
      %get3A_540 = arith.constant 96 : index
      %get3A_541 = tpu.vector_load %arg12[%get3A_539, %get3A_540] {strides = array<i32>} : memref<100x128xf32, #tpu.memory_space<vmem>>, vector<16xf32>,
      %get3A_542 = arith.index_cast %add3A_430 : i32 to index
      %get3A_543 = arith.constant 96 : index
      %get3A_544 = tpu.vector_load %arg13[%get3A_542, %get3A_543] {strides = array<i32>} : memref<100x128xf32, #tpu.memory_space<vmem>>, vector<16xf32>,
      %add3A_545 = arith.addf %get3A_541, %get3A_544 : vector<16xf32>
      %neg3A_546 = arith.constant 0.000000e+00 : f32
      %neg3A_547 = vector.broadcast %neg3A_546 : f32 to vector<16xf32>
      %neg3A_548 = arith.subf %neg3A_547, %add3A_545 : vector<16xf32>
      %exp3A_549 = math.exp %neg3A_548 : vector<16xf32>
      %add3A_550 = arith.constant 1.000000e+00 : f32
      %add3A_551 = vector.broadcast %add3A_550 : f32 to vector<16xf32>
      %add3A_552 = arith.addf %add3A_551, %exp3A_549 : vector<16xf32>
      %div3A_553 = arith.divf %add3A_545, %add3A_552 : vector<16xf32>
      %swap3A_554 = arith.index_cast %add3A_430 : i32 to index
      %swap3A_555 = arith.constant 96 : index
      %swap3A_556 = tpu.vector_load %arg12[%swap3A_554, %swap3A_555] {strides = array<i32>} : memref<100x128xf32, #tpu.memory_space<vmem>>, vector<16xf32>,
      tpu.vector_store %arg12[%swap3A_554, %swap3A_555], %div3A_553 {strides = array<i32>} : memref<100x128xf32, #tpu.memory_space<vmem>>, vector<16xf32>,
      %get3A_557 = arith.index_cast %add3A_430 : i32 to index
      %get3A_558 = arith.constant 112 : index
      %get3A_559 = tpu.vector_load %arg12[%get3A_557, %get3A_558] {strides = array<i32>} : memref<100x128xf32, #tpu.memory_space<vmem>>, vector<16xf32>,
      %get3A_560 = arith.index_cast %add3A_430 : i32 to index
      %get3A_561 = arith.constant 112 : index
      %get3A_562 = tpu.vector_load %arg13[%get3A_560, %get3A_561] {strides = array<i32>} : memref<100x128xf32, #tpu.memory_space<vmem>>, vector<16xf32>,
      %add3A_563 = arith.addf %get3A_559, %get3A_562 : vector<16xf32>
      %neg3A_564 = arith.constant 0.000000e+00 : f32
      %neg3A_565 = vector.broadcast %neg3A_564 : f32 to vector<16xf32>
      %neg3A_566 = arith.subf %neg3A_565, %add3A_563 : vector<16xf32>
      %exp3A_567 = math.exp %neg3A_566 : vector<16xf32>
      %add3A_568 = arith.constant 1.000000e+00 : f32
      %add3A_569 = vector.broadcast %add3A_568 : f32 to vector<16xf32>
      %add3A_570 = arith.addf %add3A_569, %exp3A_567 : vector<16xf32>
      %div3A_571 = arith.divf %add3A_563, %add3A_570 : vector<16xf32>
      %swap3A_572 = arith.index_cast %add3A_430 : i32 to index
      %swap3A_573 = arith.constant 112 : index
      %swap3A_574 = tpu.vector_load %arg12[%swap3A_572, %swap3A_573] {strides = array<i32>} : memref<100x128xf32, #tpu.memory_space<vmem>>, vector<16xf32>,
      tpu.vector_store %arg12[%swap3A_572, %swap3A_573], %div3A_571 {strides = array<i32>} : memref<100x128xf32, #tpu.memory_space<vmem>>, vector<16xf32>,
      %mul3A_575 = arith.constant 4 : i32
      %mul3A_576 = arith.muli %mul3A_575, %scan3A_134 : i32
      %add3A_577 = arith.constant 3 : i32
      %add3A_578 = arith.addi %mul3A_576, %add3A_577 : i32
      %get3A_579 = arith.index_cast %add3A_578 : i32 to index
      %get3A_580 = arith.constant 0 : index
      %get3A_581 = tpu.vector_load %arg12[%get3A_579, %get3A_580] {strides = array<i32>} : memref<100x128xf32, #tpu.memory_space<vmem>>, vector<16xf32>,
      %get3A_582 = arith.index_cast %add3A_578 : i32 to index
      %get3A_583 = arith.constant 0 : index
      %get3A_584 = tpu.vector_load %arg13[%get3A_582, %get3A_583] {strides = array<i32>} : memref<100x128xf32, #tpu.memory_space<vmem>>, vector<16xf32>,
      %add3A_585 = arith.addf %get3A_581, %get3A_584 : vector<16xf32>
      %neg3A_586 = arith.constant 0.000000e+00 : f32
      %neg3A_587 = vector.broadcast %neg3A_586 : f32 to vector<16xf32>
      %neg3A_588 = arith.subf %neg3A_587, %add3A_585 : vector<16xf32>
      %exp3A_589 = math.exp %neg3A_588 : vector<16xf32>
      %add3A_590 = arith.constant 1.000000e+00 : f32
      %add3A_591 = vector.broadcast %add3A_590 : f32 to vector<16xf32>
      %add3A_592 = arith.addf %add3A_591, %exp3A_589 : vector<16xf32>
      %div3A_593 = arith.divf %add3A_585, %add3A_592 : vector<16xf32>
      %swap3A_594 = arith.index_cast %add3A_578 : i32 to index
      %swap3A_595 = arith.constant 0 : index
      %swap3A_596 = tpu.vector_load %arg12[%swap3A_594, %swap3A_595] {strides = array<i32>} : memref<100x128xf32, #tpu.memory_space<vmem>>, vector<16xf32>,
      tpu.vector_store %arg12[%swap3A_594, %swap3A_595], %div3A_593 {strides = array<i32>} : memref<100x128xf32, #tpu.memory_space<vmem>>, vector<16xf32>,
      %get3A_597 = arith.index_cast %add3A_578 : i32 to index
      %get3A_598 = arith.constant 16 : index
      %get3A_599 = tpu.vector_load %arg12[%get3A_597, %get3A_598] {strides = array<i32>} : memref<100x128xf32, #tpu.memory_space<vmem>>, vector<16xf32>,
      %get3A_600 = arith.index_cast %add3A_578 : i32 to index
      %get3A_601 = arith.constant 16 : index
      %get3A_602 = tpu.vector_load %arg13[%get3A_600, %get3A_601] {strides = array<i32>} : memref<100x128xf32, #tpu.memory_space<vmem>>, vector<16xf32>,
      %add3A_603 = arith.addf %get3A_599, %get3A_602 : vector<16xf32>
      %neg3A_604 = arith.constant 0.000000e+00 : f32
      %neg3A_605 = vector.broadcast %neg3A_604 : f32 to vector<16xf32>
      %neg3A_606 = arith.subf %neg3A_605, %add3A_603 : vector<16xf32>
      %exp3A_607 = math.exp %neg3A_606 : vector<16xf32>
      %add3A_608 = arith.constant 1.000000e+00 : f32
      %add3A_609 = vector.broadcast %add3A_608 : f32 to vector<16xf32>
      %add3A_610 = arith.addf %add3A_609, %exp3A_607 : vector<16xf32>
      %div3A_611 = arith.divf %add3A_603, %add3A_610 : vector<16xf32>
      %swap3A_612 = arith.index_cast %add3A_578 : i32 to index
      %swap3A_613 = arith.constant 16 : index
      %swap3A_614 = tpu.vector_load %arg12[%swap3A_612, %swap3A_613] {strides = array<i32>} : memref<100x128xf32, #tpu.memory_space<vmem>>, vector<16xf32>,
      tpu.vector_store %arg12[%swap3A_612, %swap3A_613], %div3A_611 {strides = array<i32>} : memref<100x128xf32, #tpu.memory_space<vmem>>, vector<16xf32>,
      %get3A_615 = arith.index_cast %add3A_578 : i32 to index
      %get3A_616 = arith.constant 32 : index
      %get3A_617 = tpu.vector_load %arg12[%get3A_615, %get3A_616] {strides = array<i32>} : memref<100x128xf32, #tpu.memory_space<vmem>>, vector<16xf32>,
      %get3A_618 = arith.index_cast %add3A_578 : i32 to index
      %get3A_619 = arith.constant 32 : index
      %get3A_620 = tpu.vector_load %arg13[%get3A_618, %get3A_619] {strides = array<i32>} : memref<100x128xf32, #tpu.memory_space<vmem>>, vector<16xf32>,
      %add3A_621 = arith.addf %get3A_617, %get3A_620 : vector<16xf32>
      %neg3A_622 = arith.constant 0.000000e+00 : f32
      %neg3A_623 = vector.broadcast %neg3A_622 : f32 to vector<16xf32>
      %neg3A_624 = arith.subf %neg3A_623, %add3A_621 : vector<16xf32>
      %exp3A_625 = math.exp %neg3A_624 : vector<16xf32>
      %add3A_626 = arith.constant 1.000000e+00 : f32
      %add3A_627 = vector.broadcast %add3A_626 : f32 to vector<16xf32>
      %add3A_628 = arith.addf %add3A_627, %exp3A_625 : vector<16xf32>
      %div3A_629 = arith.divf %add3A_621, %add3A_628 : vector<16xf32>
      %swap3A_630 = arith.index_cast %add3A_578 : i32 to index
      %swap3A_631 = arith.constant 32 : index
      %swap3A_632 = tpu.vector_load %arg12[%swap3A_630, %swap3A_631] {strides = array<i32>} : memref<100x128xf32, #tpu.memory_space<vmem>>, vector<16xf32>,
      tpu.vector_store %arg12[%swap3A_630, %swap3A_631], %div3A_629 {strides = array<i32>} : memref<100x128xf32, #tpu.memory_space<vmem>>, vector<16xf32>,
      %get3A_633 = arith.index_cast %add3A_578 : i32 to index
      %get3A_634 = arith.constant 48 : index
      %get3A_635 = tpu.vector_load %arg12[%get3A_633, %get3A_634] {strides = array<i32>} : memref<100x128xf32, #tpu.memory_space<vmem>>, vector<16xf32>,
      %get3A_636 = arith.index_cast %add3A_578 : i32 to index
      %get3A_637 = arith.constant 48 : index
      %get3A_638 = tpu.vector_load %arg13[%get3A_636, %get3A_637] {strides = array<i32>} : memref<100x128xf32, #tpu.memory_space<vmem>>, vector<16xf32>,
      %add3A_639 = arith.addf %get3A_635, %get3A_638 : vector<16xf32>
      %neg3A_640 = arith.constant 0.000000e+00 : f32
      %neg3A_641 = vector.broadcast %neg3A_640 : f32 to vector<16xf32>
      %neg3A_642 = arith.subf %neg3A_641, %add3A_639 : vector<16xf32>
      %exp3A_643 = math.exp %neg3A_642 : vector<16xf32>
      %add3A_644 = arith.constant 1.000000e+00 : f32
      %add3A_645 = vector.broadcast %add3A_644 : f32 to vector<16xf32>
      %add3A_646 = arith.addf %add3A_645, %exp3A_643 : vector<16xf32>
      %div3A_647 = arith.divf %add3A_639, %add3A_646 : vector<16xf32>
      %swap3A_648 = arith.index_cast %add3A_578 : i32 to index
      %swap3A_649 = arith.constant 48 : index
      %swap3A_650 = tpu.vector_load %arg12[%swap3A_648, %swap3A_649] {strides = array<i32>} : memref<100x128xf32, #tpu.memory_space<vmem>>, vector<16xf32>,
      tpu.vector_store %arg12[%swap3A_648, %swap3A_649], %div3A_647 {strides = array<i32>} : memref<100x128xf32, #tpu.memory_space<vmem>>, vector<16xf32>,
      %get3A_651 = arith.index_cast %add3A_578 : i32 to index
      %get3A_652 = arith.constant 64 : index
      %get3A_653 = tpu.vector_load %arg12[%get3A_651, %get3A_652] {strides = array<i32>} : memref<100x128xf32, #tpu.memory_space<vmem>>, vector<16xf32>,
      %get3A_654 = arith.index_cast %add3A_578 : i32 to index
      %get3A_655 = arith.constant 64 : index
      %get3A_656 = tpu.vector_load %arg13[%get3A_654, %get3A_655] {strides = array<i32>} : memref<100x128xf32, #tpu.memory_space<vmem>>, vector<16xf32>,
      %add3A_657 = arith.addf %get3A_653, %get3A_656 : vector<16xf32>
      %neg3A_658 = arith.constant 0.000000e+00 : f32
      %neg3A_659 = vector.broadcast %neg3A_658 : f32 to vector<16xf32>
      %neg3A_660 = arith.subf %neg3A_659, %add3A_657 : vector<16xf32>
      %exp3A_661 = math.exp %neg3A_660 : vector<16xf32>
      %add3A_662 = arith.constant 1.000000e+00 : f32
      %add3A_663 = vector.broadcast %add3A_662 : f32 to vector<16xf32>
      %add3A_664 = arith.addf %add3A_663, %exp3A_661 : vector<16xf32>
      %div3A_665 = arith.divf %add3A_657, %add3A_664 : vector<16xf32>
      %swap3A_666 = arith.index_cast %add3A_578 : i32 to index
      %swap3A_667 = arith.constant 64 : index
      %swap3A_668 = tpu.vector_load %arg12[%swap3A_666, %swap3A_667] {strides = array<i32>} : memref<100x128xf32, #tpu.memory_space<vmem>>, vector<16xf32>,
      tpu.vector_store %arg12[%swap3A_666, %swap3A_667], %div3A_665 {strides = array<i32>} : memref<100x128xf32, #tpu.memory_space<vmem>>, vector<16xf32>,
      %get3A_669 = arith.index_cast %add3A_578 : i32 to index
      %get3A_670 = arith.constant 80 : index
      %get3A_671 = tpu.vector_load %arg12[%get3A_669, %get3A_670] {strides = array<i32>} : memref<100x128xf32, #tpu.memory_space<vmem>>, vector<16xf32>,
      %get3A_672 = arith.index_cast %add3A_578 : i32 to index
      %get3A_673 = arith.constant 80 : index
      %get3A_674 = tpu.vector_load %arg13[%get3A_672, %get3A_673] {strides = array<i32>} : memref<100x128xf32, #tpu.memory_space<vmem>>, vector<16xf32>,
      %add3A_675 = arith.addf %get3A_671, %get3A_674 : vector<16xf32>
      %neg3A_676 = arith.constant 0.000000e+00 : f32
      %neg3A_677 = vector.broadcast %neg3A_676 : f32 to vector<16xf32>
      %neg3A_678 = arith.subf %neg3A_677, %add3A_675 : vector<16xf32>
      %exp3A_679 = math.exp %neg3A_678 : vector<16xf32>
      %add3A_680 = arith.constant 1.000000e+00 : f32
      %add3A_681 = vector.broadcast %add3A_680 : f32 to vector<16xf32>
      %add3A_682 = arith.addf %add3A_681, %exp3A_679 : vector<16xf32>
      %div3A_683 = arith.divf %add3A_675, %add3A_682 : vector<16xf32>
      %swap3A_684 = arith.index_cast %add3A_578 : i32 to index
      %swap3A_685 = arith.constant 80 : index
      %swap3A_686 = tpu.vector_load %arg12[%swap3A_684, %swap3A_685] {strides = array<i32>} : memref<100x128xf32, #tpu.memory_space<vmem>>, vector<16xf32>,
      tpu.vector_store %arg12[%swap3A_684, %swap3A_685], %div3A_683 {strides = array<i32>} : memref<100x128xf32, #tpu.memory_space<vmem>>, vector<16xf32>,
      %get3A_687 = arith.index_cast %add3A_578 : i32 to index
      %get3A_688 = arith.constant 96 : index
      %get3A_689 = tpu.vector_load %arg12[%get3A_687, %get3A_688] {strides = array<i32>} : memref<100x128xf32, #tpu.memory_space<vmem>>, vector<16xf32>,
      %get3A_690 = arith.index_cast %add3A_578 : i32 to index
      %get3A_691 = arith.constant 96 : index
      %get3A_692 = tpu.vector_load %arg13[%get3A_690, %get3A_691] {strides = array<i32>} : memref<100x128xf32, #tpu.memory_space<vmem>>, vector<16xf32>,
      %add3A_693 = arith.addf %get3A_689, %get3A_692 : vector<16xf32>
      %neg3A_694 = arith.constant 0.000000e+00 : f32
      %neg3A_695 = vector.broadcast %neg3A_694 : f32 to vector<16xf32>
      %neg3A_696 = arith.subf %neg3A_695, %add3A_693 : vector<16xf32>
      %exp3A_697 = math.exp %neg3A_696 : vector<16xf32>
      %add3A_698 = arith.constant 1.000000e+00 : f32
      %add3A_699 = vector.broadcast %add3A_698 : f32 to vector<16xf32>
      %add3A_700 = arith.addf %add3A_699, %exp3A_697 : vector<16xf32>
      %div3A_701 = arith.divf %add3A_693, %add3A_700 : vector<16xf32>
      %swap3A_702 = arith.index_cast %add3A_578 : i32 to index
      %swap3A_703 = arith.constant 96 : index
      %swap3A_704 = tpu.vector_load %arg12[%swap3A_702, %swap3A_703] {strides = array<i32>} : memref<100x128xf32, #tpu.memory_space<vmem>>, vector<16xf32>,
      tpu.vector_store %arg12[%swap3A_702, %swap3A_703], %div3A_701 {strides = array<i32>} : memref<100x128xf32, #tpu.memory_space<vmem>>, vector<16xf32>,
      %get3A_705 = arith.index_cast %add3A_578 : i32 to index
      %get3A_706 = arith.constant 112 : index
      %get3A_707 = tpu.vector_load %arg12[%get3A_705, %get3A_706] {strides = array<i32>} : memref<100x128xf32, #tpu.memory_space<vmem>>, vector<16xf32>,
      %get3A_708 = arith.index_cast %add3A_578 : i32 to index
      %get3A_709 = arith.constant 112 : index
      %get3A_710 = tpu.vector_load %arg13[%get3A_708, %get3A_709] {strides = array<i32>} : memref<100x128xf32, #tpu.memory_space<vmem>>, vector<16xf32>,
      %add3A_711 = arith.addf %get3A_707, %get3A_710 : vector<16xf32>
      %neg3A_712 = arith.constant 0.000000e+00 : f32
      %neg3A_713 = vector.broadcast %neg3A_712 : f32 to vector<16xf32>
      %neg3A_714 = arith.subf %neg3A_713, %add3A_711 : vector<16xf32>
      %exp3A_715 = math.exp %neg3A_714 : vector<16xf32>
      %add3A_716 = arith.constant 1.000000e+00 : f32
      %add3A_717 = vector.broadcast %add3A_716 : f32 to vector<16xf32>
      %add3A_718 = arith.addf %add3A_717, %exp3A_715 : vector<16xf32>
      %div3A_719 = arith.divf %add3A_711, %add3A_718 : vector<16xf32>
      %swap3A_720 = arith.index_cast %add3A_578 : i32 to index
      %swap3A_721 = arith.constant 112 : index
      %swap3A_722 = tpu.vector_load %arg12[%swap3A_720, %swap3A_721] {strides = array<i32>} : memref<100x128xf32, #tpu.memory_space<vmem>>, vector<16xf32>,
      tpu.vector_store %arg12[%swap3A_720, %swap3A_721], %div3A_719 {strides = array<i32>} : memref<100x128xf32, #tpu.memory_space<vmem>>, vector<16xf32>,
    }
    %scan3A_111 = arith.constant 25 : i32
    %run_scoped3A_112 = arith.constant 0 : i32
    "tpu.region"() ({
      %run_scoped3A_134 = tpu.sem_alloc : memref<!tpu.dma_semaphore, #tpu.memory_space<semaphore_mem>>
      %dma_start3A_135 = arith.constant 0 : i32
      %dma_start3A_136 = tpu.memref_slice %arg9[%run_scoped3A_112, %dma_start3A_135] : memref<1x384xi32, #tpu.memory_space<vmem>> -> memref<1x100xi32, #tpu.memory_space<vmem>>
      %dma_start3A_137 = tpu.memref_squeeze %dma_start3A_136 : memref<1x100xi32, #tpu.memory_space<vmem>> -> memref<100xi32, #tpu.memory_space<vmem>>
      %dma_start3A_138 = arith.constant 0 : i32
      %dma_start3A_139 = arith.constant 0 : i32
      %dma_start3A_140 = tpu.memref_slice %arg15[%dma_start3A_138, %dma_start3A_139] : memref<10080x128xf32, #tpu.memory_space<vmem_shared>> -> memref<10080x128xf32, #tpu.memory_space<vmem_shared>>
      tpu.enqueue_indirect_dma source(%arg12 : memref<100x128xf32, #tpu.memory_space<vmem>>) target(%dma_start3A_140 : memref<10080x128xf32, #tpu.memory_space<vmem_shared>>) offsets(%dma_start3A_137 : memref<100xi32, #tpu.memory_space<vmem>>) semaphore(%run_scoped3A_134 : memref<!tpu.dma_semaphore, #tpu.memory_space<semaphore_mem>>) {add = true}
      %dma_wait3A = arith.constant 0 : i32
      %dma_wait3A_141 = tpu.memref_slice %arg9[%run_scoped3A_112, %dma_wait3A] : memref<1x384xi32, #tpu.memory_space<vmem>> -> memref<1x100xi32, #tpu.memory_space<vmem>>
      %dma_wait3A_142 = tpu.memref_squeeze %dma_wait3A_141 : memref<1x100xi32, #tpu.memory_space<vmem>> -> memref<100xi32, #tpu.memory_space<vmem>>
      %dma_wait3A_143 = arith.constant 0 : i32
      %dma_wait3A_144 = arith.constant 0 : i32
      %dma_wait3A_145 = tpu.memref_slice %arg15[%dma_wait3A_143, %dma_wait3A_144] : memref<10080x128xf32, #tpu.memory_space<vmem_shared>> -> memref<10080x128xf32, #tpu.memory_space<vmem_shared>>
      tpu.wait_indirect_dma semaphore(%run_scoped3A_134 : memref<!tpu.dma_semaphore, #tpu.memory_space<semaphore_mem>>) src(%arg12 : memref<100x128xf32, #tpu.memory_space<vmem>>) dst(%dma_wait3A_145 : memref<10080x128xf32, #tpu.memory_space<vmem_shared>>)
      tpu.yield
    }) : () -> ()
    tpu.wait_dma2 semaphore(%arg19 : memref<!tpu.dma_semaphore, #tpu.memory_space<semaphore_mem>>) src(%arg5 : memref<100x128xf32, #tpu.memory_space<hbm>>) dst(%arg11 : memref<100x128xf32, #tpu.memory_space<vmem>>)
    %scan3A_113 = arith.constant 0 : i32
    %scan3A_114 = arith.constant 0 : i32
    %scan3A_115 = arith.constant 80 : i32
    %scan3A_116 = arith.addi %scan3A_114, %scan3A_115 : i32
    %scan3A_117 = arith.constant 1 : i32
    scf.for %scan3A_134 = %scan3A_114 to %scan3A_116 step %scan3A_117  : i32 {
      %swap3A_135 = arith.index_cast %scan3A_134 : i32 to index
      %swap3A_136 = arith.constant 0 : index
      %swap3A_137 = tpu.vector_load %arg13[%swap3A_135, %swap3A_136] {strides = array<i32>} : memref<100x128xf32, #tpu.memory_space<vmem>>, vector<16xf32>,
      tpu.vector_store %arg13[%swap3A_135, %swap3A_136], %broadcast_in_dim3A_0 {strides = array<i32>} : memref<100x128xf32, #tpu.memory_space<vmem>>, vector<16xf32>,
      %swap3A_138 = arith.index_cast %scan3A_134 : i32 to index
      %swap3A_139 = arith.constant 16 : index
      %swap3A_140 = tpu.vector_load %arg13[%swap3A_138, %swap3A_139] {strides = array<i32>} : memref<100x128xf32, #tpu.memory_space<vmem>>, vector<16xf32>,
      tpu.vector_store %arg13[%swap3A_138, %swap3A_139], %broadcast_in_dim3A_0 {strides = array<i32>} : memref<100x128xf32, #tpu.memory_space<vmem>>, vector<16xf32>,
      %swap3A_141 = arith.index_cast %scan3A_134 : i32 to index
      %swap3A_142 = arith.constant 32 : index
      %swap3A_143 = tpu.vector_load %arg13[%swap3A_141, %swap3A_142] {strides = array<i32>} : memref<100x128xf32, #tpu.memory_space<vmem>>, vector<16xf32>,
      tpu.vector_store %arg13[%swap3A_141, %swap3A_142], %broadcast_in_dim3A_0 {strides = array<i32>} : memref<100x128xf32, #tpu.memory_space<vmem>>, vector<16xf32>,
      %swap3A_144 = arith.index_cast %scan3A_134 : i32 to index
      %swap3A_145 = arith.constant 48 : index
      %swap3A_146 = tpu.vector_load %arg13[%swap3A_144, %swap3A_145] {strides = array<i32>} : memref<100x128xf32, #tpu.memory_space<vmem>>, vector<16xf32>,
      tpu.vector_store %arg13[%swap3A_144, %swap3A_145], %broadcast_in_dim3A_0 {strides = array<i32>} : memref<100x128xf32, #tpu.memory_space<vmem>>, vector<16xf32>,
      %swap3A_147 = arith.index_cast %scan3A_134 : i32 to index
      %swap3A_148 = arith.constant 64 : index
      %swap3A_149 = tpu.vector_load %arg13[%swap3A_147, %swap3A_148] {strides = array<i32>} : memref<100x128xf32, #tpu.memory_space<vmem>>, vector<16xf32>,
      tpu.vector_store %arg13[%swap3A_147, %swap3A_148], %broadcast_in_dim3A_0 {strides = array<i32>} : memref<100x128xf32, #tpu.memory_space<vmem>>, vector<16xf32>,
      %swap3A_150 = arith.index_cast %scan3A_134 : i32 to index
      %swap3A_151 = arith.constant 80 : index
      %swap3A_152 = tpu.vector_load %arg13[%swap3A_150, %swap3A_151] {strides = array<i32>} : memref<100x128xf32, #tpu.memory_space<vmem>>, vector<16xf32>,
      tpu.vector_store %arg13[%swap3A_150, %swap3A_151], %broadcast_in_dim3A_0 {strides = array<i32>} : memref<100x128xf32, #tpu.memory_space<vmem>>, vector<16xf32>,
      %swap3A_153 = arith.index_cast %scan3A_134 : i32 to index
      %swap3A_154 = arith.constant 96 : index
      %swap3A_155 = tpu.vector_load %arg13[%swap3A_153, %swap3A_154] {strides = array<i32>} : memref<100x128xf32, #tpu.memory_space<vmem>>, vector<16xf32>,
      tpu.vector_store %arg13[%swap3A_153, %swap3A_154], %broadcast_in_dim3A_0 {strides = array<i32>} : memref<100x128xf32, #tpu.memory_space<vmem>>, vector<16xf32>,
      %swap3A_156 = arith.index_cast %scan3A_134 : i32 to index
      %swap3A_157 = arith.constant 112 : index
      %swap3A_158 = tpu.vector_load %arg13[%swap3A_156, %swap3A_157] {strides = array<i32>} : memref<100x128xf32, #tpu.memory_space<vmem>>, vector<16xf32>,
      tpu.vector_store %arg13[%swap3A_156, %swap3A_157], %broadcast_in_dim3A_0 {strides = array<i32>} : memref<100x128xf32, #tpu.memory_space<vmem>>, vector<16xf32>,
    }
    %scan3A_118 = arith.constant 80 : i32
    %broadcast_in_dim3A_119 = arith.constant 1.000000e+00 : f32
    %broadcast_in_dim3A_120 = vector.broadcast %broadcast_in_dim3A_119 : f32 to vector<16xf32>
    %scan3A_121 = arith.constant 0 : i32
    %scan3A_122 = arith.constant 0 : i32
    %scan3A_123 = arith.constant 25 : i32
    %scan3A_124 = arith.addi %scan3A_122, %scan3A_123 : i32
    %scan3A_125 = arith.constant 1 : i32
    scf.for %scan3A_134 = %scan3A_122 to %scan3A_124 step %scan3A_125  : i32 {
      %dma_start3A_135 = arith.constant 0 : i32
      %dma_start3A_136 = arith.constant 0 : i32
      %dma_start3A_137 = tpu.memref_slice %arg4[%arg1, %scan3A_134, %dma_start3A_135, %dma_start3A_136] : memref<16x25x5x80xi32, #tpu.memory_space<hbm>> -> memref<1x1x5x80xi32, #tpu.memory_space<hbm>>
      %dma_start3A_138 = tpu.memref_squeeze %dma_start3A_137 : memref<1x1x5x80xi32, #tpu.memory_space<hbm>> -> memref<5x80xi32, #tpu.memory_space<hbm>>
      %dma_start3A_139 = arith.constant 0 : i32
      %dma_start3A_140 = arith.constant 0 : i32
      %dma_start3A_141 = tpu.memref_slice %arg4[%arg1, %scan3A_134, %dma_start3A_139, %dma_start3A_140] : memref<16x25x5x80xi32, #tpu.memory_space<hbm>> -> memref<1x1x5x80xi32, #tpu.memory_space<hbm>>
      %dma_start3A_142 = tpu.memref_squeeze %dma_start3A_141 : memref<1x1x5x80xi32, #tpu.memory_space<hbm>> -> memref<5x80xi32, #tpu.memory_space<hbm>>
      tpu.enqueue_dma source(%dma_start3A_142 : memref<5x80xi32, #tpu.memory_space<hbm>>) target(%arg14 : memref<5x80xi32, #tpu.memory_space<vmem>>) target_semaphore(%arg21 : memref<!tpu.dma_semaphore, #tpu.memory_space<semaphore_mem>>)
      %dma_wait3A = arith.constant 0 : i32
      %dma_wait3A_143 = arith.constant 0 : i32
      %dma_wait3A_144 = tpu.memref_slice %arg4[%arg1, %scan3A_134, %dma_wait3A, %dma_wait3A_143] : memref<16x25x5x80xi32, #tpu.memory_space<hbm>> -> memref<1x1x5x80xi32, #tpu.memory_space<hbm>>
      %dma_wait3A_145 = tpu.memref_squeeze %dma_wait3A_144 : memref<1x1x5x80xi32, #tpu.memory_space<hbm>> -> memref<5x80xi32, #tpu.memory_space<hbm>>
      %dma_wait3A_146 = arith.constant 0 : i32
      %dma_wait3A_147 = arith.constant 0 : i32
      %dma_wait3A_148 = tpu.memref_slice %arg4[%arg1, %scan3A_134, %dma_wait3A_146, %dma_wait3A_147] : memref<16x25x5x80xi32, #tpu.memory_space<hbm>> -> memref<1x1x5x80xi32, #tpu.memory_space<hbm>>
      %dma_wait3A_149 = tpu.memref_squeeze %dma_wait3A_148 : memref<1x1x5x80xi32, #tpu.memory_space<hbm>> -> memref<5x80xi32, #tpu.memory_space<hbm>>
      tpu.wait_dma2 semaphore(%arg21 : memref<!tpu.dma_semaphore, #tpu.memory_space<semaphore_mem>>) src(%dma_wait3A_149 : memref<5x80xi32, #tpu.memory_space<hbm>>) dst(%arg14 : memref<5x80xi32, #tpu.memory_space<vmem>>)
      %scan3A_150 = arith.constant 0 : i32
      %scan3A_151 = arith.constant 0 : i32
      %scan3A_152 = arith.constant 5 : i32
      %scan3A_153 = arith.addi %scan3A_151, %scan3A_152 : i32
      %scan3A_154 = arith.constant 1 : i32
      scf.for %scan3A_156 = %scan3A_151 to %scan3A_153 step %scan3A_154  : i32 {
        %get3A = arith.index_cast %scan3A_156 : i32 to index
        %get3A_157 = arith.constant 0 : index
        %get3A_158 = tpu.vector_load %arg14[%get3A, %get3A_157] {strides = array<i32>} : memref<5x80xi32, #tpu.memory_space<vmem>>, vector<16xi32>,
        %shift_right_logical3A = arith.constant 7 : i32
        %shift_right_logical3A_159 = vector.broadcast %shift_right_logical3A : i32 to vector<16xi32>
        %shift_right_logical3A_160 = arith.shrui %get3A_158, %shift_right_logical3A_159 : vector<16xi32>
        %and3A = arith.constant 127 : i32
        %and3A_161 = vector.broadcast %and3A : i32 to vector<16xi32>
        %and3A_162 = arith.andi %get3A_158, %and3A_161 : vector<16xi32>
        tpu.vector_store_idx %arg13[%shift_right_logical3A_160, %and3A_162], %broadcast_in_dim3A_120 {add = true} : memref<100x128xf32, #tpu.memory_space<vmem>>[vector<16xi32>, vector<16xi32>], vector<16xf32>,
        %get3A_163 = arith.index_cast %scan3A_156 : i32 to index
        %get3A_164 = arith.constant 16 : index
        %get3A_165 = tpu.vector_load %arg14[%get3A_163, %get3A_164] {strides = array<i32>} : memref<5x80xi32, #tpu.memory_space<vmem>>, vector<16xi32>,
        %shift_right_logical3A_166 = arith.constant 7 : i32
        %shift_right_logical3A_167 = vector.broadcast %shift_right_logical3A_166 : i32 to vector<16xi32>
        %shift_right_logical3A_168 = arith.shrui %get3A_165, %shift_right_logical3A_167 : vector<16xi32>
        %and3A_169 = arith.constant 127 : i32
        %and3A_170 = vector.broadcast %and3A_169 : i32 to vector<16xi32>
        %and3A_171 = arith.andi %get3A_165, %and3A_170 : vector<16xi32>
        tpu.vector_store_idx %arg13[%shift_right_logical3A_168, %and3A_171], %broadcast_in_dim3A_120 {add = true} : memref<100x128xf32, #tpu.memory_space<vmem>>[vector<16xi32>, vector<16xi32>], vector<16xf32>,
        %get3A_172 = arith.index_cast %scan3A_156 : i32 to index
        %get3A_173 = arith.constant 32 : index
        %get3A_174 = tpu.vector_load %arg14[%get3A_172, %get3A_173] {strides = array<i32>} : memref<5x80xi32, #tpu.memory_space<vmem>>, vector<16xi32>,
        %shift_right_logical3A_175 = arith.constant 7 : i32
        %shift_right_logical3A_176 = vector.broadcast %shift_right_logical3A_175 : i32 to vector<16xi32>
        %shift_right_logical3A_177 = arith.shrui %get3A_174, %shift_right_logical3A_176 : vector<16xi32>
        %and3A_178 = arith.constant 127 : i32
        %and3A_179 = vector.broadcast %and3A_178 : i32 to vector<16xi32>
        %and3A_180 = arith.andi %get3A_174, %and3A_179 : vector<16xi32>
        tpu.vector_store_idx %arg13[%shift_right_logical3A_177, %and3A_180], %broadcast_in_dim3A_120 {add = true} : memref<100x128xf32, #tpu.memory_space<vmem>>[vector<16xi32>, vector<16xi32>], vector<16xf32>,
        %get3A_181 = arith.index_cast %scan3A_156 : i32 to index
        %get3A_182 = arith.constant 48 : index
        %get3A_183 = tpu.vector_load %arg14[%get3A_181, %get3A_182] {strides = array<i32>} : memref<5x80xi32, #tpu.memory_space<vmem>>, vector<16xi32>,
        %shift_right_logical3A_184 = arith.constant 7 : i32
        %shift_right_logical3A_185 = vector.broadcast %shift_right_logical3A_184 : i32 to vector<16xi32>
        %shift_right_logical3A_186 = arith.shrui %get3A_183, %shift_right_logical3A_185 : vector<16xi32>
        %and3A_187 = arith.constant 127 : i32
        %and3A_188 = vector.broadcast %and3A_187 : i32 to vector<16xi32>
        %and3A_189 = arith.andi %get3A_183, %and3A_188 : vector<16xi32>
        tpu.vector_store_idx %arg13[%shift_right_logical3A_186, %and3A_189], %broadcast_in_dim3A_120 {add = true} : memref<100x128xf32, #tpu.memory_space<vmem>>[vector<16xi32>, vector<16xi32>], vector<16xf32>,
        %get3A_190 = arith.index_cast %scan3A_156 : i32 to index
        %get3A_191 = arith.constant 64 : index
        %get3A_192 = tpu.vector_load %arg14[%get3A_190, %get3A_191] {strides = array<i32>} : memref<5x80xi32, #tpu.memory_space<vmem>>, vector<16xi32>,
        %shift_right_logical3A_193 = arith.constant 7 : i32
        %shift_right_logical3A_194 = vector.broadcast %shift_right_logical3A_193 : i32 to vector<16xi32>
        %shift_right_logical3A_195 = arith.shrui %get3A_192, %shift_right_logical3A_194 : vector<16xi32>
        %and3A_196 = arith.constant 127 : i32
        %and3A_197 = vector.broadcast %and3A_196 : i32 to vector<16xi32>
        %and3A_198 = arith.andi %get3A_192, %and3A_197 : vector<16xi32>
        tpu.vector_store_idx %arg13[%shift_right_logical3A_195, %and3A_198], %broadcast_in_dim3A_120 {add = true} : memref<100x128xf32, #tpu.memory_space<vmem>>[vector<16xi32>, vector<16xi32>], vector<16xf32>,
      }
      %scan3A_155 = arith.constant 5 : i32
    }
    %scan3A_126 = arith.constant 25 : i32
    %run_scoped3A_127 = arith.constant 0 : i32
    "tpu.region"() ({
      %run_scoped3A_134 = tpu.sem_alloc : memref<!tpu.dma_semaphore, #tpu.memory_space<semaphore_mem>>
      %dma_start3A_135 = arith.constant 0 : i32
      %dma_start3A_136 = arith.constant 0 : i32
      %dma_start3A_137 = tpu.memref_slice %arg13[%dma_start3A_135, %dma_start3A_136] : memref<100x128xf32, #tpu.memory_space<vmem>> -> memref<80x128xf32, #tpu.memory_space<vmem>>
      %dma_start3A_138 = arith.constant 0 : i32
      %dma_start3A_139 = tpu.memref_slice %arg10[%run_scoped3A_127, %dma_start3A_138] : memref<1x80xi32, #tpu.memory_space<vmem>> -> memref<1x80xi32, #tpu.memory_space<vmem>>
      %dma_start3A_140 = tpu.memref_squeeze %dma_start3A_139 : memref<1x80xi32, #tpu.memory_space<vmem>> -> memref<80xi32, #tpu.memory_space<vmem>>
      %dma_start3A_141 = arith.constant 0 : i32
      %dma_start3A_142 = arith.constant 0 : i32
      %dma_start3A_143 = tpu.memref_slice %arg15[%dma_start3A_141, %dma_start3A_142] : memref<10080x128xf32, #tpu.memory_space<vmem_shared>> -> memref<10080x128xf32, #tpu.memory_space<vmem_shared>>
      tpu.enqueue_indirect_dma source(%dma_start3A_137 : memref<80x128xf32, #tpu.memory_space<vmem>>) target(%dma_start3A_143 : memref<10080x128xf32, #tpu.memory_space<vmem_shared>>) offsets(%dma_start3A_140 : memref<80xi32, #tpu.memory_space<vmem>>) semaphore(%run_scoped3A_134 : memref<!tpu.dma_semaphore, #tpu.memory_space<semaphore_mem>>) {add = true}
      %dma_wait3A = arith.constant 0 : i32
      %dma_wait3A_144 = arith.constant 0 : i32
      %dma_wait3A_145 = tpu.memref_slice %arg13[%dma_wait3A, %dma_wait3A_144] : memref<100x128xf32, #tpu.memory_space<vmem>> -> memref<80x128xf32, #tpu.memory_space<vmem>>
      %dma_wait3A_146 = arith.constant 0 : i32
      %dma_wait3A_147 = tpu.memref_slice %arg10[%run_scoped3A_127, %dma_wait3A_146] : memref<1x80xi32, #tpu.memory_space<vmem>> -> memref<1x80xi32, #tpu.memory_space<vmem>>
      %dma_wait3A_148 = tpu.memref_squeeze %dma_wait3A_147 : memref<1x80xi32, #tpu.memory_space<vmem>> -> memref<80xi32, #tpu.memory_space<vmem>>
      %dma_wait3A_149 = arith.constant 0 : i32
      %dma_wait3A_150 = arith.constant 0 : i32
      %dma_wait3A_151 = tpu.memref_slice %arg15[%dma_wait3A_149, %dma_wait3A_150] : memref<10080x128xf32, #tpu.memory_space<vmem_shared>> -> memref<10080x128xf32, #tpu.memory_space<vmem_shared>>
      tpu.wait_indirect_dma semaphore(%run_scoped3A_134 : memref<!tpu.dma_semaphore, #tpu.memory_space<semaphore_mem>>) src(%dma_wait3A_145 : memref<80x128xf32, #tpu.memory_space<vmem>>) dst(%dma_wait3A_151 : memref<10080x128xf32, #tpu.memory_space<vmem_shared>>)
      tpu.yield
    }) : () -> ()
    %barrier3A_128 = arith.constant 0 : index
    tpu.barrier barrier_id(%barrier3A_128)
    "tpu.region"() ({
      %run_scoped3A_134 = tpu.sem_alloc : memref<!tpu.dma_semaphore, #tpu.memory_space<semaphore_mem>>
      %dma_start3A_135 = arith.constant 0 : i32
      %dma_start3A_136 = tpu.memref_slice %arg6[%arg0, %mul3A_43, %dma_start3A_135] : memref<2x10000x128xf32, #tpu.memory_space<hbm>> -> memref<1x624x128xf32, #tpu.memory_space<hbm>>
      %dma_start3A_137 = tpu.memref_squeeze %dma_start3A_136 : memref<1x624x128xf32, #tpu.memory_space<hbm>> -> memref<624x128xf32, #tpu.memory_space<hbm>>
      %dma_start3A_138 = arith.constant 0 : i32
      %dma_start3A_139 = tpu.memref_slice %arg15[%mul3A_43, %dma_start3A_138] : memref<10080x128xf32, #tpu.memory_space<vmem_shared>> -> memref<624x128xf32, #tpu.memory_space<vmem_shared>>
      tpu.enqueue_dma source(%dma_start3A_139 : memref<624x128xf32, #tpu.memory_space<vmem_shared>>) target(%dma_start3A_137 : memref<624x128xf32, #tpu.memory_space<hbm>>) target_semaphore(%run_scoped3A_134 : memref<!tpu.dma_semaphore, #tpu.memory_space<semaphore_mem>>)
      %dma_wait3A = arith.constant 0 : i32
      %dma_wait3A_140 = tpu.memref_slice %arg6[%arg0, %mul3A_43, %dma_wait3A] : memref<2x10000x128xf32, #tpu.memory_space<hbm>> -> memref<1x624x128xf32, #tpu.memory_space<hbm>>
      %dma_wait3A_141 = tpu.memref_squeeze %dma_wait3A_140 : memref<1x624x128xf32, #tpu.memory_space<hbm>> -> memref<624x128xf32, #tpu.memory_space<hbm>>
      %dma_wait3A_142 = arith.constant 0 : i32
      %dma_wait3A_143 = tpu.memref_slice %arg15[%mul3A_43, %dma_wait3A_142] : memref<10080x128xf32, #tpu.memory_space<vmem_shared>> -> memref<624x128xf32, #tpu.memory_space<vmem_shared>>
      tpu.wait_dma2 semaphore(%run_scoped3A_134 : memref<!tpu.dma_semaphore, #tpu.memory_space<semaphore_mem>>) src(%dma_wait3A_143 : memref<624x128xf32, #tpu.memory_space<vmem_shared>>) dst(%dma_wait3A_141 : memref<624x128xf32, #tpu.memory_space<hbm>>)
      tpu.yield
    }) : () -> ()
    %eq3A_129 = arith.constant 15 : i32
    %eq3A_130 = arith.cmpi eq, %arg1, %eq3A_129 : i32
    %convert_element_type3A_131 = arith.extui %eq3A_130 : i1 to i32
    %cond3A_132 = arith.constant 0 : i32
    %cond3A_133 = arith.cmpi ne, %convert_element_type3A_131, %cond3A_132 : i32
    scf.if %cond3A_133 {
      "tpu.region"() ({
        %run_scoped3A_134 = tpu.sem_alloc : memref<!tpu.dma_semaphore, #tpu.memory_space<semaphore_mem>>
        %dma_start3A_135 = arith.constant 9984 : i32
        %dma_start3A_136 = arith.constant 0 : i32
        %dma_start3A_137 = tpu.memref_slice %arg6[%arg0, %dma_start3A_135, %dma_start3A_136] : memref<2x10000x128xf32, #tpu.memory_space<hbm>> -> memref<1x16x128xf32, #tpu.memory_space<hbm>>
        %dma_start3A_138 = tpu.memref_squeeze %dma_start3A_137 : memref<1x16x128xf32, #tpu.memory_space<hbm>> -> memref<16x128xf32, #tpu.memory_space<hbm>>
        %dma_start3A_139 = arith.constant 9984 : i32
        %dma_start3A_140 = arith.constant 0 : i32
        %dma_start3A_141 = tpu.memref_slice %arg15[%dma_start3A_139, %dma_start3A_140] : memref<10080x128xf32, #tpu.memory_space<vmem_shared>> -> memref<16x128xf32, #tpu.memory_space<vmem_shared>>
        tpu.enqueue_dma source(%dma_start3A_141 : memref<16x128xf32, #tpu.memory_space<vmem_shared>>) target(%dma_start3A_138 : memref<16x128xf32, #tpu.memory_space<hbm>>) target_semaphore(%run_scoped3A_134 : memref<!tpu.dma_semaphore, #tpu.memory_space<semaphore_mem>>)
        %dma_wait3A = arith.constant 9984 : i32
        %dma_wait3A_142 = arith.constant 0 : i32
        %dma_wait3A_143 = tpu.memref_slice %arg6[%arg0, %dma_wait3A, %dma_wait3A_142] : memref<2x10000x128xf32, #tpu.memory_space<hbm>> -> memref<1x16x128xf32, #tpu.memory_space<hbm>>
        %dma_wait3A_144 = tpu.memref_squeeze %dma_wait3A_143 : memref<1x16x128xf32, #tpu.memory_space<hbm>> -> memref<16x128xf32, #tpu.memory_space<hbm>>
        %dma_wait3A_145 = arith.constant 9984 : i32
        %dma_wait3A_146 = arith.constant 0 : i32
        %dma_wait3A_147 = tpu.memref_slice %arg15[%dma_wait3A_145, %dma_wait3A_146] : memref<10080x128xf32, #tpu.memory_space<vmem_shared>> -> memref<16x128xf32, #tpu.memory_space<vmem_shared>>
        tpu.wait_dma2 semaphore(%run_scoped3A_134 : memref<!tpu.dma_semaphore, #tpu.memory_space<semaphore_mem>>) src(%dma_wait3A_147 : memref<16x128xf32, #tpu.memory_space<vmem_shared>>) dst(%dma_wait3A_144 : memref<16x128xf32, #tpu.memory_space<hbm>>)
        tpu.yield
      }) : () -> ()
      "tpu.region"() ({
        %run_scoped3A_134 = tpu.sem_alloc : memref<!tpu.dma_semaphore, #tpu.memory_space<semaphore_mem>>
        %dma_start3A_135 = arith.constant 0 : i32
        %dma_start3A_136 = arith.constant 0 : i32
        %dma_start3A_137 = tpu.memref_slice %arg7[%arg0, %dma_start3A_135, %dma_start3A_136] : memref<2x80x128xf32, #tpu.memory_space<hbm>> -> memref<1x80x128xf32, #tpu.memory_space<hbm>>
        %dma_start3A_138 = tpu.memref_squeeze %dma_start3A_137 : memref<1x80x128xf32, #tpu.memory_space<hbm>> -> memref<80x128xf32, #tpu.memory_space<hbm>>
        %dma_start3A_139 = arith.constant 10000 : i32
        %dma_start3A_140 = arith.constant 0 : i32
        %dma_start3A_141 = tpu.memref_slice %arg15[%dma_start3A_139, %dma_start3A_140] : memref<10080x128xf32, #tpu.memory_space<vmem_shared>> -> memref<80x128xf32, #tpu.memory_space<vmem_shared>>
        tpu.enqueue_dma source(%dma_start3A_141 : memref<80x128xf32, #tpu.memory_space<vmem_shared>>) target(%dma_start3A_138 : memref<80x128xf32, #tpu.memory_space<hbm>>) target_semaphore(%run_scoped3A_134 : memref<!tpu.dma_semaphore, #tpu.memory_space<semaphore_mem>>)
        %dma_wait3A = arith.constant 0 : i32
        %dma_wait3A_142 = arith.constant 0 : i32
        %dma_wait3A_143 = tpu.memref_slice %arg7[%arg0, %dma_wait3A, %dma_wait3A_142] : memref<2x80x128xf32, #tpu.memory_space<hbm>> -> memref<1x80x128xf32, #tpu.memory_space<hbm>>
        %dma_wait3A_144 = tpu.memref_squeeze %dma_wait3A_143 : memref<1x80x128xf32, #tpu.memory_space<hbm>> -> memref<80x128xf32, #tpu.memory_space<hbm>>
        %dma_wait3A_145 = arith.constant 10000 : i32
        %dma_wait3A_146 = arith.constant 0 : i32
        %dma_wait3A_147 = tpu.memref_slice %arg15[%dma_wait3A_145, %dma_wait3A_146] : memref<10080x128xf32, #tpu.memory_space<vmem_shared>> -> memref<80x128xf32, #tpu.memory_space<vmem_shared>>
        tpu.wait_dma2 semaphore(%run_scoped3A_134 : memref<!tpu.dma_semaphore, #tpu.memory_space<semaphore_mem>>) src(%dma_wait3A_147 : memref<80x128xf32, #tpu.memory_space<vmem_shared>>) dst(%dma_wait3A_144 : memref<80x128xf32, #tpu.memory_space<hbm>>)
        tpu.yield
      }) : () -> ()
    } else {
    }
    return
  }
}

module attributes {stable_mosaic.version = 14 : i64} {
  func.func @_stageA_body(%arg0: i32, %arg1: i32, %arg2: memref<400x256xbf16, #tpu.memory_space<vmem>>, %arg3: memref<1x256x128xbf16, #tpu.memory_space<vmem>>, %arg4: memref<1x1x128xf32, #tpu.memory_space<vmem>>, %arg5: memref<400x128xf32, #tpu.memory_space<vmem>>) attributes {dimension_semantics = [#tpu.dimension_semantics<arbitrary>, #tpu.dimension_semantics<arbitrary>], iteration_bounds = array<i64: 4, 25>, scalar_prefetch = 0 : i64, scratch_operands = 0 : i64, tpu.core_type = #tpu.core_type<tc>, window_params = [{transform_indices = @transform_0, window_bounds = array<i64: 400, 256>}, {transform_indices = @transform_1, window_bounds = array<i64: 1, 256, 128>}, {transform_indices = @transform_2, window_bounds = array<i64: 1, 1, 128>}, {transform_indices = @transform_3, window_bounds = array<i64: 400, 128>}]} {
    %get3A = arith.constant 0 : index
    %get3A_0 = arith.constant 0 : index
    %get3A_1 = vector.load %arg2[%get3A, %get3A_0] : memref<400x256xbf16, #tpu.memory_space<vmem>>, vector<400x256xbf16>
    %get3A_2 = arith.constant 0 : index
    %get3A_3 = arith.constant 0 : index
    %get3A_4 = arith.constant 0 : index
    %get3A_5 = vector.load %arg3[%get3A_2, %get3A_3, %get3A_4] : memref<1x256x128xbf16, #tpu.memory_space<vmem>>, vector<1x256x128xbf16>
    %get3A_6 = vector.shape_cast %get3A_5 : vector<1x256x128xbf16> to vector<256x128xbf16>
    %dot_general3A = arith.constant dense<0.000000e+00> : vector<400x128xf32>
    %dot_general3A_7 = tpu.matmul %get3A_1, %get3A_6, %dot_general3A {dimension_numbers = #tpu.dot_dimension_numbers<[1], [0], [0], [1], [0, 0, 1, 1], [], []>, transpose_lhs_hint = false} : vector<400x256xbf16>, vector<256x128xbf16>, vector<400x128xf32> -> vector<400x128xf32>
    %get3A_8 = arith.constant 0 : index
    %get3A_9 = arith.constant 0 : index
    %get3A_10 = arith.constant 0 : index
    %get3A_11 = vector.load %arg4[%get3A_8, %get3A_9, %get3A_10] : memref<1x1x128xf32, #tpu.memory_space<vmem>>, vector<1x1x128xf32>
    %get3A_12 = vector.shape_cast %get3A_11 : vector<1x1x128xf32> to vector<1x128xf32>
    %add3A = vector.broadcast %get3A_12 : vector<1x128xf32> to vector<400x128xf32>
    %add3A_13 = arith.addf %dot_general3A_7, %add3A : vector<400x128xf32>
    %swap3A = arith.constant 0 : index
    %swap3A_14 = arith.constant 0 : index
    %swap3A_15 = vector.load %arg5[%swap3A, %swap3A_14] : memref<400x128xf32, #tpu.memory_space<vmem>>, vector<400x128xf32>
    tpu.vector_store %arg5[%swap3A, %swap3A_14], %add3A_13 {strides = array<i32>} : memref<400x128xf32, #tpu.memory_space<vmem>>, vector<400x128xf32>,
    return
  }
  func.func @transform_0(%arg0: i32, %arg1: i32) -> (i32, i32) {
    %c0_i32 = arith.constant 0 : i32
    %c0_i32_0 = arith.constant 0 : i32
    return %arg1, %c0_i32 : i32, i32
  }
  func.func @transform_1(%arg0: i32, %arg1: i32) -> (i32, i32, i32) {
    %c0_i32 = arith.constant 0 : i32
    %c0_i32_0 = arith.constant 0 : i32
    %c0_i32_1 = arith.constant 0 : i32
    return %arg0, %c0_i32, %c0_i32_0 : i32, i32, i32
  }
  func.func @transform_2(%arg0: i32, %arg1: i32) -> (i32, i32, i32) {
    %c0_i32 = arith.constant 0 : i32
    %c0_i32_0 = arith.constant 0 : i32
    %c0_i32_1 = arith.constant 0 : i32
    return %arg0, %c0_i32, %c0_i32_0 : i32, i32, i32
  }
  func.func @transform_3(%arg0: i32, %arg1: i32) -> (i32, i32) {
    %mul3A = arith.constant 25 : i32
    %mul3A_0 = arith.muli %arg0, %mul3A : i32
    %add3A = arith.addi %mul3A_0, %arg1 : i32
    %c0_i32 = arith.constant 0 : i32
    %c0_i32_1 = arith.constant 0 : i32
    return %add3A, %c0_i32 : i32, i32
  }
}

module attributes {stable_mosaic.version = 14 : i64} {
  func.func @_stageC0_body(%arg0: i32, %arg1: memref<400x256xf32, #tpu.memory_space<vmem>>, %arg2: memref<256x768xbf16, #tpu.memory_space<vmem>>, %arg3: memref<1x768xf32, #tpu.memory_space<vmem>>, %arg4: memref<400x768xf32, #tpu.memory_space<vmem>>) attributes {dimension_semantics = [#tpu.dimension_semantics<arbitrary>], iteration_bounds = array<i64: 25>, scalar_prefetch = 0 : i64, scratch_operands = 0 : i64, tpu.core_type = #tpu.core_type<tc>, window_params = [{transform_indices = @transform_0, window_bounds = array<i64: 400, 256>}, {pipeline_mode = #tpu.pipeline_mode<synchronous>, transform_indices = @transform_1, window_bounds = array<i64: 256, 768>}, {pipeline_mode = #tpu.pipeline_mode<synchronous>, transform_indices = @transform_2, window_bounds = array<i64: 1, 768>}, {transform_indices = @transform_3, window_bounds = array<i64: 400, 768>}]} {
    %get3A = arith.constant 0 : index
    %get3A_0 = arith.constant 0 : index
    %get3A_1 = vector.load %arg1[%get3A, %get3A_0] : memref<400x256xf32, #tpu.memory_space<vmem>>, vector<400x256xf32>
    %convert_element_type3A = arith.truncf %get3A_1 : vector<400x256xf32> to vector<400x256xbf16>
    %get3A_2 = arith.constant 0 : index
    %get3A_3 = arith.constant 0 : index
    %get3A_4 = vector.load %arg2[%get3A_2, %get3A_3] : memref<256x768xbf16, #tpu.memory_space<vmem>>, vector<256x768xbf16>
    %dot_general3A = arith.constant dense<0.000000e+00> : vector<400x768xf32>
    %dot_general3A_5 = tpu.matmul %convert_element_type3A, %get3A_4, %dot_general3A {dimension_numbers = #tpu.dot_dimension_numbers<[1], [0], [0], [1], [0, 0, 1, 1], [], []>, transpose_lhs_hint = false} : vector<400x256xbf16>, vector<256x768xbf16>, vector<400x768xf32> -> vector<400x768xf32>
    %get3A_6 = arith.constant 0 : index
    %get3A_7 = arith.constant 0 : index
    %get3A_8 = vector.load %arg3[%get3A_6, %get3A_7] : memref<1x768xf32, #tpu.memory_space<vmem>>, vector<1x768xf32>
    %add3A = vector.broadcast %get3A_8 : vector<1x768xf32> to vector<400x768xf32>
    %add3A_9 = arith.addf %dot_general3A_5, %add3A : vector<400x768xf32>
    %swap3A = arith.constant 0 : index
    %swap3A_10 = arith.constant 0 : index
    %swap3A_11 = vector.load %arg4[%swap3A, %swap3A_10] : memref<400x768xf32, #tpu.memory_space<vmem>>, vector<400x768xf32>
    tpu.vector_store %arg4[%swap3A, %swap3A_10], %add3A_9 {strides = array<i32>} : memref<400x768xf32, #tpu.memory_space<vmem>>, vector<400x768xf32>,
    return
  }
  func.func @transform_0(%arg0: i32) -> (i32, i32) {
    %c0_i32 = arith.constant 0 : i32
    %c0_i32_0 = arith.constant 0 : i32
    return %arg0, %c0_i32 : i32, i32
  }
  func.func @transform_1(%arg0: i32) -> (i32, i32) {
    %c0_i32 = arith.constant 0 : i32
    %c0_i32_0 = arith.constant 0 : i32
    %c0_i32_1 = arith.constant 0 : i32
    return %c0_i32, %c0_i32_0 : i32, i32
  }
  func.func @transform_2(%arg0: i32) -> (i32, i32) {
    %c0_i32 = arith.constant 0 : i32
    %c0_i32_0 = arith.constant 0 : i32
    %c0_i32_1 = arith.constant 0 : i32
    return %c0_i32, %c0_i32_0 : i32, i32
  }
  func.func @transform_3(%arg0: i32) -> (i32, i32) {
    %c0_i32 = arith.constant 0 : i32
    %c0_i32_0 = arith.constant 0 : i32
    return %arg0, %c0_i32 : i32, i32
  }
}

module attributes {stable_mosaic.version = 14 : i64} {
  func.func @_stageC_body(%arg0: i32, %arg1: memref<1x400x128xf32, #tpu.memory_space<vmem>>, %arg2: memref<1x400x128xf32, #tpu.memory_space<vmem>>, %arg3: memref<400x1xf32, #tpu.memory_space<vmem>>, %arg4: memref<400x256xf32, #tpu.memory_space<vmem>>, %arg5: memref<400x768xf32, #tpu.memory_space<vmem>>, %arg6: memref<128x256xbf16, #tpu.memory_space<vmem>>, %arg7: memref<128x256xbf16, #tpu.memory_space<vmem>>, %arg8: memref<1x256xf32, #tpu.memory_space<vmem>>, %arg9: memref<256x768xbf16, #tpu.memory_space<vmem>>, %arg10: memref<1x768xf32, #tpu.memory_space<vmem>>, %arg11: memref<1x256xf32, #tpu.memory_space<vmem>>, %arg12: memref<1x256xf32, #tpu.memory_space<vmem>>, %arg13: memref<400x256xf32, #tpu.memory_space<vmem>>) attributes {dimension_semantics = [#tpu.dimension_semantics<arbitrary>], iteration_bounds = array<i64: 25>, scalar_prefetch = 0 : i64, scratch_operands = 0 : i64, tpu.core_type = #tpu.core_type<tc>, window_params = [{transform_indices = @transform_0, window_bounds = array<i64: 1, 400, 128>}, {transform_indices = @transform_1, window_bounds = array<i64: 1, 400, 128>}, {transform_indices = @transform_2, window_bounds = array<i64: 400, 1>}, {transform_indices = @transform_3, window_bounds = array<i64: 400, 256>}, {transform_indices = @transform_4, window_bounds = array<i64: 400, 768>}, {pipeline_mode = #tpu.pipeline_mode<synchronous>, transform_indices = @transform_5, window_bounds = array<i64: 128, 256>}, {pipeline_mode = #tpu.pipeline_mode<synchronous>, transform_indices = @transform_6, window_bounds = array<i64: 128, 256>}, {pipeline_mode = #tpu.pipeline_mode<synchronous>, transform_indices = @transform_7, window_bounds = array<i64: 1, 256>}, {pipeline_mode = #tpu.pipeline_mode<synchronous>, transform_indices = @transform_8, window_bounds = array<i64: 256, 768>}, {pipeline_mode = #tpu.pipeline_mode<synchronous>, transform_indices = @transform_9, window_bounds = array<i64: 1, 768>}, {pipeline_mode = #tpu.pipeline_mode<synchronous>, transform_indices = @transform_10, window_bounds = array<i64: 1, 256>}, {pipeline_mode = #tpu.pipeline_mode<synchronous>, transform_indices = @transform_11, window_bounds = array<i64: 1, 256>}, {transform_indices = @transform_12, window_bounds = array<i64: 400, 256>}]} {
    %get3A = arith.constant 0 : index
    %get3A_0 = arith.constant 0 : index
    %get3A_1 = vector.load %arg3[%get3A, %get3A_0] : memref<400x1xf32, #tpu.memory_space<vmem>>, vector<400x1xf32>
    %get3A_2 = arith.constant 0 : index
    %get3A_3 = arith.constant 0 : index
    %get3A_4 = arith.constant 0 : index
    %get3A_5 = vector.load %arg1[%get3A_2, %get3A_3, %get3A_4] : memref<1x400x128xf32, #tpu.memory_space<vmem>>, vector<1x400x128xf32>
    %get3A_6 = vector.shape_cast %get3A_5 : vector<1x400x128xf32> to vector<400x128xf32>
    %convert_element_type3A = arith.truncf %get3A_6 : vector<400x128xf32> to vector<400x128xbf16>
    %get3A_7 = arith.constant 0 : index
    %get3A_8 = arith.constant 0 : index
    %get3A_9 = vector.load %arg6[%get3A_7, %get3A_8] : memref<128x256xbf16, #tpu.memory_space<vmem>>, vector<128x256xbf16>
    %dot_general3A = arith.constant dense<0.000000e+00> : vector<400x256xf32>
    %dot_general3A_10 = tpu.matmul %convert_element_type3A, %get3A_9, %dot_general3A {dimension_numbers = #tpu.dot_dimension_numbers<[1], [0], [0], [1], [0, 0, 1, 1], [], []>, transpose_lhs_hint = false} : vector<400x128xbf16>, vector<128x256xbf16>, vector<400x256xf32> -> vector<400x256xf32>
    %get3A_11 = arith.constant 0 : index
    %get3A_12 = arith.constant 0 : index
    %get3A_13 = arith.constant 0 : index
    %get3A_14 = vector.load %arg2[%get3A_11, %get3A_12, %get3A_13] : memref<1x400x128xf32, #tpu.memory_space<vmem>>, vector<1x400x128xf32>
    %get3A_15 = vector.shape_cast %get3A_14 : vector<1x400x128xf32> to vector<400x128xf32>
    %convert_element_type3A_16 = arith.truncf %get3A_15 : vector<400x128xf32> to vector<400x128xbf16>
    %get3A_17 = arith.constant 0 : index
    %get3A_18 = arith.constant 0 : index
    %get3A_19 = vector.load %arg7[%get3A_17, %get3A_18] : memref<128x256xbf16, #tpu.memory_space<vmem>>, vector<128x256xbf16>
    %dot_general3A_20 = arith.constant dense<0.000000e+00> : vector<400x256xf32>
    %dot_general3A_21 = tpu.matmul %convert_element_type3A_16, %get3A_19, %dot_general3A_20 {dimension_numbers = #tpu.dot_dimension_numbers<[1], [0], [0], [1], [0, 0, 1, 1], [], []>, transpose_lhs_hint = false} : vector<400x128xbf16>, vector<128x256xbf16>, vector<400x256xf32> -> vector<400x256xf32>
    %add3A = arith.addf %dot_general3A_10, %dot_general3A_21 : vector<400x256xf32>
    %get3A_22 = arith.constant 0 : index
    %get3A_23 = arith.constant 0 : index
    %get3A_24 = vector.load %arg8[%get3A_22, %get3A_23] : memref<1x256xf32, #tpu.memory_space<vmem>>, vector<1x256xf32>
    %mul3A = vector.broadcast %get3A_1 : vector<400x1xf32> to vector<400x256xf32>
    %mul3A_25 = vector.broadcast %get3A_24 : vector<1x256xf32> to vector<400x256xf32>
    %mul3A_26 = arith.mulf %mul3A, %mul3A_25 : vector<400x256xf32>
    %add3A_27 = arith.addf %add3A, %mul3A_26 : vector<400x256xf32>
    %add3A_28 = arith.constant 9.99999993E-9 : f32
    %add3A_29 = vector.broadcast %add3A_28 : f32 to vector<400x1xf32>
    %add3A_30 = arith.addf %get3A_1, %add3A_29 : vector<400x1xf32>
    %div3A = vector.broadcast %add3A_30 : vector<400x1xf32> to vector<400x256xf32>
    %div3A_31 = arith.divf %add3A_27, %div3A : vector<400x256xf32>
    %get3A_32 = arith.constant 0 : index
    %get3A_33 = arith.constant 0 : index
    %get3A_34 = vector.load %arg4[%get3A_32, %get3A_33] : memref<400x256xf32, #tpu.memory_space<vmem>>, vector<400x256xf32>
    %convert_element_type3A_35 = arith.truncf %div3A_31 : vector<400x256xf32> to vector<400x256xbf16>
    %get3A_36 = arith.constant 0 : index
    %get3A_37 = arith.constant 0 : index
    %get3A_38 = vector.load %arg9[%get3A_36, %get3A_37] : memref<256x768xbf16, #tpu.memory_space<vmem>>, vector<256x768xbf16>
    %dot_general3A_39 = arith.constant dense<0.000000e+00> : vector<400x768xf32>
    %dot_general3A_40 = tpu.matmul %convert_element_type3A_35, %get3A_38, %dot_general3A_39 {dimension_numbers = #tpu.dot_dimension_numbers<[1], [0], [0], [1], [0, 0, 1, 1], [], []>, transpose_lhs_hint = false} : vector<400x256xbf16>, vector<256x768xbf16>, vector<400x768xf32> -> vector<400x768xf32>
    %get3A_41 = arith.constant 0 : index
    %get3A_42 = arith.constant 0 : index
    %get3A_43 = vector.load %arg10[%get3A_41, %get3A_42] : memref<1x768xf32, #tpu.memory_space<vmem>>, vector<1x768xf32>
    %add3A_44 = vector.broadcast %get3A_43 : vector<1x768xf32> to vector<400x768xf32>
    %add3A_45 = arith.addf %dot_general3A_40, %add3A_44 : vector<400x768xf32>
    %get3A_46 = arith.constant 0 : index
    %get3A_47 = arith.constant 0 : index
    %get3A_48 = vector.load %arg5[%get3A_46, %get3A_47] : memref<400x768xf32, #tpu.memory_space<vmem>>, vector<400x768xf32>
    %slice3A = vector.extract_strided_slice %add3A_45 {offsets = [0, 0], sizes = [400, 256], strides = [1, 1]} : vector<400x768xf32> to vector<400x256xf32>
    %slice3A_49 = vector.extract_strided_slice %get3A_48 {offsets = [0, 0], sizes = [400, 256], strides = [1, 1]} : vector<400x768xf32> to vector<400x256xf32>
    %add3A_50 = arith.addf %slice3A, %slice3A_49 : vector<400x256xf32>
    %logistic3A = arith.negf %add3A_50 : vector<400x256xf32>
    %logistic3A_51 = math.exp %logistic3A : vector<400x256xf32>
    %logistic3A_52 = arith.constant 1.000000e+00 : f32
    %logistic3A_53 = vector.broadcast %logistic3A_52 : f32 to vector<400x256xf32>
    %logistic3A_54 = arith.addf %logistic3A_53, %logistic3A_51 : vector<400x256xf32>
    %logistic3A_55 = arith.divf %logistic3A_53, %logistic3A_54 : vector<400x256xf32>
    %slice3A_56 = vector.extract_strided_slice %add3A_45 {offsets = [0, 256], sizes = [400, 256], strides = [1, 1]} : vector<400x768xf32> to vector<400x256xf32>
    %slice3A_57 = vector.extract_strided_slice %get3A_48 {offsets = [0, 256], sizes = [400, 256], strides = [1, 1]} : vector<400x768xf32> to vector<400x256xf32>
    %add3A_58 = arith.addf %slice3A_56, %slice3A_57 : vector<400x256xf32>
    %logistic3A_59 = arith.negf %add3A_58 : vector<400x256xf32>
    %logistic3A_60 = math.exp %logistic3A_59 : vector<400x256xf32>
    %logistic3A_61 = arith.constant 1.000000e+00 : f32
    %logistic3A_62 = vector.broadcast %logistic3A_61 : f32 to vector<400x256xf32>
    %logistic3A_63 = arith.addf %logistic3A_62, %logistic3A_60 : vector<400x256xf32>
    %logistic3A_64 = arith.divf %logistic3A_62, %logistic3A_63 : vector<400x256xf32>
    %slice3A_65 = vector.extract_strided_slice %add3A_45 {offsets = [0, 512], sizes = [400, 256], strides = [1, 1]} : vector<400x768xf32> to vector<400x256xf32>
    %slice3A_66 = vector.extract_strided_slice %get3A_48 {offsets = [0, 512], sizes = [400, 256], strides = [1, 1]} : vector<400x768xf32> to vector<400x256xf32>
    %mul3A_67 = arith.mulf %logistic3A_55, %slice3A_66 : vector<400x256xf32>
    %add3A_68 = arith.addf %slice3A_65, %mul3A_67 : vector<400x256xf32>
    %tanh3A = math.tanh %add3A_68 : vector<400x256xf32>
    %sub3A = arith.constant 1.000000e+00 : f32
    %sub3A_69 = vector.broadcast %sub3A : f32 to vector<400x256xf32>
    %sub3A_70 = arith.subf %sub3A_69, %logistic3A_64 : vector<400x256xf32>
    %mul3A_71 = arith.mulf %sub3A_70, %tanh3A : vector<400x256xf32>
    %mul3A_72 = arith.mulf %logistic3A_64, %get3A_34 : vector<400x256xf32>
    %add3A_73 = arith.addf %mul3A_71, %mul3A_72 : vector<400x256xf32>
    %reduce_sum3A = arith.constant dense<0.000000e+00> : vector<400xf32>
    %reduce_sum3A_74 = vector.multi_reduction <add>, %add3A_73, %reduce_sum3A [1] : vector<400x256xf32> to vector<400xf32>
    %broadcast_in_dim3A = vector.shape_cast %reduce_sum3A_74 : vector<400xf32> to vector<400x1xf32>
    %div3A_75 = arith.constant 2.560000e+02 : f32
    %div3A_76 = vector.broadcast %div3A_75 : f32 to vector<400x1xf32>
    %div3A_77 = arith.divf %broadcast_in_dim3A, %div3A_76 : vector<400x1xf32>
    %sub3A_78 = vector.broadcast %div3A_77 : vector<400x1xf32> to vector<400x256xf32>
    %sub3A_79 = arith.subf %add3A_73, %sub3A_78 : vector<400x256xf32>
    %mul3A_80 = arith.mulf %sub3A_79, %sub3A_79 : vector<400x256xf32>
    %reduce_sum3A_81 = arith.constant dense<0.000000e+00> : vector<400xf32>
    %reduce_sum3A_82 = vector.multi_reduction <add>, %mul3A_80, %reduce_sum3A_81 [1] : vector<400x256xf32> to vector<400xf32>
    %broadcast_in_dim3A_83 = vector.shape_cast %reduce_sum3A_82 : vector<400xf32> to vector<400x1xf32>
    %div3A_84 = arith.constant 2.560000e+02 : f32
    %div3A_85 = vector.broadcast %div3A_84 : f32 to vector<400x1xf32>
    %div3A_86 = arith.divf %broadcast_in_dim3A_83, %div3A_85 : vector<400x1xf32>
    %add3A_87 = arith.constant 9.99999974E-6 : f32
    %add3A_88 = vector.broadcast %add3A_87 : f32 to vector<400x1xf32>
    %add3A_89 = arith.addf %div3A_86, %add3A_88 : vector<400x1xf32>
    %rsqrt3A = math.rsqrt %add3A_89 : vector<400x1xf32>
    %mul3A_90 = vector.broadcast %rsqrt3A : vector<400x1xf32> to vector<400x256xf32>
    %mul3A_91 = arith.mulf %sub3A_79, %mul3A_90 : vector<400x256xf32>
    %get3A_92 = arith.constant 0 : index
    %get3A_93 = arith.constant 0 : index
    %get3A_94 = vector.load %arg11[%get3A_92, %get3A_93] : memref<1x256xf32, #tpu.memory_space<vmem>>, vector<1x256xf32>
    %mul3A_95 = vector.broadcast %get3A_94 : vector<1x256xf32> to vector<400x256xf32>
    %mul3A_96 = arith.mulf %mul3A_91, %mul3A_95 : vector<400x256xf32>
    %get3A_97 = arith.constant 0 : index
    %get3A_98 = arith.constant 0 : index
    %get3A_99 = vector.load %arg12[%get3A_97, %get3A_98] : memref<1x256xf32, #tpu.memory_space<vmem>>, vector<1x256xf32>
    %add3A_100 = vector.broadcast %get3A_99 : vector<1x256xf32> to vector<400x256xf32>
    %add3A_101 = arith.addf %mul3A_96, %add3A_100 : vector<400x256xf32>
    %swap3A = arith.constant 0 : index
    %swap3A_102 = arith.constant 0 : index
    %swap3A_103 = vector.load %arg13[%swap3A, %swap3A_102] : memref<400x256xf32, #tpu.memory_space<vmem>>, vector<400x256xf32>
    tpu.vector_store %arg13[%swap3A, %swap3A_102], %add3A_101 {strides = array<i32>} : memref<400x256xf32, #tpu.memory_space<vmem>>, vector<400x256xf32>,
    return
  }
  func.func @transform_0(%arg0: i32) -> (i32, i32, i32) {
    %c0_i32 = arith.constant 0 : i32
    %c0_i32_0 = arith.constant 0 : i32
    %c0_i32_1 = arith.constant 0 : i32
    return %c0_i32, %arg0, %c0_i32_0 : i32, i32, i32
  }
  func.func @transform_1(%arg0: i32) -> (i32, i32, i32) {
    %c1_i32 = arith.constant 1 : i32
    %c0_i32 = arith.constant 0 : i32
    %c0_i32_0 = arith.constant 0 : i32
    return %c1_i32, %arg0, %c0_i32 : i32, i32, i32
  }
  func.func @transform_2(%arg0: i32) -> (i32, i32) {
    %c0_i32 = arith.constant 0 : i32
    %c0_i32_0 = arith.constant 0 : i32
    return %arg0, %c0_i32 : i32, i32
  }
  func.func @transform_3(%arg0: i32) -> (i32, i32) {
    %c0_i32 = arith.constant 0 : i32
    %c0_i32_0 = arith.constant 0 : i32
    return %arg0, %c0_i32 : i32, i32
  }
  func.func @transform_4(%arg0: i32) -> (i32, i32) {
    %c0_i32 = arith.constant 0 : i32
    %c0_i32_0 = arith.constant 0 : i32
    return %arg0, %c0_i32 : i32, i32
  }
  func.func @transform_5(%arg0: i32) -> (i32, i32) {
    %c0_i32 = arith.constant 0 : i32
    %c0_i32_0 = arith.constant 0 : i32
    %c0_i32_1 = arith.constant 0 : i32
    return %c0_i32, %c0_i32_0 : i32, i32
  }
  func.func @transform_6(%arg0: i32) -> (i32, i32) {
    %c0_i32 = arith.constant 0 : i32
    %c0_i32_0 = arith.constant 0 : i32
    %c0_i32_1 = arith.constant 0 : i32
    return %c0_i32, %c0_i32_0 : i32, i32
  }
  func.func @transform_7(%arg0: i32) -> (i32, i32) {
    %c0_i32 = arith.constant 0 : i32
    %c0_i32_0 = arith.constant 0 : i32
    %c0_i32_1 = arith.constant 0 : i32
    return %c0_i32, %c0_i32_0 : i32, i32
  }
  func.func @transform_8(%arg0: i32) -> (i32, i32) {
    %c0_i32 = arith.constant 0 : i32
    %c0_i32_0 = arith.constant 0 : i32
    %c0_i32_1 = arith.constant 0 : i32
    return %c0_i32, %c0_i32_0 : i32, i32
  }
  func.func @transform_9(%arg0: i32) -> (i32, i32) {
    %c0_i32 = arith.constant 0 : i32
    %c0_i32_0 = arith.constant 0 : i32
    %c0_i32_1 = arith.constant 0 : i32
    return %c0_i32, %c0_i32_0 : i32, i32
  }
  func.func @transform_10(%arg0: i32) -> (i32, i32) {
    %c0_i32 = arith.constant 0 : i32
    %c0_i32_0 = arith.constant 0 : i32
    %c0_i32_1 = arith.constant 0 : i32
    return %c0_i32, %c0_i32_0 : i32, i32
  }
  func.func @transform_11(%arg0: i32) -> (i32, i32) {
    %c0_i32 = arith.constant 0 : i32
    %c0_i32_0 = arith.constant 0 : i32
    %c0_i32_1 = arith.constant 0 : i32
    return %c0_i32, %c0_i32_0 : i32, i32
  }
  func.func @transform_12(%arg0: i32) -> (i32, i32) {
    %c0_i32 = arith.constant 0 : i32
    %c0_i32_0 = arith.constant 0 : i32
    return %arg0, %c0_i32 : i32, i32
  }
}

</mosaic_0001>

<sc_bundles>
// kernel: kernel.6.cloned.1.call-start
scs
__scs_entry_jumppad:
0x0: {  	(pc) =	sbr.rel $0x88, $3  }
0x1: {  	(tag) =	ssettag $0x0;
	lr =	simm.s32 $0x1  }
0x2: {  	[smem:$0x3F95] =	sst lr;
	_ =	strace $0xD0000000  }
0x3: {  	_ = 	snop  }
0x4: {  	_ = 	snop  }
0x5: {  	_ = 	snop  }
0x6: {  	_ = 	snop  }
0x7: {  	_ = 	snop  }
__scs_overlays_trampoline_lowered:
0x8: {  	[smem:$0x3FA4] =	sst s0  }
0x9: {  	[smem:$0x3FA5] =	sst s1  }
0xa: {  	[smem:$0x3FA6] =	sst s2  }
0xb: {  	[smem:$0x3FA7] =	sst s3  }
0xc: {  	[smem:$0x3FA8] =	sst s4  }
0xd: {  	[smem:$0x3FA9] =	sst s5  }
0xe: {  	[smem:$0x3FAA] =	sst s6  }
0xf: {  	[smem:$0x3FAB] =	sst s7  }
0x10: {  	[smem:$0x3FAC] =	sst s8  }
0x11: {  	[smem:$0x3FAD] =	sst s9;
	s0 =	simm.s32 @!p0 $0x0  }
0x12: {  	s1 =	sld [smem:$0x3F93];
	s0 =	simm.s32 @p0 $0x1  }
0x13: {  	[smem:$0x3FAE] =	sst s0;
	s0 =	simm.s32 @!p1 $0x0  }
0x14: {  	s2 =	sld [smem:$0x3F92];
	s0 =	simm.s32 @p1 $0x1  }
0x15: {  	[smem:$0x3FAF] =	sst s0;
	s0 =	simm.s32 @!p2 $0x0  }
0x16: {  	s3 =	sld [smem:$0x3FDB];
	s0 =	simm.s32 @p2 $0x1  }
0x17: {  	s4 =	simm.s32 $0x1BF5;
	[smem:$0x3FB1] =	sst s0  }
0x18: {  	s0 =	sld [smem:$0x3F94];
	_ =	swait.ge [sflag:s4], $0x0  }
0x19: {  	s7 =	sld [smem:$0x3F95]  }
0x1a: {  	s8 =	sadd.s32 $0xFFFFE003, lr  }
0x1b: {  	s9 =	sadd.s32 $0xFFFFFEF7, lr;
	s5 =	simm.s32 $0xFFFFFFFF;
	p2 =	slt.u32 s8, $0xFFFFF086  }
0x1c: {  	p1 =	slt.u32 s9, $0xF7A;
	s5 =	simm.s32 @!p2 $0x0  }
0x1d: {  	s5 =	simm.s32 @p1 $0x1;
	p0 =	seq.s32 s7, s2  }
0x1e: {  	s7 =	smul.u32 @!p0 $0xF7A, s2;
	p2 =	seq.s32 @!p0 s5, $0x0  }
0x1f: {  	s9 =	smul.u32 $0xF7A, s1;
	s8 =	simm.s32 @!p0 $0x1BF5;
	p2 =	por !p2, p0  }
0x20: {  	[sflag:s8] =	ssyncset.s32 @!p0 $0xFFFFF086;
	s6 =	sadd.s32 @!p0 s3, s7;
	s7 =	simm.s32 @!p0 $0x108  }
0x21: {  	s3 =	sadd.s32 s3, s9;
	s6 =	sadd.s32 @!p0 $0x88, s6;
	s7 =	simm.s32 @p2 $0x1082  }
0x22: {  	[simem:s7], [sflag:s8] =	dma.local @!p0 [hbm:s6], $0xF7A  }
0x23: {  	s9 =	sor.u32 $0xD0000000, s2;
	s6 =	simm.s32 $0x108;
	_ =	swait.ge @!p0 [sflag:s8], $0x0  }
0x24: {  	s3 =	sadd.s32 $0x88, s3;
	s6 =	simm.s32 @!p1 $0x1082;
	[sflag:s4] =	ssyncset.s32 $0xFFFFF086  }
0x25: {  	[simem:s6], [sflag:s4] =	dma.local [hbm:s3], $0xF7A  }
0x26: {  	[smem:$0x3F95] =	sst s1;
	(tag) =	ssettag s2;
	_ =	strace s9  }
0x27: {  	s1 =	sld [smem:$0x3FA5]  }
0x28: {  	s2 =	sld [smem:$0x3FA6]  }
0x29: {  	s4 =	sld [smem:$0x3FA8]  }
0x2a: {  	p0 =	seq.s32 s5, $0x0;
	s5 =	sld [smem:$0x3FA9]  }
0x2b: {  	s6 =	sld [smem:$0x3FAA]  }
0x2c: {  	s7 =	sld [smem:$0x3FAB]  }
0x2d: {  	s3 =	simm.s32 $0x108;
	s8 =	sld [smem:$0x3FAC]  }
0x2e: {  	s3 =	simm.s32 @!p0 $0x1082;
	s9 =	sld [smem:$0x3FAD]  }
0x2f: {  	lr =	sadd.s32 s0, s3;
	s0 =	sld [smem:$0x3FA4]  }
0x30: {  	s3 =	sld [smem:$0x3FA7]  }
0x31: {  	[smem:$0x3FB0] =	sst s10  }
0x32: {  	s10 =	sld [smem:$0x3FAE];
	_ =	sdelay $0x3  }
0x33: {  	p0 =	seq.s32 s10, $0x1;
	s10 =	sld [smem:$0x3FB0];
	_ =	sdelay $0x3  }
0x34: {  	[smem:$0x3FB0] =	sst s10  }
0x35: {  	s10 =	sld [smem:$0x3FAF];
	_ =	sdelay $0x3  }
0x36: {  	p1 =	seq.s32 s10, $0x1;
	s10 =	sld [smem:$0x3FB0];
	_ =	sdelay $0x3  }
0x37: {  	[smem:$0x3FB0] =	sst s10  }
0x38: {  	s10 =	sld [smem:$0x3FB1]  }
0x39: {  	_ = 	snop;
	(pc) =	sbr.ind lr, $3  }
0x3a: {  	_ = 	snop  }
0x3b: {  	_ = 	snop  }
0x3c: {  	p2 =	seq.s32 s10, $0x1;
	s10 =	sld [smem:$0x3FB0]  }
0x3d: {  	_ =	shalt  }
0x3e: {  	_ =	shalt  }
0x3f: {  	_ =	shalt  }
0x40: {  	_ =	shalt  }
0x41: {  	_ =	shalt  }
0x42: {  	_ =	shalt  }
0x43: {  	_ =	shalt  }
0x44: {  	_ =	shalt  }
0x45: {  	_ =	shalt  }
0x46: {  	_ =	shalt  }
0x47: {  	_ =	shalt  }
0x48: {  	_ =	shalt  }
0x49: {  	_ =	shalt  }
0x4a: {  	_ =	shalt  }
0x4b: {  	_ =	shalt  }
0x4c: {  	_ =	shalt  }
0x4d: {  	_ =	shalt  }
0x4e: {  	_ =	shalt  }
0x4f: {  	_ =	shalt  }
0x50: {  	_ =	shalt  }
0x51: {  	_ =	shalt  }
0x52: {  	_ =	shalt  }
0x53: {  	_ =	shalt  }
0x54: {  	_ =	shalt  }
0x55: {  	_ =	shalt  }
0x56: {  	_ =	shalt  }
0x57: {  	_ =	shalt  }
0x58: {  	_ =	shalt  }
0x59: {  	_ =	shalt  }
0x5a: {  	_ =	shalt  }
0x5b: {  	_ =	shalt  }
0x5c: {  	_ =	shalt  }
0x5d: {  	_ =	shalt  }
0x5e: {  	_ =	shalt  }
0x5f: {  	_ =	shalt  }
0x60: {  	_ =	shalt  }
0x61: {  	_ =	shalt  }
0x62: {  	_ =	shalt  }
0x63: {  	_ =	shalt  }
0x64: {  	_ =	shalt  }
0x65: {  	_ =	shalt  }
0x66: {  	_ =	shalt  }
0x67: {  	_ =	shalt  }
0x68: {  	_ =	shalt  }
0x69: {  	_ =	shalt  }
0x6a: {  	_ =	shalt  }
0x6b: {  	_ =	shalt  }
0x6c: {  	_ =	shalt  }
0x6d: {  	_ =	shalt  }
0x6e: {  	_ =	shalt  }
0x6f: {  	_ =	shalt  }
0x70: {  	_ =	shalt  }
0x71: {  	_ =	shalt  }
0x72: {  	_ =	shalt  }
0x73: {  	_ =	shalt  }
0x74: {  	_ =	shalt  }
0x75: {  	_ =	shalt  }
0x76: {  	_ =	shalt  }
0x77: {  	_ =	shalt  }
0x78: {  	_ =	shalt  }
0x79: {  	_ =	shalt  }
0x7a: {  	_ =	shalt  }
0x7b: {  	_ =	shalt  }
0x7c: {  	_ =	shalt  }
0x7d: {  	_ =	shalt  }
0x7e: {  	_ =	shalt  }
0x7f: {  	_ =	shalt  }
0x80: {  	_ =	shalt  }
0x81: {  	_ =	shalt  }
0x82: {  	_ =	shalt  }
0x83: {  	_ =	shalt  }
0x84: {  	_ =	shalt  }
0x85: {  	_ =	shalt  }
0x86: {  	_ =	shalt  }
0x87: {  	_ =	shalt  }
.Lfunc_end0:
.L_simem_size_0:
called_computation_lowered:
.L_overlay_start_0:
0x88: {  	s2 =	sld [smem:$0x3FD9]  }
0x89: {  	s3 =	sld [smem:$0x3FFE];
	_ =	sdelay $0x1  }
0x8a: {  	s1 =	srdreg.scid  }
0x8b: {  	s0 =	sand.u32 $0x1, s1  }
0x8c: {  	s17 =	sshll.u32 s0, $0xA;
	s2 =	sadd.s32 s3, s2  }
0x8d: {  	s2 =	sadd.s32 s2, s17  }
0x8e: {  	[smem:$0x3FBC] =	sst s2  }
0x8f: {  	_ = 	snop  }
0x90: {  	s2 =	sld [smem:$0x3FD0];
	(tm) =	ssettm $0x1  }
0x91: {  	s18 =	sld [smem:$0x3FFB];
	_ =	sdelay $0x3  }
0x92: {  	_ =	strace s18  }
0x93: {  	s3 =	sld [smem:$0x3FFC];
	_ =	sdelay $0x3  }
0x94: {  	_ =	strace s3  }
0x95: {  	s3 =	sld [smem:$0x3FFD];
	_ =	sdelay $0x3  }
0x96: {  	_ =	strace s3  }
0x97: {  	_ =	strace $0x8FFFFFFF  }
0x98: {  	s19 =	sld [smem:$0x3FDB];
	_ =	sdelay $0x1  }
0x99: {  	s4 =	simm.s32 $_scs_section_size  }
0x9a: {  	s5 =	simm.s32 $_size__tile_overlayer_lowered;
	s6 =	simm.s32 $_tile_overlayer_lowered  }
0x9b: {  	s22 =	simm.s32 $0x1BFF;
	s21 =	sshll.u32 s6, $0x1;
	s3 =	sadd.s32 s4, s19  }
0x9c: {  	s7 =	simm.s32 $0x0;
	s20 =	sshll.u32 s5, $0x1;
	s5 =	sadd.s32 s21, s3  }
0x9d: {  	[timem:s7], [sflag:s22] =	dma.local [hbm:s5], s20  }
0x9e: {  	_ =	swait.ge [sflag:s22], s20  }
0x9f: {  	s4 =	ssub.s32 $0x0, s20;
	[sflag:s22] =	ssyncset.done $0x0  }
0xa0: {  	[sflag:s22] =	ssyncadd.s32 s4;
	_ =	sdelay $0x1  }
0xa1: {  	s23 =	simm.s32 $0x1B8B  }
0xa2: {  	_ =	swait.ge [sflag:s23], $0x1  }
0xa3: {  	[sflag:s23] =	ssyncset.done $0x0  }
0xa4: {  	s25 =	simm.s32 $0x1B8E;
	s24 =	sld [smem:$0x3FFE];
	[sflag:s23] =	ssyncadd.s32 $0xFFFFFFFF  }
0xa5: {  	s26 =	simm.s32 $execute0_lowered;
	[smem:$0x3FD2] =	sst s25  }
0xa6: {  	s5 =	sshll.u32 s26, $0x1;
	_ =	strace $0x80000046;
	[dreg:$0x1] =	wrdreg $0xFFFFFFFF  }
0xa7: {  	s28 =	simm.s32 $_size_execute0_lowered;
	s3 =	sadd.s32 s3, s5;
	[dreg:$0x0] =	wrdreg $0x0  }
0xa8: {  	s5 =	sshll.u32 s28, $0x1;
	[dreg:$0x2] =	wrdreg s3  }
0xa9: {  	[dreg:$0x3] =	wrdreg s5  }
0xaa: {  	[dreg:$0x4] =	wrdreg $0xC0  }
0xab: {  	_ =	task [dreg:s7], $0x5FFFF  }
0xac: {  	[dreg:$0x1] =	wrdreg $0xFFFFFFFF  }
0xad: {  	[dreg:$0x0] =	wrdreg $0x60  }
0xae: {  	[dreg:$0x2] =	wrdreg s24  }
0xaf: {  	[dreg:$0x3] =	wrdreg s2  }
0xb0: {  	[dreg:$0x4] =	wrdreg $0xA3800  }
0xb1: {  	[dreg:$0x5] =	wrdreg $0x9  }
0xb2: {  	_ =	task.clear_ibuf [dreg:s7], $0x6FFFF;
	_ =	strace $0x90000046  }
0xb3: {  	s29 =	simm.s32 $0x9;
	_ =	strace $0x80000048  }
0xb4: {  	_ =	swait.ge [sflag:s29], $0x1  }
0xb5: {  	[sflag:s29] =	ssyncadd.s32 $0xFFFFFFFF  }
0xb6: {  	_ =	strace $0x90000048  }
0xb7: {  	_ =	sfence  }
0xb8: {  	s30 =	sld [smem:$0x0];
	_ =	sdelay $0x2  }
0xb9: {  	s31 =	sshll.u32 s1, $0xD;
	s1 =	sshrl.u32 s1, $0x2  }
0xba: {  	s3 =	sand.u32 $0x4000, s31;
	s1 =	sadd.s32 s1, s30  }
0xbb: {  	s0 =	sor.u32 s3, s0;
	s1 =	sshll.u32 s1, $0x11  }
0xbc: {  	s0 =	sor.u32 s1, s0  }
0xbd: {  	s0 =	sadd.s32 $0x8F2B, s0  }
0xbe: {  	[sflag:s0] =	ssyncadd.remote.s32 $0x1  }
0xbf: {  	_ =	sfence.sel $0xFFFF  }
0xc0: {  	[dreg:$0x0] =	wrdreg $0xFFFFFFFF;
	(pc) =	sbr.abs _section_cstart, $3  }
0xc1: {  	[dreg:$0x1] =	wrdreg $0xFFFFFFFF  }
0xc2: {  	_ =	task.clear_ibuf [dreg:s7], $0x2FFFF;
	_ =	strace $0x9FFFFFFF  }
0xc3: {  	(tm) =	ssettm $0x7FFFFFFF  }
tec
execute0_lowered:
.L_overlay_start_1:
0x0: {  	(tag) =	ssettag $0x1  }
0x1: {  	s0 =	rddreg [dreg:$0x0]  }
0x2: {  	s1 =	rddreg [dreg:$0x1]  }
0x3: {  	s2 =	rddreg [dreg:$0x2];
	s14 =	stileid.u32  }
0x4: {  	s4 =	srdreg.scid;
	s3 =	simm.s32 $0x0;
	s6 =	smul.u32 $0xC80, s14  }
0x5: {  	s28 =	simm.s32 $0x64;
	s29 =	simm.s32 $0x80;
	s9 =	smul.u32 $0x4E000, s14  }
0x6: {  	s30 =	simm.s32 $0x100;
	s31 =	simm.s32 $0x6B80;
	s12 =	smul.u32 $0x9600, s14  }
0x7: {  	s7 =	sand.u32 $0x1, s4;
	[smem:$0x7FF] =	sst s3;
	s24 =	smul.u32 $0x13800, s14  }
0x8: {  	s4 =	sadd.s32 $0x34200, s0;
	s5 =	sadd.s32 $0xEA00, s0;
	s8 =	smul.u32 $0x500, s7  }
0x9: {  	p0 =	seq.s32 s14, $0x0;
	p2 =	sne.s32 s14, $0xF;
	s11 =	smul.u32 $0x96000, s7  }
0xa: {  	_ =	strace $0x80000047;
	s10 =	ssub.s32 $0x2, s7;
	s7 =	smul.u32 $0x138800, s7  }
0xb: {  	p1 =	sne.s32 @!p0 s14, $0xF;
	s14 =	simm.s32 $0x3;
	s13 =	sadd.s32 s6, s0  }
0xc: {  	s18 =	sshrl.u32 s10, $0x1;
	s20 =	sshrl.u32 s9, $0x2;
	p1 =	por p1, p0  }
0xd: {  	s0 =	sadd.s32 s8, s0;
	s19 =	ssub.s32 s10, s18;
	s6 =	sadd.s32 s20, s2  }
0xe: {  	s21 =	sadd.s32 s12, s11;
	s18 =	sadd.s32 $0x138800, s2;
	s25 =	sadd.s32 s24, s7  }
0xf: {  	s7 =	sshrl.u32 s7, $0x3;
	s22 =	sadd.s32 $0x11800, s6;
	[dreg:$0x5] =	wrdreg s6  }
0x10: {  	s23 =	sshrl.u32 s21, $0x3;
	s11 =	sor.u32 $0x180, s21;
	[dreg:$0x6] =	wrdreg s18  }
0x11: {  	s12 =	sadd.s32 $0x300, s21;
	s0 =	sadd.s32 $0xD0E00, s0;
	[dreg:$0x4] =	wrdreg s22  }
0x12: {  	s26 =	sshrl.u32 s25, $0x3;
	s19 =	smax.u32 s19, $0x1;
	[dreg:$0xb] =	wrdreg s0  }
0x13: {  	s7 =	sadd.s32 s1, s7;
	s20 =	sadd.s32 $0x2800, s6;
	[dreg:$0xc] =	wrdreg s19  }
0x14: {  	s21 =	sadd.s32 $0x5000, s6;
	s24 =	sadd.s32 $0xA000, s6;
	[dreg:$0xd] =	wrdreg s20  }
0x15: {  	s25 =	sadd.s32 $0xC800, s6;
	s22 =	sadd.s32 $0x138000, s2;
	[dreg:$0xe] =	wrdreg s21  }
0x16: {  	s15 =	sadd.s32 s5, s23;
	s1 =	sadd.s32 s1, s26;
	[dreg:$0x10] =	wrdreg s24  }
0x17: {  	s17 =	sadd.s32 $0x27000, s7;
	s23 =	sadd.s32 $0x7800, s6;
	[dreg:$0x11] =	wrdreg s25  }
0x18: {  	s26 =	sadd.s32 $0xF000, s6;
	s24 =	sadd.s32 $0x2200, s13;
	[dreg:$0x7] =	wrdreg s15  }
0x19: {  	s25 =	simm.s32 $0x380;
	s0 =	simm.s32 $0x180;
	[dreg:$0x9] =	wrdreg s1  }
0x1a: {  	s7 =	simm.s32 $0x3780;
	s13 =	simm.s32 $0x1;
	[dreg:$0xa] =	wrdreg s17  }
0x1b: {  	s19 =	simm.s32 $0x9F80;
	s20 =	simm.s32 $0x6;
	[dreg:$0xf] =	wrdreg s23  }
0x1c: {  	v0 =	vimm.f32 $0.0e+00;
	v5 =	vlaneseq.u32;
	s21 =	simm.s32 $0x0;
	s16 =	sadd.s32 $0x1290, s15;
	[dreg:$0x12] =	wrdreg s26  }
0x1d: {  	v6 =	vimm.f32 $1.000000000e+00;
	v1 =	vor.u32 $0x2710, v5;
	v2 =	vor.u32 $0x2720, v5;
	s26 =	simm.s32 $0x7;
	s1 =	simm.s32 $0x200;
	s15 =	simm.s32 $0x280  }
0x1e: {  	v3 =	vor.u32 $0x2730, v5;
	v4 =	vor.u32 $0x2740, v5;
	v5 =	vor.u32 $0x2750, v5;
	s17 =	simm.s32 $0x2;
	[dreg:$0x8] =	wrdreg s16;
	s16 =	simm.s32 $0x4  }
.LBB2_1:
0x1f: {  	s8 =	simm.s32 $0x0;
	s9 =	simm.s32 $0x200  }
.LBB2_2:
0x20: {  	p3 =	sne.s32 s9, $0xC600;
	[tilespmem:s8+$0x3F0] =	vst v0  }
0x21: {  	[tilespmem:s8+$0x380] =	vst v0  }
0x22: {  	[tilespmem:s8+$0x390] =	vst v0  }
.Ltmp0:
0x23: {  	[tilespmem:s8+$0x3A0] =	vst v0;
	(pc) =	sbr.rel @p3 .LBB2_2-.Ltmp0, $4  }
0x24: {  	[tilespmem:s8+$0x3B0] =	vst v0  }
0x25: {  	[tilespmem:s8+$0x3C0] =	vst v0  }
0x26: {  	[tilespmem:s8+$0x3D0] =	vst v0  }
0x27: {  	[tilespmem:s8+$0x3E0] =	vst v0;
	s8 =	sshra.s32 s9, $0x2;
	s9 =	sadd.s32 $0x200, s9  }
0x28: {  	[tilespmem:s8+$0x3F0] =	vst v0  }
0x29: {  	[tilespmem:s8+$0x380] =	vst v0  }
0x2a: {  	[tilespmem:s8+$0x390] =	vst v0  }
0x2b: {  	[tilespmem:s8+$0x3A0] =	vst v0  }
0x2c: {  	[tilespmem:s8+$0x3B0] =	vst v0  }
0x2d: {  	[tilespmem:s8+$0x3C0] =	vst v0  }
0x2e: {  	[tilespmem:s8+$0x3D0] =	vst v0  }
0x2f: {  	[tilespmem:s8+$0x3E0] =	vst v0  }
0x30: {  	[tilespmem:$0x300] =	vst v1  }
0x31: {  	[tilespmem:$0x310] =	vst v2  }
0x32: {  	[tilespmem:$0x320] =	vst v3  }
0x33: {  	[tilespmem:$0x330] =	vst v4  }
0x34: {  	[tilespmem:$0x340] =	vst v5  }
0x35: {  	[spmem:s6] =	stream.linear.scatter [tilespmem:s25], [sflag:$0x7], $0x2800, $0x38;
	[tilespmem:$0x1DE80] =	vst v63  }
0x36: {  	_ =	swait.ge [sflag:s26], $0x2800  }
0x37: {  	[sflag:s26] =	ssyncset.done $0x0  }
0x38: {  	s8 =	rddreg [dreg:$0xd];
	[sflag:s26] =	ssyncadd.s32 $0xFFFFD800  }
0x39: {  	[spmem:s8] =	stream.linear.scatter [tilespmem:s25], [sflag:$0x7], $0x2800, $0x38;
	[tilespmem:$0x1DE80] =	vst v63  }
0x3a: {  	_ =	swait.ge [sflag:s26], $0x2800  }
0x3b: {  	[sflag:s26] =	ssyncset.done $0x0  }
0x3c: {  	s9 =	rddreg [dreg:$0xe];
	[sflag:s26] =	ssyncadd.s32 $0xFFFFD800  }
0x3d: {  	[spmem:s9] =	stream.linear.scatter [tilespmem:s25], [sflag:$0x7], $0x2800, $0x38;
	[tilespmem:$0x1DE80] =	vst v63  }
0x3e: {  	_ =	swait.ge [sflag:s26], $0x2800  }
0x3f: {  	[sflag:s26] =	ssyncset.done $0x0  }
0x40: {  	s10 =	rddreg [dreg:$0xf];
	[sflag:s26] =	ssyncadd.s32 $0xFFFFD800  }
0x41: {  	[spmem:s10] =	stream.linear.scatter [tilespmem:s25], [sflag:$0x7], $0x2800, $0x38;
	[tilespmem:$0x1DE80] =	vst v63  }
0x42: {  	_ =	swait.ge [sflag:s26], $0x2800  }
0x43: {  	[sflag:s26] =	ssyncset.done $0x0  }
0x44: {  	s23 =	rddreg [dreg:$0x10];
	[sflag:s26] =	ssyncadd.s32 $0xFFFFD800  }
0x45: {  	[spmem:s23] =	stream.linear.scatter [tilespmem:s25], [sflag:$0x7], $0x2800, $0x38;
	[tilespmem:$0x1DE80] =	vst v63  }
0x46: {  	_ =	swait.ge [sflag:s26], $0x2800  }
0x47: {  	[sflag:s26] =	ssyncset.done $0x0  }
0x48: {  	s8 =	rddreg [dreg:$0x11];
	[sflag:s26] =	ssyncadd.s32 $0xFFFFD800  }
0x49: {  	[spmem:s8] =	stream.linear.scatter [tilespmem:s25], [sflag:$0x7], $0x2800, $0x38;
	[tilespmem:$0x1DE80] =	vst v63  }
0x4a: {  	_ =	swait.ge [sflag:s26], $0x2800  }
0x4b: {  	[sflag:s26] =	ssyncset.done $0x0  }
0x4c: {  	s9 =	rddreg [dreg:$0x12];
	[sflag:s26] =	ssyncadd.s32 $0xFFFFD800  }
0x4d: {  	[spmem:s9] =	stream.linear.scatter [tilespmem:s25], [sflag:$0x7], $0x2800, $0x38;
	[tilespmem:$0x1DE80] =	vst v63  }
0x4e: {  	_ =	swait.ge [sflag:s26], $0x2800  }
0x4f: {  	[sflag:s26] =	ssyncset.done $0x0  }
0x50: {  	s10 =	rddreg [dreg:$0x4];
	[sflag:s26] =	ssyncadd.s32 $0xFFFFD800  }
0x51: {  	[spmem:s10] =	stream.linear.scatter [tilespmem:s25], [sflag:$0x7], $0x2000, $0x38;
	[tilespmem:$0x1DE80] =	vst v63  }
0x52: {  	_ =	swait.ge [sflag:s26], $0x2000  }
0x53: {  	[sflag:s26] =	ssyncset.done $0x0  }
0x54: {  	s8 =	simm.s32 @p0 $0x380;
	[sflag:s26] =	ssyncadd.s32 $0xFFFFE000  }
0x55: {  	[spmem:s18] =	stream.linear.scatter @p0 [tilespmem:s8], [sflag:$0x7], $0x2800, $0x38;
	[tilespmem:$0x1DE80] =	vst v63  }
0x56: {  	s8 =	simm.s32 @p0 $0x7  }
0x57: {  	_ =	swait.ge @p0 [sflag:s8], $0x2800  }
0x58: {  	[sflag:s8] =	ssyncset.done @p0 $0x0  }
0x59: {  	[sflag:s8] =	ssyncadd.s32 @p0 $0xFFFFD800;
	s8 =	simm.s32 @!p1 $0x380  }
0x5a: {  	[spmem:s22] =	stream.linear.scatter @!p1 [tilespmem:s8], [sflag:$0x7], $0x800, $0x38;
	[tilespmem:$0x1DE80] =	vst v63  }
0x5b: {  	s8 =	simm.s32 @!p1 $0x7  }
0x5c: {  	_ =	swait.ge @!p1 [sflag:s8], $0x800  }
0x5d: {  	[sflag:s8] =	ssyncset.done @!p1 $0x0  }
0x5e: {  	[sflag:s8] =	ssyncadd.s32 @!p1 $0xFFFFF800  }
0x5f: {  	[bflag:$0x0] =	sbarrier.arrive $0xFFFF  }
0x60: {  	s6 =	smov.u32 s22;
	s22 =	simm.s32 $0x0;
	s23 =	rddreg [dreg:$0x7]  }
0x61: {  	[tilespmem:s22], [sflag:$0x7] =	stream.linear.gather [hbm4b:s23+s22], $0x180, $0x38;
	[tilespmem:$0x1DE80] =	vst v63  }
0x62: {  	_ =	swait.ge [sflag:s26], $0x180  }
0x63: {  	[sflag:s26] =	ssyncset.done $0x0  }
0x64: {  	[sflag:s26] =	ssyncadd.s32 $0xFFFFFE80  }
0x65: {  	[tilespmem:s25], [sflag:$0x1] =	stream.indirect.gather [hbm4b:s4+s28], $0x80, s29, s28, $0xb8;
	[tilespmem:$0x1DE80] =	vst v63  }
0x66: {  	s23 =	simm.s32 $0x0  }
0x67: {  	[tilespmem:s31], [sflag:$0x3] =	stream.indirect.gather [hbm4b:s4+s28], $0x80, s30, s28, $0xb8;
	[tilespmem:$0x1DE80] =	vst v63  }
.LBB2_4:
0x68: {  	p3 =	seq.s32 s23, $0x0;
	s10 =	smul.u32 $0x300, s23  }
0x69: {  	s8 =	simm.s32 @!p3 $0x5  }
0x6a: {  	_ =	swait.ge @!p3 [sflag:s8], $0x3200;
	s9 =	sadd.s32 s10, s11  }
0x6b: {  	[sflag:s8] =	ssyncset.done @!p3 $0x0;
	s9 =	sshrl.u32 s9, $0x3  }
0x6c: {  	[sflag:s8] =	ssyncadd.s32 @!p3 $0xFFFFCE00;
	s18 =	sadd.s32 s5, s9  }
0x6d: {  	[tilespmem:s0], [sflag:$0x7] =	stream.linear.gather [hbm4b:s18+s22], $0x180, $0x38;
	[tilespmem:$0x1DE80] =	vst v63  }
0x6e: {  	_ =	swait.ge [sflag:s26], $0x180  }
0x6f: {  	[sflag:s26] =	ssyncset.done $0x0  }
0x70: {  	[sflag:s26] =	ssyncadd.s32 $0xFFFFFE80  }
0x71: {  	[tilespmem:s7], [sflag:$0x2] =	stream.indirect.gather [hbm4b:s4+s28], $0x80, s1, s28, $0xb8;
	[tilespmem:$0x1DE80] =	vst v63  }
0x72: {  	_ =	swait.ge [sflag:s13], $0x3200  }
0x73: {  	[sflag:s13] =	ssyncset.done $0x0  }
0x74: {  	[sflag:s13] =	ssyncadd.s32 $0xFFFFCE00  }
0x75: {  	_ =	swait.ge [sflag:s14], $0x3200  }
0x76: {  	[sflag:s14] =	ssyncset.done $0x0  }
0x77: {  	s18 =	simm.s32 $0x0;
	[sflag:s14] =	ssyncadd.s32 $0xFFFFCE00  }
0x78: {  	v7 =	vld [tilespmem:s18+$0x6B80]  }
0x79: {  	v8 =	vld [tilespmem:s18+$0x6B90]  }
0x7a: {  	v9 =	vld [tilespmem:s18+$0x6BA0]  }
0x7b: {  	v10 =	vld [tilespmem:s18+$0x6BB0]  }
0x7c: {  	v11 =	vld [tilespmem:s18+$0x380]  }
0x7d: {  	v12 =	vld [tilespmem:s18+$0x390]  }
0x7e: {  	v13 =	vld [tilespmem:s18+$0x6BC0]  }
0x7f: {  	v14 =	vld [tilespmem:s18+$0x6BD0]  }
0x80: {  	v15 =	vld [tilespmem:s18+$0x3A0]  }
0x81: {  	v16 =	vld [tilespmem:s18+$0x3B0]  }
0x82: {  	v17 =	vld [tilespmem:s18+$0x6BE0]  }
0x83: {  	v19 =	vld [tilespmem:s18+$0x3E0]  }
0x84: {  	v26 =	vadd.f32 v7, v11;
	v7 =	vld [tilespmem:s18+$0x6BF0]  }
0x85: {  	v23 =	vadd.f32 v8, v12;
	v8 =	vld [tilespmem:s18+$0x3C0]  }
0x86: {  	v12 =	vld [tilespmem:s18+$0x3D0]  }
0x87: {  	v25 =	vadd.f32 v9, v15;
	v9 =	vld [tilespmem:s18+$0x3F0];
	v11 =	vsub.f32 $0.0e+00, v26  }
0x88: {  	v18 =	vsub.f32 $0.0e+00, v23  }
0x89: {  	v24 =	vadd.f32 v10, v16;
	v20 =	vadd.f32 v17, v19;
	v11 =	vmul.f32 $1.442695020e+00, v11  }
0x8a: {  	v10 =	vsub.f32 $0.0e+00, v25;
	v15 =	vmul.f32 $1.442695020e+00, v18;
	v22 =	vadd.f32 v13, v8  }
0x8b: {  	v8 =	vsub.f32 $0.0e+00, v24;
	v21 =	vadd.f32 v14, v12;
	(erf) = vpow2.f32 v11  }
0x8c: {  	v10 =	vmul.f32 $1.442695020e+00, v10;
	v19 =	vadd.f32 v7, v9;
	v11 =	vsub.f32 $0.0e+00, v22  }
0x8d: {  	(erf) = vpow2.f32 v15;
	v8 =	vmul.f32 $1.442695020e+00, v8;
	v12 =	vsub.f32 $0.0e+00, v21  }
0x8e: {  	(erf) = vpow2.f32 v10;
	v9 =	vmul.f32 $1.442695020e+00, v11;
	v11 =	vsub.f32 $0.0e+00, v20  }
0x8f: {  	v10 =	vmul.f32 $1.442695020e+00, v12  }
0x90: {  	v27 =	vld [tilespmem:s18+$0x6C70];
	v12 =	vsub.f32 $0.0e+00, v19;
	(erf) = vpow2.f32 v8;
	v8 =	vmul.f32 $1.442695020e+00, v11  }
0x91: {  	v28 =	vld [tilespmem:s18+$0x6C80]  }
0x92: {  	v29 =	vld [tilespmem:s18+$0x6C90];
	(erf) = vpow2.f32 v9;
	v9 =	vmul.f32 $1.442695020e+00, v12  }
0x93: {  	v30 =	vld [tilespmem:s18+$0x420];
	(erf) = vpow2.f32 v10  }
0x94: {  	v31 =	vld [tilespmem:s18+$0x430];
	(erf) = vpow2.f32 v8;
	v8 =	vpop (erf)  }
0x95: {  	v33 =	vld [tilespmem:s18+$0x440];
	v8 =	vadd.f32 $1.000000000e+00, v8  }
0x96: {  	v18 =	vld [tilespmem:s18+$0x410];
	(erf) = vpow2.f32 v9;
	v9 =	vpop (erf)  }
0x97: {  	v7 =	vld [tilespmem:s18+$0x6C00];
	v9 =	vadd.f32 $1.000000000e+00, v9;
	v12 =	vpop (erf)  }
0x98: {  	v10 =	vld [tilespmem:s18+$0x400];
	v12 =	vadd.f32 $1.000000000e+00, v12  }
0x99: {  	v13 =	vld [tilespmem:s18+$0x6C10];
	(erf) = vrcp.f32 v8;
	v8 =	vpop (erf)  }
0x9a: {  	v14 =	vld [tilespmem:s18+$0x6C20];
	v8 =	vadd.f32 $1.000000000e+00, v8  }
0x9b: {  	v16 =	vld [tilespmem:s18+$0x6C50];
	(erf) = vrcp.f32 v9;
	v9 =	vpop (erf)  }
0x9c: {  	v11 =	vld [tilespmem:s18+$0x6C30];
	(erf) = vrcp.f32 v12;
	v9 =	vadd.f32 $1.000000000e+00, v9;
	v12 =	vpop (erf)  }
0x9d: {  	v32 =	vadd.f32 $1.000000000e+00, v12;
	v12 =	vadd.f32 v7, v10;
	v7 =	vld [tilespmem:s18+$0x450]  }
0x9e: {  	v15 =	vld [tilespmem:s18+$0x6C40];
	v13 =	vadd.f32 v13, v18;
	(erf) = vrcp.f32 v8;
	v8 =	vpop (erf)  }
0x9f: {  	v35 =	vld [tilespmem:s18+$0x490];
	v10 =	vadd.f32 v14, v30;
	(erf) = vrcp.f32 v9;
	v8 =	vadd.f32 $1.000000000e+00, v8  }
0xa0: {  	v17 =	vld [tilespmem:s18+$0x6C60];
	v14 =	vsub.f32 $0.0e+00, v13;
	(erf) = vrcp.f32 v32;
	v18 =	vsub.f32 $0.0e+00, v12;
	v9 =	vpop (erf)  }
0xa1: {  	v9 =	vadd.f32 $1.000000000e+00, v9;
	(erf) = vrcp.f32 v8;
	v8 =	vadd.f32 v11, v31;
	v11 =	vld [tilespmem:s18+$0x460]  }
0xa2: {  	v18 =	vmul.f32 $1.442695020e+00, v18;
	v31 =	vsub.f32 $0.0e+00, v10;
	v7 =	vadd.f32 v16, v7;
	v16 =	vld [tilespmem:s18+$0x480]  }
0xa3: {  	v14 =	vmul.f32 $1.442695020e+00, v14;
	(erf) = vrcp.f32 v9;
	v9 =	vadd.f32 v15, v33;
	v15 =	vld [tilespmem:s18+$0x470]  }
0xa4: {  	v34 =	vld [tilespmem:s18+$0x6CA0];
	v61 =	vsub.f32 $0.0e+00, v8;
	v31 =	vmul.f32 $1.442695020e+00, v31;
	(erf) = vpow2.f32 v18  }
0xa5: {  	v37 =	vld [tilespmem:s18+$0x4A0];
	v36 =	vsub.f32 $0.0e+00, v7;
	(erf) = vpow2.f32 v14  }
0xa6: {  	v33 =	vsub.f32 $0.0e+00, v9;
	v32 =	vmul.f32 $1.442695020e+00, v61;
	(erf) = vpow2.f32 v31  }
0xa7: {  	v30 =	vld [tilespmem:s18+$0x6CB0];
	v62 =	vmul.f32 $1.442695020e+00, v36;
	v18 =	vadd.f32 v17, v11;
	v16 =	vadd.f32 v28, v16  }
0xa8: {  	v14 =	vmul.f32 $1.442695020e+00, v33;
	v11 =	vld [tilespmem:s18+$0x4B0];
	v31 =	vpop (erf);
	v17 =	vadd.f32 v27, v15;
	v15 =	vadd.f32 v29, v35  }
0xa9: {  	(erf) = vpow2.f32 v32;
	v63 =	vpop (erf);
	v27 =	vsub.f32 $0.0e+00, v18;
	v29 =	vsub.f32 $0.0e+00, v16  }
0xaa: {  	(erf) = vpow2.f32 v14;
	v14 =	vadd.f32 v34, v37;
	v52 =	vpop (erf);
	v28 =	vsub.f32 $0.0e+00, v17  }
0xab: {  	(erf) = vpow2.f32 v62;
	v54 =	vsub.f32 $0.0e+00, v15;
	v38 =	vpop (erf);
	v27 =	vmul.f32 $1.442695020e+00, v27  }
0xac: {  	v29 =	vmul.f32 $1.442695020e+00, v29;
	v34 =	vsub.f32 $0.0e+00, v14;
	v53 =	vpop (erf);
	v28 =	vmul.f32 $1.442695020e+00, v28  }
0xad: {  	v11 =	vadd.f32 v30, v11;
	v30 =	vpop (erf);
	(erf) = vpow2.f32 v27;
	v27 =	vmul.f32 $1.442695020e+00, v54  }
0xae: {  	v41 =	vpop (erf);
	(erf) = vpow2.f32 v28;
	v28 =	vmul.f32 $1.442695020e+00, v34  }
0xaf: {  	v55 =	vsub.f32 $0.0e+00, v11;
	v43 =	vpop (erf)  }
0xb0: {  	(erf) = vpow2.f32 v29;
	v29 =	vpop (erf)  }
0xb1: {  	v39 =	vld [tilespmem:s18+$0x6CC0];
	v56 =	vmul.f32 $1.442695020e+00, v55;
	(erf) = vpow2.f32 v27;
	v27 =	vpop (erf)  }
0xb2: {  	v40 =	vld [tilespmem:s18+$0x6CD0];
	v29 =	vadd.f32 $1.000000000e+00, v29;
	(erf) = vpow2.f32 v28;
	v28 =	vpop (erf)  }
0xb3: {  	v42 =	vld [tilespmem:s18+$0x6CE0];
	v46 =	vadd.f32 $1.000000000e+00, v27;
	(erf) = vpow2.f32 v56;
	v27 =	vmul.f32 v31, v26;
	v57 =	vpop (erf)  }
0xb4: {  	v44 =	vld [tilespmem:s18+$0x6CF0];
	v26 =	vadd.f32 $1.000000000e+00, v28;
	v28 =	vmul.f32 v63, v23;
	v31 =	vpop (erf);
	v23 =	vadd.f32 $1.000000000e+00, v57  }
0xb5: {  	v45 =	vld [tilespmem:s18+$0x6D00];
	(erf) = vrcp.f32 v29;
	v29 =	vmul.f32 v52, v25;
	v58 =	vpop (erf);
	v31 =	vadd.f32 $1.000000000e+00, v31  }
0xb6: {  	v48 =	vld [tilespmem:s18+$0x6D10];
	v25 =	vmul.f32 v38, v24;
	(erf) = vrcp.f32 v46;
	v24 =	vadd.f32 $1.000000000e+00, v58  }
0xb7: {  	v59 =	vld [tilespmem:s18+$0x4C0];
	(erf) = vrcp.f32 v26  }
0xb8: {  	v60 =	vld [tilespmem:s18+$0x4E0];
	(erf) = vrcp.f32 v23;
	v23 =	vpop (erf)  }
0xb9: {  	v50 =	vld [tilespmem:s18+$0x510];
	v26 =	vmul.f32 v53, v22;
	(erf) = vrcp.f32 v31;
	v22 =	vadd.f32 $1.000000000e+00, v23;
	v31 =	vpop (erf)  }
0xba: {  	v47 =	vld [tilespmem:s18+$0x6D70];
	v30 =	vmul.f32 v30, v21;
	(erf) = vrcp.f32 v24;
	v24 =	vpop (erf)  }
0xbb: {  	v23 =	vld [tilespmem:s18+$0x4D0];
	v21 =	vadd.f32 $1.000000000e+00, v31;
	v31 =	vmul.f32 v41, v20;
	v20 =	vadd.f32 $1.000000000e+00, v24  }
0xbc: {  	v36 =	vld [tilespmem:s18+$0x6D50]  }
0xbd: {  	v61 =	vld [tilespmem:s18+$0x500];
	(erf) = vrcp.f32 v22;
	v22 =	vpop (erf)  }
0xbe: {  	v32 =	vmul.f32 v43, v19;
	v24 =	vld [tilespmem:s18+$0x4F0];
	(erf) = vrcp.f32 v21;
	v22 =	vadd.f32 $1.000000000e+00, v22;
	v19 =	vpop (erf)  }
0xbf: {  	v33 =	vld [tilespmem:s18+$0x6D20];
	(erf) = vrcp.f32 v20;
	v49 =	vadd.f32 $1.000000000e+00, v19;
	v19 =	vadd.f32 v39, v59;
	v20 =	vpop (erf)  }
0xc0: {  	v35 =	vld [tilespmem:s18+$0x6D40];
	v62 =	vadd.f32 $1.000000000e+00, v20;
	v20 =	vadd.f32 v40, v23  }
0xc1: {  	v37 =	vld [tilespmem:s18+$0x520];
	v21 =	vadd.f32 v42, v60;
	v41 =	vpop (erf);
	(erf) = vrcp.f32 v22  }
0xc2: {  	v34 =	vld [tilespmem:s18+$0x6D30];
	v23 =	vsub.f32 $0.0e+00, v19;
	v42 =	vpop (erf);
	(erf) = vrcp.f32 v49;
	v40 =	vsub.f32 $0.0e+00, v20  }
0xc3: {  	v38 =	vld [tilespmem:s18+$0x530];
	v22 =	vadd.f32 v44, v24;
	v39 =	vpop (erf);
	(erf) = vrcp.f32 v62  }
0xc4: {  	v46 =	vld [tilespmem:s18+$0x6D60];
	v51 =	vsub.f32 $0.0e+00, v21;
	v52 =	vmul.f32 $1.442695020e+00, v23;
	v23 =	vadd.f32 v45, v61;
	v43 =	vpop (erf)  }
0xc5: {  	v24 =	vadd.f32 v48, v50;
	v49 =	vld [tilespmem:s18+$0x540];
	v63 =	vsub.f32 $0.0e+00, v22;
	v55 =	vmul.f32 $1.442695020e+00, v40;
	v44 =	vpop (erf)  }
0xc6: {  	v51 =	vmul.f32 $1.442695020e+00, v51;
	v50 =	vld [tilespmem:s18+$0x550];
	v53 =	vsub.f32 $0.0e+00, v23;
	v40 =	vpop (erf);
	(erf) = vpow2.f32 v52  }
0xc7: {  	s8 =	simm.s32 $0x800;
	v48 =	vld [tilespmem:s18+$0x560];
	v54 =	vsub.f32 $0.0e+00, v24;
	v52 =	vmul.f32 $1.442695020e+00, v63;
	v45 =	vpop (erf);
	(erf) = vpow2.f32 v55  }
.LBB2_5:
0xc8: {  	p3 =	sne.s32 s8, $0xC000;
	v53 =	vmul.f32 $1.442695020e+00, v53;
	v37 =	vadd.f32 v33, v37;
	v55 =	vld [tilespmem:s18+$0x570];
	v56 =	vpop (erf);
	(erf) = vpow2.f32 v51  }
0xc9: {  	v51 =	vmul.f32 $1.442695020e+00, v54;
	v38 =	vadd.f32 v34, v38;
	v54 =	vpop (erf);
	(erf) = vpow2.f32 v52  }
0xca: {  	v52 =	vsub.f32 $0.0e+00, v37;
	v34 =	vadd.f32 v35, v49;
	v49 =	vpop (erf);
	(erf) = vpow2.f32 v53  }
0xcb: {  	v53 =	vsub.f32 $0.0e+00, v38;
	v33 =	vadd.f32 v36, v50;
	v36 =	vpop (erf);
	(erf) = vpow2.f32 v51  }
0xcc: {  	[tilespmem:s18+$0x380] =	vst v27;
	v52 =	vmul.f32 $1.442695020e+00, v52;
	v51 =	vsub.f32 $0.0e+00, v34;
	v35 =	vadd.f32 v46, v48;
	v46 =	vpop (erf)  }
0xcd: {  	[tilespmem:s18+$0x390] =	vst v28;
	v53 =	vmul.f32 $1.442695020e+00, v53;
	v48 =	vsub.f32 $0.0e+00, v33;
	v27 =	vadd.f32 v47, v55  }
0xce: {  	[tilespmem:s18+$0x3A0] =	vst v29;
	v29 =	vmul.f32 $1.442695020e+00, v51;
	v47 =	vsub.f32 $0.0e+00, v35;
	(erf) = vpow2.f32 v52  }
0xcf: {  	[tilespmem:s18+$0x3B0] =	vst v25;
	v25 =	vmul.f32 $1.442695020e+00, v48;
	v48 =	vsub.f32 $0.0e+00, v27;
	v50 =	vpop (erf);
	(erf) = vpow2.f32 v53  }
0xd0: {  	[tilespmem:s18+$0x3C0] =	vst v26;
	v26 =	vmul.f32 $1.442695020e+00, v47;
	v28 =	vpop (erf);
	(erf) = vpow2.f32 v29  }
0xd1: {  	[tilespmem:s18+$0x3D0] =	vst v30;
	v29 =	vmul.f32 $1.442695020e+00, v48;
	v30 =	vpop (erf);
	(erf) = vpow2.f32 v25  }
0xd2: {  	v12 =	vmul.f32 v41, v12;
	v41 =	vadd.f32 $1.000000000e+00, v50;
	[tilespmem:s18+$0x3E0] =	vst v31;
	v31 =	vpop (erf);
	(erf) = vpow2.f32 v26  }
0xd3: {  	v13 =	vmul.f32 v42, v13;
	v26 =	vadd.f32 $1.000000000e+00, v28;
	[tilespmem:s18+$0x3F0] =	vst v32;
	v28 =	vpop (erf);
	(erf) = vpow2.f32 v29  }
0xd4: {  	s9 =	sshra.s32 s8, $0x2;
	v10 =	vmul.f32 v39, v10;
	[tilespmem:s18+$0x400] =	vst v12;
	v12 =	vadd.f32 $1.000000000e+00, v30;
	(erf) = vrcp.f32 v41;
	v25 =	vpop (erf)  }
0xd5: {  	v8 =	vmul.f32 v43, v8;
	v30 =	vadd.f32 $1.000000000e+00, v31;
	v29 =	vld [tilespmem:s9+$0x6B80];
	[tilespmem:s18+$0x410] =	vst v13;
	(erf) = vrcp.f32 v26  }
0xd6: {  	v9 =	vmul.f32 v44, v9;
	v31 =	vadd.f32 $1.000000000e+00, v28;
	v26 =	vld [tilespmem:s9+$0x6B90];
	[tilespmem:s18+$0x420] =	vst v10;
	(erf) = vrcp.f32 v12  }
0xd7: {  	v7 =	vmul.f32 v40, v7;
	v25 =	vadd.f32 $1.000000000e+00, v25;
	v12 =	vld [tilespmem:s9+$0x6BA0];
	[tilespmem:s18+$0x430] =	vst v8;
	(erf) = vrcp.f32 v30;
	v13 =	vpop (erf)  }
0xd8: {  	v28 =	vld [tilespmem:s9+$0x6BB0];
	[tilespmem:s18+$0x440] =	vst v9;
	v9 =	vmul.f32 v45, v18;
	v30 =	vadd.f32 $1.000000000e+00, v13;
	(erf) = vrcp.f32 v31;
	v10 =	vpop (erf)  }
0xd9: {  	v18 =	vld [tilespmem:s9+$0x380];
	[tilespmem:s18+$0x450] =	vst v7;
	v7 =	vmul.f32 v56, v17;
	v31 =	vadd.f32 $1.000000000e+00, v10;
	(erf) = vrcp.f32 v25;
	v8 =	vpop (erf)  }
0xda: {  	v17 =	vld [tilespmem:s9+$0x390];
	[tilespmem:s18+$0x460] =	vst v9;
	v9 =	vmul.f32 v54, v16;
	v25 =	vadd.f32 $1.000000000e+00, v8;
	(erf) = vrcp.f32 v30;
	v13 =	vpop (erf)  }
0xdb: {  	v16 =	vld [tilespmem:s9+$0x6BC0];
	[tilespmem:s18+$0x470] =	vst v7;
	v7 =	vmul.f32 v49, v15;
	v13 =	vadd.f32 $1.000000000e+00, v13;
	(erf) = vrcp.f32 v31;
	v10 =	vpop (erf)  }
0xdc: {  	v15 =	vld [tilespmem:s9+$0x6BD0];
	[tilespmem:s18+$0x480] =	vst v9;
	v9 =	vmul.f32 v36, v14;
	v10 =	vadd.f32 $1.000000000e+00, v10;
	(erf) = vrcp.f32 v25;
	v8 =	vpop (erf)  }
0xdd: {  	v14 =	vld [tilespmem:s9+$0x3A0];
	[tilespmem:s18+$0x490] =	vst v7;
	v7 =	vmul.f32 v46, v11;
	v8 =	vadd.f32 $1.000000000e+00, v8;
	v11 =	vpop (erf);
	(erf) = vrcp.f32 v13  }
0xde: {  	v25 =	vadd.f32 v29, v18;
	v13 =	vld [tilespmem:s9+$0x3B0];
	[tilespmem:s18+$0x4A0] =	vst v9;
	v9 =	vmul.f32 v11, v19;
	v11 =	vpop (erf);
	(erf) = vrcp.f32 v10  }
0xdf: {  	v19 =	vadd.f32 v26, v17;
	v10 =	vld [tilespmem:s9+$0x6BE0];
	[tilespmem:s18+$0x4B0] =	vst v7;
	v7 =	vmul.f32 v11, v20;
	v11 =	vpop (erf);
	(erf) = vrcp.f32 v8  }
0xe0: {  	v8 =	vsub.f32 $0.0e+00, v25;
	v17 =	vld [tilespmem:s9+$0x6BF0];
	[tilespmem:s18+$0x4C0] =	vst v9;
	v9 =	vmul.f32 v11, v21;
	v11 =	vpop (erf)  }
0xe1: {  	v18 =	vsub.f32 $0.0e+00, v19;
	v26 =	vld [tilespmem:s9+$0x3C0];
	[tilespmem:s18+$0x4D0] =	vst v7;
	v7 =	vmul.f32 v11, v22;
	v11 =	vpop (erf)  }
0xe2: {  	v8 =	vmul.f32 $1.442695020e+00, v8;
	v20 =	vadd.f32 v12, v14;
	v12 =	vld [tilespmem:s9+$0x3D0];
	[tilespmem:s18+$0x4E0] =	vst v9;
	v22 =	vmul.f32 v11, v23;
	v11 =	vpop (erf)  }
0xe3: {  	v14 =	vmul.f32 $1.442695020e+00, v18;
	v21 =	vadd.f32 v28, v13;
	v13 =	vld [tilespmem:s9+$0x3E0];
	[tilespmem:s18+$0x4F0] =	vst v7;
	v7 =	vmul.f32 v11, v24;
	v11 =	vpop (erf)  }
0xe4: {  	v18 =	vsub.f32 $0.0e+00, v20;
	v28 =	vld [tilespmem:s9+$0x3F0];
	(erf) = vpow2.f32 v8;
	[tilespmem:s18+$0x500] =	vst v22;
	v8 =	vmul.f32 v11, v37;
	v9 =	vpop (erf)  }
0xe5: {  	v11 =	vsub.f32 $0.0e+00, v21;
	(erf) = vpow2.f32 v14;
	[tilespmem:s18+$0x510] =	vst v7;
	v7 =	vmul.f32 v9, v38;
	v9 =	vpop (erf)  }
0xe6: {  	v14 =	vmul.f32 $1.442695020e+00, v18;
	v22 =	vadd.f32 v16, v26;
	[tilespmem:s18+$0x520] =	vst v8;
	v8 =	vmul.f32 v9, v34;
	v9 =	vpop (erf)  }
0xe7: {  	v11 =	vmul.f32 $1.442695020e+00, v11;
	v23 =	vadd.f32 v15, v12;
	[tilespmem:s18+$0x530] =	vst v7;
	v7 =	vmul.f32 v9, v33;
	v9 =	vpop (erf)  }
0xe8: {  	v12 =	vsub.f32 $0.0e+00, v22;
	v24 =	vadd.f32 v10, v13;
	[tilespmem:s18+$0x540] =	vst v8;
	v8 =	vmul.f32 v9, v35;
	v9 =	vpop (erf)  }
0xe9: {  	v10 =	vsub.f32 $0.0e+00, v23;
	v32 =	vadd.f32 v17, v28;
	v13 =	vld [tilespmem:s9+$0x6C00];
	[tilespmem:s18+$0x550] =	vst v7;
	v7 =	vmul.f32 v9, v27  }
0xea: {  	v9 =	vmul.f32 $1.442695020e+00, v12;
	v12 =	vsub.f32 $0.0e+00, v24;
	v15 =	vld [tilespmem:s9+$0x6C10];
	(erf) = vpow2.f32 v14;
	[tilespmem:s18+$0x560] =	vst v8  }
0xeb: {  	v18 =	vmul.f32 $1.442695020e+00, v10;
	v17 =	vsub.f32 $0.0e+00, v32;
	v14 =	vld [tilespmem:s9+$0x6C20];
	(erf) = vpow2.f32 v11;
	[tilespmem:s18+$0x570] =	vst v7;
	s18 =	smov.u32 s9  }
0xec: {  	v7 =	vmul.f32 $1.442695020e+00, v12;
	v11 =	vld [tilespmem:s18+$0x6C30];
	(erf) = vpow2.f32 v9  }
0xed: {  	v9 =	vmul.f32 $1.442695020e+00, v17;
	v16 =	vld [tilespmem:s18+$0x6C40];
	v10 =	vpop (erf);
	(erf) = vpow2.f32 v18  }
0xee: {  	v17 =	vld [tilespmem:s18+$0x6C50];
	v8 =	vpop (erf);
	(erf) = vpow2.f32 v7  }
0xef: {  	v18 =	vld [tilespmem:s18+$0x6C60];
	(erf) = vpow2.f32 v9  }
0xf0: {  	v26 =	vld [tilespmem:s18+$0x6C70]  }
0xf1: {  	v27 =	vld [tilespmem:s18+$0x6C80]  }
0xf2: {  	v12 =	vadd.f32 $1.000000000e+00, v10;
	v28 =	vld [tilespmem:s18+$0x6C90]  }
0xf3: {  	v31 =	vadd.f32 $1.000000000e+00, v8;
	v9 =	vld [tilespmem:s18+$0x400];
	v10 =	vpop (erf)  }
0xf4: {  	v33 =	vadd.f32 $1.000000000e+00, v10;
	v29 =	vld [tilespmem:s18+$0x410];
	(erf) = vrcp.f32 v12;
	v7 =	vpop (erf)  }
0xf5: {  	v12 =	vadd.f32 $1.000000000e+00, v7;
	v30 =	vld [tilespmem:s18+$0x420];
	(erf) = vrcp.f32 v31;
	v8 =	vpop (erf)  }
0xf6: {  	v35 =	vadd.f32 $1.000000000e+00, v8;
	v31 =	vld [tilespmem:s18+$0x430];
	(erf) = vrcp.f32 v33;
	v10 =	vpop (erf)  }
0xf7: {  	v10 =	vadd.f32 $1.000000000e+00, v10;
	v33 =	vld [tilespmem:s18+$0x440];
	(erf) = vrcp.f32 v12;
	v7 =	vpop (erf)  }
0xf8: {  	v7 =	vadd.f32 $1.000000000e+00, v7;
	v12 =	vadd.f32 v13, v9;
	v34 =	vld [tilespmem:s18+$0x450];
	(erf) = vrcp.f32 v35;
	v8 =	vpop (erf)  }
0xf9: {  	v9 =	vadd.f32 $1.000000000e+00, v8;
	v13 =	vadd.f32 v15, v29;
	v29 =	vld [tilespmem:s18+$0x6CA0];
	(erf) = vrcp.f32 v10  }
0xfa: {  	v15 =	vsub.f32 $0.0e+00, v12;
	v10 =	vadd.f32 v14, v30;
	v30 =	vld [tilespmem:s18+$0x6CB0];
	(erf) = vrcp.f32 v7  }
0xfb: {  	v7 =	vsub.f32 $0.0e+00, v13;
	v8 =	vadd.f32 v11, v31;
	v11 =	vld [tilespmem:s18+$0x460];
	(erf) = vrcp.f32 v9  }
0xfc: {  	v14 =	vmul.f32 $1.442695020e+00, v15;
	v15 =	vsub.f32 $0.0e+00, v10;
	v9 =	vadd.f32 v16, v33;
	v16 =	vld [tilespmem:s18+$0x470]  }
0xfd: {  	v31 =	vmul.f32 $1.442695020e+00, v7;
	v33 =	vsub.f32 $0.0e+00, v8;
	v7 =	vadd.f32 v17, v34;
	v34 =	vld [tilespmem:s18+$0x480];
	v35 =	vpop (erf)  }
0xfe: {  	v15 =	vmul.f32 $1.442695020e+00, v15;
	v17 =	vsub.f32 $0.0e+00, v9;
	v36 =	vld [tilespmem:s18+$0x490];
	v37 =	vpop (erf);
	(erf) = vpow2.f32 v14  }
0xff: {  	v14 =	vmul.f32 $1.442695020e+00, v33;
	v33 =	vsub.f32 $0.0e+00, v7;
	v38 =	vld [tilespmem:s18+$0x4A0];
	v39 =	vpop (erf);
	(erf) = vpow2.f32 v31  }
0x100: {  	v42 =	vmul.f32 $1.442695020e+00, v17;
	v18 =	vadd.f32 v18, v11;
	v11 =	vld [tilespmem:s18+$0x4B0];
	v40 =	vpop (erf);
	(erf) = vpow2.f32 v15  }
0x101: {  	v33 =	vmul.f32 $1.442695020e+00, v33;
	v17 =	vadd.f32 v26, v16;
	v26 =	vpop (erf);
	(erf) = vpow2.f32 v14  }
0x102: {  	v14 =	vsub.f32 $0.0e+00, v18;
	v16 =	vadd.f32 v27, v34;
	v41 =	vpop (erf);
	(erf) = vpow2.f32 v42  }
0x103: {  	v27 =	vsub.f32 $0.0e+00, v17;
	v15 =	vadd.f32 v28, v36;
	v31 =	vpop (erf);
	(erf) = vpow2.f32 v33  }
0x104: {  	v28 =	vmul.f32 $1.442695020e+00, v14;
	v33 =	vsub.f32 $0.0e+00, v16;
	v14 =	vadd.f32 v29, v38;
	v38 =	vpop (erf)  }
0x105: {  	v27 =	vmul.f32 $1.442695020e+00, v27;
	v29 =	vsub.f32 $0.0e+00, v15;
	v11 =	vadd.f32 v30, v11;
	v42 =	vld [tilespmem:s18+$0x6CC0]  }
0x106: {  	v46 =	vmul.f32 $1.442695020e+00, v33;
	v36 =	vsub.f32 $0.0e+00, v14;
	v43 =	vld [tilespmem:s18+$0x6CD0];
	(erf) = vpow2.f32 v28  }
0x107: {  	v28 =	vmul.f32 $1.442695020e+00, v29;
	v29 =	vsub.f32 $0.0e+00, v11;
	v44 =	vld [tilespmem:s18+$0x6CE0];
	v34 =	vpop (erf);
	(erf) = vpow2.f32 v27  }
0x108: {  	v27 =	vmul.f32 $1.442695020e+00, v36;
	v45 =	vld [tilespmem:s18+$0x6CF0];
	v33 =	vpop (erf);
	(erf) = vpow2.f32 v46  }
0x109: {  	v29 =	vmul.f32 $1.442695020e+00, v29;
	v48 =	vld [tilespmem:s18+$0x6D00];
	v30 =	vpop (erf);
	(erf) = vpow2.f32 v28  }
0x10a: {  	v28 =	vadd.f32 $1.000000000e+00, v34;
	v49 =	vld [tilespmem:s18+$0x6D10];
	v36 =	vpop (erf);
	(erf) = vpow2.f32 v27  }
0x10b: {  	v46 =	vadd.f32 $1.000000000e+00, v33;
	v33 =	vld [tilespmem:s18+$0x6D20];
	v47 =	vpop (erf);
	(erf) = vpow2.f32 v29  }
0x10c: {  	v27 =	vmul.f32 v35, v25;
	v25 =	vadd.f32 $1.000000000e+00, v30;
	v34 =	vld [tilespmem:s18+$0x6D30];
	(erf) = vrcp.f32 v28;
	v30 =	vpop (erf)  }
0x10d: {  	v50 =	vadd.f32 $1.000000000e+00, v36;
	v28 =	vmul.f32 v37, v19;
	v35 =	vld [tilespmem:s18+$0x6D40];
	(erf) = vrcp.f32 v46  }
0x10e: {  	v29 =	vmul.f32 v39, v20;
	v39 =	vadd.f32 $1.000000000e+00, v47;
	v36 =	vld [tilespmem:s18+$0x6D50];
	(erf) = vrcp.f32 v25  }
0x10f: {  	v25 =	vmul.f32 v40, v21;
	v40 =	vadd.f32 $1.000000000e+00, v30;
	v37 =	vld [tilespmem:s18+$0x4C0];
	(erf) = vrcp.f32 v50;
	v19 =	vpop (erf)  }
0x110: {  	v26 =	vmul.f32 v26, v22;
	v46 =	vadd.f32 $1.000000000e+00, v19;
	v22 =	vld [tilespmem:s18+$0x4D0];
	(erf) = vrcp.f32 v39;
	v20 =	vpop (erf)  }
0x111: {  	v30 =	vmul.f32 v41, v23;
	v41 =	vadd.f32 $1.000000000e+00, v20;
	v23 =	vld [tilespmem:s18+$0x4E0];
	(erf) = vrcp.f32 v40;
	v21 =	vpop (erf)  }
0x112: {  	v31 =	vmul.f32 v31, v24;
	v21 =	vadd.f32 $1.000000000e+00, v21;
	v24 =	vld [tilespmem:s18+$0x4F0];
	(erf) = vrcp.f32 v46;
	v19 =	vpop (erf)  }
0x113: {  	v32 =	vmul.f32 v38, v32;
	v38 =	vadd.f32 $1.000000000e+00, v19;
	v40 =	vld [tilespmem:s18+$0x500];
	(erf) = vrcp.f32 v41;
	v19 =	vpop (erf)  }
0x114: {  	v52 =	vadd.f32 $1.000000000e+00, v19;
	v19 =	vadd.f32 v42, v37;
	v50 =	vld [tilespmem:s18+$0x510];
	(erf) = vrcp.f32 v21;
	v20 =	vpop (erf)  }
0x115: {  	v51 =	vadd.f32 $1.000000000e+00, v20;
	v20 =	vadd.f32 v43, v22;
	v46 =	vld [tilespmem:s18+$0x6D60];
	v41 =	vpop (erf);
	(erf) = vrcp.f32 v38  }
0x116: {  	v38 =	vsub.f32 $0.0e+00, v19;
	v21 =	vadd.f32 v44, v23;
	v47 =	vld [tilespmem:s18+$0x6D70];
	v42 =	vpop (erf);
	(erf) = vrcp.f32 v52  }
.Ltmp1:
0x117: {  	v52 =	vsub.f32 $0.0e+00, v20;
	v22 =	vadd.f32 v45, v24;
	v37 =	vld [tilespmem:s18+$0x520];
	v39 =	vpop (erf);
	(erf) = vrcp.f32 v51;
	(pc) =	sbr.rel @p3 .LBB2_5-.Ltmp1, $4  }
0x118: {  	v56 =	vmul.f32 $1.442695020e+00, v38;
	v51 =	vsub.f32 $0.0e+00, v21;
	v23 =	vadd.f32 v48, v40;
	v38 =	vld [tilespmem:s18+$0x530];
	v43 =	vpop (erf)  }
0x119: {  	v55 =	vmul.f32 $1.442695020e+00, v52;
	v48 =	vsub.f32 $0.0e+00, v22;
	v24 =	vadd.f32 v49, v50;
	v49 =	vld [tilespmem:s18+$0x540];
	v44 =	vpop (erf)  }
0x11a: {  	v51 =	vmul.f32 $1.442695020e+00, v51;
	v53 =	vsub.f32 $0.0e+00, v23;
	v50 =	vld [tilespmem:s18+$0x550];
	v40 =	vpop (erf);
	(erf) = vpow2.f32 v56  }
0x11b: {  	s8 =	sadd.s32 $0x800, s8;
	v52 =	vmul.f32 $1.442695020e+00, v48;
	v54 =	vsub.f32 $0.0e+00, v24;
	v48 =	vld [tilespmem:s18+$0x560];
	v45 =	vpop (erf);
	(erf) = vpow2.f32 v55  }
0x11c: {  	v33 =	vadd.f32 v33, v37  }
0x11d: {  	v53 =	vmul.f32 $1.442695020e+00, v53;
	v63 =	vld [tilespmem:s18+$0x570];
	v34 =	vadd.f32 v34, v38  }
0x11e: {  	(erf) = vpow2.f32 v51;
	v55 =	vsub.f32 $0.0e+00, v33;
	v35 =	vadd.f32 v35, v49  }
0x11f: {  	v54 =	vmul.f32 $1.442695020e+00, v54;
	v56 =	vsub.f32 $0.0e+00, v34;
	v36 =	vadd.f32 v36, v50  }
0x120: {  	[tilespmem:s18+$0x380] =	vst v27;
	(erf) = vpow2.f32 v52;
	v27 =	vmul.f32 $1.442695020e+00, v55;
	v58 =	vsub.f32 $0.0e+00, v35  }
0x121: {  	v57 =	vpop (erf);
	[tilespmem:s18+$0x390] =	vst v28;
	v46 =	vadd.f32 v46, v48;
	v28 =	vmul.f32 $1.442695020e+00, v56;
	v60 =	vsub.f32 $0.0e+00, v36  }
0x122: {  	[tilespmem:s18+$0x3A0] =	vst v29;
	v59 =	vpop (erf);
	(erf) = vpow2.f32 v53;
	v37 =	vadd.f32 v47, v63;
	v29 =	vmul.f32 $1.442695020e+00, v58  }
0x123: {  	[tilespmem:s18+$0x3B0] =	vst v25;
	v61 =	vpop (erf);
	(erf) = vpow2.f32 v54;
	v62 =	vsub.f32 $0.0e+00, v46;
	v25 =	vmul.f32 $1.442695020e+00, v60  }
0x124: {  	(erf) = vpow2.f32 v27;
	v63 =	vsub.f32 $0.0e+00, v37;
	v27 =	vpop (erf)  }
0x125: {  	[tilespmem:s18+$0x3C0] =	vst v26;
	(erf) = vpow2.f32 v28;
	v26 =	vmul.f32 $1.442695020e+00, v62;
	v28 =	vpop (erf)  }
0x126: {  	[tilespmem:s18+$0x3D0] =	vst v30;
	(erf) = vpow2.f32 v29;
	v30 =	vmul.f32 $1.442695020e+00, v63;
	v29 =	vpop (erf)  }
0x127: {  	(erf) = vpow2.f32 v25;
	v25 =	vpop (erf)  }
0x128: {  	v12 =	vmul.f32 v41, v12;
	v25 =	vadd.f32 $1.000000000e+00, v25  }
0x129: {  	v13 =	vmul.f32 v42, v13;
	v29 =	vadd.f32 $1.000000000e+00, v29;
	(erf) = vpow2.f32 v26;
	v26 =	vpop (erf)  }
0x12a: {  	v10 =	vmul.f32 v39, v10;
	[tilespmem:s18+$0x400] =	vst v12;
	(erf) = vpow2.f32 v30;
	v30 =	vpop (erf)  }
0x12b: {  	v8 =	vmul.f32 v43, v8;
	[tilespmem:s18+$0x410] =	vst v13;
	v12 =	vadd.f32 $1.000000000e+00, v26;
	(erf) = vrcp.f32 v29;
	v26 =	vpop (erf)  }
0x12c: {  	[tilespmem:s18+$0x420] =	vst v10;
	(erf) = vrcp.f32 v25;
	v10 =	vadd.f32 $1.000000000e+00, v26;
	v25 =	vpop (erf)  }
0x12d: {  	[tilespmem:s18+$0x430] =	vst v8;
	v13 =	vadd.f32 $1.000000000e+00, v30;
	v8 =	vadd.f32 $1.000000000e+00, v25  }
0x12e: {  	(erf) = vrcp.f32 v12  }
0x12f: {  	(erf) = vrcp.f32 v13;
	v12 =	vpop (erf)  }
0x130: {  	v9 =	vmul.f32 v44, v9;
	(erf) = vrcp.f32 v10;
	v12 =	vadd.f32 $1.000000000e+00, v12;
	v10 =	vpop (erf)  }
0x131: {  	v7 =	vmul.f32 v40, v7;
	(erf) = vrcp.f32 v8;
	v10 =	vadd.f32 $1.000000000e+00, v10;
	v8 =	vpop (erf)  }
0x132: {  	[tilespmem:s18+$0x440] =	vst v9;
	v9 =	vmul.f32 v45, v18;
	v8 =	vadd.f32 $1.000000000e+00, v8  }
0x133: {  	[tilespmem:s18+$0x450] =	vst v7;
	v7 =	vmul.f32 v57, v17  }
0x134: {  	[tilespmem:s18+$0x460] =	vst v9;
	v9 =	vmul.f32 v59, v16;
	(erf) = vrcp.f32 v12;
	v12 =	vpop (erf)  }
0x135: {  	[tilespmem:s18+$0x470] =	vst v7;
	v7 =	vmul.f32 v61, v15;
	(erf) = vrcp.f32 v10;
	v10 =	vpop (erf)  }
0x136: {  	[tilespmem:s18+$0x480] =	vst v9;
	v9 =	vmul.f32 v27, v14;
	(erf) = vrcp.f32 v8;
	v8 =	vpop (erf)  }
0x137: {  	[tilespmem:s18+$0x490] =	vst v7;
	v7 =	vmul.f32 v28, v11;
	v12 =	vadd.f32 $1.000000000e+00, v12;
	v10 =	vadd.f32 $1.000000000e+00, v10;
	v11 =	vpop (erf)  }
0x138: {  	[tilespmem:s18+$0x4A0] =	vst v9;
	v9 =	vmul.f32 v11, v19  }
0x139: {  	[tilespmem:s18+$0x3E0] =	vst v31;
	v8 =	vadd.f32 $1.000000000e+00, v8;
	(erf) = vrcp.f32 v12  }
0x13a: {  	[tilespmem:s18+$0x3F0] =	vst v32;
	v11 =	vpop (erf);
	(erf) = vrcp.f32 v10  }
0x13b: {  	[tilespmem:s18+$0x4B0] =	vst v7;
	v7 =	vmul.f32 v11, v20;
	v10 =	vpop (erf);
	(erf) = vrcp.f32 v8  }
0x13c: {  	[tilespmem:s18+$0x4C0] =	vst v9;
	v8 =	vmul.f32 v10, v21;
	v9 =	vpop (erf)  }
0x13d: {  	[tilespmem:s18+$0x4D0] =	vst v7;
	v7 =	vmul.f32 v9, v22;
	v9 =	vpop (erf)  }
0x13e: {  	[tilespmem:s18+$0x4E0] =	vst v8;
	v8 =	vmul.f32 v9, v23;
	v9 =	vpop (erf)  }
0x13f: {  	[tilespmem:s18+$0x4F0] =	vst v7;
	v7 =	vmul.f32 v9, v24;
	v9 =	vpop (erf)  }
0x140: {  	[tilespmem:s18+$0x500] =	vst v8;
	v8 =	vmul.f32 v9, v33;
	v9 =	vpop (erf)  }
0x141: {  	[tilespmem:s18+$0x510] =	vst v7;
	v7 =	vmul.f32 v9, v34;
	v9 =	vpop (erf)  }
0x142: {  	[tilespmem:s18+$0x520] =	vst v8;
	v8 =	vmul.f32 v9, v35;
	v9 =	vpop (erf)  }
0x143: {  	[tilespmem:s18+$0x530] =	vst v7;
	v7 =	vmul.f32 v9, v36;
	v9 =	vpop (erf)  }
0x144: {  	[tilespmem:s18+$0x540] =	vst v8;
	v8 =	vmul.f32 v9, v46;
	v9 =	vpop (erf)  }
0x145: {  	[tilespmem:s18+$0x550] =	vst v7;
	v7 =	vmul.f32 v9, v37  }
0x146: {  	[tilespmem:s18+$0x560] =	vst v8  }
0x147: {  	[tilespmem:s18+$0x570] =	vst v7  }
0x148: {  	[tilespmem:s31], [sflag:$0x3] =	stream.indirect.gather [hbm4b:s4+s28], $0x80, s15, s28, $0xb8;
	[tilespmem:$0x1DE80] =	vst v63  }
0x149: {  	s8 =	simm.s32 $0x0  }
0x14a: {  	[spmem:s2] =	stream.indirect.scatter.add.f32 [tilespmem:s25], [sflag:$0x4], $0x80, s8, s28, $0xb8;
	[tilespmem:$0x1DE80] =	vst v63  }
0x14b: {  	s9 =	sadd.s32 s10, s12;
	_ =	swait.ge [sflag:s16], $0x3200  }
0x14c: {  	s9 =	sshrl.u32 s9, $0x3;
	[sflag:s16] =	ssyncset.done $0x0  }
0x14d: {  	s9 =	sadd.s32 s5, s9;
	[sflag:s16] =	ssyncadd.s32 $0xFFFFCE00  }
0x14e: {  	[tilespmem:s8], [sflag:$0x7] =	stream.linear.gather [hbm4b:s9+s8], $0x180, $0x38;
	[tilespmem:$0x1DE80] =	vst v63  }
0x14f: {  	_ =	swait.ge [sflag:s26], $0x180  }
0x150: {  	[sflag:s26] =	ssyncset.done $0x0  }
0x151: {  	[sflag:s26] =	ssyncadd.s32 $0xFFFFFE80  }
0x152: {  	[tilespmem:s25], [sflag:$0x1] =	stream.indirect.gather [hbm4b:s4+s28], $0x80, s29, s28, $0xb8;
	[tilespmem:$0x1DE80] =	vst v63  }
0x153: {  	_ =	swait.ge [sflag:s17], $0x3200  }
0x154: {  	[sflag:s17] =	ssyncset.done $0x0  }
0x155: {  	[sflag:s17] =	ssyncadd.s32 $0xFFFFCE00  }
0x156: {  	_ =	swait.ge [sflag:s14], $0x3200  }
0x157: {  	[sflag:s14] =	ssyncset.done $0x0  }
0x158: {  	s10 =	simm.s32 $0x0;
	[sflag:s14] =	ssyncadd.s32 $0xFFFFCE00  }
0x159: {  	v7 =	vld [tilespmem:s10+$0x6B80]  }
0x15a: {  	v8 =	vld [tilespmem:s10+$0x6B90]  }
0x15b: {  	v9 =	vld [tilespmem:s10+$0x6BA0]  }
0x15c: {  	v10 =	vld [tilespmem:s10+$0x6BB0]  }
0x15d: {  	v11 =	vld [tilespmem:s10+$0x3780]  }
0x15e: {  	v12 =	vld [tilespmem:s10+$0x3790]  }
0x15f: {  	v13 =	vld [tilespmem:s10+$0x6BC0]  }
0x160: {  	v14 =	vld [tilespmem:s10+$0x6BD0]  }
0x161: {  	v15 =	vld [tilespmem:s10+$0x37A0]  }
0x162: {  	v16 =	vld [tilespmem:s10+$0x37B0]  }
0x163: {  	v17 =	vld [tilespmem:s10+$0x6BE0]  }
0x164: {  	v19 =	vld [tilespmem:s10+$0x37E0]  }
0x165: {  	v26 =	vadd.f32 v7, v11;
	v7 =	vld [tilespmem:s10+$0x6BF0]  }
0x166: {  	v23 =	vadd.f32 v8, v12;
	v8 =	vld [tilespmem:s10+$0x37C0]  }
0x167: {  	v12 =	vld [tilespmem:s10+$0x37D0]  }
0x168: {  	v25 =	vadd.f32 v9, v15;
	v9 =	vld [tilespmem:s10+$0x37F0];
	v11 =	vsub.f32 $0.0e+00, v26  }
0x169: {  	v18 =	vsub.f32 $0.0e+00, v23  }
0x16a: {  	v24 =	vadd.f32 v10, v16;
	v20 =	vadd.f32 v17, v19;
	v11 =	vmul.f32 $1.442695020e+00, v11  }
0x16b: {  	v10 =	vsub.f32 $0.0e+00, v25;
	v15 =	vmul.f32 $1.442695020e+00, v18;
	v22 =	vadd.f32 v13, v8  }
0x16c: {  	v8 =	vsub.f32 $0.0e+00, v24;
	v21 =	vadd.f32 v14, v12;
	(erf) = vpow2.f32 v11  }
0x16d: {  	v10 =	vmul.f32 $1.442695020e+00, v10;
	v19 =	vadd.f32 v7, v9;
	v11 =	vsub.f32 $0.0e+00, v22  }
0x16e: {  	(erf) = vpow2.f32 v15;
	v8 =	vmul.f32 $1.442695020e+00, v8;
	v12 =	vsub.f32 $0.0e+00, v21  }
0x16f: {  	(erf) = vpow2.f32 v10;
	v9 =	vmul.f32 $1.442695020e+00, v11;
	v11 =	vsub.f32 $0.0e+00, v20  }
0x170: {  	v10 =	vmul.f32 $1.442695020e+00, v12  }
0x171: {  	v27 =	vld [tilespmem:s10+$0x6C70];
	v12 =	vsub.f32 $0.0e+00, v19;
	(erf) = vpow2.f32 v8;
	v8 =	vmul.f32 $1.442695020e+00, v11  }
0x172: {  	v28 =	vld [tilespmem:s10+$0x6C80]  }
0x173: {  	v29 =	vld [tilespmem:s10+$0x6C90];
	(erf) = vpow2.f32 v9;
	v9 =	vmul.f32 $1.442695020e+00, v12  }
0x174: {  	v30 =	vld [tilespmem:s10+$0x3820];
	(erf) = vpow2.f32 v10  }
0x175: {  	v31 =	vld [tilespmem:s10+$0x3830];
	(erf) = vpow2.f32 v8;
	v8 =	vpop (erf)  }
0x176: {  	v47 =	vld [tilespmem:s10+$0x3840];
	v8 =	vadd.f32 $1.000000000e+00, v8  }
0x177: {  	v18 =	vld [tilespmem:s10+$0x3810];
	(erf) = vpow2.f32 v9;
	v9 =	vpop (erf)  }
0x178: {  	v7 =	vld [tilespmem:s10+$0x6C00];
	v9 =	vadd.f32 $1.000000000e+00, v9;
	v12 =	vpop (erf)  }
0x179: {  	v10 =	vld [tilespmem:s10+$0x3800];
	v12 =	vadd.f32 $1.000000000e+00, v12  }
0x17a: {  	v13 =	vld [tilespmem:s10+$0x6C10];
	(erf) = vrcp.f32 v8;
	v8 =	vpop (erf)  }
0x17b: {  	v14 =	vld [tilespmem:s10+$0x6C20];
	v8 =	vadd.f32 $1.000000000e+00, v8  }
0x17c: {  	v16 =	vld [tilespmem:s10+$0x6C50];
	(erf) = vrcp.f32 v9;
	v9 =	vpop (erf)  }
0x17d: {  	v11 =	vld [tilespmem:s10+$0x6C30];
	(erf) = vrcp.f32 v12;
	v9 =	vadd.f32 $1.000000000e+00, v9;
	v12 =	vpop (erf)  }
0x17e: {  	v46 =	vadd.f32 $1.000000000e+00, v12;
	v12 =	vadd.f32 v7, v10;
	v7 =	vld [tilespmem:s10+$0x3850]  }
0x17f: {  	v15 =	vld [tilespmem:s10+$0x6C40];
	v13 =	vadd.f32 v13, v18;
	(erf) = vrcp.f32 v8;
	v8 =	vpop (erf)  }
0x180: {  	v50 =	vld [tilespmem:s10+$0x3890];
	v10 =	vadd.f32 v14, v30;
	(erf) = vrcp.f32 v9;
	v8 =	vadd.f32 $1.000000000e+00, v8  }
0x181: {  	v17 =	vld [tilespmem:s10+$0x6C60];
	v14 =	vsub.f32 $0.0e+00, v13;
	(erf) = vrcp.f32 v46;
	v18 =	vsub.f32 $0.0e+00, v12;
	v9 =	vpop (erf)  }
0x182: {  	v9 =	vadd.f32 $1.000000000e+00, v9;
	(erf) = vrcp.f32 v8;
	v8 =	vadd.f32 v11, v31;
	v11 =	vld [tilespmem:s10+$0x3860]  }
0x183: {  	v18 =	vmul.f32 $1.442695020e+00, v18;
	v31 =	vsub.f32 $0.0e+00, v10;
	v7 =	vadd.f32 v16, v7;
	v16 =	vld [tilespmem:s10+$0x3880]  }
0x184: {  	v14 =	vmul.f32 $1.442695020e+00, v14;
	(erf) = vrcp.f32 v9;
	v9 =	vadd.f32 v15, v47;
	v15 =	vld [tilespmem:s10+$0x3870]  }
0x185: {  	v48 =	vld [tilespmem:s10+$0x6CA0];
	v49 =	vsub.f32 $0.0e+00, v8;
	v31 =	vmul.f32 $1.442695020e+00, v31;
	(erf) = vpow2.f32 v18  }
0x186: {  	v52 =	vld [tilespmem:s10+$0x38A0];
	v51 =	vsub.f32 $0.0e+00, v7;
	(erf) = vpow2.f32 v14  }
0x187: {  	v33 =	vsub.f32 $0.0e+00, v9;
	v32 =	vmul.f32 $1.442695020e+00, v49;
	(erf) = vpow2.f32 v31  }
0x188: {  	v30 =	vld [tilespmem:s10+$0x6CB0];
	v53 =	vmul.f32 $1.442695020e+00, v51;
	v18 =	vadd.f32 v17, v11;
	v16 =	vadd.f32 v28, v16  }
0x189: {  	v14 =	vmul.f32 $1.442695020e+00, v33;
	v11 =	vld [tilespmem:s10+$0x38B0];
	v31 =	vpop (erf);
	v17 =	vadd.f32 v27, v15;
	v15 =	vadd.f32 v29, v50  }
0x18a: {  	(erf) = vpow2.f32 v32;
	v54 =	vpop (erf);
	v27 =	vsub.f32 $0.0e+00, v18;
	v29 =	vsub.f32 $0.0e+00, v16  }
0x18b: {  	(erf) = vpow2.f32 v14;
	v14 =	vadd.f32 v48, v52;
	v36 =	vpop (erf);
	v28 =	vsub.f32 $0.0e+00, v17  }
0x18c: {  	(erf) = vpow2.f32 v53;
	v57 =	vsub.f32 $0.0e+00, v15;
	v55 =	vpop (erf);
	v27 =	vmul.f32 $1.442695020e+00, v27  }
0x18d: {  	v29 =	vmul.f32 $1.442695020e+00, v29;
	v34 =	vsub.f32 $0.0e+00, v14;
	v56 =	vpop (erf);
	v28 =	vmul.f32 $1.442695020e+00, v28  }
0x18e: {  	v11 =	vadd.f32 v30, v11;
	v30 =	vpop (erf);
	(erf) = vpow2.f32 v27;
	v27 =	vmul.f32 $1.442695020e+00, v57  }
0x18f: {  	v58 =	vpop (erf);
	(erf) = vpow2.f32 v28;
	v28 =	vmul.f32 $1.442695020e+00, v34  }
0x190: {  	v59 =	vsub.f32 $0.0e+00, v11;
	v60 =	vpop (erf)  }
0x191: {  	(erf) = vpow2.f32 v29;
	v29 =	vpop (erf)  }
0x192: {  	v39 =	vld [tilespmem:s10+$0x6CC0];
	v62 =	vmul.f32 $1.442695020e+00, v59;
	(erf) = vpow2.f32 v27;
	v27 =	vpop (erf)  }
0x193: {  	v40 =	vld [tilespmem:s10+$0x6CD0];
	v29 =	vadd.f32 $1.000000000e+00, v29;
	(erf) = vpow2.f32 v28;
	v28 =	vpop (erf)  }
0x194: {  	v42 =	vld [tilespmem:s10+$0x6CE0];
	v52 =	vadd.f32 $1.000000000e+00, v27;
	(erf) = vpow2.f32 v62;
	v27 =	vmul.f32 v31, v26;
	v53 =	vpop (erf)  }
0x195: {  	v61 =	vld [tilespmem:s10+$0x6CF0];
	v26 =	vadd.f32 $1.000000000e+00, v28;
	v28 =	vmul.f32 v54, v23;
	v31 =	vpop (erf);
	v23 =	vadd.f32 $1.000000000e+00, v53  }
0x196: {  	v63 =	vld [tilespmem:s10+$0x6D00];
	(erf) = vrcp.f32 v29;
	v29 =	vmul.f32 v36, v25;
	v54 =	vpop (erf);
	v31 =	vadd.f32 $1.000000000e+00, v31  }
0x197: {  	v35 =	vld [tilespmem:s10+$0x6D40];
	v25 =	vmul.f32 v55, v24;
	(erf) = vrcp.f32 v52;
	v24 =	vadd.f32 $1.000000000e+00, v54  }
0x198: {  	v37 =	vld [tilespmem:s10+$0x3920];
	(erf) = vrcp.f32 v26  }
0x199: {  	v38 =	vld [tilespmem:s10+$0x3930];
	(erf) = vrcp.f32 v23;
	v23 =	vpop (erf)  }
0x19a: {  	v46 =	vld [tilespmem:s10+$0x6D60];
	v26 =	vmul.f32 v56, v22;
	(erf) = vrcp.f32 v31;
	v22 =	vadd.f32 $1.000000000e+00, v23;
	v31 =	vpop (erf)  }
0x19b: {  	v30 =	vmul.f32 v30, v21;
	v55 =	vld [tilespmem:s10+$0x38C0];
	(erf) = vrcp.f32 v24;
	v24 =	vpop (erf)  }
0x19c: {  	v23 =	vld [tilespmem:s10+$0x38D0];
	v21 =	vadd.f32 $1.000000000e+00, v31;
	v31 =	vmul.f32 v58, v20;
	v20 =	vadd.f32 $1.000000000e+00, v24  }
0x19d: {  	v56 =	vld [tilespmem:s10+$0x38E0]  }
0x19e: {  	v48 =	vld [tilespmem:s10+$0x6D10];
	(erf) = vrcp.f32 v22;
	v22 =	vpop (erf)  }
0x19f: {  	v32 =	vmul.f32 v60, v19;
	v24 =	vld [tilespmem:s10+$0x38F0];
	(erf) = vrcp.f32 v21;
	v22 =	vadd.f32 $1.000000000e+00, v22;
	v19 =	vpop (erf)  }
0x1a0: {  	v57 =	vld [tilespmem:s10+$0x3900];
	(erf) = vrcp.f32 v20;
	v58 =	vadd.f32 $1.000000000e+00, v19;
	v19 =	vadd.f32 v39, v55;
	v20 =	vpop (erf)  }
0x1a1: {  	v59 =	vld [tilespmem:s10+$0x3910];
	v60 =	vadd.f32 $1.000000000e+00, v20;
	v20 =	vadd.f32 v40, v23  }
0x1a2: {  	v47 =	vld [tilespmem:s10+$0x6D70];
	v21 =	vadd.f32 v42, v56;
	v41 =	vpop (erf);
	(erf) = vrcp.f32 v22  }
0x1a3: {  	v49 =	vld [tilespmem:s10+$0x3940];
	v23 =	vsub.f32 $0.0e+00, v19;
	v42 =	vpop (erf);
	(erf) = vrcp.f32 v58;
	v40 =	vsub.f32 $0.0e+00, v20  }
0x1a4: {  	v33 =	vld [tilespmem:s10+$0x6D20];
	v22 =	vadd.f32 v61, v24;
	v39 =	vpop (erf);
	(erf) = vrcp.f32 v60  }
0x1a5: {  	v34 =	vld [tilespmem:s10+$0x6D30];
	v62 =	vsub.f32 $0.0e+00, v21;
	v61 =	vmul.f32 $1.442695020e+00, v23;
	v23 =	vadd.f32 v63, v57;
	v43 =	vpop (erf)  }
0x1a6: {  	v50 =	vld [tilespmem:s10+$0x3950];
	v24 =	vadd.f32 v48, v59;
	v63 =	vsub.f32 $0.0e+00, v22;
	v55 =	vmul.f32 $1.442695020e+00, v40;
	v44 =	vpop (erf)  }
0x1a7: {  	v36 =	vld [tilespmem:s10+$0x6D50];
	v51 =	vmul.f32 $1.442695020e+00, v62;
	v53 =	vsub.f32 $0.0e+00, v23;
	v40 =	vpop (erf);
	(erf) = vpow2.f32 v61  }
0x1a8: {  	s8 =	simm.s32 $0x800;
	v48 =	vld [tilespmem:s10+$0x3960];
	v54 =	vsub.f32 $0.0e+00, v24;
	v52 =	vmul.f32 $1.442695020e+00, v63;
	v45 =	vpop (erf);
	(erf) = vpow2.f32 v55  }
.LBB2_7:
0x1a9: {  	p3 =	sne.s32 s8, $0xC000;
	v53 =	vmul.f32 $1.442695020e+00, v53;
	v37 =	vadd.f32 v33, v37;
	v55 =	vld [tilespmem:s10+$0x3970];
	v56 =	vpop (erf);
	(erf) = vpow2.f32 v51  }
0x1aa: {  	v51 =	vmul.f32 $1.442695020e+00, v54;
	v38 =	vadd.f32 v34, v38;
	v54 =	vpop (erf);
	(erf) = vpow2.f32 v52  }
0x1ab: {  	v52 =	vsub.f32 $0.0e+00, v37;
	v34 =	vadd.f32 v35, v49;
	v49 =	vpop (erf);
	(erf) = vpow2.f32 v53  }
0x1ac: {  	v53 =	vsub.f32 $0.0e+00, v38;
	v33 =	vadd.f32 v36, v50;
	v36 =	vpop (erf);
	(erf) = vpow2.f32 v51  }
0x1ad: {  	[tilespmem:s10+$0x3780] =	vst v27;
	v52 =	vmul.f32 $1.442695020e+00, v52;
	v51 =	vsub.f32 $0.0e+00, v34;
	v35 =	vadd.f32 v46, v48;
	v46 =	vpop (erf)  }
0x1ae: {  	[tilespmem:s10+$0x3790] =	vst v28;
	v53 =	vmul.f32 $1.442695020e+00, v53;
	v48 =	vsub.f32 $0.0e+00, v33;
	v27 =	vadd.f32 v47, v55  }
0x1af: {  	[tilespmem:s10+$0x37A0] =	vst v29;
	v29 =	vmul.f32 $1.442695020e+00, v51;
	v47 =	vsub.f32 $0.0e+00, v35;
	(erf) = vpow2.f32 v52  }
0x1b0: {  	[tilespmem:s10+$0x37B0] =	vst v25;
	v25 =	vmul.f32 $1.442695020e+00, v48;
	v48 =	vsub.f32 $0.0e+00, v27;
	v50 =	vpop (erf);
	(erf) = vpow2.f32 v53  }
0x1b1: {  	[tilespmem:s10+$0x37C0] =	vst v26;
	v26 =	vmul.f32 $1.442695020e+00, v47;
	v28 =	vpop (erf);
	(erf) = vpow2.f32 v29  }
0x1b2: {  	[tilespmem:s10+$0x37D0] =	vst v30;
	v29 =	vmul.f32 $1.442695020e+00, v48;
	v30 =	vpop (erf);
	(erf) = vpow2.f32 v25  }
0x1b3: {  	v12 =	vmul.f32 v41, v12;
	v41 =	vadd.f32 $1.000000000e+00, v50;
	[tilespmem:s10+$0x37E0] =	vst v31;
	v31 =	vpop (erf);
	(erf) = vpow2.f32 v26  }
0x1b4: {  	v13 =	vmul.f32 v42, v13;
	v26 =	vadd.f32 $1.000000000e+00, v28;
	[tilespmem:s10+$0x37F0] =	vst v32;
	v28 =	vpop (erf);
	(erf) = vpow2.f32 v29  }
0x1b5: {  	s9 =	sshra.s32 s8, $0x2;
	v10 =	vmul.f32 v39, v10;
	[tilespmem:s10+$0x3800] =	vst v12;
	v12 =	vadd.f32 $1.000000000e+00, v30;
	(erf) = vrcp.f32 v41;
	v25 =	vpop (erf)  }
0x1b6: {  	v8 =	vmul.f32 v43, v8;
	v30 =	vadd.f32 $1.000000000e+00, v31;
	v29 =	vld [tilespmem:s9+$0x6B80];
	[tilespmem:s10+$0x3810] =	vst v13;
	(erf) = vrcp.f32 v26  }
0x1b7: {  	v9 =	vmul.f32 v44, v9;
	v31 =	vadd.f32 $1.000000000e+00, v28;
	v26 =	vld [tilespmem:s9+$0x6B90];
	[tilespmem:s10+$0x3820] =	vst v10;
	(erf) = vrcp.f32 v12  }
0x1b8: {  	v7 =	vmul.f32 v40, v7;
	v25 =	vadd.f32 $1.000000000e+00, v25;
	v12 =	vld [tilespmem:s9+$0x6BA0];
	[tilespmem:s10+$0x3830] =	vst v8;
	(erf) = vrcp.f32 v30;
	v13 =	vpop (erf)  }
0x1b9: {  	v28 =	vld [tilespmem:s9+$0x6BB0];
	[tilespmem:s10+$0x3840] =	vst v9;
	v9 =	vmul.f32 v45, v18;
	v30 =	vadd.f32 $1.000000000e+00, v13;
	(erf) = vrcp.f32 v31;
	v10 =	vpop (erf)  }
0x1ba: {  	v18 =	vld [tilespmem:s9+$0x3780];
	[tilespmem:s10+$0x3850] =	vst v7;
	v7 =	vmul.f32 v56, v17;
	v31 =	vadd.f32 $1.000000000e+00, v10;
	(erf) = vrcp.f32 v25;
	v8 =	vpop (erf)  }
0x1bb: {  	v17 =	vld [tilespmem:s9+$0x3790];
	[tilespmem:s10+$0x3860] =	vst v9;
	v9 =	vmul.f32 v54, v16;
	v25 =	vadd.f32 $1.000000000e+00, v8;
	(erf) = vrcp.f32 v30;
	v13 =	vpop (erf)  }
0x1bc: {  	v16 =	vld [tilespmem:s9+$0x6BC0];
	[tilespmem:s10+$0x3870] =	vst v7;
	v7 =	vmul.f32 v49, v15;
	v13 =	vadd.f32 $1.000000000e+00, v13;
	(erf) = vrcp.f32 v31;
	v10 =	vpop (erf)  }
0x1bd: {  	v15 =	vld [tilespmem:s9+$0x6BD0];
	[tilespmem:s10+$0x3880] =	vst v9;
	v9 =	vmul.f32 v36, v14;
	v10 =	vadd.f32 $1.000000000e+00, v10;
	(erf) = vrcp.f32 v25;
	v8 =	vpop (erf)  }
0x1be: {  	v14 =	vld [tilespmem:s9+$0x37A0];
	[tilespmem:s10+$0x3890] =	vst v7;
	v7 =	vmul.f32 v46, v11;
	v8 =	vadd.f32 $1.000000000e+00, v8;
	v11 =	vpop (erf);
	(erf) = vrcp.f32 v13  }
0x1bf: {  	v25 =	vadd.f32 v29, v18;
	v13 =	vld [tilespmem:s9+$0x37B0];
	[tilespmem:s10+$0x38A0] =	vst v9;
	v9 =	vmul.f32 v11, v19;
	v11 =	vpop (erf);
	(erf) = vrcp.f32 v10  }
0x1c0: {  	v19 =	vadd.f32 v26, v17;
	v10 =	vld [tilespmem:s9+$0x6BE0];
	[tilespmem:s10+$0x38B0] =	vst v7;
	v7 =	vmul.f32 v11, v20;
	v11 =	vpop (erf);
	(erf) = vrcp.f32 v8  }
0x1c1: {  	v8 =	vsub.f32 $0.0e+00, v25;
	v17 =	vld [tilespmem:s9+$0x6BF0];
	[tilespmem:s10+$0x38C0] =	vst v9;
	v9 =	vmul.f32 v11, v21;
	v11 =	vpop (erf)  }
0x1c2: {  	v18 =	vsub.f32 $0.0e+00, v19;
	v26 =	vld [tilespmem:s9+$0x37C0];
	[tilespmem:s10+$0x38D0] =	vst v7;
	v7 =	vmul.f32 v11, v22;
	v11 =	vpop (erf)  }
0x1c3: {  	v8 =	vmul.f32 $1.442695020e+00, v8;
	v20 =	vadd.f32 v12, v14;
	v12 =	vld [tilespmem:s9+$0x37D0];
	[tilespmem:s10+$0x38E0] =	vst v9;
	v22 =	vmul.f32 v11, v23;
	v11 =	vpop (erf)  }
0x1c4: {  	v14 =	vmul.f32 $1.442695020e+00, v18;
	v21 =	vadd.f32 v28, v13;
	v13 =	vld [tilespmem:s9+$0x37E0];
	[tilespmem:s10+$0x38F0] =	vst v7;
	v7 =	vmul.f32 v11, v24;
	v11 =	vpop (erf)  }
0x1c5: {  	v18 =	vsub.f32 $0.0e+00, v20;
	v28 =	vld [tilespmem:s9+$0x37F0];
	(erf) = vpow2.f32 v8;
	[tilespmem:s10+$0x3900] =	vst v22;
	v8 =	vmul.f32 v11, v37;
	v9 =	vpop (erf)  }
0x1c6: {  	v11 =	vsub.f32 $0.0e+00, v21;
	(erf) = vpow2.f32 v14;
	[tilespmem:s10+$0x3910] =	vst v7;
	v7 =	vmul.f32 v9, v38;
	v9 =	vpop (erf)  }
0x1c7: {  	v14 =	vmul.f32 $1.442695020e+00, v18;
	v22 =	vadd.f32 v16, v26;
	[tilespmem:s10+$0x3920] =	vst v8;
	v8 =	vmul.f32 v9, v34;
	v9 =	vpop (erf)  }
0x1c8: {  	v11 =	vmul.f32 $1.442695020e+00, v11;
	v23 =	vadd.f32 v15, v12;
	[tilespmem:s10+$0x3930] =	vst v7;
	v7 =	vmul.f32 v9, v33;
	v9 =	vpop (erf)  }
0x1c9: {  	v12 =	vsub.f32 $0.0e+00, v22;
	v24 =	vadd.f32 v10, v13;
	[tilespmem:s10+$0x3940] =	vst v8;
	v8 =	vmul.f32 v9, v35;
	v9 =	vpop (erf)  }
0x1ca: {  	v10 =	vsub.f32 $0.0e+00, v23;
	v32 =	vadd.f32 v17, v28;
	v13 =	vld [tilespmem:s9+$0x6C00];
	[tilespmem:s10+$0x3950] =	vst v7;
	v7 =	vmul.f32 v9, v27  }
0x1cb: {  	v9 =	vmul.f32 $1.442695020e+00, v12;
	v12 =	vsub.f32 $0.0e+00, v24;
	v15 =	vld [tilespmem:s9+$0x6C10];
	(erf) = vpow2.f32 v14;
	[tilespmem:s10+$0x3960] =	vst v8  }
0x1cc: {  	v18 =	vmul.f32 $1.442695020e+00, v10;
	v17 =	vsub.f32 $0.0e+00, v32;
	v14 =	vld [tilespmem:s9+$0x6C20];
	(erf) = vpow2.f32 v11;
	[tilespmem:s10+$0x3970] =	vst v7;
	s10 =	smov.u32 s9  }
0x1cd: {  	v7 =	vmul.f32 $1.442695020e+00, v12;
	v11 =	vld [tilespmem:s10+$0x6C30];
	(erf) = vpow2.f32 v9  }
0x1ce: {  	v9 =	vmul.f32 $1.442695020e+00, v17;
	v16 =	vld [tilespmem:s10+$0x6C40];
	v10 =	vpop (erf);
	(erf) = vpow2.f32 v18  }
0x1cf: {  	v17 =	vld [tilespmem:s10+$0x6C50];
	v8 =	vpop (erf);
	(erf) = vpow2.f32 v7  }
0x1d0: {  	v18 =	vld [tilespmem:s10+$0x6C60];
	(erf) = vpow2.f32 v9  }
0x1d1: {  	v26 =	vld [tilespmem:s10+$0x6C70]  }
0x1d2: {  	v27 =	vld [tilespmem:s10+$0x6C80]  }
0x1d3: {  	v12 =	vadd.f32 $1.000000000e+00, v10;
	v28 =	vld [tilespmem:s10+$0x6C90]  }
0x1d4: {  	v31 =	vadd.f32 $1.000000000e+00, v8;
	v9 =	vld [tilespmem:s10+$0x3800];
	v10 =	vpop (erf)  }
0x1d5: {  	v33 =	vadd.f32 $1.000000000e+00, v10;
	v29 =	vld [tilespmem:s10+$0x3810];
	(erf) = vrcp.f32 v12;
	v7 =	vpop (erf)  }
0x1d6: {  	v12 =	vadd.f32 $1.000000000e+00, v7;
	v30 =	vld [tilespmem:s10+$0x3820];
	(erf) = vrcp.f32 v31;
	v8 =	vpop (erf)  }
0x1d7: {  	v35 =	vadd.f32 $1.000000000e+00, v8;
	v31 =	vld [tilespmem:s10+$0x3830];
	(erf) = vrcp.f32 v33;
	v10 =	vpop (erf)  }
0x1d8: {  	v10 =	vadd.f32 $1.000000000e+00, v10;
	v33 =	vld [tilespmem:s10+$0x3840];
	(erf) = vrcp.f32 v12;
	v7 =	vpop (erf)  }
0x1d9: {  	v7 =	vadd.f32 $1.000000000e+00, v7;
	v12 =	vadd.f32 v13, v9;
	v34 =	vld [tilespmem:s10+$0x3850];
	(erf) = vrcp.f32 v35;
	v8 =	vpop (erf)  }
0x1da: {  	v9 =	vadd.f32 $1.000000000e+00, v8;
	v13 =	vadd.f32 v15, v29;
	v29 =	vld [tilespmem:s10+$0x6CA0];
	(erf) = vrcp.f32 v10  }
0x1db: {  	v15 =	vsub.f32 $0.0e+00, v12;
	v10 =	vadd.f32 v14, v30;
	v30 =	vld [tilespmem:s10+$0x6CB0];
	(erf) = vrcp.f32 v7  }
0x1dc: {  	v7 =	vsub.f32 $0.0e+00, v13;
	v8 =	vadd.f32 v11, v31;
	v11 =	vld [tilespmem:s10+$0x3860];
	(erf) = vrcp.f32 v9  }
0x1dd: {  	v14 =	vmul.f32 $1.442695020e+00, v15;
	v15 =	vsub.f32 $0.0e+00, v10;
	v9 =	vadd.f32 v16, v33;
	v16 =	vld [tilespmem:s10+$0x3870]  }
0x1de: {  	v31 =	vmul.f32 $1.442695020e+00, v7;
	v33 =	vsub.f32 $0.0e+00, v8;
	v7 =	vadd.f32 v17, v34;
	v34 =	vld [tilespmem:s10+$0x3880];
	v35 =	vpop (erf)  }
0x1df: {  	v15 =	vmul.f32 $1.442695020e+00, v15;
	v17 =	vsub.f32 $0.0e+00, v9;
	v36 =	vld [tilespmem:s10+$0x3890];
	v37 =	vpop (erf);
	(erf) = vpow2.f32 v14  }
0x1e0: {  	v14 =	vmul.f32 $1.442695020e+00, v33;
	v33 =	vsub.f32 $0.0e+00, v7;
	v38 =	vld [tilespmem:s10+$0x38A0];
	v39 =	vpop (erf);
	(erf) = vpow2.f32 v31  }
0x1e1: {  	v42 =	vmul.f32 $1.442695020e+00, v17;
	v18 =	vadd.f32 v18, v11;
	v11 =	vld [tilespmem:s10+$0x38B0];
	v40 =	vpop (erf);
	(erf) = vpow2.f32 v15  }
0x1e2: {  	v33 =	vmul.f32 $1.442695020e+00, v33;
	v17 =	vadd.f32 v26, v16;
	v26 =	vpop (erf);
	(erf) = vpow2.f32 v14  }
0x1e3: {  	v14 =	vsub.f32 $0.0e+00, v18;
	v16 =	vadd.f32 v27, v34;
	v41 =	vpop (erf);
	(erf) = vpow2.f32 v42  }
0x1e4: {  	v27 =	vsub.f32 $0.0e+00, v17;
	v15 =	vadd.f32 v28, v36;
	v31 =	vpop (erf);
	(erf) = vpow2.f32 v33  }
0x1e5: {  	v28 =	vmul.f32 $1.442695020e+00, v14;
	v33 =	vsub.f32 $0.0e+00, v16;
	v14 =	vadd.f32 v29, v38;
	v38 =	vpop (erf)  }
0x1e6: {  	v27 =	vmul.f32 $1.442695020e+00, v27;
	v29 =	vsub.f32 $0.0e+00, v15;
	v11 =	vadd.f32 v30, v11;
	v42 =	vld [tilespmem:s10+$0x6CC0]  }
0x1e7: {  	v46 =	vmul.f32 $1.442695020e+00, v33;
	v36 =	vsub.f32 $0.0e+00, v14;
	v43 =	vld [tilespmem:s10+$0x6CD0];
	(erf) = vpow2.f32 v28  }
0x1e8: {  	v28 =	vmul.f32 $1.442695020e+00, v29;
	v29 =	vsub.f32 $0.0e+00, v11;
	v44 =	vld [tilespmem:s10+$0x6CE0];
	v34 =	vpop (erf);
	(erf) = vpow2.f32 v27  }
0x1e9: {  	v27 =	vmul.f32 $1.442695020e+00, v36;
	v45 =	vld [tilespmem:s10+$0x6CF0];
	v33 =	vpop (erf);
	(erf) = vpow2.f32 v46  }
0x1ea: {  	v29 =	vmul.f32 $1.442695020e+00, v29;
	v48 =	vld [tilespmem:s10+$0x6D00];
	v30 =	vpop (erf);
	(erf) = vpow2.f32 v28  }
0x1eb: {  	v28 =	vadd.f32 $1.000000000e+00, v34;
	v49 =	vld [tilespmem:s10+$0x6D10];
	v36 =	vpop (erf);
	(erf) = vpow2.f32 v27  }
0x1ec: {  	v46 =	vadd.f32 $1.000000000e+00, v33;
	v33 =	vld [tilespmem:s10+$0x6D20];
	v47 =	vpop (erf);
	(erf) = vpow2.f32 v29  }
0x1ed: {  	v27 =	vmul.f32 v35, v25;
	v25 =	vadd.f32 $1.000000000e+00, v30;
	v34 =	vld [tilespmem:s10+$0x6D30];
	(erf) = vrcp.f32 v28;
	v30 =	vpop (erf)  }
0x1ee: {  	v50 =	vadd.f32 $1.000000000e+00, v36;
	v28 =	vmul.f32 v37, v19;
	v35 =	vld [tilespmem:s10+$0x6D40];
	(erf) = vrcp.f32 v46  }
0x1ef: {  	v29 =	vmul.f32 v39, v20;
	v39 =	vadd.f32 $1.000000000e+00, v47;
	v36 =	vld [tilespmem:s10+$0x6D50];
	(erf) = vrcp.f32 v25  }
0x1f0: {  	v25 =	vmul.f32 v40, v21;
	v40 =	vadd.f32 $1.000000000e+00, v30;
	v37 =	vld [tilespmem:s10+$0x38C0];
	(erf) = vrcp.f32 v50;
	v19 =	vpop (erf)  }
0x1f1: {  	v26 =	vmul.f32 v26, v22;
	v46 =	vadd.f32 $1.000000000e+00, v19;
	v22 =	vld [tilespmem:s10+$0x38D0];
	(erf) = vrcp.f32 v39;
	v20 =	vpop (erf)  }
0x1f2: {  	v30 =	vmul.f32 v41, v23;
	v41 =	vadd.f32 $1.000000000e+00, v20;
	v23 =	vld [tilespmem:s10+$0x38E0];
	(erf) = vrcp.f32 v40;
	v21 =	vpop (erf)  }
0x1f3: {  	v31 =	vmul.f32 v31, v24;
	v21 =	vadd.f32 $1.000000000e+00, v21;
	v24 =	vld [tilespmem:s10+$0x38F0];
	(erf) = vrcp.f32 v46;
	v19 =	vpop (erf)  }
0x1f4: {  	v32 =	vmul.f32 v38, v32;
	v38 =	vadd.f32 $1.000000000e+00, v19;
	v40 =	vld [tilespmem:s10+$0x3900];
	(erf) = vrcp.f32 v41;
	v19 =	vpop (erf)  }
0x1f5: {  	v52 =	vadd.f32 $1.000000000e+00, v19;
	v19 =	vadd.f32 v42, v37;
	v50 =	vld [tilespmem:s10+$0x3910];
	(erf) = vrcp.f32 v21;
	v20 =	vpop (erf)  }
0x1f6: {  	v51 =	vadd.f32 $1.000000000e+00, v20;
	v20 =	vadd.f32 v43, v22;
	v46 =	vld [tilespmem:s10+$0x6D60];
	v41 =	vpop (erf);
	(erf) = vrcp.f32 v38  }
0x1f7: {  	v38 =	vsub.f32 $0.0e+00, v19;
	v21 =	vadd.f32 v44, v23;
	v47 =	vld [tilespmem:s10+$0x6D70];
	v42 =	vpop (erf);
	(erf) = vrcp.f32 v52  }
.Ltmp2:
0x1f8: {  	v52 =	vsub.f32 $0.0e+00, v20;
	v22 =	vadd.f32 v45, v24;
	v37 =	vld [tilespmem:s10+$0x3920];
	v39 =	vpop (erf);
	(erf) = vrcp.f32 v51;
	(pc) =	sbr.rel @p3 .LBB2_7-.Ltmp2, $4  }
0x1f9: {  	v56 =	vmul.f32 $1.442695020e+00, v38;
	v51 =	vsub.f32 $0.0e+00, v21;
	v23 =	vadd.f32 v48, v40;
	v38 =	vld [tilespmem:s10+$0x3930];
	v43 =	vpop (erf)  }
0x1fa: {  	v55 =	vmul.f32 $1.442695020e+00, v52;
	v48 =	vsub.f32 $0.0e+00, v22;
	v24 =	vadd.f32 v49, v50;
	v49 =	vld [tilespmem:s10+$0x3940];
	v44 =	vpop (erf)  }
0x1fb: {  	v51 =	vmul.f32 $1.442695020e+00, v51;
	v53 =	vsub.f32 $0.0e+00, v23;
	v50 =	vld [tilespmem:s10+$0x3950];
	v40 =	vpop (erf);
	(erf) = vpow2.f32 v56  }
0x1fc: {  	s8 =	sadd.s32 $0x800, s8;
	v52 =	vmul.f32 $1.442695020e+00, v48;
	v54 =	vsub.f32 $0.0e+00, v24;
	v48 =	vld [tilespmem:s10+$0x3960];
	v45 =	vpop (erf);
	(erf) = vpow2.f32 v55  }
0x1fd: {  	v53 =	vmul.f32 $1.442695020e+00, v53;
	v33 =	vadd.f32 v33, v37;
	v56 =	vld [tilespmem:s10+$0x3970]  }
0x1fe: {  	(erf) = vpow2.f32 v51;
	v57 =	vmul.f32 $1.442695020e+00, v54  }
0x1ff: {  	v34 =	vadd.f32 v34, v38;
	(erf) = vpow2.f32 v52;
	v58 =	vsub.f32 $0.0e+00, v33  }
0x200: {  	v35 =	vadd.f32 v35, v49;
	(erf) = vpow2.f32 v53;
	v36 =	vadd.f32 v36, v50;
	v50 =	vpop (erf)  }
0x201: {  	v59 =	vsub.f32 $0.0e+00, v34;
	(erf) = vpow2.f32 v57;
	v46 =	vadd.f32 v46, v48;
	v48 =	vpop (erf)  }
0x202: {  	v60 =	vmul.f32 $1.442695020e+00, v58;
	v61 =	vsub.f32 $0.0e+00, v35;
	v37 =	vadd.f32 v47, v56;
	v47 =	vpop (erf)  }
0x203: {  	v62 =	vmul.f32 $1.442695020e+00, v59;
	v63 =	vsub.f32 $0.0e+00, v36;
	v54 =	vpop (erf)  }
0x204: {  	[tilespmem:s10+$0x3780] =	vst v27;
	v52 =	vmul.f32 $1.442695020e+00, v61;
	v53 =	vsub.f32 $0.0e+00, v46;
	(erf) = vpow2.f32 v60;
	v57 =	vpop (erf)  }
0x205: {  	[tilespmem:s10+$0x3790] =	vst v28;
	v55 =	vmul.f32 $1.442695020e+00, v63;
	v56 =	vsub.f32 $0.0e+00, v37;
	(erf) = vpow2.f32 v62;
	v59 =	vpop (erf)  }
0x206: {  	[tilespmem:s10+$0x37A0] =	vst v29;
	v58 =	vmul.f32 $1.442695020e+00, v53;
	(erf) = vpow2.f32 v52;
	v61 =	vpop (erf)  }
0x207: {  	[tilespmem:s10+$0x37B0] =	vst v25;
	v60 =	vmul.f32 $1.442695020e+00, v56;
	(erf) = vpow2.f32 v55;
	v62 =	vpop (erf)  }
0x208: {  	[tilespmem:s10+$0x37C0] =	vst v26;
	v12 =	vmul.f32 v41, v12;
	v29 =	vadd.f32 $1.000000000e+00, v59;
	(erf) = vpow2.f32 v58;
	v63 =	vpop (erf)  }
0x209: {  	[tilespmem:s10+$0x37F0] =	vst v32;
	v8 =	vmul.f32 v43, v8;
	v25 =	vadd.f32 $1.000000000e+00, v61;
	(erf) = vpow2.f32 v60;
	v32 =	vpop (erf)  }
0x20a: {  	[tilespmem:s10+$0x37E0] =	vst v31;
	v10 =	vmul.f32 v39, v10;
	v31 =	vadd.f32 $1.000000000e+00, v62;
	(erf) = vrcp.f32 v29;
	v39 =	vpop (erf)  }
0x20b: {  	[tilespmem:s10+$0x3830] =	vst v8;
	v38 =	vadd.f32 $1.000000000e+00, v63;
	(erf) = vrcp.f32 v25;
	v8 =	vadd.f32 $1.000000000e+00, v39  }
0x20c: {  	[tilespmem:s10+$0x37D0] =	vst v30;
	v13 =	vmul.f32 v42, v13;
	v41 =	vadd.f32 $1.000000000e+00, v32;
	(erf) = vrcp.f32 v31  }
0x20d: {  	[tilespmem:s10+$0x3800] =	vst v12;
	(erf) = vrcp.f32 v38;
	v42 =	vpop (erf)  }
0x20e: {  	v9 =	vmul.f32 v44, v9;
	[tilespmem:s10+$0x3810] =	vst v13;
	(erf) = vrcp.f32 v41;
	v44 =	vpop (erf)  }
0x20f: {  	v7 =	vmul.f32 v40, v7;
	[tilespmem:s10+$0x3820] =	vst v10;
	(erf) = vrcp.f32 v8;
	v8 =	vpop (erf)  }
0x210: {  	v43 =	vmul.f32 v45, v18;
	[tilespmem:s10+$0x3840] =	vst v9;
	v12 =	vadd.f32 $1.000000000e+00, v42;
	v8 =	vadd.f32 $1.000000000e+00, v8  }
0x211: {  	[tilespmem:s10+$0x3850] =	vst v7;
	v7 =	vmul.f32 v50, v17;
	v10 =	vadd.f32 $1.000000000e+00, v44  }
0x212: {  	[tilespmem:s10+$0x3860] =	vst v43;
	v45 =	vmul.f32 v48, v16;
	(erf) = vrcp.f32 v12;
	v48 =	vpop (erf)  }
0x213: {  	[tilespmem:s10+$0x3870] =	vst v7;
	v7 =	vmul.f32 v47, v15;
	(erf) = vrcp.f32 v10;
	v12 =	vadd.f32 $1.000000000e+00, v48;
	v49 =	vpop (erf)  }
0x214: {  	[tilespmem:s10+$0x3880] =	vst v45;
	v50 =	vmul.f32 v54, v14;
	v10 =	vadd.f32 $1.000000000e+00, v49;
	(erf) = vrcp.f32 v8;
	v8 =	vpop (erf)  }
0x215: {  	[tilespmem:s10+$0x3890] =	vst v7;
	v7 =	vmul.f32 v57, v11;
	(erf) = vrcp.f32 v12;
	v8 =	vadd.f32 $1.000000000e+00, v8;
	v51 =	vpop (erf)  }
0x216: {  	[tilespmem:s10+$0x38A0] =	vst v50;
	(erf) = vrcp.f32 v10;
	v52 =	vmul.f32 v51, v19;
	v53 =	vpop (erf)  }
0x217: {  	[tilespmem:s10+$0x38B0] =	vst v7;
	v7 =	vmul.f32 v53, v20;
	v54 =	vpop (erf);
	(erf) = vrcp.f32 v8  }
0x218: {  	[tilespmem:s10+$0x38C0] =	vst v52;
	v8 =	vmul.f32 v54, v21;
	v55 =	vpop (erf)  }
0x219: {  	[tilespmem:s10+$0x38D0] =	vst v7;
	v7 =	vmul.f32 v55, v22;
	v56 =	vpop (erf)  }
0x21a: {  	[tilespmem:s10+$0x38E0] =	vst v8;
	v8 =	vmul.f32 v56, v23;
	v57 =	vpop (erf)  }
0x21b: {  	[tilespmem:s10+$0x38F0] =	vst v7;
	v7 =	vmul.f32 v57, v24;
	v58 =	vpop (erf)  }
0x21c: {  	[tilespmem:s10+$0x3900] =	vst v8;
	v8 =	vmul.f32 v58, v33;
	v59 =	vpop (erf)  }
0x21d: {  	[tilespmem:s10+$0x3910] =	vst v7;
	v7 =	vmul.f32 v59, v34;
	v60 =	vpop (erf)  }
0x21e: {  	[tilespmem:s10+$0x3920] =	vst v8;
	v8 =	vmul.f32 v60, v35;
	v61 =	vpop (erf)  }
0x21f: {  	[tilespmem:s10+$0x3930] =	vst v7;
	v7 =	vmul.f32 v61, v36;
	v62 =	vpop (erf)  }
0x220: {  	s23 =	sadd.s32 $0x1, s23;
	[tilespmem:s10+$0x3940] =	vst v8;
	v8 =	vmul.f32 v62, v46;
	v63 =	vpop (erf)  }
0x221: {  	p3 =	sne.s32 s23, $0x31;
	[tilespmem:s10+$0x3950] =	vst v7;
	v7 =	vmul.f32 v63, v37  }
.Ltmp3:
0x222: {  	[tilespmem:s10+$0x3960] =	vst v8;
	(pc) =	sbr.rel @p3 .LBB2_4-.Ltmp3, $4  }
0x223: {  	[tilespmem:s10+$0x3970] =	vst v7  }
0x224: {  	[tilespmem:s31], [sflag:$0x3] =	stream.indirect.gather [hbm4b:s4+s28], $0x80, s30, s28, $0xb8;
	[tilespmem:$0x1DE80] =	vst v63  }
0x225: {  	_ = 	snop  }
0x226: {  	[spmem:s2] =	stream.indirect.scatter.add.f32 [tilespmem:s7], [sflag:$0x5], $0x80, s0, s28, $0xb8;
	[tilespmem:$0x1DE80] =	vst v63  }
0x227: {  	_ =	swait.ge [sflag:s13], $0x3200  }
0x228: {  	[sflag:s13] =	ssyncset.done $0x0  }
0x229: {  	[sflag:s13] =	ssyncadd.s32 $0xFFFFCE00  }
0x22a: {  	_ =	swait.ge [sflag:s14], $0x3200  }
0x22b: {  	[sflag:s14] =	ssyncset.done $0x0  }
0x22c: {  	s10 =	simm.s32 $0x0;
	[sflag:s14] =	ssyncadd.s32 $0xFFFFCE00  }
0x22d: {  	v7 =	vld [tilespmem:s10+$0x6B80]  }
0x22e: {  	v8 =	vld [tilespmem:s10+$0x6B90]  }
0x22f: {  	v9 =	vld [tilespmem:s10+$0x6BA0]  }
0x230: {  	v10 =	vld [tilespmem:s10+$0x6BB0]  }
0x231: {  	v11 =	vld [tilespmem:s10+$0x380]  }
0x232: {  	v12 =	vld [tilespmem:s10+$0x390]  }
0x233: {  	v13 =	vld [tilespmem:s10+$0x6BC0]  }
0x234: {  	v14 =	vld [tilespmem:s10+$0x6BD0]  }
0x235: {  	v15 =	vld [tilespmem:s10+$0x3A0]  }
0x236: {  	v16 =	vld [tilespmem:s10+$0x3B0]  }
0x237: {  	v17 =	vld [tilespmem:s10+$0x6BE0]  }
0x238: {  	v19 =	vld [tilespmem:s10+$0x3E0]  }
0x239: {  	v26 =	vadd.f32 v7, v11;
	v7 =	vld [tilespmem:s10+$0x6BF0]  }
0x23a: {  	v23 =	vadd.f32 v8, v12;
	v8 =	vld [tilespmem:s10+$0x3C0]  }
0x23b: {  	v12 =	vld [tilespmem:s10+$0x3D0]  }
0x23c: {  	v25 =	vadd.f32 v9, v15;
	v9 =	vld [tilespmem:s10+$0x3F0];
	v11 =	vsub.f32 $0.0e+00, v26  }
0x23d: {  	v18 =	vsub.f32 $0.0e+00, v23  }
0x23e: {  	v24 =	vadd.f32 v10, v16;
	v20 =	vadd.f32 v17, v19;
	v11 =	vmul.f32 $1.442695020e+00, v11  }
0x23f: {  	v10 =	vsub.f32 $0.0e+00, v25;
	v15 =	vmul.f32 $1.442695020e+00, v18;
	v22 =	vadd.f32 v13, v8  }
0x240: {  	v8 =	vsub.f32 $0.0e+00, v24;
	v21 =	vadd.f32 v14, v12;
	(erf) = vpow2.f32 v11  }
0x241: {  	v10 =	vmul.f32 $1.442695020e+00, v10;
	v19 =	vadd.f32 v7, v9;
	v11 =	vsub.f32 $0.0e+00, v22  }
0x242: {  	(erf) = vpow2.f32 v15;
	v8 =	vmul.f32 $1.442695020e+00, v8;
	v12 =	vsub.f32 $0.0e+00, v21  }
0x243: {  	(erf) = vpow2.f32 v10;
	v9 =	vmul.f32 $1.442695020e+00, v11;
	v11 =	vsub.f32 $0.0e+00, v20  }
0x244: {  	v10 =	vmul.f32 $1.442695020e+00, v12  }
0x245: {  	v27 =	vld [tilespmem:s10+$0x6C70];
	v12 =	vsub.f32 $0.0e+00, v19;
	(erf) = vpow2.f32 v8;
	v8 =	vmul.f32 $1.442695020e+00, v11  }
0x246: {  	v28 =	vld [tilespmem:s10+$0x6C80]  }
0x247: {  	v29 =	vld [tilespmem:s10+$0x6C90];
	(erf) = vpow2.f32 v9;
	v9 =	vmul.f32 $1.442695020e+00, v12  }
0x248: {  	v30 =	vld [tilespmem:s10+$0x420];
	(erf) = vpow2.f32 v10  }
0x249: {  	v31 =	vld [tilespmem:s10+$0x430];
	(erf) = vpow2.f32 v8;
	v8 =	vpop (erf)  }
0x24a: {  	v33 =	vld [tilespmem:s10+$0x440];
	v8 =	vadd.f32 $1.000000000e+00, v8  }
0x24b: {  	v18 =	vld [tilespmem:s10+$0x410];
	(erf) = vpow2.f32 v9;
	v9 =	vpop (erf)  }
0x24c: {  	v7 =	vld [tilespmem:s10+$0x6C00];
	v9 =	vadd.f32 $1.000000000e+00, v9;
	v12 =	vpop (erf)  }
0x24d: {  	v10 =	vld [tilespmem:s10+$0x400];
	v12 =	vadd.f32 $1.000000000e+00, v12  }
0x24e: {  	v13 =	vld [tilespmem:s10+$0x6C10];
	(erf) = vrcp.f32 v8;
	v8 =	vpop (erf)  }
0x24f: {  	v14 =	vld [tilespmem:s10+$0x6C20];
	v8 =	vadd.f32 $1.000000000e+00, v8  }
0x250: {  	v16 =	vld [tilespmem:s10+$0x6C50];
	(erf) = vrcp.f32 v9;
	v9 =	vpop (erf)  }
0x251: {  	v11 =	vld [tilespmem:s10+$0x6C30];
	(erf) = vrcp.f32 v12;
	v9 =	vadd.f32 $1.000000000e+00, v9;
	v12 =	vpop (erf)  }
0x252: {  	v32 =	vadd.f32 $1.000000000e+00, v12;
	v12 =	vadd.f32 v7, v10;
	v7 =	vld [tilespmem:s10+$0x450]  }
0x253: {  	v15 =	vld [tilespmem:s10+$0x6C40];
	v13 =	vadd.f32 v13, v18;
	(erf) = vrcp.f32 v8;
	v8 =	vpop (erf)  }
0x254: {  	v35 =	vld [tilespmem:s10+$0x490];
	v10 =	vadd.f32 v14, v30;
	(erf) = vrcp.f32 v9;
	v8 =	vadd.f32 $1.000000000e+00, v8  }
0x255: {  	v17 =	vld [tilespmem:s10+$0x6C60];
	v14 =	vsub.f32 $0.0e+00, v13;
	(erf) = vrcp.f32 v32;
	v18 =	vsub.f32 $0.0e+00, v12;
	v9 =	vpop (erf)  }
0x256: {  	v9 =	vadd.f32 $1.000000000e+00, v9;
	(erf) = vrcp.f32 v8;
	v8 =	vadd.f32 v11, v31;
	v11 =	vld [tilespmem:s10+$0x460]  }
0x257: {  	v18 =	vmul.f32 $1.442695020e+00, v18;
	v31 =	vsub.f32 $0.0e+00, v10;
	v7 =	vadd.f32 v16, v7;
	v16 =	vld [tilespmem:s10+$0x480]  }
0x258: {  	v14 =	vmul.f32 $1.442695020e+00, v14;
	(erf) = vrcp.f32 v9;
	v9 =	vadd.f32 v15, v33;
	v15 =	vld [tilespmem:s10+$0x470]  }
0x259: {  	v34 =	vld [tilespmem:s10+$0x6CA0];
	v61 =	vsub.f32 $0.0e+00, v8;
	v31 =	vmul.f32 $1.442695020e+00, v31;
	(erf) = vpow2.f32 v18  }
0x25a: {  	v37 =	vld [tilespmem:s10+$0x4A0];
	v36 =	vsub.f32 $0.0e+00, v7;
	(erf) = vpow2.f32 v14  }
0x25b: {  	v33 =	vsub.f32 $0.0e+00, v9;
	v32 =	vmul.f32 $1.442695020e+00, v61;
	(erf) = vpow2.f32 v31  }
0x25c: {  	v30 =	vld [tilespmem:s10+$0x6CB0];
	v62 =	vmul.f32 $1.442695020e+00, v36;
	v18 =	vadd.f32 v17, v11;
	v16 =	vadd.f32 v28, v16  }
0x25d: {  	v14 =	vmul.f32 $1.442695020e+00, v33;
	v11 =	vld [tilespmem:s10+$0x4B0];
	v31 =	vpop (erf);
	v17 =	vadd.f32 v27, v15;
	v15 =	vadd.f32 v29, v35  }
0x25e: {  	(erf) = vpow2.f32 v32;
	v63 =	vpop (erf);
	v27 =	vsub.f32 $0.0e+00, v18;
	v29 =	vsub.f32 $0.0e+00, v16  }
0x25f: {  	(erf) = vpow2.f32 v14;
	v14 =	vadd.f32 v34, v37;
	v52 =	vpop (erf);
	v28 =	vsub.f32 $0.0e+00, v17  }
0x260: {  	(erf) = vpow2.f32 v62;
	v54 =	vsub.f32 $0.0e+00, v15;
	v38 =	vpop (erf);
	v27 =	vmul.f32 $1.442695020e+00, v27  }
0x261: {  	v29 =	vmul.f32 $1.442695020e+00, v29;
	v34 =	vsub.f32 $0.0e+00, v14;
	v53 =	vpop (erf);
	v28 =	vmul.f32 $1.442695020e+00, v28  }
0x262: {  	v11 =	vadd.f32 v30, v11;
	v30 =	vpop (erf);
	(erf) = vpow2.f32 v27;
	v27 =	vmul.f32 $1.442695020e+00, v54  }
0x263: {  	v41 =	vpop (erf);
	(erf) = vpow2.f32 v28;
	v28 =	vmul.f32 $1.442695020e+00, v34  }
0x264: {  	v55 =	vsub.f32 $0.0e+00, v11;
	v43 =	vpop (erf)  }
0x265: {  	(erf) = vpow2.f32 v29;
	v29 =	vpop (erf)  }
0x266: {  	v39 =	vld [tilespmem:s10+$0x6CC0];
	v56 =	vmul.f32 $1.442695020e+00, v55;
	(erf) = vpow2.f32 v27;
	v27 =	vpop (erf)  }
0x267: {  	v40 =	vld [tilespmem:s10+$0x6CD0];
	v29 =	vadd.f32 $1.000000000e+00, v29;
	(erf) = vpow2.f32 v28;
	v28 =	vpop (erf)  }
0x268: {  	v42 =	vld [tilespmem:s10+$0x6CE0];
	v46 =	vadd.f32 $1.000000000e+00, v27;
	(erf) = vpow2.f32 v56;
	v27 =	vmul.f32 v31, v26;
	v57 =	vpop (erf)  }
0x269: {  	v44 =	vld [tilespmem:s10+$0x6CF0];
	v26 =	vadd.f32 $1.000000000e+00, v28;
	v28 =	vmul.f32 v63, v23;
	v31 =	vpop (erf);
	v23 =	vadd.f32 $1.000000000e+00, v57  }
0x26a: {  	v45 =	vld [tilespmem:s10+$0x6D00];
	(erf) = vrcp.f32 v29;
	v29 =	vmul.f32 v52, v25;
	v58 =	vpop (erf);
	v31 =	vadd.f32 $1.000000000e+00, v31  }
0x26b: {  	v48 =	vld [tilespmem:s10+$0x6D10];
	v25 =	vmul.f32 v38, v24;
	(erf) = vrcp.f32 v46;
	v24 =	vadd.f32 $1.000000000e+00, v58  }
0x26c: {  	v59 =	vld [tilespmem:s10+$0x4C0];
	(erf) = vrcp.f32 v26  }
0x26d: {  	v60 =	vld [tilespmem:s10+$0x4E0];
	(erf) = vrcp.f32 v23;
	v23 =	vpop (erf)  }
0x26e: {  	v50 =	vld [tilespmem:s10+$0x510];
	v26 =	vmul.f32 v53, v22;
	(erf) = vrcp.f32 v31;
	v22 =	vadd.f32 $1.000000000e+00, v23;
	v31 =	vpop (erf)  }
0x26f: {  	v47 =	vld [tilespmem:s10+$0x6D70];
	v30 =	vmul.f32 v30, v21;
	(erf) = vrcp.f32 v24;
	v24 =	vpop (erf)  }
0x270: {  	v23 =	vld [tilespmem:s10+$0x4D0];
	v21 =	vadd.f32 $1.000000000e+00, v31;
	v31 =	vmul.f32 v41, v20;
	v20 =	vadd.f32 $1.000000000e+00, v24  }
0x271: {  	v36 =	vld [tilespmem:s10+$0x6D50]  }
0x272: {  	v61 =	vld [tilespmem:s10+$0x500];
	(erf) = vrcp.f32 v22;
	v22 =	vpop (erf)  }
0x273: {  	v32 =	vmul.f32 v43, v19;
	v24 =	vld [tilespmem:s10+$0x4F0];
	(erf) = vrcp.f32 v21;
	v22 =	vadd.f32 $1.000000000e+00, v22;
	v19 =	vpop (erf)  }
0x274: {  	v33 =	vld [tilespmem:s10+$0x6D20];
	(erf) = vrcp.f32 v20;
	v49 =	vadd.f32 $1.000000000e+00, v19;
	v19 =	vadd.f32 v39, v59;
	v20 =	vpop (erf)  }
0x275: {  	v35 =	vld [tilespmem:s10+$0x6D40];
	v62 =	vadd.f32 $1.000000000e+00, v20;
	v20 =	vadd.f32 v40, v23  }
0x276: {  	v37 =	vld [tilespmem:s10+$0x520];
	v21 =	vadd.f32 v42, v60;
	v41 =	vpop (erf);
	(erf) = vrcp.f32 v22  }
0x277: {  	v34 =	vld [tilespmem:s10+$0x6D30];
	v23 =	vsub.f32 $0.0e+00, v19;
	v42 =	vpop (erf);
	(erf) = vrcp.f32 v49;
	v40 =	vsub.f32 $0.0e+00, v20  }
0x278: {  	v38 =	vld [tilespmem:s10+$0x530];
	v22 =	vadd.f32 v44, v24;
	v39 =	vpop (erf);
	(erf) = vrcp.f32 v62  }
0x279: {  	v46 =	vld [tilespmem:s10+$0x6D60];
	v51 =	vsub.f32 $0.0e+00, v21;
	v52 =	vmul.f32 $1.442695020e+00, v23;
	v23 =	vadd.f32 v45, v61;
	v43 =	vpop (erf)  }
0x27a: {  	v24 =	vadd.f32 v48, v50;
	v49 =	vld [tilespmem:s10+$0x540];
	v63 =	vsub.f32 $0.0e+00, v22;
	v55 =	vmul.f32 $1.442695020e+00, v40;
	v44 =	vpop (erf)  }
0x27b: {  	v51 =	vmul.f32 $1.442695020e+00, v51;
	v50 =	vld [tilespmem:s10+$0x550];
	v53 =	vsub.f32 $0.0e+00, v23;
	v40 =	vpop (erf);
	(erf) = vpow2.f32 v52  }
0x27c: {  	s8 =	simm.s32 $0x800;
	v48 =	vld [tilespmem:s10+$0x560];
	v54 =	vsub.f32 $0.0e+00, v24;
	v52 =	vmul.f32 $1.442695020e+00, v63;
	v45 =	vpop (erf);
	(erf) = vpow2.f32 v55  }
.LBB2_10:
0x27d: {  	p3 =	sne.s32 s8, $0xC000;
	v53 =	vmul.f32 $1.442695020e+00, v53;
	v37 =	vadd.f32 v33, v37;
	v55 =	vld [tilespmem:s10+$0x570];
	v56 =	vpop (erf);
	(erf) = vpow2.f32 v51  }
0x27e: {  	v51 =	vmul.f32 $1.442695020e+00, v54;
	v38 =	vadd.f32 v34, v38;
	v54 =	vpop (erf);
	(erf) = vpow2.f32 v52  }
0x27f: {  	v52 =	vsub.f32 $0.0e+00, v37;
	v34 =	vadd.f32 v35, v49;
	v49 =	vpop (erf);
	(erf) = vpow2.f32 v53  }
0x280: {  	v53 =	vsub.f32 $0.0e+00, v38;
	v33 =	vadd.f32 v36, v50;
	v36 =	vpop (erf);
	(erf) = vpow2.f32 v51  }
0x281: {  	[tilespmem:s10+$0x380] =	vst v27;
	v52 =	vmul.f32 $1.442695020e+00, v52;
	v51 =	vsub.f32 $0.0e+00, v34;
	v35 =	vadd.f32 v46, v48;
	v46 =	vpop (erf)  }
0x282: {  	[tilespmem:s10+$0x390] =	vst v28;
	v53 =	vmul.f32 $1.442695020e+00, v53;
	v48 =	vsub.f32 $0.0e+00, v33;
	v27 =	vadd.f32 v47, v55  }
0x283: {  	[tilespmem:s10+$0x3A0] =	vst v29;
	v29 =	vmul.f32 $1.442695020e+00, v51;
	v47 =	vsub.f32 $0.0e+00, v35;
	(erf) = vpow2.f32 v52  }
0x284: {  	[tilespmem:s10+$0x3B0] =	vst v25;
	v25 =	vmul.f32 $1.442695020e+00, v48;
	v48 =	vsub.f32 $0.0e+00, v27;
	v50 =	vpop (erf);
	(erf) = vpow2.f32 v53  }
0x285: {  	[tilespmem:s10+$0x3C0] =	vst v26;
	v26 =	vmul.f32 $1.442695020e+00, v47;
	v28 =	vpop (erf);
	(erf) = vpow2.f32 v29  }
0x286: {  	[tilespmem:s10+$0x3D0] =	vst v30;
	v29 =	vmul.f32 $1.442695020e+00, v48;
	v30 =	vpop (erf);
	(erf) = vpow2.f32 v25  }
0x287: {  	v12 =	vmul.f32 v41, v12;
	v41 =	vadd.f32 $1.000000000e+00, v50;
	[tilespmem:s10+$0x3E0] =	vst v31;
	v31 =	vpop (erf);
	(erf) = vpow2.f32 v26  }
0x288: {  	v13 =	vmul.f32 v42, v13;
	v26 =	vadd.f32 $1.000000000e+00, v28;
	[tilespmem:s10+$0x3F0] =	vst v32;
	v28 =	vpop (erf);
	(erf) = vpow2.f32 v29  }
0x289: {  	s9 =	sshra.s32 s8, $0x2;
	v10 =	vmul.f32 v39, v10;
	[tilespmem:s10+$0x400] =	vst v12;
	v12 =	vadd.f32 $1.000000000e+00, v30;
	(erf) = vrcp.f32 v41;
	v25 =	vpop (erf)  }
0x28a: {  	v8 =	vmul.f32 v43, v8;
	v30 =	vadd.f32 $1.000000000e+00, v31;
	v29 =	vld [tilespmem:s9+$0x6B80];
	[tilespmem:s10+$0x410] =	vst v13;
	(erf) = vrcp.f32 v26  }
0x28b: {  	v9 =	vmul.f32 v44, v9;
	v31 =	vadd.f32 $1.000000000e+00, v28;
	v26 =	vld [tilespmem:s9+$0x6B90];
	[tilespmem:s10+$0x420] =	vst v10;
	(erf) = vrcp.f32 v12  }
0x28c: {  	v7 =	vmul.f32 v40, v7;
	v25 =	vadd.f32 $1.000000000e+00, v25;
	v12 =	vld [tilespmem:s9+$0x6BA0];
	[tilespmem:s10+$0x430] =	vst v8;
	(erf) = vrcp.f32 v30;
	v13 =	vpop (erf)  }
0x28d: {  	v28 =	vld [tilespmem:s9+$0x6BB0];
	[tilespmem:s10+$0x440] =	vst v9;
	v9 =	vmul.f32 v45, v18;
	v30 =	vadd.f32 $1.000000000e+00, v13;
	(erf) = vrcp.f32 v31;
	v10 =	vpop (erf)  }
0x28e: {  	v18 =	vld [tilespmem:s9+$0x380];
	[tilespmem:s10+$0x450] =	vst v7;
	v7 =	vmul.f32 v56, v17;
	v31 =	vadd.f32 $1.000000000e+00, v10;
	(erf) = vrcp.f32 v25;
	v8 =	vpop (erf)  }
0x28f: {  	v17 =	vld [tilespmem:s9+$0x390];
	[tilespmem:s10+$0x460] =	vst v9;
	v9 =	vmul.f32 v54, v16;
	v25 =	vadd.f32 $1.000000000e+00, v8;
	(erf) = vrcp.f32 v30;
	v13 =	vpop (erf)  }
0x290: {  	v16 =	vld [tilespmem:s9+$0x6BC0];
	[tilespmem:s10+$0x470] =	vst v7;
	v7 =	vmul.f32 v49, v15;
	v13 =	vadd.f32 $1.000000000e+00, v13;
	(erf) = vrcp.f32 v31;
	v10 =	vpop (erf)  }
0x291: {  	v15 =	vld [tilespmem:s9+$0x6BD0];
	[tilespmem:s10+$0x480] =	vst v9;
	v9 =	vmul.f32 v36, v14;
	v10 =	vadd.f32 $1.000000000e+00, v10;
	(erf) = vrcp.f32 v25;
	v8 =	vpop (erf)  }
0x292: {  	v14 =	vld [tilespmem:s9+$0x3A0];
	[tilespmem:s10+$0x490] =	vst v7;
	v7 =	vmul.f32 v46, v11;
	v8 =	vadd.f32 $1.000000000e+00, v8;
	v11 =	vpop (erf);
	(erf) = vrcp.f32 v13  }
0x293: {  	v25 =	vadd.f32 v29, v18;
	v13 =	vld [tilespmem:s9+$0x3B0];
	[tilespmem:s10+$0x4A0] =	vst v9;
	v9 =	vmul.f32 v11, v19;
	v11 =	vpop (erf);
	(erf) = vrcp.f32 v10  }
0x294: {  	v19 =	vadd.f32 v26, v17;
	v10 =	vld [tilespmem:s9+$0x6BE0];
	[tilespmem:s10+$0x4B0] =	vst v7;
	v7 =	vmul.f32 v11, v20;
	v11 =	vpop (erf);
	(erf) = vrcp.f32 v8  }
0x295: {  	v8 =	vsub.f32 $0.0e+00, v25;
	v17 =	vld [tilespmem:s9+$0x6BF0];
	[tilespmem:s10+$0x4C0] =	vst v9;
	v9 =	vmul.f32 v11, v21;
	v11 =	vpop (erf)  }
0x296: {  	v18 =	vsub.f32 $0.0e+00, v19;
	v26 =	vld [tilespmem:s9+$0x3C0];
	[tilespmem:s10+$0x4D0] =	vst v7;
	v7 =	vmul.f32 v11, v22;
	v11 =	vpop (erf)  }
0x297: {  	v8 =	vmul.f32 $1.442695020e+00, v8;
	v20 =	vadd.f32 v12, v14;
	v12 =	vld [tilespmem:s9+$0x3D0];
	[tilespmem:s10+$0x4E0] =	vst v9;
	v22 =	vmul.f32 v11, v23;
	v11 =	vpop (erf)  }
0x298: {  	v14 =	vmul.f32 $1.442695020e+00, v18;
	v21 =	vadd.f32 v28, v13;
	v13 =	vld [tilespmem:s9+$0x3E0];
	[tilespmem:s10+$0x4F0] =	vst v7;
	v7 =	vmul.f32 v11, v24;
	v11 =	vpop (erf)  }
0x299: {  	v18 =	vsub.f32 $0.0e+00, v20;
	v28 =	vld [tilespmem:s9+$0x3F0];
	(erf) = vpow2.f32 v8;
	[tilespmem:s10+$0x500] =	vst v22;
	v8 =	vmul.f32 v11, v37;
	v9 =	vpop (erf)  }
0x29a: {  	v11 =	vsub.f32 $0.0e+00, v21;
	(erf) = vpow2.f32 v14;
	[tilespmem:s10+$0x510] =	vst v7;
	v7 =	vmul.f32 v9, v38;
	v9 =	vpop (erf)  }
0x29b: {  	v14 =	vmul.f32 $1.442695020e+00, v18;
	v22 =	vadd.f32 v16, v26;
	[tilespmem:s10+$0x520] =	vst v8;
	v8 =	vmul.f32 v9, v34;
	v9 =	vpop (erf)  }
0x29c: {  	v11 =	vmul.f32 $1.442695020e+00, v11;
	v23 =	vadd.f32 v15, v12;
	[tilespmem:s10+$0x530] =	vst v7;
	v7 =	vmul.f32 v9, v33;
	v9 =	vpop (erf)  }
0x29d: {  	v12 =	vsub.f32 $0.0e+00, v22;
	v24 =	vadd.f32 v10, v13;
	[tilespmem:s10+$0x540] =	vst v8;
	v8 =	vmul.f32 v9, v35;
	v9 =	vpop (erf)  }
0x29e: {  	v10 =	vsub.f32 $0.0e+00, v23;
	v32 =	vadd.f32 v17, v28;
	v13 =	vld [tilespmem:s9+$0x6C00];
	[tilespmem:s10+$0x550] =	vst v7;
	v7 =	vmul.f32 v9, v27  }
0x29f: {  	v9 =	vmul.f32 $1.442695020e+00, v12;
	v12 =	vsub.f32 $0.0e+00, v24;
	v15 =	vld [tilespmem:s9+$0x6C10];
	(erf) = vpow2.f32 v14;
	[tilespmem:s10+$0x560] =	vst v8  }
0x2a0: {  	v18 =	vmul.f32 $1.442695020e+00, v10;
	v17 =	vsub.f32 $0.0e+00, v32;
	v14 =	vld [tilespmem:s9+$0x6C20];
	(erf) = vpow2.f32 v11;
	[tilespmem:s10+$0x570] =	vst v7;
	s10 =	smov.u32 s9  }
0x2a1: {  	v7 =	vmul.f32 $1.442695020e+00, v12;
	v11 =	vld [tilespmem:s10+$0x6C30];
	(erf) = vpow2.f32 v9  }
0x2a2: {  	v9 =	vmul.f32 $1.442695020e+00, v17;
	v16 =	vld [tilespmem:s10+$0x6C40];
	v10 =	vpop (erf);
	(erf) = vpow2.f32 v18  }
0x2a3: {  	v17 =	vld [tilespmem:s10+$0x6C50];
	v8 =	vpop (erf);
	(erf) = vpow2.f32 v7  }
0x2a4: {  	v18 =	vld [tilespmem:s10+$0x6C60];
	(erf) = vpow2.f32 v9  }
0x2a5: {  	v26 =	vld [tilespmem:s10+$0x6C70]  }
0x2a6: {  	v27 =	vld [tilespmem:s10+$0x6C80]  }
0x2a7: {  	v12 =	vadd.f32 $1.000000000e+00, v10;
	v28 =	vld [tilespmem:s10+$0x6C90]  }
0x2a8: {  	v31 =	vadd.f32 $1.000000000e+00, v8;
	v9 =	vld [tilespmem:s10+$0x400];
	v10 =	vpop (erf)  }
0x2a9: {  	v33 =	vadd.f32 $1.000000000e+00, v10;
	v29 =	vld [tilespmem:s10+$0x410];
	(erf) = vrcp.f32 v12;
	v7 =	vpop (erf)  }
0x2aa: {  	v12 =	vadd.f32 $1.000000000e+00, v7;
	v30 =	vld [tilespmem:s10+$0x420];
	(erf) = vrcp.f32 v31;
	v8 =	vpop (erf)  }
0x2ab: {  	v35 =	vadd.f32 $1.000000000e+00, v8;
	v31 =	vld [tilespmem:s10+$0x430];
	(erf) = vrcp.f32 v33;
	v10 =	vpop (erf)  }
0x2ac: {  	v10 =	vadd.f32 $1.000000000e+00, v10;
	v33 =	vld [tilespmem:s10+$0x440];
	(erf) = vrcp.f32 v12;
	v7 =	vpop (erf)  }
0x2ad: {  	v7 =	vadd.f32 $1.000000000e+00, v7;
	v12 =	vadd.f32 v13, v9;
	v34 =	vld [tilespmem:s10+$0x450];
	(erf) = vrcp.f32 v35;
	v8 =	vpop (erf)  }
0x2ae: {  	v9 =	vadd.f32 $1.000000000e+00, v8;
	v13 =	vadd.f32 v15, v29;
	v29 =	vld [tilespmem:s10+$0x6CA0];
	(erf) = vrcp.f32 v10  }
0x2af: {  	v15 =	vsub.f32 $0.0e+00, v12;
	v10 =	vadd.f32 v14, v30;
	v30 =	vld [tilespmem:s10+$0x6CB0];
	(erf) = vrcp.f32 v7  }
0x2b0: {  	v7 =	vsub.f32 $0.0e+00, v13;
	v8 =	vadd.f32 v11, v31;
	v11 =	vld [tilespmem:s10+$0x460];
	(erf) = vrcp.f32 v9  }
0x2b1: {  	v14 =	vmul.f32 $1.442695020e+00, v15;
	v15 =	vsub.f32 $0.0e+00, v10;
	v9 =	vadd.f32 v16, v33;
	v16 =	vld [tilespmem:s10+$0x470]  }
0x2b2: {  	v31 =	vmul.f32 $1.442695020e+00, v7;
	v33 =	vsub.f32 $0.0e+00, v8;
	v7 =	vadd.f32 v17, v34;
	v34 =	vld [tilespmem:s10+$0x480];
	v35 =	vpop (erf)  }
0x2b3: {  	v15 =	vmul.f32 $1.442695020e+00, v15;
	v17 =	vsub.f32 $0.0e+00, v9;
	v36 =	vld [tilespmem:s10+$0x490];
	v37 =	vpop (erf);
	(erf) = vpow2.f32 v14  }
0x2b4: {  	v14 =	vmul.f32 $1.442695020e+00, v33;
	v33 =	vsub.f32 $0.0e+00, v7;
	v38 =	vld [tilespmem:s10+$0x4A0];
	v39 =	vpop (erf);
	(erf) = vpow2.f32 v31  }
0x2b5: {  	v42 =	vmul.f32 $1.442695020e+00, v17;
	v18 =	vadd.f32 v18, v11;
	v11 =	vld [tilespmem:s10+$0x4B0];
	v40 =	vpop (erf);
	(erf) = vpow2.f32 v15  }
0x2b6: {  	v33 =	vmul.f32 $1.442695020e+00, v33;
	v17 =	vadd.f32 v26, v16;
	v26 =	vpop (erf);
	(erf) = vpow2.f32 v14  }
0x2b7: {  	v14 =	vsub.f32 $0.0e+00, v18;
	v16 =	vadd.f32 v27, v34;
	v41 =	vpop (erf);
	(erf) = vpow2.f32 v42  }
0x2b8: {  	v27 =	vsub.f32 $0.0e+00, v17;
	v15 =	vadd.f32 v28, v36;
	v31 =	vpop (erf);
	(erf) = vpow2.f32 v33  }
0x2b9: {  	v28 =	vmul.f32 $1.442695020e+00, v14;
	v33 =	vsub.f32 $0.0e+00, v16;
	v14 =	vadd.f32 v29, v38;
	v38 =	vpop (erf)  }
0x2ba: {  	v27 =	vmul.f32 $1.442695020e+00, v27;
	v29 =	vsub.f32 $0.0e+00, v15;
	v11 =	vadd.f32 v30, v11;
	v42 =	vld [tilespmem:s10+$0x6CC0]  }
0x2bb: {  	v46 =	vmul.f32 $1.442695020e+00, v33;
	v36 =	vsub.f32 $0.0e+00, v14;
	v43 =	vld [tilespmem:s10+$0x6CD0];
	(erf) = vpow2.f32 v28  }
0x2bc: {  	v28 =	vmul.f32 $1.442695020e+00, v29;
	v29 =	vsub.f32 $0.0e+00, v11;
	v44 =	vld [tilespmem:s10+$0x6CE0];
	v34 =	vpop (erf);
	(erf) = vpow2.f32 v27  }
0x2bd: {  	v27 =	vmul.f32 $1.442695020e+00, v36;
	v45 =	vld [tilespmem:s10+$0x6CF0];
	v33 =	vpop (erf);
	(erf) = vpow2.f32 v46  }
0x2be: {  	v29 =	vmul.f32 $1.442695020e+00, v29;
	v48 =	vld [tilespmem:s10+$0x6D00];
	v30 =	vpop (erf);
	(erf) = vpow2.f32 v28  }
0x2bf: {  	v28 =	vadd.f32 $1.000000000e+00, v34;
	v49 =	vld [tilespmem:s10+$0x6D10];
	v36 =	vpop (erf);
	(erf) = vpow2.f32 v27  }
0x2c0: {  	v46 =	vadd.f32 $1.000000000e+00, v33;
	v33 =	vld [tilespmem:s10+$0x6D20];
	v47 =	vpop (erf);
	(erf) = vpow2.f32 v29  }
0x2c1: {  	v27 =	vmul.f32 v35, v25;
	v25 =	vadd.f32 $1.000000000e+00, v30;
	v34 =	vld [tilespmem:s10+$0x6D30];
	(erf) = vrcp.f32 v28;
	v30 =	vpop (erf)  }
0x2c2: {  	v50 =	vadd.f32 $1.000000000e+00, v36;
	v28 =	vmul.f32 v37, v19;
	v35 =	vld [tilespmem:s10+$0x6D40];
	(erf) = vrcp.f32 v46  }
0x2c3: {  	v29 =	vmul.f32 v39, v20;
	v39 =	vadd.f32 $1.000000000e+00, v47;
	v36 =	vld [tilespmem:s10+$0x6D50];
	(erf) = vrcp.f32 v25  }
0x2c4: {  	v25 =	vmul.f32 v40, v21;
	v40 =	vadd.f32 $1.000000000e+00, v30;
	v37 =	vld [tilespmem:s10+$0x4C0];
	(erf) = vrcp.f32 v50;
	v19 =	vpop (erf)  }
0x2c5: {  	v26 =	vmul.f32 v26, v22;
	v46 =	vadd.f32 $1.000000000e+00, v19;
	v22 =	vld [tilespmem:s10+$0x4D0];
	(erf) = vrcp.f32 v39;
	v20 =	vpop (erf)  }
0x2c6: {  	v30 =	vmul.f32 v41, v23;
	v41 =	vadd.f32 $1.000000000e+00, v20;
	v23 =	vld [tilespmem:s10+$0x4E0];
	(erf) = vrcp.f32 v40;
	v21 =	vpop (erf)  }
0x2c7: {  	v31 =	vmul.f32 v31, v24;
	v21 =	vadd.f32 $1.000000000e+00, v21;
	v24 =	vld [tilespmem:s10+$0x4F0];
	(erf) = vrcp.f32 v46;
	v19 =	vpop (erf)  }
0x2c8: {  	v32 =	vmul.f32 v38, v32;
	v38 =	vadd.f32 $1.000000000e+00, v19;
	v40 =	vld [tilespmem:s10+$0x500];
	(erf) = vrcp.f32 v41;
	v19 =	vpop (erf)  }
0x2c9: {  	v52 =	vadd.f32 $1.000000000e+00, v19;
	v19 =	vadd.f32 v42, v37;
	v50 =	vld [tilespmem:s10+$0x510];
	(erf) = vrcp.f32 v21;
	v20 =	vpop (erf)  }
0x2ca: {  	v51 =	vadd.f32 $1.000000000e+00, v20;
	v20 =	vadd.f32 v43, v22;
	v46 =	vld [tilespmem:s10+$0x6D60];
	v41 =	vpop (erf);
	(erf) = vrcp.f32 v38  }
0x2cb: {  	v38 =	vsub.f32 $0.0e+00, v19;
	v21 =	vadd.f32 v44, v23;
	v47 =	vld [tilespmem:s10+$0x6D70];
	v42 =	vpop (erf);
	(erf) = vrcp.f32 v52  }
.Ltmp4:
0x2cc: {  	v52 =	vsub.f32 $0.0e+00, v20;
	v22 =	vadd.f32 v45, v24;
	v37 =	vld [tilespmem:s10+$0x520];
	v39 =	vpop (erf);
	(erf) = vrcp.f32 v51;
	(pc) =	sbr.rel @p3 .LBB2_10-.Ltmp4, $4  }
0x2cd: {  	v56 =	vmul.f32 $1.442695020e+00, v38;
	v51 =	vsub.f32 $0.0e+00, v21;
	v23 =	vadd.f32 v48, v40;
	v38 =	vld [tilespmem:s10+$0x530];
	v43 =	vpop (erf)  }
0x2ce: {  	v55 =	vmul.f32 $1.442695020e+00, v52;
	v48 =	vsub.f32 $0.0e+00, v22;
	v24 =	vadd.f32 v49, v50;
	v49 =	vld [tilespmem:s10+$0x540];
	v44 =	vpop (erf)  }
0x2cf: {  	v51 =	vmul.f32 $1.442695020e+00, v51;
	v53 =	vsub.f32 $0.0e+00, v23;
	v50 =	vld [tilespmem:s10+$0x550];
	v40 =	vpop (erf);
	(erf) = vpow2.f32 v56  }
0x2d0: {  	s8 =	sadd.s32 $0x800, s8;
	v52 =	vmul.f32 $1.442695020e+00, v48;
	v54 =	vsub.f32 $0.0e+00, v24;
	v48 =	vld [tilespmem:s10+$0x560];
	v45 =	vpop (erf);
	(erf) = vpow2.f32 v55  }
0x2d1: {  	v33 =	vadd.f32 v33, v37  }
0x2d2: {  	v53 =	vmul.f32 $1.442695020e+00, v53;
	v63 =	vld [tilespmem:s10+$0x570];
	v34 =	vadd.f32 v34, v38  }
0x2d3: {  	(erf) = vpow2.f32 v51;
	v55 =	vsub.f32 $0.0e+00, v33;
	v35 =	vadd.f32 v35, v49  }
0x2d4: {  	v54 =	vmul.f32 $1.442695020e+00, v54;
	v56 =	vsub.f32 $0.0e+00, v34;
	v36 =	vadd.f32 v36, v50  }
0x2d5: {  	[tilespmem:s10+$0x380] =	vst v27;
	(erf) = vpow2.f32 v52;
	v27 =	vmul.f32 $1.442695020e+00, v55;
	v58 =	vsub.f32 $0.0e+00, v35  }
0x2d6: {  	v57 =	vpop (erf);
	[tilespmem:s10+$0x390] =	vst v28;
	v46 =	vadd.f32 v46, v48;
	v28 =	vmul.f32 $1.442695020e+00, v56;
	v60 =	vsub.f32 $0.0e+00, v36  }
0x2d7: {  	[tilespmem:s10+$0x3A0] =	vst v29;
	v59 =	vpop (erf);
	(erf) = vpow2.f32 v53;
	v37 =	vadd.f32 v47, v63;
	v29 =	vmul.f32 $1.442695020e+00, v58  }
0x2d8: {  	[tilespmem:s10+$0x3B0] =	vst v25;
	v61 =	vpop (erf);
	(erf) = vpow2.f32 v54;
	v62 =	vsub.f32 $0.0e+00, v46;
	v25 =	vmul.f32 $1.442695020e+00, v60  }
0x2d9: {  	(erf) = vpow2.f32 v27;
	v63 =	vsub.f32 $0.0e+00, v37;
	v27 =	vpop (erf)  }
0x2da: {  	[tilespmem:s10+$0x3C0] =	vst v26;
	(erf) = vpow2.f32 v28;
	v26 =	vmul.f32 $1.442695020e+00, v62;
	v28 =	vpop (erf)  }
0x2db: {  	[tilespmem:s10+$0x3D0] =	vst v30;
	(erf) = vpow2.f32 v29;
	v30 =	vmul.f32 $1.442695020e+00, v63;
	v29 =	vpop (erf)  }
0x2dc: {  	(erf) = vpow2.f32 v25;
	v25 =	vpop (erf)  }
0x2dd: {  	v12 =	vmul.f32 v41, v12;
	v25 =	vadd.f32 $1.000000000e+00, v25  }
0x2de: {  	v13 =	vmul.f32 v42, v13;
	v29 =	vadd.f32 $1.000000000e+00, v29;
	(erf) = vpow2.f32 v26;
	v26 =	vpop (erf)  }
0x2df: {  	v10 =	vmul.f32 v39, v10;
	[tilespmem:s10+$0x400] =	vst v12;
	(erf) = vpow2.f32 v30;
	v30 =	vpop (erf)  }
0x2e0: {  	v8 =	vmul.f32 v43, v8;
	[tilespmem:s10+$0x410] =	vst v13;
	v12 =	vadd.f32 $1.000000000e+00, v26;
	(erf) = vrcp.f32 v29;
	v26 =	vpop (erf)  }
0x2e1: {  	[tilespmem:s10+$0x420] =	vst v10;
	(erf) = vrcp.f32 v25;
	v10 =	vadd.f32 $1.000000000e+00, v26;
	v25 =	vpop (erf)  }
0x2e2: {  	[tilespmem:s10+$0x430] =	vst v8;
	v13 =	vadd.f32 $1.000000000e+00, v30;
	v8 =	vadd.f32 $1.000000000e+00, v25  }
0x2e3: {  	(erf) = vrcp.f32 v12  }
0x2e4: {  	(erf) = vrcp.f32 v13;
	v12 =	vpop (erf)  }
0x2e5: {  	v9 =	vmul.f32 v44, v9;
	(erf) = vrcp.f32 v10;
	v12 =	vadd.f32 $1.000000000e+00, v12;
	v10 =	vpop (erf)  }
0x2e6: {  	v7 =	vmul.f32 v40, v7;
	(erf) = vrcp.f32 v8;
	v10 =	vadd.f32 $1.000000000e+00, v10;
	v8 =	vpop (erf)  }
0x2e7: {  	[tilespmem:s10+$0x440] =	vst v9;
	v9 =	vmul.f32 v45, v18;
	v8 =	vadd.f32 $1.000000000e+00, v8  }
0x2e8: {  	[tilespmem:s10+$0x450] =	vst v7;
	v7 =	vmul.f32 v57, v17  }
0x2e9: {  	[tilespmem:s10+$0x460] =	vst v9;
	v9 =	vmul.f32 v59, v16;
	(erf) = vrcp.f32 v12;
	v12 =	vpop (erf)  }
0x2ea: {  	[tilespmem:s10+$0x470] =	vst v7;
	v7 =	vmul.f32 v61, v15;
	(erf) = vrcp.f32 v10;
	v10 =	vpop (erf)  }
0x2eb: {  	[tilespmem:s10+$0x480] =	vst v9;
	v9 =	vmul.f32 v27, v14;
	(erf) = vrcp.f32 v8;
	v8 =	vpop (erf)  }
0x2ec: {  	[tilespmem:s10+$0x490] =	vst v7;
	v7 =	vmul.f32 v28, v11;
	v12 =	vadd.f32 $1.000000000e+00, v12;
	v10 =	vadd.f32 $1.000000000e+00, v10;
	v11 =	vpop (erf)  }
0x2ed: {  	[tilespmem:s10+$0x4A0] =	vst v9;
	v9 =	vmul.f32 v11, v19  }
0x2ee: {  	[tilespmem:s10+$0x3E0] =	vst v31;
	v8 =	vadd.f32 $1.000000000e+00, v8;
	(erf) = vrcp.f32 v12  }
0x2ef: {  	[tilespmem:s10+$0x3F0] =	vst v32;
	v11 =	vpop (erf);
	(erf) = vrcp.f32 v10  }
0x2f0: {  	[tilespmem:s10+$0x4B0] =	vst v7;
	v7 =	vmul.f32 v11, v20;
	v10 =	vpop (erf);
	(erf) = vrcp.f32 v8  }
0x2f1: {  	[tilespmem:s10+$0x4C0] =	vst v9;
	v8 =	vmul.f32 v10, v21;
	v9 =	vpop (erf)  }
0x2f2: {  	[tilespmem:s10+$0x4D0] =	vst v7;
	v7 =	vmul.f32 v9, v22;
	v9 =	vpop (erf)  }
0x2f3: {  	[tilespmem:s10+$0x4E0] =	vst v8;
	v8 =	vmul.f32 v9, v23;
	v9 =	vpop (erf)  }
0x2f4: {  	[tilespmem:s10+$0x4F0] =	vst v7;
	v7 =	vmul.f32 v9, v24;
	v9 =	vpop (erf)  }
0x2f5: {  	[tilespmem:s10+$0x500] =	vst v8;
	v8 =	vmul.f32 v9, v33;
	v9 =	vpop (erf)  }
0x2f6: {  	[tilespmem:s10+$0x510] =	vst v7;
	v7 =	vmul.f32 v9, v34;
	v9 =	vpop (erf)  }
0x2f7: {  	[tilespmem:s10+$0x520] =	vst v8;
	v8 =	vmul.f32 v9, v35;
	v9 =	vpop (erf)  }
0x2f8: {  	[tilespmem:s10+$0x530] =	vst v7;
	v7 =	vmul.f32 v9, v36;
	v9 =	vpop (erf)  }
0x2f9: {  	[tilespmem:s10+$0x540] =	vst v8;
	v8 =	vmul.f32 v9, v46;
	v9 =	vpop (erf)  }
0x2fa: {  	[tilespmem:s10+$0x550] =	vst v7;
	v7 =	vmul.f32 v9, v37  }
0x2fb: {  	[tilespmem:s10+$0x560] =	vst v8  }
0x2fc: {  	s8 =	simm.s32 $0x5;
	[tilespmem:s10+$0x570] =	vst v7  }
0x2fd: {  	_ =	swait.ge [sflag:s8], $0x3200  }
0x2fe: {  	[sflag:s8] =	ssyncset.done $0x0  }
0x2ff: {  	s23 =	simm.s32 $0x0;
	s9 =	rddreg [dreg:$0x8];
	[sflag:s8] =	ssyncadd.s32 $0xFFFFCE00  }
0x300: {  	[tilespmem:s0], [sflag:$0x7] =	stream.linear.gather [hbm4b:s9+s23], $0x180, $0x38;
	[tilespmem:$0x1DE80] =	vst v63  }
0x301: {  	_ =	swait.ge [sflag:s26], $0x180  }
0x302: {  	[sflag:s26] =	ssyncset.done $0x0  }
0x303: {  	[sflag:s26] =	ssyncadd.s32 $0xFFFFFE80  }
0x304: {  	[tilespmem:s7], [sflag:$0x2] =	stream.indirect.gather [hbm4b:s4+s28], $0x80, s1, s28, $0xb8;
	[tilespmem:$0x1DE80] =	vst v63  }
0x305: {  	_ = 	snop  }
0x306: {  	[tilespmem:s31], [sflag:$0x3] =	stream.indirect.gather [hbm4b:s4+s28], $0x80, s15, s28, $0xb8;
	[tilespmem:$0x1DE80] =	vst v63  }
0x307: {  	_ = 	snop  }
0x308: {  	[spmem:s2] =	stream.indirect.scatter.add.f32 [tilespmem:s25], [sflag:$0x4], $0x80, s23, s28, $0xb8;
	[tilespmem:$0x1DE80] =	vst v63  }
0x309: {  	_ =	swait.ge [sflag:s17], $0x3200  }
0x30a: {  	[sflag:s17] =	ssyncset.done $0x0  }
0x30b: {  	[sflag:s17] =	ssyncadd.s32 $0xFFFFCE00  }
0x30c: {  	_ =	swait.ge [sflag:s14], $0x3200  }
0x30d: {  	[sflag:s14] =	ssyncset.done $0x0  }
0x30e: {  	s10 =	simm.s32 $0x0;
	[sflag:s14] =	ssyncadd.s32 $0xFFFFCE00  }
0x30f: {  	v7 =	vld [tilespmem:s10+$0x6B80]  }
0x310: {  	v8 =	vld [tilespmem:s10+$0x6B90]  }
0x311: {  	v9 =	vld [tilespmem:s10+$0x6BA0]  }
0x312: {  	v10 =	vld [tilespmem:s10+$0x6BB0]  }
0x313: {  	v11 =	vld [tilespmem:s10+$0x3780]  }
0x314: {  	v12 =	vld [tilespmem:s10+$0x3790]  }
0x315: {  	v13 =	vld [tilespmem:s10+$0x6BC0]  }
0x316: {  	v14 =	vld [tilespmem:s10+$0x6BD0]  }
0x317: {  	v15 =	vld [tilespmem:s10+$0x37A0]  }
0x318: {  	v16 =	vld [tilespmem:s10+$0x37B0]  }
0x319: {  	v17 =	vld [tilespmem:s10+$0x6BE0]  }
0x31a: {  	v19 =	vld [tilespmem:s10+$0x37E0]  }
0x31b: {  	v26 =	vadd.f32 v7, v11;
	v7 =	vld [tilespmem:s10+$0x6BF0]  }
0x31c: {  	v23 =	vadd.f32 v8, v12;
	v8 =	vld [tilespmem:s10+$0x37C0]  }
0x31d: {  	v12 =	vld [tilespmem:s10+$0x37D0]  }
0x31e: {  	v25 =	vadd.f32 v9, v15;
	v9 =	vld [tilespmem:s10+$0x37F0];
	v11 =	vsub.f32 $0.0e+00, v26  }
0x31f: {  	v18 =	vsub.f32 $0.0e+00, v23  }
0x320: {  	v24 =	vadd.f32 v10, v16;
	v20 =	vadd.f32 v17, v19;
	v11 =	vmul.f32 $1.442695020e+00, v11  }
0x321: {  	v10 =	vsub.f32 $0.0e+00, v25;
	v15 =	vmul.f32 $1.442695020e+00, v18;
	v22 =	vadd.f32 v13, v8  }
0x322: {  	v8 =	vsub.f32 $0.0e+00, v24;
	v21 =	vadd.f32 v14, v12;
	(erf) = vpow2.f32 v11  }
0x323: {  	v10 =	vmul.f32 $1.442695020e+00, v10;
	v19 =	vadd.f32 v7, v9;
	v11 =	vsub.f32 $0.0e+00, v22  }
0x324: {  	(erf) = vpow2.f32 v15;
	v8 =	vmul.f32 $1.442695020e+00, v8;
	v12 =	vsub.f32 $0.0e+00, v21  }
0x325: {  	(erf) = vpow2.f32 v10;
	v9 =	vmul.f32 $1.442695020e+00, v11;
	v11 =	vsub.f32 $0.0e+00, v20  }
0x326: {  	v10 =	vmul.f32 $1.442695020e+00, v12  }
0x327: {  	v27 =	vld [tilespmem:s10+$0x6C70];
	v12 =	vsub.f32 $0.0e+00, v19;
	(erf) = vpow2.f32 v8;
	v8 =	vmul.f32 $1.442695020e+00, v11  }
0x328: {  	v28 =	vld [tilespmem:s10+$0x6C80]  }
0x329: {  	v29 =	vld [tilespmem:s10+$0x6C90];
	(erf) = vpow2.f32 v9;
	v9 =	vmul.f32 $1.442695020e+00, v12  }
0x32a: {  	v30 =	vld [tilespmem:s10+$0x3820];
	(erf) = vpow2.f32 v10  }
0x32b: {  	v31 =	vld [tilespmem:s10+$0x3830];
	(erf) = vpow2.f32 v8;
	v8 =	vpop (erf)  }
0x32c: {  	v47 =	vld [tilespmem:s10+$0x3840];
	v8 =	vadd.f32 $1.000000000e+00, v8  }
0x32d: {  	v18 =	vld [tilespmem:s10+$0x3810];
	(erf) = vpow2.f32 v9;
	v9 =	vpop (erf)  }
0x32e: {  	v7 =	vld [tilespmem:s10+$0x6C00];
	v9 =	vadd.f32 $1.000000000e+00, v9;
	v12 =	vpop (erf)  }
0x32f: {  	v10 =	vld [tilespmem:s10+$0x3800];
	v12 =	vadd.f32 $1.000000000e+00, v12  }
0x330: {  	v13 =	vld [tilespmem:s10+$0x6C10];
	(erf) = vrcp.f32 v8;
	v8 =	vpop (erf)  }
0x331: {  	v14 =	vld [tilespmem:s10+$0x6C20];
	v8 =	vadd.f32 $1.000000000e+00, v8  }
0x332: {  	v16 =	vld [tilespmem:s10+$0x6C50];
	(erf) = vrcp.f32 v9;
	v9 =	vpop (erf)  }
0x333: {  	v11 =	vld [tilespmem:s10+$0x6C30];
	(erf) = vrcp.f32 v12;
	v9 =	vadd.f32 $1.000000000e+00, v9;
	v12 =	vpop (erf)  }
0x334: {  	v46 =	vadd.f32 $1.000000000e+00, v12;
	v12 =	vadd.f32 v7, v10;
	v7 =	vld [tilespmem:s10+$0x3850]  }
0x335: {  	v15 =	vld [tilespmem:s10+$0x6C40];
	v13 =	vadd.f32 v13, v18;
	(erf) = vrcp.f32 v8;
	v8 =	vpop (erf)  }
0x336: {  	v50 =	vld [tilespmem:s10+$0x3890];
	v10 =	vadd.f32 v14, v30;
	(erf) = vrcp.f32 v9;
	v8 =	vadd.f32 $1.000000000e+00, v8  }
0x337: {  	v17 =	vld [tilespmem:s10+$0x6C60];
	v14 =	vsub.f32 $0.0e+00, v13;
	(erf) = vrcp.f32 v46;
	v18 =	vsub.f32 $0.0e+00, v12;
	v9 =	vpop (erf)  }
0x338: {  	v9 =	vadd.f32 $1.000000000e+00, v9;
	(erf) = vrcp.f32 v8;
	v8 =	vadd.f32 v11, v31;
	v11 =	vld [tilespmem:s10+$0x3860]  }
0x339: {  	v18 =	vmul.f32 $1.442695020e+00, v18;
	v31 =	vsub.f32 $0.0e+00, v10;
	v7 =	vadd.f32 v16, v7;
	v16 =	vld [tilespmem:s10+$0x3880]  }
0x33a: {  	v14 =	vmul.f32 $1.442695020e+00, v14;
	(erf) = vrcp.f32 v9;
	v9 =	vadd.f32 v15, v47;
	v15 =	vld [tilespmem:s10+$0x3870]  }
0x33b: {  	v48 =	vld [tilespmem:s10+$0x6CA0];
	v49 =	vsub.f32 $0.0e+00, v8;
	v31 =	vmul.f32 $1.442695020e+00, v31;
	(erf) = vpow2.f32 v18  }
0x33c: {  	v52 =	vld [tilespmem:s10+$0x38A0];
	v51 =	vsub.f32 $0.0e+00, v7;
	(erf) = vpow2.f32 v14  }
0x33d: {  	v33 =	vsub.f32 $0.0e+00, v9;
	v32 =	vmul.f32 $1.442695020e+00, v49;
	(erf) = vpow2.f32 v31  }
0x33e: {  	v30 =	vld [tilespmem:s10+$0x6CB0];
	v53 =	vmul.f32 $1.442695020e+00, v51;
	v18 =	vadd.f32 v17, v11;
	v16 =	vadd.f32 v28, v16  }
0x33f: {  	v14 =	vmul.f32 $1.442695020e+00, v33;
	v11 =	vld [tilespmem:s10+$0x38B0];
	v31 =	vpop (erf);
	v17 =	vadd.f32 v27, v15;
	v15 =	vadd.f32 v29, v50  }
0x340: {  	(erf) = vpow2.f32 v32;
	v54 =	vpop (erf);
	v27 =	vsub.f32 $0.0e+00, v18;
	v29 =	vsub.f32 $0.0e+00, v16  }
0x341: {  	(erf) = vpow2.f32 v14;
	v14 =	vadd.f32 v48, v52;
	v36 =	vpop (erf);
	v28 =	vsub.f32 $0.0e+00, v17  }
0x342: {  	(erf) = vpow2.f32 v53;
	v57 =	vsub.f32 $0.0e+00, v15;
	v55 =	vpop (erf);
	v27 =	vmul.f32 $1.442695020e+00, v27  }
0x343: {  	v29 =	vmul.f32 $1.442695020e+00, v29;
	v34 =	vsub.f32 $0.0e+00, v14;
	v56 =	vpop (erf);
	v28 =	vmul.f32 $1.442695020e+00, v28  }
0x344: {  	v11 =	vadd.f32 v30, v11;
	v30 =	vpop (erf);
	(erf) = vpow2.f32 v27;
	v27 =	vmul.f32 $1.442695020e+00, v57  }
0x345: {  	v58 =	vpop (erf);
	(erf) = vpow2.f32 v28;
	v28 =	vmul.f32 $1.442695020e+00, v34  }
0x346: {  	v59 =	vsub.f32 $0.0e+00, v11;
	v60 =	vpop (erf)  }
0x347: {  	(erf) = vpow2.f32 v29;
	v29 =	vpop (erf)  }
0x348: {  	v39 =	vld [tilespmem:s10+$0x6CC0];
	v62 =	vmul.f32 $1.442695020e+00, v59;
	(erf) = vpow2.f32 v27;
	v27 =	vpop (erf)  }
0x349: {  	v40 =	vld [tilespmem:s10+$0x6CD0];
	v29 =	vadd.f32 $1.000000000e+00, v29;
	(erf) = vpow2.f32 v28;
	v28 =	vpop (erf)  }
0x34a: {  	v42 =	vld [tilespmem:s10+$0x6CE0];
	v52 =	vadd.f32 $1.000000000e+00, v27;
	(erf) = vpow2.f32 v62;
	v27 =	vmul.f32 v31, v26;
	v53 =	vpop (erf)  }
0x34b: {  	v61 =	vld [tilespmem:s10+$0x6CF0];
	v26 =	vadd.f32 $1.000000000e+00, v28;
	v28 =	vmul.f32 v54, v23;
	v31 =	vpop (erf);
	v23 =	vadd.f32 $1.000000000e+00, v53  }
0x34c: {  	v63 =	vld [tilespmem:s10+$0x6D00];
	(erf) = vrcp.f32 v29;
	v29 =	vmul.f32 v36, v25;
	v54 =	vpop (erf);
	v31 =	vadd.f32 $1.000000000e+00, v31  }
0x34d: {  	v35 =	vld [tilespmem:s10+$0x6D40];
	v25 =	vmul.f32 v55, v24;
	(erf) = vrcp.f32 v52;
	v24 =	vadd.f32 $1.000000000e+00, v54  }
0x34e: {  	v37 =	vld [tilespmem:s10+$0x3920];
	(erf) = vrcp.f32 v26  }
0x34f: {  	v38 =	vld [tilespmem:s10+$0x3930];
	(erf) = vrcp.f32 v23;
	v23 =	vpop (erf)  }
0x350: {  	v46 =	vld [tilespmem:s10+$0x6D60];
	v26 =	vmul.f32 v56, v22;
	(erf) = vrcp.f32 v31;
	v22 =	vadd.f32 $1.000000000e+00, v23;
	v31 =	vpop (erf)  }
0x351: {  	v30 =	vmul.f32 v30, v21;
	v55 =	vld [tilespmem:s10+$0x38C0];
	(erf) = vrcp.f32 v24;
	v24 =	vpop (erf)  }
0x352: {  	v23 =	vld [tilespmem:s10+$0x38D0];
	v21 =	vadd.f32 $1.000000000e+00, v31;
	v31 =	vmul.f32 v58, v20;
	v20 =	vadd.f32 $1.000000000e+00, v24  }
0x353: {  	v56 =	vld [tilespmem:s10+$0x38E0]  }
0x354: {  	v48 =	vld [tilespmem:s10+$0x6D10];
	(erf) = vrcp.f32 v22;
	v22 =	vpop (erf)  }
0x355: {  	v32 =	vmul.f32 v60, v19;
	v24 =	vld [tilespmem:s10+$0x38F0];
	(erf) = vrcp.f32 v21;
	v22 =	vadd.f32 $1.000000000e+00, v22;
	v19 =	vpop (erf)  }
0x356: {  	v57 =	vld [tilespmem:s10+$0x3900];
	(erf) = vrcp.f32 v20;
	v58 =	vadd.f32 $1.000000000e+00, v19;
	v19 =	vadd.f32 v39, v55;
	v20 =	vpop (erf)  }
0x357: {  	v59 =	vld [tilespmem:s10+$0x3910];
	v60 =	vadd.f32 $1.000000000e+00, v20;
	v20 =	vadd.f32 v40, v23  }
0x358: {  	v47 =	vld [tilespmem:s10+$0x6D70];
	v21 =	vadd.f32 v42, v56;
	v41 =	vpop (erf);
	(erf) = vrcp.f32 v22  }
0x359: {  	v49 =	vld [tilespmem:s10+$0x3940];
	v23 =	vsub.f32 $0.0e+00, v19;
	v42 =	vpop (erf);
	(erf) = vrcp.f32 v58;
	v40 =	vsub.f32 $0.0e+00, v20  }
0x35a: {  	v33 =	vld [tilespmem:s10+$0x6D20];
	v22 =	vadd.f32 v61, v24;
	v39 =	vpop (erf);
	(erf) = vrcp.f32 v60  }
0x35b: {  	v34 =	vld [tilespmem:s10+$0x6D30];
	v62 =	vsub.f32 $0.0e+00, v21;
	v61 =	vmul.f32 $1.442695020e+00, v23;
	v23 =	vadd.f32 v63, v57;
	v43 =	vpop (erf)  }
0x35c: {  	v50 =	vld [tilespmem:s10+$0x3950];
	v24 =	vadd.f32 v48, v59;
	v63 =	vsub.f32 $0.0e+00, v22;
	v55 =	vmul.f32 $1.442695020e+00, v40;
	v44 =	vpop (erf)  }
0x35d: {  	v36 =	vld [tilespmem:s10+$0x6D50];
	v51 =	vmul.f32 $1.442695020e+00, v62;
	v53 =	vsub.f32 $0.0e+00, v23;
	v40 =	vpop (erf);
	(erf) = vpow2.f32 v61  }
0x35e: {  	s22 =	smov.u32 s6;
	s8 =	simm.s32 $0x800;
	s18 =	rddreg [dreg:$0x6];
	v48 =	vld [tilespmem:s10+$0x3960];
	v54 =	vsub.f32 $0.0e+00, v24;
	v52 =	vmul.f32 $1.442695020e+00, v63;
	v45 =	vpop (erf);
	(erf) = vpow2.f32 v55  }
.LBB2_12:
0x35f: {  	p3 =	sne.s32 s8, $0xC000;
	v53 =	vmul.f32 $1.442695020e+00, v53;
	v37 =	vadd.f32 v33, v37;
	v55 =	vld [tilespmem:s10+$0x3970];
	v56 =	vpop (erf);
	(erf) = vpow2.f32 v51  }
0x360: {  	v51 =	vmul.f32 $1.442695020e+00, v54;
	v38 =	vadd.f32 v34, v38;
	v54 =	vpop (erf);
	(erf) = vpow2.f32 v52  }
0x361: {  	v52 =	vsub.f32 $0.0e+00, v37;
	v34 =	vadd.f32 v35, v49;
	v49 =	vpop (erf);
	(erf) = vpow2.f32 v53  }
0x362: {  	v53 =	vsub.f32 $0.0e+00, v38;
	v33 =	vadd.f32 v36, v50;
	v36 =	vpop (erf);
	(erf) = vpow2.f32 v51  }
0x363: {  	[tilespmem:s10+$0x3780] =	vst v27;
	v52 =	vmul.f32 $1.442695020e+00, v52;
	v51 =	vsub.f32 $0.0e+00, v34;
	v35 =	vadd.f32 v46, v48;
	v46 =	vpop (erf)  }
0x364: {  	[tilespmem:s10+$0x3790] =	vst v28;
	v53 =	vmul.f32 $1.442695020e+00, v53;
	v48 =	vsub.f32 $0.0e+00, v33;
	v27 =	vadd.f32 v47, v55  }
0x365: {  	[tilespmem:s10+$0x37A0] =	vst v29;
	v29 =	vmul.f32 $1.442695020e+00, v51;
	v47 =	vsub.f32 $0.0e+00, v35;
	(erf) = vpow2.f32 v52  }
0x366: {  	[tilespmem:s10+$0x37B0] =	vst v25;
	v25 =	vmul.f32 $1.442695020e+00, v48;
	v48 =	vsub.f32 $0.0e+00, v27;
	v50 =	vpop (erf);
	(erf) = vpow2.f32 v53  }
0x367: {  	[tilespmem:s10+$0x37C0] =	vst v26;
	v26 =	vmul.f32 $1.442695020e+00, v47;
	v28 =	vpop (erf);
	(erf) = vpow2.f32 v29  }
0x368: {  	[tilespmem:s10+$0x37D0] =	vst v30;
	v29 =	vmul.f32 $1.442695020e+00, v48;
	v30 =	vpop (erf);
	(erf) = vpow2.f32 v25  }
0x369: {  	v12 =	vmul.f32 v41, v12;
	v41 =	vadd.f32 $1.000000000e+00, v50;
	[tilespmem:s10+$0x37E0] =	vst v31;
	v31 =	vpop (erf);
	(erf) = vpow2.f32 v26  }
0x36a: {  	v13 =	vmul.f32 v42, v13;
	v26 =	vadd.f32 $1.000000000e+00, v28;
	[tilespmem:s10+$0x37F0] =	vst v32;
	v28 =	vpop (erf);
	(erf) = vpow2.f32 v29  }
0x36b: {  	s9 =	sshra.s32 s8, $0x2;
	v10 =	vmul.f32 v39, v10;
	[tilespmem:s10+$0x3800] =	vst v12;
	v12 =	vadd.f32 $1.000000000e+00, v30;
	(erf) = vrcp.f32 v41;
	v25 =	vpop (erf)  }
0x36c: {  	v8 =	vmul.f32 v43, v8;
	v30 =	vadd.f32 $1.000000000e+00, v31;
	v29 =	vld [tilespmem:s9+$0x6B80];
	[tilespmem:s10+$0x3810] =	vst v13;
	(erf) = vrcp.f32 v26  }
0x36d: {  	v9 =	vmul.f32 v44, v9;
	v31 =	vadd.f32 $1.000000000e+00, v28;
	v26 =	vld [tilespmem:s9+$0x6B90];
	[tilespmem:s10+$0x3820] =	vst v10;
	(erf) = vrcp.f32 v12  }
0x36e: {  	v7 =	vmul.f32 v40, v7;
	v25 =	vadd.f32 $1.000000000e+00, v25;
	v12 =	vld [tilespmem:s9+$0x6BA0];
	[tilespmem:s10+$0x3830] =	vst v8;
	(erf) = vrcp.f32 v30;
	v13 =	vpop (erf)  }
0x36f: {  	v28 =	vld [tilespmem:s9+$0x6BB0];
	[tilespmem:s10+$0x3840] =	vst v9;
	v9 =	vmul.f32 v45, v18;
	v30 =	vadd.f32 $1.000000000e+00, v13;
	(erf) = vrcp.f32 v31;
	v10 =	vpop (erf)  }
0x370: {  	v18 =	vld [tilespmem:s9+$0x3780];
	[tilespmem:s10+$0x3850] =	vst v7;
	v7 =	vmul.f32 v56, v17;
	v31 =	vadd.f32 $1.000000000e+00, v10;
	(erf) = vrcp.f32 v25;
	v8 =	vpop (erf)  }
0x371: {  	v17 =	vld [tilespmem:s9+$0x3790];
	[tilespmem:s10+$0x3860] =	vst v9;
	v9 =	vmul.f32 v54, v16;
	v25 =	vadd.f32 $1.000000000e+00, v8;
	(erf) = vrcp.f32 v30;
	v13 =	vpop (erf)  }
0x372: {  	v16 =	vld [tilespmem:s9+$0x6BC0];
	[tilespmem:s10+$0x3870] =	vst v7;
	v7 =	vmul.f32 v49, v15;
	v13 =	vadd.f32 $1.000000000e+00, v13;
	(erf) = vrcp.f32 v31;
	v10 =	vpop (erf)  }
0x373: {  	v15 =	vld [tilespmem:s9+$0x6BD0];
	[tilespmem:s10+$0x3880] =	vst v9;
	v9 =	vmul.f32 v36, v14;
	v10 =	vadd.f32 $1.000000000e+00, v10;
	(erf) = vrcp.f32 v25;
	v8 =	vpop (erf)  }
0x374: {  	v14 =	vld [tilespmem:s9+$0x37A0];
	[tilespmem:s10+$0x3890] =	vst v7;
	v7 =	vmul.f32 v46, v11;
	v8 =	vadd.f32 $1.000000000e+00, v8;
	v11 =	vpop (erf);
	(erf) = vrcp.f32 v13  }
0x375: {  	v25 =	vadd.f32 v29, v18;
	v13 =	vld [tilespmem:s9+$0x37B0];
	[tilespmem:s10+$0x38A0] =	vst v9;
	v9 =	vmul.f32 v11, v19;
	v11 =	vpop (erf);
	(erf) = vrcp.f32 v10  }
0x376: {  	v19 =	vadd.f32 v26, v17;
	v10 =	vld [tilespmem:s9+$0x6BE0];
	[tilespmem:s10+$0x38B0] =	vst v7;
	v7 =	vmul.f32 v11, v20;
	v11 =	vpop (erf);
	(erf) = vrcp.f32 v8  }
0x377: {  	v8 =	vsub.f32 $0.0e+00, v25;
	v17 =	vld [tilespmem:s9+$0x6BF0];
	[tilespmem:s10+$0x38C0] =	vst v9;
	v9 =	vmul.f32 v11, v21;
	v11 =	vpop (erf)  }
0x378: {  	v18 =	vsub.f32 $0.0e+00, v19;
	v26 =	vld [tilespmem:s9+$0x37C0];
	[tilespmem:s10+$0x38D0] =	vst v7;
	v7 =	vmul.f32 v11, v22;
	v11 =	vpop (erf)  }
0x379: {  	v8 =	vmul.f32 $1.442695020e+00, v8;
	v20 =	vadd.f32 v12, v14;
	v12 =	vld [tilespmem:s9+$0x37D0];
	[tilespmem:s10+$0x38E0] =	vst v9;
	v22 =	vmul.f32 v11, v23;
	v11 =	vpop (erf)  }
0x37a: {  	v14 =	vmul.f32 $1.442695020e+00, v18;
	v21 =	vadd.f32 v28, v13;
	v13 =	vld [tilespmem:s9+$0x37E0];
	[tilespmem:s10+$0x38F0] =	vst v7;
	v7 =	vmul.f32 v11, v24;
	v11 =	vpop (erf)  }
0x37b: {  	v18 =	vsub.f32 $0.0e+00, v20;
	v28 =	vld [tilespmem:s9+$0x37F0];
	(erf) = vpow2.f32 v8;
	[tilespmem:s10+$0x3900] =	vst v22;
	v8 =	vmul.f32 v11, v37;
	v9 =	vpop (erf)  }
0x37c: {  	v11 =	vsub.f32 $0.0e+00, v21;
	(erf) = vpow2.f32 v14;
	[tilespmem:s10+$0x3910] =	vst v7;
	v7 =	vmul.f32 v9, v38;
	v9 =	vpop (erf)  }
0x37d: {  	v14 =	vmul.f32 $1.442695020e+00, v18;
	v22 =	vadd.f32 v16, v26;
	[tilespmem:s10+$0x3920] =	vst v8;
	v8 =	vmul.f32 v9, v34;
	v9 =	vpop (erf)  }
0x37e: {  	v11 =	vmul.f32 $1.442695020e+00, v11;
	v23 =	vadd.f32 v15, v12;
	[tilespmem:s10+$0x3930] =	vst v7;
	v7 =	vmul.f32 v9, v33;
	v9 =	vpop (erf)  }
0x37f: {  	v12 =	vsub.f32 $0.0e+00, v22;
	v24 =	vadd.f32 v10, v13;
	[tilespmem:s10+$0x3940] =	vst v8;
	v8 =	vmul.f32 v9, v35;
	v9 =	vpop (erf)  }
0x380: {  	v10 =	vsub.f32 $0.0e+00, v23;
	v32 =	vadd.f32 v17, v28;
	v13 =	vld [tilespmem:s9+$0x6C00];
	[tilespmem:s10+$0x3950] =	vst v7;
	v7 =	vmul.f32 v9, v27  }
0x381: {  	v9 =	vmul.f32 $1.442695020e+00, v12;
	v12 =	vsub.f32 $0.0e+00, v24;
	v15 =	vld [tilespmem:s9+$0x6C10];
	(erf) = vpow2.f32 v14;
	[tilespmem:s10+$0x3960] =	vst v8  }
0x382: {  	v18 =	vmul.f32 $1.442695020e+00, v10;
	v17 =	vsub.f32 $0.0e+00, v32;
	v14 =	vld [tilespmem:s9+$0x6C20];
	(erf) = vpow2.f32 v11;
	[tilespmem:s10+$0x3970] =	vst v7;
	s10 =	smov.u32 s9  }
0x383: {  	v7 =	vmul.f32 $1.442695020e+00, v12;
	v11 =	vld [tilespmem:s10+$0x6C30];
	(erf) = vpow2.f32 v9  }
0x384: {  	v9 =	vmul.f32 $1.442695020e+00, v17;
	v16 =	vld [tilespmem:s10+$0x6C40];
	v10 =	vpop (erf);
	(erf) = vpow2.f32 v18  }
0x385: {  	v17 =	vld [tilespmem:s10+$0x6C50];
	v8 =	vpop (erf);
	(erf) = vpow2.f32 v7  }
0x386: {  	v18 =	vld [tilespmem:s10+$0x6C60];
	(erf) = vpow2.f32 v9  }
0x387: {  	v26 =	vld [tilespmem:s10+$0x6C70]  }
0x388: {  	v27 =	vld [tilespmem:s10+$0x6C80]  }
0x389: {  	v12 =	vadd.f32 $1.000000000e+00, v10;
	v28 =	vld [tilespmem:s10+$0x6C90]  }
0x38a: {  	v31 =	vadd.f32 $1.000000000e+00, v8;
	v9 =	vld [tilespmem:s10+$0x3800];
	v10 =	vpop (erf)  }
0x38b: {  	v33 =	vadd.f32 $1.000000000e+00, v10;
	v29 =	vld [tilespmem:s10+$0x3810];
	(erf) = vrcp.f32 v12;
	v7 =	vpop (erf)  }
0x38c: {  	v12 =	vadd.f32 $1.000000000e+00, v7;
	v30 =	vld [tilespmem:s10+$0x3820];
	(erf) = vrcp.f32 v31;
	v8 =	vpop (erf)  }
0x38d: {  	v35 =	vadd.f32 $1.000000000e+00, v8;
	v31 =	vld [tilespmem:s10+$0x3830];
	(erf) = vrcp.f32 v33;
	v10 =	vpop (erf)  }
0x38e: {  	v10 =	vadd.f32 $1.000000000e+00, v10;
	v33 =	vld [tilespmem:s10+$0x3840];
	(erf) = vrcp.f32 v12;
	v7 =	vpop (erf)  }
0x38f: {  	v7 =	vadd.f32 $1.000000000e+00, v7;
	v12 =	vadd.f32 v13, v9;
	v34 =	vld [tilespmem:s10+$0x3850];
	(erf) = vrcp.f32 v35;
	v8 =	vpop (erf)  }
0x390: {  	v9 =	vadd.f32 $1.000000000e+00, v8;
	v13 =	vadd.f32 v15, v29;
	v29 =	vld [tilespmem:s10+$0x6CA0];
	(erf) = vrcp.f32 v10  }
0x391: {  	v15 =	vsub.f32 $0.0e+00, v12;
	v10 =	vadd.f32 v14, v30;
	v30 =	vld [tilespmem:s10+$0x6CB0];
	(erf) = vrcp.f32 v7  }
0x392: {  	v7 =	vsub.f32 $0.0e+00, v13;
	v8 =	vadd.f32 v11, v31;
	v11 =	vld [tilespmem:s10+$0x3860];
	(erf) = vrcp.f32 v9  }
0x393: {  	v14 =	vmul.f32 $1.442695020e+00, v15;
	v15 =	vsub.f32 $0.0e+00, v10;
	v9 =	vadd.f32 v16, v33;
	v16 =	vld [tilespmem:s10+$0x3870]  }
0x394: {  	v31 =	vmul.f32 $1.442695020e+00, v7;
	v33 =	vsub.f32 $0.0e+00, v8;
	v7 =	vadd.f32 v17, v34;
	v34 =	vld [tilespmem:s10+$0x3880];
	v35 =	vpop (erf)  }
0x395: {  	v15 =	vmul.f32 $1.442695020e+00, v15;
	v17 =	vsub.f32 $0.0e+00, v9;
	v36 =	vld [tilespmem:s10+$0x3890];
	v37 =	vpop (erf);
	(erf) = vpow2.f32 v14  }
0x396: {  	v14 =	vmul.f32 $1.442695020e+00, v33;
	v33 =	vsub.f32 $0.0e+00, v7;
	v38 =	vld [tilespmem:s10+$0x38A0];
	v39 =	vpop (erf);
	(erf) = vpow2.f32 v31  }
0x397: {  	v42 =	vmul.f32 $1.442695020e+00, v17;
	v18 =	vadd.f32 v18, v11;
	v11 =	vld [tilespmem:s10+$0x38B0];
	v40 =	vpop (erf);
	(erf) = vpow2.f32 v15  }
0x398: {  	v33 =	vmul.f32 $1.442695020e+00, v33;
	v17 =	vadd.f32 v26, v16;
	v26 =	vpop (erf);
	(erf) = vpow2.f32 v14  }
0x399: {  	v14 =	vsub.f32 $0.0e+00, v18;
	v16 =	vadd.f32 v27, v34;
	v41 =	vpop (erf);
	(erf) = vpow2.f32 v42  }
0x39a: {  	v27 =	vsub.f32 $0.0e+00, v17;
	v15 =	vadd.f32 v28, v36;
	v31 =	vpop (erf);
	(erf) = vpow2.f32 v33  }
0x39b: {  	v28 =	vmul.f32 $1.442695020e+00, v14;
	v33 =	vsub.f32 $0.0e+00, v16;
	v14 =	vadd.f32 v29, v38;
	v38 =	vpop (erf)  }
0x39c: {  	v27 =	vmul.f32 $1.442695020e+00, v27;
	v29 =	vsub.f32 $0.0e+00, v15;
	v11 =	vadd.f32 v30, v11;
	v42 =	vld [tilespmem:s10+$0x6CC0]  }
0x39d: {  	v46 =	vmul.f32 $1.442695020e+00, v33;
	v36 =	vsub.f32 $0.0e+00, v14;
	v43 =	vld [tilespmem:s10+$0x6CD0];
	(erf) = vpow2.f32 v28  }
0x39e: {  	v28 =	vmul.f32 $1.442695020e+00, v29;
	v29 =	vsub.f32 $0.0e+00, v11;
	v44 =	vld [tilespmem:s10+$0x6CE0];
	v34 =	vpop (erf);
	(erf) = vpow2.f32 v27  }
0x39f: {  	v27 =	vmul.f32 $1.442695020e+00, v36;
	v45 =	vld [tilespmem:s10+$0x6CF0];
	v33 =	vpop (erf);
	(erf) = vpow2.f32 v46  }
0x3a0: {  	v29 =	vmul.f32 $1.442695020e+00, v29;
	v48 =	vld [tilespmem:s10+$0x6D00];
	v30 =	vpop (erf);
	(erf) = vpow2.f32 v28  }
0x3a1: {  	v28 =	vadd.f32 $1.000000000e+00, v34;
	v49 =	vld [tilespmem:s10+$0x6D10];
	v36 =	vpop (erf);
	(erf) = vpow2.f32 v27  }
0x3a2: {  	v46 =	vadd.f32 $1.000000000e+00, v33;
	v33 =	vld [tilespmem:s10+$0x6D20];
	v47 =	vpop (erf);
	(erf) = vpow2.f32 v29  }
0x3a3: {  	v27 =	vmul.f32 v35, v25;
	v25 =	vadd.f32 $1.000000000e+00, v30;
	v34 =	vld [tilespmem:s10+$0x6D30];
	(erf) = vrcp.f32 v28;
	v30 =	vpop (erf)  }
0x3a4: {  	v50 =	vadd.f32 $1.000000000e+00, v36;
	v28 =	vmul.f32 v37, v19;
	v35 =	vld [tilespmem:s10+$0x6D40];
	(erf) = vrcp.f32 v46  }
0x3a5: {  	v29 =	vmul.f32 v39, v20;
	v39 =	vadd.f32 $1.000000000e+00, v47;
	v36 =	vld [tilespmem:s10+$0x6D50];
	(erf) = vrcp.f32 v25  }
0x3a6: {  	v25 =	vmul.f32 v40, v21;
	v40 =	vadd.f32 $1.000000000e+00, v30;
	v37 =	vld [tilespmem:s10+$0x38C0];
	(erf) = vrcp.f32 v50;
	v19 =	vpop (erf)  }
0x3a7: {  	v26 =	vmul.f32 v26, v22;
	v46 =	vadd.f32 $1.000000000e+00, v19;
	v22 =	vld [tilespmem:s10+$0x38D0];
	(erf) = vrcp.f32 v39;
	v20 =	vpop (erf)  }
0x3a8: {  	v30 =	vmul.f32 v41, v23;
	v41 =	vadd.f32 $1.000000000e+00, v20;
	v23 =	vld [tilespmem:s10+$0x38E0];
	(erf) = vrcp.f32 v40;
	v21 =	vpop (erf)  }
0x3a9: {  	v31 =	vmul.f32 v31, v24;
	v21 =	vadd.f32 $1.000000000e+00, v21;
	v24 =	vld [tilespmem:s10+$0x38F0];
	(erf) = vrcp.f32 v46;
	v19 =	vpop (erf)  }
0x3aa: {  	v32 =	vmul.f32 v38, v32;
	v38 =	vadd.f32 $1.000000000e+00, v19;
	v40 =	vld [tilespmem:s10+$0x3900];
	(erf) = vrcp.f32 v41;
	v19 =	vpop (erf)  }
0x3ab: {  	v52 =	vadd.f32 $1.000000000e+00, v19;
	v19 =	vadd.f32 v42, v37;
	v50 =	vld [tilespmem:s10+$0x3910];
	(erf) = vrcp.f32 v21;
	v20 =	vpop (erf)  }
0x3ac: {  	v51 =	vadd.f32 $1.000000000e+00, v20;
	v20 =	vadd.f32 v43, v22;
	v46 =	vld [tilespmem:s10+$0x6D60];
	v41 =	vpop (erf);
	(erf) = vrcp.f32 v38  }
0x3ad: {  	v38 =	vsub.f32 $0.0e+00, v19;
	v21 =	vadd.f32 v44, v23;
	v47 =	vld [tilespmem:s10+$0x6D70];
	v42 =	vpop (erf);
	(erf) = vrcp.f32 v52  }
.Ltmp5:
0x3ae: {  	v52 =	vsub.f32 $0.0e+00, v20;
	v22 =	vadd.f32 v45, v24;
	v37 =	vld [tilespmem:s10+$0x3920];
	v39 =	vpop (erf);
	(erf) = vrcp.f32 v51;
	(pc) =	sbr.rel @p3 .LBB2_12-.Ltmp5, $4  }
0x3af: {  	v56 =	vmul.f32 $1.442695020e+00, v38;
	v51 =	vsub.f32 $0.0e+00, v21;
	v23 =	vadd.f32 v48, v40;
	v38 =	vld [tilespmem:s10+$0x3930];
	v43 =	vpop (erf)  }
0x3b0: {  	v55 =	vmul.f32 $1.442695020e+00, v52;
	v48 =	vsub.f32 $0.0e+00, v22;
	v24 =	vadd.f32 v49, v50;
	v49 =	vld [tilespmem:s10+$0x3940];
	v44 =	vpop (erf)  }
0x3b1: {  	v51 =	vmul.f32 $1.442695020e+00, v51;
	v53 =	vsub.f32 $0.0e+00, v23;
	v50 =	vld [tilespmem:s10+$0x3950];
	v40 =	vpop (erf);
	(erf) = vpow2.f32 v56  }
0x3b2: {  	s8 =	sadd.s32 $0x800, s8;
	v52 =	vmul.f32 $1.442695020e+00, v48;
	v54 =	vsub.f32 $0.0e+00, v24;
	v48 =	vld [tilespmem:s10+$0x3960];
	v45 =	vpop (erf);
	(erf) = vpow2.f32 v55  }
0x3b3: {  	v53 =	vmul.f32 $1.442695020e+00, v53;
	v33 =	vadd.f32 v33, v37;
	v56 =	vld [tilespmem:s10+$0x3970]  }
0x3b4: {  	(erf) = vpow2.f32 v51;
	v57 =	vmul.f32 $1.442695020e+00, v54  }
0x3b5: {  	v34 =	vadd.f32 v34, v38;
	(erf) = vpow2.f32 v52;
	v58 =	vsub.f32 $0.0e+00, v33  }
0x3b6: {  	v35 =	vadd.f32 v35, v49;
	(erf) = vpow2.f32 v53;
	v36 =	vadd.f32 v36, v50;
	v50 =	vpop (erf)  }
0x3b7: {  	v59 =	vsub.f32 $0.0e+00, v34;
	(erf) = vpow2.f32 v57;
	v46 =	vadd.f32 v46, v48;
	v48 =	vpop (erf)  }
0x3b8: {  	v60 =	vmul.f32 $1.442695020e+00, v58;
	v61 =	vsub.f32 $0.0e+00, v35;
	v37 =	vadd.f32 v47, v56;
	v47 =	vpop (erf)  }
0x3b9: {  	v62 =	vmul.f32 $1.442695020e+00, v59;
	v63 =	vsub.f32 $0.0e+00, v36;
	v54 =	vpop (erf)  }
0x3ba: {  	[tilespmem:s10+$0x3780] =	vst v27;
	v52 =	vmul.f32 $1.442695020e+00, v61;
	v53 =	vsub.f32 $0.0e+00, v46;
	(erf) = vpow2.f32 v60;
	v57 =	vpop (erf)  }
0x3bb: {  	[tilespmem:s10+$0x3790] =	vst v28;
	v55 =	vmul.f32 $1.442695020e+00, v63;
	v56 =	vsub.f32 $0.0e+00, v37;
	(erf) = vpow2.f32 v62;
	v59 =	vpop (erf)  }
0x3bc: {  	[tilespmem:s10+$0x37A0] =	vst v29;
	v58 =	vmul.f32 $1.442695020e+00, v53;
	(erf) = vpow2.f32 v52;
	v61 =	vpop (erf)  }
0x3bd: {  	[tilespmem:s10+$0x37B0] =	vst v25;
	v60 =	vmul.f32 $1.442695020e+00, v56;
	(erf) = vpow2.f32 v55;
	v62 =	vpop (erf)  }
0x3be: {  	[tilespmem:s10+$0x37C0] =	vst v26;
	v12 =	vmul.f32 v41, v12;
	v29 =	vadd.f32 $1.000000000e+00, v59;
	(erf) = vpow2.f32 v58;
	v63 =	vpop (erf)  }
0x3bf: {  	[tilespmem:s10+$0x37F0] =	vst v32;
	v8 =	vmul.f32 v43, v8;
	v25 =	vadd.f32 $1.000000000e+00, v61;
	(erf) = vpow2.f32 v60;
	v32 =	vpop (erf)  }
0x3c0: {  	[tilespmem:s10+$0x37E0] =	vst v31;
	v10 =	vmul.f32 v39, v10;
	v31 =	vadd.f32 $1.000000000e+00, v62;
	(erf) = vrcp.f32 v29;
	v39 =	vpop (erf)  }
0x3c1: {  	[tilespmem:s10+$0x3830] =	vst v8;
	v38 =	vadd.f32 $1.000000000e+00, v63;
	(erf) = vrcp.f32 v25;
	v8 =	vadd.f32 $1.000000000e+00, v39  }
0x3c2: {  	[tilespmem:s10+$0x37D0] =	vst v30;
	v13 =	vmul.f32 v42, v13;
	v41 =	vadd.f32 $1.000000000e+00, v32;
	(erf) = vrcp.f32 v31  }
0x3c3: {  	[tilespmem:s10+$0x3800] =	vst v12;
	(erf) = vrcp.f32 v38;
	v42 =	vpop (erf)  }
0x3c4: {  	v9 =	vmul.f32 v44, v9;
	[tilespmem:s10+$0x3810] =	vst v13;
	(erf) = vrcp.f32 v41;
	v44 =	vpop (erf)  }
0x3c5: {  	v7 =	vmul.f32 v40, v7;
	[tilespmem:s10+$0x3820] =	vst v10;
	(erf) = vrcp.f32 v8;
	v8 =	vpop (erf)  }
0x3c6: {  	v43 =	vmul.f32 v45, v18;
	[tilespmem:s10+$0x3840] =	vst v9;
	v12 =	vadd.f32 $1.000000000e+00, v42;
	v8 =	vadd.f32 $1.000000000e+00, v8  }
0x3c7: {  	[tilespmem:s10+$0x3850] =	vst v7;
	v7 =	vmul.f32 v50, v17;
	v10 =	vadd.f32 $1.000000000e+00, v44  }
0x3c8: {  	[tilespmem:s10+$0x3860] =	vst v43;
	v45 =	vmul.f32 v48, v16;
	(erf) = vrcp.f32 v12;
	v48 =	vpop (erf)  }
0x3c9: {  	[tilespmem:s10+$0x3870] =	vst v7;
	v7 =	vmul.f32 v47, v15;
	(erf) = vrcp.f32 v10;
	v12 =	vadd.f32 $1.000000000e+00, v48;
	v49 =	vpop (erf)  }
0x3ca: {  	[tilespmem:s10+$0x3880] =	vst v45;
	v50 =	vmul.f32 v54, v14;
	v10 =	vadd.f32 $1.000000000e+00, v49;
	(erf) = vrcp.f32 v8;
	v8 =	vpop (erf)  }
0x3cb: {  	[tilespmem:s10+$0x3890] =	vst v7;
	v7 =	vmul.f32 v57, v11;
	(erf) = vrcp.f32 v12;
	v8 =	vadd.f32 $1.000000000e+00, v8;
	v51 =	vpop (erf)  }
0x3cc: {  	[tilespmem:s10+$0x38A0] =	vst v50;
	(erf) = vrcp.f32 v10;
	v52 =	vmul.f32 v51, v19;
	v53 =	vpop (erf)  }
0x3cd: {  	[tilespmem:s10+$0x38B0] =	vst v7;
	v7 =	vmul.f32 v53, v20;
	v54 =	vpop (erf);
	(erf) = vrcp.f32 v8  }
0x3ce: {  	[tilespmem:s10+$0x38C0] =	vst v52;
	v8 =	vmul.f32 v54, v21;
	v55 =	vpop (erf)  }
0x3cf: {  	[tilespmem:s10+$0x38D0] =	vst v7;
	v7 =	vmul.f32 v55, v22;
	v56 =	vpop (erf)  }
0x3d0: {  	[tilespmem:s10+$0x38E0] =	vst v8;
	v8 =	vmul.f32 v56, v23;
	v57 =	vpop (erf)  }
0x3d1: {  	[tilespmem:s10+$0x38F0] =	vst v7;
	v7 =	vmul.f32 v57, v24;
	v58 =	vpop (erf)  }
0x3d2: {  	[tilespmem:s10+$0x3900] =	vst v8;
	v8 =	vmul.f32 v58, v33;
	v59 =	vpop (erf)  }
0x3d3: {  	[tilespmem:s10+$0x3910] =	vst v7;
	v7 =	vmul.f32 v59, v34;
	v60 =	vpop (erf)  }
0x3d4: {  	[tilespmem:s10+$0x3920] =	vst v8;
	v8 =	vmul.f32 v60, v35;
	v61 =	vpop (erf)  }
0x3d5: {  	[tilespmem:s10+$0x3930] =	vst v7;
	v7 =	vmul.f32 v61, v36;
	v62 =	vpop (erf)  }
0x3d6: {  	[tilespmem:s10+$0x3940] =	vst v8;
	v8 =	vmul.f32 v62, v46;
	v63 =	vpop (erf)  }
0x3d7: {  	[tilespmem:s10+$0x3950] =	vst v7;
	v7 =	vmul.f32 v63, v37  }
0x3d8: {  	[tilespmem:s10+$0x3960] =	vst v8  }
0x3d9: {  	[tilespmem:s10+$0x3970] =	vst v7  }
0x3da: {  	[spmem:s2] =	stream.indirect.scatter.add.f32 [tilespmem:s7], [sflag:$0x7], $0x80, s0, s28, $0xb8;
	[tilespmem:$0x1DE80] =	vst v63  }
0x3db: {  	_ =	swait.ge [sflag:s26], $0x3200  }
0x3dc: {  	[sflag:s26] =	ssyncset.done $0x0  }
0x3dd: {  	[sflag:s26] =	ssyncadd.s32 $0xFFFFCE00  }
0x3de: {  	_ =	swait.ge [sflag:s16], $0x3200  }
0x3df: {  	s8 =	simm.s32 $0x0;
	s9 =	simm.s32 $0x0;
	[sflag:s16] =	ssyncset.done $0x0  }
0x3e0: {  	s10 =	simm.s32 $0x200;
	s6 =	rddreg [dreg:$0x5];
	[sflag:s16] =	ssyncadd.s32 $0xFFFFCE00  }
.LBB2_14:
0x3e1: {  	p3 =	sne.s32 s10, $0x9E00;
	[tilespmem:s9+$0x6BF0] =	vst v0  }
0x3e2: {  	[tilespmem:s9+$0x6B80] =	vst v0  }
0x3e3: {  	[tilespmem:s9+$0x6B90] =	vst v0  }
.Ltmp6:
0x3e4: {  	[tilespmem:s9+$0x6BA0] =	vst v0;
	(pc) =	sbr.rel @p3 .LBB2_14-.Ltmp6, $4  }
0x3e5: {  	[tilespmem:s9+$0x6BB0] =	vst v0  }
0x3e6: {  	[tilespmem:s9+$0x6BC0] =	vst v0  }
0x3e7: {  	[tilespmem:s9+$0x6BD0] =	vst v0  }
0x3e8: {  	[tilespmem:s9+$0x6BE0] =	vst v0;
	s9 =	sshra.s32 s10, $0x2;
	s10 =	sadd.s32 $0x200, s10  }
0x3e9: {  	[tilespmem:s9+$0x6BF0] =	vst v0  }
0x3ea: {  	[tilespmem:s9+$0x6B80] =	vst v0  }
0x3eb: {  	[tilespmem:s9+$0x6B90] =	vst v0  }
0x3ec: {  	[tilespmem:s9+$0x6BA0] =	vst v0  }
0x3ed: {  	[tilespmem:s9+$0x6BB0] =	vst v0  }
0x3ee: {  	[tilespmem:s9+$0x6BC0] =	vst v0  }
0x3ef: {  	[tilespmem:s9+$0x6BD0] =	vst v0  }
0x3f0: {  	[tilespmem:s9+$0x6BE0] =	vst v0  }
.LBB2_16:
0x3f1: {  	s9 =	sadd.s32 s8, s24  }
0x3f2: {  	[tilespmem:s19], [sflag:$0x6] =	stream.linear.gather [hbm4b:s9+s3], $0x280, $0x38;
	[tilespmem:$0x1DE80] =	vst v63  }
0x3f3: {  	_ =	swait.ge [sflag:s20], $0x280  }
0x3f4: {  	[sflag:s20] =	ssyncset.done $0x0  }
0x3f5: {  	[sflag:s20] =	ssyncadd.s32 $0xFFFFFD80  }
0x3f6: {  	v7 =	vld [tilespmem:$0x9F80];
	_ =	sdelay $0x7  }
0x3f7: {  	[tilespmem:v7+s31+$0x0] =	vst.idx.add.f32.msk $0xffff, v6  }
0x3f8: {  	v7 =	vld [tilespmem:$0x9F90];
	_ =	sdelay $0x7  }
0x3f9: {  	[tilespmem:v7+s31+$0x0] =	vst.idx.add.f32.msk $0xffff, v6  }
0x3fa: {  	v7 =	vld [tilespmem:$0x9FA0];
	_ =	sdelay $0x7  }
0x3fb: {  	[tilespmem:v7+s31+$0x0] =	vst.idx.add.f32.msk $0xffff, v6  }
0x3fc: {  	v7 =	vld [tilespmem:$0x9FB0];
	_ =	sdelay $0x7  }
0x3fd: {  	[tilespmem:v7+s31+$0x0] =	vst.idx.add.f32.msk $0xffff, v6  }
0x3fe: {  	v7 =	vld [tilespmem:$0x9FC0];
	_ =	sdelay $0x7  }
0x3ff: {  	[tilespmem:v7+s31+$0x0] =	vst.idx.add.f32.msk $0xffff, v6  }
0x400: {  	v7 =	vld [tilespmem:$0xA000];
	_ =	sdelay $0x7  }
0x401: {  	[tilespmem:v7+s31+$0x0] =	vst.idx.add.f32.msk $0xffff, v6  }
0x402: {  	v7 =	vld [tilespmem:$0xA010];
	_ =	sdelay $0x7  }
0x403: {  	[tilespmem:v7+s31+$0x0] =	vst.idx.add.f32.msk $0xffff, v6  }
0x404: {  	v7 =	vld [tilespmem:$0xA020];
	_ =	sdelay $0x7  }
0x405: {  	[tilespmem:v7+s31+$0x0] =	vst.idx.add.f32.msk $0xffff, v6  }
0x406: {  	v7 =	vld [tilespmem:$0xA030];
	_ =	sdelay $0x7  }
0x407: {  	[tilespmem:v7+s31+$0x0] =	vst.idx.add.f32.msk $0xffff, v6  }
0x408: {  	v7 =	vld [tilespmem:$0xA040];
	_ =	sdelay $0x7  }
0x409: {  	[tilespmem:v7+s31+$0x0] =	vst.idx.add.f32.msk $0xffff, v6  }
0x40a: {  	v7 =	vld [tilespmem:$0xA080];
	_ =	sdelay $0x7  }
0x40b: {  	[tilespmem:v7+s31+$0x0] =	vst.idx.add.f32.msk $0xffff, v6  }
0x40c: {  	v7 =	vld [tilespmem:$0xA090];
	_ =	sdelay $0x7  }
0x40d: {  	[tilespmem:v7+s31+$0x0] =	vst.idx.add.f32.msk $0xffff, v6  }
0x40e: {  	v7 =	vld [tilespmem:$0xA0A0];
	_ =	sdelay $0x7  }
0x40f: {  	[tilespmem:v7+s31+$0x0] =	vst.idx.add.f32.msk $0xffff, v6  }
0x410: {  	v7 =	vld [tilespmem:$0xA0B0];
	_ =	sdelay $0x7  }
0x411: {  	[tilespmem:v7+s31+$0x0] =	vst.idx.add.f32.msk $0xffff, v6  }
0x412: {  	v7 =	vld [tilespmem:$0xA0C0];
	_ =	sdelay $0x7  }
0x413: {  	[tilespmem:v7+s31+$0x0] =	vst.idx.add.f32.msk $0xffff, v6  }
0x414: {  	v7 =	vld [tilespmem:$0xA100];
	_ =	sdelay $0x7  }
0x415: {  	[tilespmem:v7+s31+$0x0] =	vst.idx.add.f32.msk $0xffff, v6  }
0x416: {  	v7 =	vld [tilespmem:$0xA110];
	_ =	sdelay $0x7  }
0x417: {  	[tilespmem:v7+s31+$0x0] =	vst.idx.add.f32.msk $0xffff, v6  }
0x418: {  	v7 =	vld [tilespmem:$0xA120];
	_ =	sdelay $0x7  }
0x419: {  	[tilespmem:v7+s31+$0x0] =	vst.idx.add.f32.msk $0xffff, v6  }
0x41a: {  	v7 =	vld [tilespmem:$0xA130];
	_ =	sdelay $0x7  }
0x41b: {  	[tilespmem:v7+s31+$0x0] =	vst.idx.add.f32.msk $0xffff, v6  }
0x41c: {  	v7 =	vld [tilespmem:$0xA140];
	_ =	sdelay $0x7  }
0x41d: {  	[tilespmem:v7+s31+$0x0] =	vst.idx.add.f32.msk $0xffff, v6  }
0x41e: {  	v7 =	vld [tilespmem:$0xA180];
	_ =	sdelay $0x7  }
0x41f: {  	[tilespmem:v7+s31+$0x0] =	vst.idx.add.f32.msk $0xffff, v6  }
0x420: {  	v7 =	vld [tilespmem:$0xA190];
	_ =	sdelay $0x7  }
0x421: {  	[tilespmem:v7+s31+$0x0] =	vst.idx.add.f32.msk $0xffff, v6  }
0x422: {  	v7 =	vld [tilespmem:$0xA1A0];
	_ =	sdelay $0x7  }
0x423: {  	[tilespmem:v7+s31+$0x0] =	vst.idx.add.f32.msk $0xffff, v6  }
0x424: {  	v7 =	vld [tilespmem:$0xA1B0];
	_ =	sdelay $0x7  }
0x425: {  	[tilespmem:v7+s31+$0x0] =	vst.idx.add.f32.msk $0xffff, v6  }
0x426: {  	v7 =	vld [tilespmem:$0xA1C0];
	_ =	sdelay $0x2  }
0x427: {  	p3 =	sne.s32 s8, $0xC00  }
.Ltmp7:
0x428: {  	_ = 	snop;
	(pc) =	sbr.rel @p3 .LBB2_16-.Ltmp7, $2  }
0x429: {  	_ =	sdelay $0x2  }
0x42a: {  	s8 =	sadd.s32 $0x80, s8;
	[tilespmem:v7+s31+$0x0] =	vst.idx.add.f32.msk $0xffff, v6  }
0x42b: {  	s8 =	simm.s32 $0x50;
	s9 =	simm.s32 $0x300  }
0x42c: {  	[spmem:s2] =	stream.indirect.scatter.add.f32 [tilespmem:s31], [sflag:$0x7], $0x80, s9, s8, $0xb8;
	[tilespmem:$0x1DE80] =	vst v63  }
0x42d: {  	_ =	swait.ge [sflag:s26], $0x2800  }
0x42e: {  	[sflag:s26] =	ssyncset.done $0x0  }
0x42f: {  	s10 =	stileid.u32;
	[sflag:s26] =	ssyncadd.s32 $0xFFFFD800  }
0x430: {  	s8 =	sshll.u32 s10, $0x6;
	[bflag:$0x0] =	sbarrier.arrive $0xFFFF  }
0x431: {  	s23 =	sshrl.u32 s6, $0x3;
	s8 =	sor.u32 $0x1C07, s8;
	s10 =	rddreg [dreg:$0x9]  }
0x432: {  	[hbm:s10], [sflag:s8] =	dma.local [spmem:s23], $0x2700  }
0x433: {  	_ =	swait.ge [sflag:s26], $0x2700  }
0x434: {  	[sflag:s26] =	ssyncset.done $0x0  }
0x435: {  	s9 =	sshrl.u32 @!p2 s22, $0x3;
	s10 =	rddreg [dreg:$0xa];
	[sflag:s26] =	ssyncadd.s32 $0xFFFFD900  }
0x436: {  	[hbm:s10], [sflag:s8] =	dma.local @!p2 [spmem:s9], $0x100  }
0x437: {  	s9 =	simm.s32 @!p2 $0x7  }
0x438: {  	_ =	swait.ge @!p2 [sflag:s9], $0x100  }
0x439: {  	[sflag:s9] =	ssyncset.done @!p2 $0x0  }
0x43a: {  	s10 =	sshrl.u32 @!p2 s18, $0x3;
	s23 =	rddreg [dreg:$0xb];
	[sflag:s9] =	ssyncadd.s32 @!p2 $0xFFFFFF00  }
0x43b: {  	[hbm:s23], [sflag:s8] =	dma.local @!p2 [spmem:s10], $0x500  }
0x43c: {  	_ =	swait.ge @!p2 [sflag:s9], $0x500  }
0x43d: {  	s21 =	sadd.s32 $0x1, s21;
	s23 =	rddreg [dreg:$0xc]  }
0x43e: {  	p3 =	sne.s32 s21, s23  }
.Ltmp8:
0x43f: {  	_ = 	snop;
	(pc) =	sbr.rel @p3 .LBB2_1-.Ltmp8, $3  }
0x440: {  	_ =	sdelay $0x1  }
0x441: {  	[sflag:s9] =	ssyncset.done @!p2 $0x0  }
0x442: {  	[sflag:s9] =	ssyncadd.s32 @!p2 $0xFFFFFB00  }
0x443: {  	_ =	sfence.sel $0x180000  }
0x444: {  	[bflag:$0x0] =	sbarrier.arrive $0xFFFF  }
0x445: {  	_ =	strace $0x90000047  }
0x446: {  	s0 =	stileid.u32;
	[bflag:$0x2] =	sbarrier.arrive $0xFFFF  }
0x447: {  	p0 =	sne.s32 s0, $0x0;
	s0 =	rddreg [dreg:$0x3]  }
0x448: {  	s0 =	sadd.s32 @!p0 $0x100000, s0  }
0x449: {  	[sflag:s0] =	ssyncadd.tile.s32 @!p0 $0x1;
	_ =	shalt  }
.Lfunc_end2:
_tile_overlayer_lowered:
.L_overlay_start_2:
0x44a: {  	(tag) =	ssettag $0x2  }
0x44b: {  	s0 =	rddreg [dreg:$0x0];
	s2 =	stileid.u32  }
0x44c: {  	s1 =	rddreg [dreg:$0x1];
	p0 =	sne.s32 s2, $0x0  }
0x44d: {  	s3 =	rddreg [dreg:$0x2];
	[bflag:$0x3] =	sbarrier.arrive $0xFFFF;
	s2 =	simm.s32 @!p0 $0x1C07  }
0x44e: {  	[timem:s3], [sflag:s2] =	dma.local @!p0 [hbm:s0], s1  }
0x44f: {  	s0 =	simm.s32 @!p0 $0x7  }
0x450: {  	_ =	swait.ge @!p0 [sflag:s0], s1  }
0x451: {  	s1 =	ssub.s32 @!p0 $0x0, s1;
	[sflag:s0] =	ssyncset.done @!p0 $0x0  }
0x452: {  	[sflag:s0] =	ssyncadd.s32 @!p0 s1  }
0x453: {  	[bflag:$0x3] =	sbarrier.arrive $0xFFFF  }
0x454: {  	_ =	shalt  }

</sc_bundles>
